<compile_context>
chip_gen: v7x
topology: tpu7x:2x2x1
jax: 0.10.2.dev20260603
libtpu: 0.0.44.dev20260713+nightly
codegen_flags: <defaults>
</compile_context>

<pallas_src>
import functools

import jax
import jax.numpy as jnp
from jax import lax
from jax.experimental import pallas as pl
from jax.experimental.pallas import tpu as pltpu
from jax.experimental.pallas import tpu_sc as plsc

N = 10000
E = 320000
REL = 8
G = 64
D_IN = 128
D_H1 = 32
D_H2 = 16

NC = 2
NS = 16
NW = NC * NS
C = 128
CHUNKS_PER_W = 80
E_PAD = NW * C * CHUNKS_PER_W
EW = CHUNKS_PER_W * C

KEYS = N * REL
KEYS_PAD = 80128
KEYS_PER_S = KEYS_PAD // NS
ACC_ROWS = 10240
ROWS_PER_S = ACC_ROWS // NS

_mesh = plsc.VectorSubcoreMesh(core_axis_name="c", subcore_axis_name="s")


def _worker(c, s):
    return s * NC + c


_sc_params = pltpu.CompilerParams(use_tc_tiling_on_sc=False)


@functools.partial(
    pl.kernel,
    out_type=jax.ShapeDtypeStruct((NC, NS, KEYS_PER_S), jnp.float32),
    mesh=_mesh,
    compiler_params=_sc_params,
    scratch_types=[
        [pltpu.VMEM((C,), jnp.int32)] * 2,
        [pltpu.VMEM((C,), jnp.int32)] * 2,
        pltpu.VMEM((C,), jnp.int32),
        pltpu.VMEM((C,), jnp.int32),
        pltpu.VMEM((C,), jnp.float32),
        pltpu.VMEM((KEYS_PER_S,), jnp.float32),
        pltpu.VMEM_SHARED((KEYS_PAD,), jnp.float32),
        [pltpu.SemaphoreType.DMA] * 4,
    ],
)
def _count_sc(dst_hbm, et_hbm, cnt_out, eA, eB, kA, kB, ones_v, stage_v, cnt_sh, sems):
    c = lax.axis_index("c")
    s = lax.axis_index("s")
    w = _worker(c, s)
    base = w * EW
    sem_eA, sem_eB, sem_scA, sem_scB = sems
    hbm = (dst_hbm, et_hbm)

    for k in range(C // 16):
        sl = pl.ds(k * 16, 16)
        ones_v[sl] = jnp.full((16,), 1.0, jnp.float32)

    def zero_body(i, _):
        stage_v[pl.ds(i * 16, 16)] = jnp.zeros((16,), jnp.float32)
        return 0

    lax.fori_loop(0, KEYS_PER_S // 16, zero_body, 0)
    pltpu.sync_copy(stage_v, cnt_sh.at[pl.ds(s * KEYS_PER_S, KEYS_PER_S)])
    plsc.subcore_barrier()

    def edges_issue(j, e, sem):
        off = base + j * C
        for t in range(2):
            pltpu.async_copy(hbm[t].at[pl.ds(off, C)], e[t], sem)

    def edges_wait(e, sem):
        for t in range(2):
            pltpu.make_async_copy(hbm[t].at[pl.ds(0, C)], e[t], sem).wait()

    def keys(e, k):
        for g in range(C // 16):
            sl = pl.ds(g * 16, 16)
            k[sl] = e[0][sl] * REL + e[1][sl]

    edges_issue(0, eA, sem_eA)
    edges_issue(1, eB, sem_eB)

    def step(j, e, k, sem_e, sem_sc):
        not_last = j + 2 < CHUNKS_PER_W
        edges_wait(e, sem_e)

        @pl.when(j >= 2)
        def _():
            pltpu.make_async_copy(ones_v, cnt_sh.at[k], sem_sc).wait()

        keys(e, k)

        @pl.when(not_last)
        def _():
            edges_issue(j + 2, e, sem_e)

        pltpu.async_copy(ones_v, cnt_sh.at[k], sem_sc, add=True)

    def pair_body(jj, _):
        j = jj * 2
        step(j, eA, kA, sem_eA, sem_scA)
        step(j + 1, eB, kB, sem_eB, sem_scB)
        return 0

    lax.fori_loop(0, CHUNKS_PER_W // 2, pair_body, 0)
    pltpu.make_async_copy(ones_v, cnt_sh.at[kA], sem_scA).wait()
    pltpu.make_async_copy(ones_v, cnt_sh.at[kB], sem_scB).wait()
    plsc.subcore_barrier()

    pltpu.sync_copy(cnt_sh.at[pl.ds(s * KEYS_PER_S, KEYS_PER_S)], stage_v)
    pltpu.sync_copy(stage_v, cnt_out.at[c, s])


def _make_agg_sc(D):
    @functools.partial(
        pl.kernel,
        out_type=jax.ShapeDtypeStruct((NC, NS, ROWS_PER_S, D), jnp.float32),
        mesh=_mesh,
        compiler_params=_sc_params,
        scratch_types=[
            [pltpu.VMEM((C,), jnp.int32)] * 3,
            [pltpu.VMEM((C,), jnp.int32)] * 3,
            [pltpu.VMEM((C,), jnp.int32)] * 2,
            [pltpu.VMEM((C,), jnp.int32)] * 2,
            pltpu.VMEM((C,), jnp.int32),
            pltpu.VMEM((C,), jnp.int32),
            pltpu.VMEM((C, D), jnp.float32),
            pltpu.VMEM((C, D), jnp.float32),
            pltpu.VMEM((C,), jnp.float32),
            pltpu.VMEM((C,), jnp.float32),
            pltpu.VMEM((ROWS_PER_S, D), jnp.float32),
            pltpu.VMEM_SHARED((ACC_ROWS, D), jnp.float32),
            [pltpu.SemaphoreType.DMA] * 6,
        ],
    )
    def _agg_sc(src_hbm, dst_hbm, et_hbm, xr_hbm, norm_hbm, agg_out,
                eA, eB, kA, kB, dA, dB, mA, mB, rA, rB, stage_v, acc_sh, sems):
        c = lax.axis_index("c")
        s = lax.axis_index("s")
        w = _worker(c, s)
        base = w * EW
        sem_eA, sem_eB, sem_gA, sem_gB, sem_scA, sem_scB = sems
        hbm = (src_hbm, dst_hbm, et_hbm)

        def zero_body(i, _):
            for j in range(D // 16):
                stage_v[i, pl.ds(j * 16, 16)] = jnp.zeros((16,), jnp.float32)
            return 0

        lax.fori_loop(0, ROWS_PER_S, zero_body, 0)
        pltpu.sync_copy(stage_v, acc_sh.at[pl.ds(s * ROWS_PER_S, ROWS_PER_S)])
        plsc.subcore_barrier()

        def edges_issue(j, e, sem):
            off = base + j * C
            for t in range(3):
                pltpu.async_copy(hbm[t].at[pl.ds(off, C)], e[t], sem)

        def edges_wait(e, sem):
            for t in range(3):
                pltpu.make_async_copy(hbm[t].at[pl.ds(0, C)], e[t], sem).wait()

        def keys(e, k, d):
            for g in range(C // 16):
                sl = pl.ds(g * 16, 16)
                et = e[2][sl]
                dst = e[1][sl]
                k[0][sl] = e[0][sl] * REL + et
                k[1][sl] = dst * REL + et
                d[sl] = dst

        def gathers_issue(k, m, r, sem):
            pltpu.async_copy(xr_hbm.at[k[0]], m, sem)
            pltpu.async_copy(norm_hbm.at[k[1]], r, sem)

        def gathers_wait(k, m, r, sem):
            pltpu.make_async_copy(xr_hbm.at[k[0]], m, sem).wait()
            pltpu.make_async_copy(norm_hbm.at[k[1]], r, sem).wait()

        def scale(m, r):
            def scale_body(g, _):
                nv16 = r[pl.ds(g * 16, 16)]
                for t in range(16):
                    nv = nv16[t]
                    e = g * 16 + t
                    for j in range(D // 16):
                        sl = pl.ds(j * 16, 16)
                        m[e, sl] = m[e, sl] * nv
                return 0

            lax.fori_loop(0, C // 16, scale_body, 0)

        def scat_issue(d, m, sem):
            pltpu.async_copy(m, acc_sh.at[d], sem, add=True)

        def scat_wait(d, m, sem):
            pltpu.make_async_copy(m, acc_sh.at[d], sem).wait()

        edges_issue(0, eA, sem_eA)
        edges_issue(1, eB, sem_eB)
        edges_wait(eA, sem_eA)
        keys(eA, kA, dA)
        gathers_issue(kA, mA, rA, sem_gA)

        def pair_body(jj, _):
            j = jj * 2
            not_last = j + 2 < CHUNKS_PER_W

            @pl.when(j >= 2)
            def _():
                scat_wait(dB, mB, sem_scB)

            @pl.when(not_last)
            def _():
                edges_issue(j + 2, eA, sem_eA)

            edges_wait(eB, sem_eB)
            keys(eB, kB, dB)
            gathers_issue(kB, mB, rB, sem_gB)
            gathers_wait(kA, mA, rA, sem_gA)
            scale(mA, rA)
            scat_issue(dA, mA, sem_scA)

            @pl.when(not_last)
            def _():
                edges_issue(j + 3, eB, sem_eB)
                edges_wait(eA, sem_eA)
                scat_wait(dA, mA, sem_scA)
                keys(eA, kA, dA)
                gathers_issue(kA, mA, rA, sem_gA)

            gathers_wait(kB, mB, rB, sem_gB)
            scale(mB, rB)
            scat_issue(dB, mB, sem_scB)
            return 0

        lax.fori_loop(0, CHUNKS_PER_W // 2, pair_body, 0)
        scat_wait(dA, mA, sem_scA)
        scat_wait(dB, mB, sem_scB)
        plsc.subcore_barrier()

        pltpu.sync_copy(acc_sh.at[pl.ds(s * ROWS_PER_S, ROWS_PER_S)], stage_v)
        pltpu.sync_copy(stage_v, agg_out.at[c, s])

    return _agg_sc


_agg32_sc = _make_agg_sc(D_H1)
_agg16_sc = _make_agg_sc(D_H2)


_BN = 1000


def _dense1_tc(x_ref, w_ref, root_ref, b_ref, xr_ref, r1_ref):
    xb = x_ref[...]
    xr_ref[...] = jnp.dot(xb, w_ref[...], preferred_element_type=jnp.float32, precision=jax.lax.Precision.HIGHEST)
    r1_ref[...] = jnp.dot(xb, root_ref[...], preferred_element_type=jnp.float32, precision=jax.lax.Precision.HIGHEST) + b_ref[...]


def _norm_tc(cnt_ref, norm_ref):
    cnt = cnt_ref[0:1, :] + cnt_ref[1:2, :]
    norm_ref[...] = jnp.where(cnt > 0, 1.0 / jnp.maximum(cnt, 1.0), 0.0)


def _dense2_tc(r1_ref, agg_ref, w_ref, root_ref, b_ref, xr_ref, r2_ref):
    h1 = jax.nn.relu(r1_ref[...] + agg_ref[0] + agg_ref[1])
    xr_ref[...] = jnp.dot(h1, w_ref[...], preferred_element_type=jnp.float32, precision=jax.lax.Precision.HIGHEST)
    r2_ref[...] = jnp.dot(h1, root_ref[...], preferred_element_type=jnp.float32, precision=jax.lax.Precision.HIGHEST) + b_ref[...]


_BNF = 1000


GP = 128


def _finale_tc(r2_ref, agg_ref, batch_ref, out_ref, pooled_acc):
    i = pl.program_id(0)
    h2 = jax.nn.relu(r2_ref[...] + agg_ref[0] + agg_ref[1])
    gid = lax.broadcasted_iota(jnp.int32, (_BNF, GP), 1)
    mask = batch_ref[...] == gid

    @pl.when(i == 0)
    def _():
        pooled_acc[...] = jnp.zeros((D_H2, GP), jnp.float32)

    parts = [
        jnp.max(jnp.where(mask, h2[:, col:col + 1], 0.0), axis=0, keepdims=True)
        for col in range(D_H2)
    ]
    pooled_acc[...] = jnp.maximum(pooled_acc[...], jnp.concatenate(parts, axis=0))

    @pl.when(i == pl.num_programs(0) - 1)
    def _():
        out_ref[...] = pooled_acc[:, :G].T


def kernel(x, edge_index, edge_attr, batch, W1, root1, b1, W2, root2, b2, Wd, bd):
    pad = E_PAD - E
    i32 = jnp.int32
    src_p = jnp.concatenate([edge_index[0].astype(i32), jnp.zeros((pad,), i32)])
    dst_p = jnp.concatenate([edge_index[1].astype(i32), jnp.full((pad,), N, i32)])
    et_p = jnp.concatenate([edge_attr.reshape(-1).astype(i32), jnp.zeros((pad,), i32)])

    w1f = jnp.transpose(W1, (1, 0, 2)).reshape(D_IN, REL * D_H1)
    w2f = jnp.transpose(W2, (1, 0, 2)).reshape(D_H1, REL * D_H2)

    xr1, r1 = pl.pallas_call(
        _dense1_tc,
        grid=(N // _BN,),
        in_specs=[
            pl.BlockSpec((_BN, D_IN), lambda i: (i, 0)),
            pl.BlockSpec((D_IN, REL * D_H1), lambda i: (0, 0)),
            pl.BlockSpec((D_IN, D_H1), lambda i: (0, 0)),
            pl.BlockSpec((1, D_H1), lambda i: (0, 0)),
        ],
        out_specs=[
            pl.BlockSpec((_BN, REL * D_H1), lambda i: (i, 0)),
            pl.BlockSpec((_BN, D_H1), lambda i: (i, 0)),
        ],
        out_shape=[
            jax.ShapeDtypeStruct((N, REL * D_H1), jnp.float32),
            jax.ShapeDtypeStruct((N, D_H1), jnp.float32),
        ],
    )(x, w1f, root1, b1.reshape(1, D_H1))

    cnt = _count_sc(dst_p, et_p).reshape(NC, KEYS_PAD)
    norm = pl.pallas_call(
        _norm_tc,
        in_specs=[pl.BlockSpec((NC, KEYS_PAD), lambda: (0, 0))],
        out_specs=pl.BlockSpec((1, KEYS_PAD), lambda: (0, 0)),
        out_shape=jax.ShapeDtypeStruct((1, KEYS_PAD), jnp.float32),
    )(cnt).reshape(KEYS_PAD)

    agg1 = _agg32_sc(src_p, dst_p, et_p, xr1.reshape(N * REL, D_H1), norm)
    agg1 = agg1.reshape(NC, ACC_ROWS, D_H1)

    xr2, r2 = pl.pallas_call(
        _dense2_tc,
        grid=(N // _BN,),
        in_specs=[
            pl.BlockSpec((_BN, D_H1), lambda i: (i, 0)),
            pl.BlockSpec((NC, _BN, D_H1), lambda i: (0, i, 0)),
            pl.BlockSpec((D_H1, REL * D_H2), lambda i: (0, 0)),
            pl.BlockSpec((D_H1, D_H2), lambda i: (0, 0)),
            pl.BlockSpec((1, D_H2), lambda i: (0, 0)),
        ],
        out_specs=[
            pl.BlockSpec((_BN, REL * D_H2), lambda i: (i, 0)),
            pl.BlockSpec((_BN, D_H2), lambda i: (i, 0)),
        ],
        out_shape=[
            jax.ShapeDtypeStruct((N, REL * D_H2), jnp.float32),
            jax.ShapeDtypeStruct((N, D_H2), jnp.float32),
        ],
    )(r1, agg1, w2f, root2, b2.reshape(1, D_H2))

    agg2 = _agg16_sc(src_p, dst_p, et_p, xr2.reshape(N * REL, D_H2), norm)
    agg2 = agg2.reshape(NC, ACC_ROWS, D_H2)

    pooled_t = pl.pallas_call(
        _finale_tc,
        grid=(N // _BNF,),
        in_specs=[
            pl.BlockSpec((_BNF, D_H2), lambda i: (i, 0)),
            pl.BlockSpec((NC, _BNF, D_H2), lambda i: (0, i, 0)),
            pl.BlockSpec((_BNF, 1), lambda i: (i, 0)),
        ],
        out_specs=pl.BlockSpec((G, D_H2), lambda i: (0, 0)),
        out_shape=jax.ShapeDtypeStruct((G, D_H2), jnp.float32),
        scratch_shapes=[pltpu.VMEM((D_H2, GP), jnp.float32)],
    )(r2, agg2, batch.reshape(N, 1).astype(i32))
    return pooled_t @ Wd + bd

# --- scband reference (transcript-rebuilt; emitter-appended) ---
"""Pipeline reference for scband-gcn-44212393345339 (READ-ONLY COPY).

The authoritative reference and input builder live on the scoring server;
editing this copy changes nothing except your own understanding.
"""

import jax, jax.numpy as jnp
import numpy as np

N_NODES = 10000
N_EDGES = 320000
N_REL = 8
N_GRAPHS = 64
D_IN = 128
D_H1 = 32
D_H2 = 16


def setup_inputs(seed: int = 0) -> dict:
    key = jax.random.key(seed)
    ks = jax.random.split(key, 12)
    x = jax.random.normal(ks[0], (N_NODES, D_IN), dtype=jnp.float32)
    edge_index = jax.random.randint(ks[1], (2, N_EDGES), 0, N_NODES)
    edge_attr = jax.random.randint(ks[2], (N_EDGES, 1), 0, N_REL)
    batch = jnp.sort(jax.random.randint(ks[3], (N_NODES,), 0, N_GRAPHS))
    # RGCNConv layer 1 params: per-relation weights, root weight, bias
    W1 = jax.random.normal(ks[4], (N_REL, D_IN, D_H1), dtype=jnp.float32) * (1.0 / np.sqrt(D_IN))
    root1 = jax.random.normal(ks[5], (D_IN, D_H1), dtype=jnp.float32) * (1.0 / np.sqrt(D_IN))
    b1 = jnp.zeros((D_H1,), dtype=jnp.float32)
    # RGCNConv layer 2 params
    W2 = jax.random.normal(ks[6], (N_REL, D_H1, D_H2), dtype=jnp.float32) * (1.0 / np.sqrt(D_H1))
    root2 = jax.random.normal(ks[7], (D_H1, D_H2), dtype=jnp.float32) * (1.0 / np.sqrt(D_H1))
    b2 = jnp.zeros((D_H2,), dtype=jnp.float32)
    # Final dense layer
    Wd = jax.random.normal(ks[8], (D_H2, 1), dtype=jnp.float32) * (1.0 / np.sqrt(D_H2))
    bd = jnp.zeros((1,), dtype=jnp.float32)
    return {"x": x, "edge_index": edge_index, "edge_attr": edge_attr, "batch": batch,
            "W1": W1, "root1": root1, "b1": b1, "W2": W2, "root2": root2, "b2": b2,
            "Wd": Wd, "bd": bd}


def _rgcn_layer(x, edge_index, etype, W, root, b, num_nodes):
    # RGCNConv with mean aggregation per relation (PyG default aggr='mean'):
    # out[i] = x[i] @ root + b + sum_r mean_{j in N_r(i)} (x[j] @ W[r])
    src = edge_index[0]
    dst = edge_index[1]
    out = x @ root + b
    num_rel = W.shape[0]
    for r in range(num_rel):
        mask = (etype == r).astype(x.dtype)
        cnt = jax.ops.segment_sum(mask, dst, num_segments=num_nodes)
        norm = jnp.where(cnt > 0, 1.0 / jnp.maximum(cnt, 1.0), 0.0)
        xr = x @ W[r]
        msgs = xr[src] * mask[:, None]
        agg = jax.ops.segment_sum(msgs, dst, num_segments=num_nodes)
        out = out + agg * norm[:, None]
    return out


def reference(x, edge_index, edge_attr, batch, W1, root1, b1, W2, root2, b2, Wd, bd):
    etype = edge_attr.reshape(-1)
    h = _rgcn_layer(x, edge_index, etype, W1, root1, b1, x.shape[0])
    h = jax.nn.relu(h)
    # F.dropout(x, 0.5) treated as identity for a deterministic reference
    h = _rgcn_layer(h, edge_index, etype, W2, root2, b2, x.shape[0])
    h = jax.nn.relu(h)
    pooled = jax.ops.segment_max(h, batch, num_segments=N_GRAPHS)
    pooled = jnp.where(jnp.isfinite(pooled), pooled, 0.0)  # guard empty graphs
    return pooled @ Wd + bd

if __name__ == "__main__":
    import jax
    _d = setup_inputs()
    print(jax.jit(kernel)(*tuple(_d.values())))

</pallas_src>

<mosaic_0001>
#map = affine_map<(d0, d1) -> (0)>
#map1 = affine_map<(d0, d1) -> (0, 0, 0)>
module attributes {stable_mosaic.version = 14 : i64} {
  func.func @_count_sc(%arg0: i32, %arg1: i32, %arg2: memref<327680xi32, #tpu.memory_space<hbm>>, %arg3: memref<327680xi32, #tpu.memory_space<hbm>>, %arg4: memref<2x16x5008xf32, #tpu.memory_space<hbm>>, %arg5: memref<128xi32, #tpu.memory_space<vmem>>, %arg6: memref<128xi32, #tpu.memory_space<vmem>>, %arg7: memref<128xi32, #tpu.memory_space<vmem>>, %arg8: memref<128xi32, #tpu.memory_space<vmem>>, %arg9: memref<128xi32, #tpu.memory_space<vmem>>, %arg10: memref<128xi32, #tpu.memory_space<vmem>>, %arg11: memref<128xf32, #tpu.memory_space<vmem>>, %arg12: memref<5008xf32, #tpu.memory_space<vmem>>, %arg13: memref<80128xf32, #tpu.memory_space<vmem_shared>>, %arg14: memref<!tpu.dma_semaphore, #tpu.memory_space<semaphore_mem>>, %arg15: memref<!tpu.dma_semaphore, #tpu.memory_space<semaphore_mem>>, %arg16: memref<!tpu.dma_semaphore, #tpu.memory_space<semaphore_mem>>, %arg17: memref<!tpu.dma_semaphore, #tpu.memory_space<semaphore_mem>>) attributes {dimension_semantics = [#tpu.dimension_semantics<core_parallel>, #tpu.dimension_semantics<subcore_parallel>], iteration_bounds = array<i64: 2, 16>, scalar_prefetch = 0 : i64, scratch_operands = 13 : i64, tpu.core_type = #tpu.core_type<sc_vector_subcore>, window_params = [{transform_indices = #map}, {transform_indices = #map}, {transform_indices = #map1}]} {
    %mul3A = arith.constant 2 : i32
    %mul3A_0 = arith.muli %arg1, %mul3A : i32
    %add3A = arith.addi %mul3A_0, %arg0 : i32
    %mul3A_1 = arith.constant 10240 : i32
    %mul3A_2 = arith.muli %add3A, %mul3A_1 : i32
    %broadcast_in_dim3A = arith.constant 1.000000e+00 : f32
    %broadcast_in_dim3A_3 = vector.broadcast %broadcast_in_dim3A : f32 to vector<16xf32>
    %swap3A = arith.constant 0 : index
    %swap3A_4 = tpu.vector_load %arg11[%swap3A] {strides = array<i32>} : memref<128xf32, #tpu.memory_space<vmem>>, vector<16xf32>,
    %swap3A_5 = vector.shape_cast %swap3A_4 : vector<16xf32> to vector<16xf32>
    %swap3A_6 = vector.shape_cast %broadcast_in_dim3A_3 : vector<16xf32> to vector<16xf32>
    tpu.vector_store %arg11[%swap3A], %swap3A_6 {strides = array<i32>} : memref<128xf32, #tpu.memory_space<vmem>>, vector<16xf32>,
    %broadcast_in_dim3A_7 = arith.constant 1.000000e+00 : f32
    %broadcast_in_dim3A_8 = vector.broadcast %broadcast_in_dim3A_7 : f32 to vector<16xf32>
    %swap3A_9 = arith.constant 16 : index
    %swap3A_10 = tpu.vector_load %arg11[%swap3A_9] {strides = array<i32>} : memref<128xf32, #tpu.memory_space<vmem>>, vector<16xf32>,
    %swap3A_11 = vector.shape_cast %swap3A_10 : vector<16xf32> to vector<16xf32>
    %swap3A_12 = vector.shape_cast %broadcast_in_dim3A_8 : vector<16xf32> to vector<16xf32>
    tpu.vector_store %arg11[%swap3A_9], %swap3A_12 {strides = array<i32>} : memref<128xf32, #tpu.memory_space<vmem>>, vector<16xf32>,
    %broadcast_in_dim3A_13 = arith.constant 1.000000e+00 : f32
    %broadcast_in_dim3A_14 = vector.broadcast %broadcast_in_dim3A_13 : f32 to vector<16xf32>
    %swap3A_15 = arith.constant 32 : index
    %swap3A_16 = tpu.vector_load %arg11[%swap3A_15] {strides = array<i32>} : memref<128xf32, #tpu.memory_space<vmem>>, vector<16xf32>,
    %swap3A_17 = vector.shape_cast %swap3A_16 : vector<16xf32> to vector<16xf32>
    %swap3A_18 = vector.shape_cast %broadcast_in_dim3A_14 : vector<16xf32> to vector<16xf32>
    tpu.vector_store %arg11[%swap3A_15], %swap3A_18 {strides = array<i32>} : memref<128xf32, #tpu.memory_space<vmem>>, vector<16xf32>,
    %broadcast_in_dim3A_19 = arith.constant 1.000000e+00 : f32
    %broadcast_in_dim3A_20 = vector.broadcast %broadcast_in_dim3A_19 : f32 to vector<16xf32>
    %swap3A_21 = arith.constant 48 : index
    %swap3A_22 = tpu.vector_load %arg11[%swap3A_21] {strides = array<i32>} : memref<128xf32, #tpu.memory_space<vmem>>, vector<16xf32>,
    %swap3A_23 = vector.shape_cast %swap3A_22 : vector<16xf32> to vector<16xf32>
    %swap3A_24 = vector.shape_cast %broadcast_in_dim3A_20 : vector<16xf32> to vector<16xf32>
    tpu.vector_store %arg11[%swap3A_21], %swap3A_24 {strides = array<i32>} : memref<128xf32, #tpu.memory_space<vmem>>, vector<16xf32>,
    %broadcast_in_dim3A_25 = arith.constant 1.000000e+00 : f32
    %broadcast_in_dim3A_26 = vector.broadcast %broadcast_in_dim3A_25 : f32 to vector<16xf32>
    %swap3A_27 = arith.constant 64 : index
    %swap3A_28 = tpu.vector_load %arg11[%swap3A_27] {strides = array<i32>} : memref<128xf32, #tpu.memory_space<vmem>>, vector<16xf32>,
    %swap3A_29 = vector.shape_cast %swap3A_28 : vector<16xf32> to vector<16xf32>
    %swap3A_30 = vector.shape_cast %broadcast_in_dim3A_26 : vector<16xf32> to vector<16xf32>
    tpu.vector_store %arg11[%swap3A_27], %swap3A_30 {strides = array<i32>} : memref<128xf32, #tpu.memory_space<vmem>>, vector<16xf32>,
    %broadcast_in_dim3A_31 = arith.constant 1.000000e+00 : f32
    %broadcast_in_dim3A_32 = vector.broadcast %broadcast_in_dim3A_31 : f32 to vector<16xf32>
    %swap3A_33 = arith.constant 80 : index
    %swap3A_34 = tpu.vector_load %arg11[%swap3A_33] {strides = array<i32>} : memref<128xf32, #tpu.memory_space<vmem>>, vector<16xf32>,
    %swap3A_35 = vector.shape_cast %swap3A_34 : vector<16xf32> to vector<16xf32>
    %swap3A_36 = vector.shape_cast %broadcast_in_dim3A_32 : vector<16xf32> to vector<16xf32>
    tpu.vector_store %arg11[%swap3A_33], %swap3A_36 {strides = array<i32>} : memref<128xf32, #tpu.memory_space<vmem>>, vector<16xf32>,
    %broadcast_in_dim3A_37 = arith.constant 1.000000e+00 : f32
    %broadcast_in_dim3A_38 = vector.broadcast %broadcast_in_dim3A_37 : f32 to vector<16xf32>
    %swap3A_39 = arith.constant 96 : index
    %swap3A_40 = tpu.vector_load %arg11[%swap3A_39] {strides = array<i32>} : memref<128xf32, #tpu.memory_space<vmem>>, vector<16xf32>,
    %swap3A_41 = vector.shape_cast %swap3A_40 : vector<16xf32> to vector<16xf32>
    %swap3A_42 = vector.shape_cast %broadcast_in_dim3A_38 : vector<16xf32> to vector<16xf32>
    tpu.vector_store %arg11[%swap3A_39], %swap3A_42 {strides = array<i32>} : memref<128xf32, #tpu.memory_space<vmem>>, vector<16xf32>,
    %broadcast_in_dim3A_43 = arith.constant 1.000000e+00 : f32
    %broadcast_in_dim3A_44 = vector.broadcast %broadcast_in_dim3A_43 : f32 to vector<16xf32>
    %swap3A_45 = arith.constant 112 : index
    %swap3A_46 = tpu.vector_load %arg11[%swap3A_45] {strides = array<i32>} : memref<128xf32, #tpu.memory_space<vmem>>, vector<16xf32>,
    %swap3A_47 = vector.shape_cast %swap3A_46 : vector<16xf32> to vector<16xf32>
    %swap3A_48 = vector.shape_cast %broadcast_in_dim3A_44 : vector<16xf32> to vector<16xf32>
    tpu.vector_store %arg11[%swap3A_45], %swap3A_48 {strides = array<i32>} : memref<128xf32, #tpu.memory_space<vmem>>, vector<16xf32>,
    %scan3A = arith.constant 0 : i32
    %scan3A_49 = arith.constant 0 : i32
    %scan3A_50 = arith.constant 313 : i32
    %scan3A_51 = arith.addi %scan3A_49, %scan3A_50 : i32
    %scan3A_52 = arith.constant 1 : i32
    %scan3A_53 = scf.for %scan3A_81 = %scan3A_49 to %scan3A_51 step %scan3A_52 iter_args(%scan3A_82 = %scan3A) -> (i32)  : i32 {
      %broadcast_in_dim3A_83 = arith.constant 0.000000e+00 : f32
      %broadcast_in_dim3A_84 = vector.broadcast %broadcast_in_dim3A_83 : f32 to vector<16xf32>
      %mul3A_85 = arith.constant 16 : i32
      %mul3A_86 = arith.muli %scan3A_81, %mul3A_85 : i32
      %swap3A_87 = arith.index_cast %mul3A_86 : i32 to index
      %swap3A_88 = tpu.vector_load %arg12[%swap3A_87] {strides = array<i32>} : memref<5008xf32, #tpu.memory_space<vmem>>, vector<16xf32>,
      %swap3A_89 = vector.shape_cast %swap3A_88 : vector<16xf32> to vector<16xf32>
      %swap3A_90 = vector.shape_cast %broadcast_in_dim3A_84 : vector<16xf32> to vector<16xf32>
      tpu.vector_store %arg12[%swap3A_87], %swap3A_90 {strides = array<i32>} : memref<5008xf32, #tpu.memory_space<vmem>>, vector<16xf32>,
      %scan3A_91 = arith.constant 0 : i32
      scf.yield %scan3A_91 : i32
    }
    %scan3A_54 = arith.constant 313 : i32
    %mul3A_55 = arith.constant 5008 : i32
    %mul3A_56 = arith.muli %arg1, %mul3A_55 : i32
    "tpu.region"() ({
      %run_scoped3A = tpu.sem_alloc : memref<!tpu.dma_semaphore, #tpu.memory_space<semaphore_mem>>
      %dma_start3A_81 = tpu.memref_slice %arg13[%mul3A_56] : memref<80128xf32, #tpu.memory_space<vmem_shared>> -> memref<5008xf32, #tpu.memory_space<vmem_shared>>
      %dma_start3A_82 = tpu.memref_slice %arg13[%mul3A_56] : memref<80128xf32, #tpu.memory_space<vmem_shared>> -> memref<5008xf32, #tpu.memory_space<vmem_shared>>
      tpu.enqueue_dma source(%arg12 : memref<5008xf32, #tpu.memory_space<vmem>>) target(%dma_start3A_82 : memref<5008xf32, #tpu.memory_space<vmem_shared>>) target_semaphore(%run_scoped3A : memref<!tpu.dma_semaphore, #tpu.memory_space<semaphore_mem>>)
      %dma_wait3A_83 = tpu.memref_slice %arg13[%mul3A_56] : memref<80128xf32, #tpu.memory_space<vmem_shared>> -> memref<5008xf32, #tpu.memory_space<vmem_shared>>
      %dma_wait3A_84 = tpu.memref_slice %arg13[%mul3A_56] : memref<80128xf32, #tpu.memory_space<vmem_shared>> -> memref<5008xf32, #tpu.memory_space<vmem_shared>>
      tpu.wait_dma2 semaphore(%run_scoped3A : memref<!tpu.dma_semaphore, #tpu.memory_space<semaphore_mem>>) src(%arg12 : memref<5008xf32, #tpu.memory_space<vmem>>) dst(%dma_wait3A_84 : memref<5008xf32, #tpu.memory_space<vmem_shared>>)
      tpu.yield
    }) : () -> ()
    %barrier3A = arith.constant 0 : index
    tpu.barrier barrier_id(%barrier3A)
    %add3A_57 = arith.constant 0 : i32
    %add3A_58 = arith.addi %mul3A_2, %add3A_57 : i32
    %dma_start3A = tpu.memref_slice %arg2[%add3A_58] : memref<327680xi32, #tpu.memory_space<hbm>> -> memref<128xi32, #tpu.memory_space<hbm>>
    %dma_start3A_59 = tpu.memref_slice %arg2[%add3A_58] : memref<327680xi32, #tpu.memory_space<hbm>> -> memref<128xi32, #tpu.memory_space<hbm>>
    tpu.enqueue_dma source(%dma_start3A_59 : memref<128xi32, #tpu.memory_space<hbm>>) target(%arg5 : memref<128xi32, #tpu.memory_space<vmem>>) target_semaphore(%arg14 : memref<!tpu.dma_semaphore, #tpu.memory_space<semaphore_mem>>)
    %dma_start3A_60 = tpu.memref_slice %arg3[%add3A_58] : memref<327680xi32, #tpu.memory_space<hbm>> -> memref<128xi32, #tpu.memory_space<hbm>>
    %dma_start3A_61 = tpu.memref_slice %arg3[%add3A_58] : memref<327680xi32, #tpu.memory_space<hbm>> -> memref<128xi32, #tpu.memory_space<hbm>>
    tpu.enqueue_dma source(%dma_start3A_61 : memref<128xi32, #tpu.memory_space<hbm>>) target(%arg6 : memref<128xi32, #tpu.memory_space<vmem>>) target_semaphore(%arg14 : memref<!tpu.dma_semaphore, #tpu.memory_space<semaphore_mem>>)
    %add3A_62 = arith.constant 128 : i32
    %add3A_63 = arith.addi %mul3A_2, %add3A_62 : i32
    %dma_start3A_64 = tpu.memref_slice %arg2[%add3A_63] : memref<327680xi32, #tpu.memory_space<hbm>> -> memref<128xi32, #tpu.memory_space<hbm>>
    %dma_start3A_65 = tpu.memref_slice %arg2[%add3A_63] : memref<327680xi32, #tpu.memory_space<hbm>> -> memref<128xi32, #tpu.memory_space<hbm>>
    tpu.enqueue_dma source(%dma_start3A_65 : memref<128xi32, #tpu.memory_space<hbm>>) target(%arg7 : memref<128xi32, #tpu.memory_space<vmem>>) target_semaphore(%arg15 : memref<!tpu.dma_semaphore, #tpu.memory_space<semaphore_mem>>)
    %dma_start3A_66 = tpu.memref_slice %arg3[%add3A_63] : memref<327680xi32, #tpu.memory_space<hbm>> -> memref<128xi32, #tpu.memory_space<hbm>>
    %dma_start3A_67 = tpu.memref_slice %arg3[%add3A_63] : memref<327680xi32, #tpu.memory_space<hbm>> -> memref<128xi32, #tpu.memory_space<hbm>>
    tpu.enqueue_dma source(%dma_start3A_67 : memref<128xi32, #tpu.memory_space<hbm>>) target(%arg8 : memref<128xi32, #tpu.memory_space<vmem>>) target_semaphore(%arg15 : memref<!tpu.dma_semaphore, #tpu.memory_space<semaphore_mem>>)
    %scan3A_68 = arith.constant 0 : i32
    %scan3A_69 = arith.constant 0 : i32
    %scan3A_70 = arith.constant 40 : i32
    %scan3A_71 = arith.addi %scan3A_69, %scan3A_70 : i32
    %scan3A_72 = arith.constant 1 : i32
    %scan3A_73 = scf.for %scan3A_81 = %scan3A_69 to %scan3A_71 step %scan3A_72 iter_args(%scan3A_82 = %scan3A_68) -> (i32)  : i32 {
      %mul3A_83 = arith.constant 2 : i32
      %mul3A_84 = arith.muli %scan3A_81, %mul3A_83 : i32
      %add3A_85 = arith.constant 2 : i32
      %add3A_86 = arith.addi %mul3A_84, %add3A_85 : i32
      %lt3A = arith.constant 80 : i32
      %lt3A_87 = arith.cmpi slt, %add3A_86, %lt3A : i32
      %dma_wait3A_88 = arith.constant 0 : i32
      %dma_wait3A_89 = tpu.memref_slice %arg2[%dma_wait3A_88] : memref<327680xi32, #tpu.memory_space<hbm>> -> memref<128xi32, #tpu.memory_space<hbm>>
      %dma_wait3A_90 = arith.constant 0 : i32
      %dma_wait3A_91 = tpu.memref_slice %arg2[%dma_wait3A_90] : memref<327680xi32, #tpu.memory_space<hbm>> -> memref<128xi32, #tpu.memory_space<hbm>>
      tpu.wait_dma2 semaphore(%arg14 : memref<!tpu.dma_semaphore, #tpu.memory_space<semaphore_mem>>) src(%dma_wait3A_91 : memref<128xi32, #tpu.memory_space<hbm>>) dst(%arg5 : memref<128xi32, #tpu.memory_space<vmem>>)
      %dma_wait3A_92 = arith.constant 0 : i32
      %dma_wait3A_93 = tpu.memref_slice %arg3[%dma_wait3A_92] : memref<327680xi32, #tpu.memory_space<hbm>> -> memref<128xi32, #tpu.memory_space<hbm>>
      %dma_wait3A_94 = arith.constant 0 : i32
      %dma_wait3A_95 = tpu.memref_slice %arg3[%dma_wait3A_94] : memref<327680xi32, #tpu.memory_space<hbm>> -> memref<128xi32, #tpu.memory_space<hbm>>
      tpu.wait_dma2 semaphore(%arg14 : memref<!tpu.dma_semaphore, #tpu.memory_space<semaphore_mem>>) src(%dma_wait3A_95 : memref<128xi32, #tpu.memory_space<hbm>>) dst(%arg6 : memref<128xi32, #tpu.memory_space<vmem>>)
      %ge3A = arith.constant 2 : i32
      %ge3A_96 = arith.cmpi sge, %mul3A_84, %ge3A : i32
      %convert_element_type3A = arith.extui %ge3A_96 : i1 to i32
      %cond3A = arith.constant 0 : i32
      %cond3A_97 = arith.cmpi ne, %convert_element_type3A, %cond3A : i32
      scf.if %cond3A_97 {
        %dma_wait3A_351 = arith.constant 0 : i32
        %dma_wait3A_352 = tpu.memref_slice %arg13[%dma_wait3A_351] : memref<80128xf32, #tpu.memory_space<vmem_shared>> -> memref<80128xf32, #tpu.memory_space<vmem_shared>>
        tpu.wait_indirect_dma semaphore(%arg16 : memref<!tpu.dma_semaphore, #tpu.memory_space<semaphore_mem>>) src(%arg11 : memref<128xf32, #tpu.memory_space<vmem>>) dst(%dma_wait3A_352 : memref<80128xf32, #tpu.memory_space<vmem_shared>>)
      } else {
      }
      %get3A = arith.constant 0 : index
      %get3A_98 = tpu.vector_load %arg5[%get3A] {strides = array<i32>} : memref<128xi32, #tpu.memory_space<vmem>>, vector<16xi32>,
      %get3A_99 = vector.shape_cast %get3A_98 : vector<16xi32> to vector<16xi32>
      %mul3A_100 = arith.constant 8 : i32
      %mul3A_101 = vector.broadcast %mul3A_100 : i32 to vector<16xi32>
      %mul3A_102 = arith.muli %get3A_99, %mul3A_101 : vector<16xi32>
      %get3A_103 = arith.constant 0 : index
      %get3A_104 = tpu.vector_load %arg6[%get3A_103] {strides = array<i32>} : memref<128xi32, #tpu.memory_space<vmem>>, vector<16xi32>,
      %get3A_105 = vector.shape_cast %get3A_104 : vector<16xi32> to vector<16xi32>
      %add3A_106 = arith.addi %mul3A_102, %get3A_105 : vector<16xi32>
      %swap3A_107 = arith.constant 0 : index
      %swap3A_108 = tpu.vector_load %arg9[%swap3A_107] {strides = array<i32>} : memref<128xi32, #tpu.memory_space<vmem>>, vector<16xi32>,
      %swap3A_109 = vector.shape_cast %swap3A_108 : vector<16xi32> to vector<16xi32>
      %swap3A_110 = vector.shape_cast %add3A_106 : vector<16xi32> to vector<16xi32>
      tpu.vector_store %arg9[%swap3A_107], %swap3A_110 {strides = array<i32>} : memref<128xi32, #tpu.memory_space<vmem>>, vector<16xi32>,
      %get3A_111 = arith.constant 16 : index
      %get3A_112 = tpu.vector_load %arg5[%get3A_111] {strides = array<i32>} : memref<128xi32, #tpu.memory_space<vmem>>, vector<16xi32>,
      %get3A_113 = vector.shape_cast %get3A_112 : vector<16xi32> to vector<16xi32>
      %mul3A_114 = arith.constant 8 : i32
      %mul3A_115 = vector.broadcast %mul3A_114 : i32 to vector<16xi32>
      %mul3A_116 = arith.muli %get3A_113, %mul3A_115 : vector<16xi32>
      %get3A_117 = arith.constant 16 : index
      %get3A_118 = tpu.vector_load %arg6[%get3A_117] {strides = array<i32>} : memref<128xi32, #tpu.memory_space<vmem>>, vector<16xi32>,
      %get3A_119 = vector.shape_cast %get3A_118 : vector<16xi32> to vector<16xi32>
      %add3A_120 = arith.addi %mul3A_116, %get3A_119 : vector<16xi32>
      %swap3A_121 = arith.constant 16 : index
      %swap3A_122 = tpu.vector_load %arg9[%swap3A_121] {strides = array<i32>} : memref<128xi32, #tpu.memory_space<vmem>>, vector<16xi32>,
      %swap3A_123 = vector.shape_cast %swap3A_122 : vector<16xi32> to vector<16xi32>
      %swap3A_124 = vector.shape_cast %add3A_120 : vector<16xi32> to vector<16xi32>
      tpu.vector_store %arg9[%swap3A_121], %swap3A_124 {strides = array<i32>} : memref<128xi32, #tpu.memory_space<vmem>>, vector<16xi32>,
      %get3A_125 = arith.constant 32 : index
      %get3A_126 = tpu.vector_load %arg5[%get3A_125] {strides = array<i32>} : memref<128xi32, #tpu.memory_space<vmem>>, vector<16xi32>,
      %get3A_127 = vector.shape_cast %get3A_126 : vector<16xi32> to vector<16xi32>
      %mul3A_128 = arith.constant 8 : i32
      %mul3A_129 = vector.broadcast %mul3A_128 : i32 to vector<16xi32>
      %mul3A_130 = arith.muli %get3A_127, %mul3A_129 : vector<16xi32>
      %get3A_131 = arith.constant 32 : index
      %get3A_132 = tpu.vector_load %arg6[%get3A_131] {strides = array<i32>} : memref<128xi32, #tpu.memory_space<vmem>>, vector<16xi32>,
      %get3A_133 = vector.shape_cast %get3A_132 : vector<16xi32> to vector<16xi32>
      %add3A_134 = arith.addi %mul3A_130, %get3A_133 : vector<16xi32>
      %swap3A_135 = arith.constant 32 : index
      %swap3A_136 = tpu.vector_load %arg9[%swap3A_135] {strides = array<i32>} : memref<128xi32, #tpu.memory_space<vmem>>, vector<16xi32>,
      %swap3A_137 = vector.shape_cast %swap3A_136 : vector<16xi32> to vector<16xi32>
      %swap3A_138 = vector.shape_cast %add3A_134 : vector<16xi32> to vector<16xi32>
      tpu.vector_store %arg9[%swap3A_135], %swap3A_138 {strides = array<i32>} : memref<128xi32, #tpu.memory_space<vmem>>, vector<16xi32>,
      %get3A_139 = arith.constant 48 : index
      %get3A_140 = tpu.vector_load %arg5[%get3A_139] {strides = array<i32>} : memref<128xi32, #tpu.memory_space<vmem>>, vector<16xi32>,
      %get3A_141 = vector.shape_cast %get3A_140 : vector<16xi32> to vector<16xi32>
      %mul3A_142 = arith.constant 8 : i32
      %mul3A_143 = vector.broadcast %mul3A_142 : i32 to vector<16xi32>
      %mul3A_144 = arith.muli %get3A_141, %mul3A_143 : vector<16xi32>
      %get3A_145 = arith.constant 48 : index
      %get3A_146 = tpu.vector_load %arg6[%get3A_145] {strides = array<i32>} : memref<128xi32, #tpu.memory_space<vmem>>, vector<16xi32>,
      %get3A_147 = vector.shape_cast %get3A_146 : vector<16xi32> to vector<16xi32>
      %add3A_148 = arith.addi %mul3A_144, %get3A_147 : vector<16xi32>
      %swap3A_149 = arith.constant 48 : index
      %swap3A_150 = tpu.vector_load %arg9[%swap3A_149] {strides = array<i32>} : memref<128xi32, #tpu.memory_space<vmem>>, vector<16xi32>,
      %swap3A_151 = vector.shape_cast %swap3A_150 : vector<16xi32> to vector<16xi32>
      %swap3A_152 = vector.shape_cast %add3A_148 : vector<16xi32> to vector<16xi32>
      tpu.vector_store %arg9[%swap3A_149], %swap3A_152 {strides = array<i32>} : memref<128xi32, #tpu.memory_space<vmem>>, vector<16xi32>,
      %get3A_153 = arith.constant 64 : index
      %get3A_154 = tpu.vector_load %arg5[%get3A_153] {strides = array<i32>} : memref<128xi32, #tpu.memory_space<vmem>>, vector<16xi32>,
      %get3A_155 = vector.shape_cast %get3A_154 : vector<16xi32> to vector<16xi32>
      %mul3A_156 = arith.constant 8 : i32
      %mul3A_157 = vector.broadcast %mul3A_156 : i32 to vector<16xi32>
      %mul3A_158 = arith.muli %get3A_155, %mul3A_157 : vector<16xi32>
      %get3A_159 = arith.constant 64 : index
      %get3A_160 = tpu.vector_load %arg6[%get3A_159] {strides = array<i32>} : memref<128xi32, #tpu.memory_space<vmem>>, vector<16xi32>,
      %get3A_161 = vector.shape_cast %get3A_160 : vector<16xi32> to vector<16xi32>
      %add3A_162 = arith.addi %mul3A_158, %get3A_161 : vector<16xi32>
      %swap3A_163 = arith.constant 64 : index
      %swap3A_164 = tpu.vector_load %arg9[%swap3A_163] {strides = array<i32>} : memref<128xi32, #tpu.memory_space<vmem>>, vector<16xi32>,
      %swap3A_165 = vector.shape_cast %swap3A_164 : vector<16xi32> to vector<16xi32>
      %swap3A_166 = vector.shape_cast %add3A_162 : vector<16xi32> to vector<16xi32>
      tpu.vector_store %arg9[%swap3A_163], %swap3A_166 {strides = array<i32>} : memref<128xi32, #tpu.memory_space<vmem>>, vector<16xi32>,
      %get3A_167 = arith.constant 80 : index
      %get3A_168 = tpu.vector_load %arg5[%get3A_167] {strides = array<i32>} : memref<128xi32, #tpu.memory_space<vmem>>, vector<16xi32>,
      %get3A_169 = vector.shape_cast %get3A_168 : vector<16xi32> to vector<16xi32>
      %mul3A_170 = arith.constant 8 : i32
      %mul3A_171 = vector.broadcast %mul3A_170 : i32 to vector<16xi32>
      %mul3A_172 = arith.muli %get3A_169, %mul3A_171 : vector<16xi32>
      %get3A_173 = arith.constant 80 : index
      %get3A_174 = tpu.vector_load %arg6[%get3A_173] {strides = array<i32>} : memref<128xi32, #tpu.memory_space<vmem>>, vector<16xi32>,
      %get3A_175 = vector.shape_cast %get3A_174 : vector<16xi32> to vector<16xi32>
      %add3A_176 = arith.addi %mul3A_172, %get3A_175 : vector<16xi32>
      %swap3A_177 = arith.constant 80 : index
      %swap3A_178 = tpu.vector_load %arg9[%swap3A_177] {strides = array<i32>} : memref<128xi32, #tpu.memory_space<vmem>>, vector<16xi32>,
      %swap3A_179 = vector.shape_cast %swap3A_178 : vector<16xi32> to vector<16xi32>
      %swap3A_180 = vector.shape_cast %add3A_176 : vector<16xi32> to vector<16xi32>
      tpu.vector_store %arg9[%swap3A_177], %swap3A_180 {strides = array<i32>} : memref<128xi32, #tpu.memory_space<vmem>>, vector<16xi32>,
      %get3A_181 = arith.constant 96 : index
      %get3A_182 = tpu.vector_load %arg5[%get3A_181] {strides = array<i32>} : memref<128xi32, #tpu.memory_space<vmem>>, vector<16xi32>,
      %get3A_183 = vector.shape_cast %get3A_182 : vector<16xi32> to vector<16xi32>
      %mul3A_184 = arith.constant 8 : i32
      %mul3A_185 = vector.broadcast %mul3A_184 : i32 to vector<16xi32>
      %mul3A_186 = arith.muli %get3A_183, %mul3A_185 : vector<16xi32>
      %get3A_187 = arith.constant 96 : index
      %get3A_188 = tpu.vector_load %arg6[%get3A_187] {strides = array<i32>} : memref<128xi32, #tpu.memory_space<vmem>>, vector<16xi32>,
      %get3A_189 = vector.shape_cast %get3A_188 : vector<16xi32> to vector<16xi32>
      %add3A_190 = arith.addi %mul3A_186, %get3A_189 : vector<16xi32>
      %swap3A_191 = arith.constant 96 : index
      %swap3A_192 = tpu.vector_load %arg9[%swap3A_191] {strides = array<i32>} : memref<128xi32, #tpu.memory_space<vmem>>, vector<16xi32>,
      %swap3A_193 = vector.shape_cast %swap3A_192 : vector<16xi32> to vector<16xi32>
      %swap3A_194 = vector.shape_cast %add3A_190 : vector<16xi32> to vector<16xi32>
      tpu.vector_store %arg9[%swap3A_191], %swap3A_194 {strides = array<i32>} : memref<128xi32, #tpu.memory_space<vmem>>, vector<16xi32>,
      %get3A_195 = arith.constant 112 : index
      %get3A_196 = tpu.vector_load %arg5[%get3A_195] {strides = array<i32>} : memref<128xi32, #tpu.memory_space<vmem>>, vector<16xi32>,
      %get3A_197 = vector.shape_cast %get3A_196 : vector<16xi32> to vector<16xi32>
      %mul3A_198 = arith.constant 8 : i32
      %mul3A_199 = vector.broadcast %mul3A_198 : i32 to vector<16xi32>
      %mul3A_200 = arith.muli %get3A_197, %mul3A_199 : vector<16xi32>
      %get3A_201 = arith.constant 112 : index
      %get3A_202 = tpu.vector_load %arg6[%get3A_201] {strides = array<i32>} : memref<128xi32, #tpu.memory_space<vmem>>, vector<16xi32>,
      %get3A_203 = vector.shape_cast %get3A_202 : vector<16xi32> to vector<16xi32>
      %add3A_204 = arith.addi %mul3A_200, %get3A_203 : vector<16xi32>
      %swap3A_205 = arith.constant 112 : index
      %swap3A_206 = tpu.vector_load %arg9[%swap3A_205] {strides = array<i32>} : memref<128xi32, #tpu.memory_space<vmem>>, vector<16xi32>,
      %swap3A_207 = vector.shape_cast %swap3A_206 : vector<16xi32> to vector<16xi32>
      %swap3A_208 = vector.shape_cast %add3A_204 : vector<16xi32> to vector<16xi32>
      tpu.vector_store %arg9[%swap3A_205], %swap3A_208 {strides = array<i32>} : memref<128xi32, #tpu.memory_space<vmem>>, vector<16xi32>,
      %convert_element_type3A_209 = arith.extui %lt3A_87 : i1 to i32
      %cond3A_210 = arith.constant 0 : i32
      %cond3A_211 = arith.cmpi ne, %convert_element_type3A_209, %cond3A_210 : i32
      scf.if %cond3A_211 {
        %add3A_351 = arith.constant 2 : i32
        %add3A_352 = arith.addi %mul3A_84, %add3A_351 : i32
        %mul3A_353 = arith.constant 128 : i32
        %mul3A_354 = arith.muli %add3A_352, %mul3A_353 : i32
        %add3A_355 = arith.addi %mul3A_2, %mul3A_354 : i32
        %dma_start3A_356 = tpu.memref_slice %arg2[%add3A_355] : memref<327680xi32, #tpu.memory_space<hbm>> -> memref<128xi32, #tpu.memory_space<hbm>>
        %dma_start3A_357 = tpu.memref_slice %arg2[%add3A_355] : memref<327680xi32, #tpu.memory_space<hbm>> -> memref<128xi32, #tpu.memory_space<hbm>>
        tpu.enqueue_dma source(%dma_start3A_357 : memref<128xi32, #tpu.memory_space<hbm>>) target(%arg5 : memref<128xi32, #tpu.memory_space<vmem>>) target_semaphore(%arg14 : memref<!tpu.dma_semaphore, #tpu.memory_space<semaphore_mem>>)
        %dma_start3A_358 = tpu.memref_slice %arg3[%add3A_355] : memref<327680xi32, #tpu.memory_space<hbm>> -> memref<128xi32, #tpu.memory_space<hbm>>
        %dma_start3A_359 = tpu.memref_slice %arg3[%add3A_355] : memref<327680xi32, #tpu.memory_space<hbm>> -> memref<128xi32, #tpu.memory_space<hbm>>
        tpu.enqueue_dma source(%dma_start3A_359 : memref<128xi32, #tpu.memory_space<hbm>>) target(%arg6 : memref<128xi32, #tpu.memory_space<vmem>>) target_semaphore(%arg14 : memref<!tpu.dma_semaphore, #tpu.memory_space<semaphore_mem>>)
      } else {
      }
      %dma_start3A_212 = arith.constant 0 : i32
      %dma_start3A_213 = tpu.memref_slice %arg13[%dma_start3A_212] : memref<80128xf32, #tpu.memory_space<vmem_shared>> -> memref<80128xf32, #tpu.memory_space<vmem_shared>>
      tpu.enqueue_indirect_dma source(%arg11 : memref<128xf32, #tpu.memory_space<vmem>>) target(%dma_start3A_213 : memref<80128xf32, #tpu.memory_space<vmem_shared>>) offsets(%arg9 : memref<128xi32, #tpu.memory_space<vmem>>) semaphore(%arg16 : memref<!tpu.dma_semaphore, #tpu.memory_space<semaphore_mem>>) {add = true}
      %add3A_214 = arith.constant 1 : i32
      %add3A_215 = arith.addi %mul3A_84, %add3A_214 : i32
      %add3A_216 = arith.constant 2 : i32
      %add3A_217 = arith.addi %add3A_215, %add3A_216 : i32
      %lt3A_218 = arith.constant 80 : i32
      %lt3A_219 = arith.cmpi slt, %add3A_217, %lt3A_218 : i32
      %dma_wait3A_220 = arith.constant 0 : i32
      %dma_wait3A_221 = tpu.memref_slice %arg2[%dma_wait3A_220] : memref<327680xi32, #tpu.memory_space<hbm>> -> memref<128xi32, #tpu.memory_space<hbm>>
      %dma_wait3A_222 = arith.constant 0 : i32
      %dma_wait3A_223 = tpu.memref_slice %arg2[%dma_wait3A_222] : memref<327680xi32, #tpu.memory_space<hbm>> -> memref<128xi32, #tpu.memory_space<hbm>>
      tpu.wait_dma2 semaphore(%arg15 : memref<!tpu.dma_semaphore, #tpu.memory_space<semaphore_mem>>) src(%dma_wait3A_223 : memref<128xi32, #tpu.memory_space<hbm>>) dst(%arg7 : memref<128xi32, #tpu.memory_space<vmem>>)
      %dma_wait3A_224 = arith.constant 0 : i32
      %dma_wait3A_225 = tpu.memref_slice %arg3[%dma_wait3A_224] : memref<327680xi32, #tpu.memory_space<hbm>> -> memref<128xi32, #tpu.memory_space<hbm>>
      %dma_wait3A_226 = arith.constant 0 : i32
      %dma_wait3A_227 = tpu.memref_slice %arg3[%dma_wait3A_226] : memref<327680xi32, #tpu.memory_space<hbm>> -> memref<128xi32, #tpu.memory_space<hbm>>
      tpu.wait_dma2 semaphore(%arg15 : memref<!tpu.dma_semaphore, #tpu.memory_space<semaphore_mem>>) src(%dma_wait3A_227 : memref<128xi32, #tpu.memory_space<hbm>>) dst(%arg8 : memref<128xi32, #tpu.memory_space<vmem>>)
      %ge3A_228 = arith.constant 2 : i32
      %ge3A_229 = arith.cmpi sge, %add3A_215, %ge3A_228 : i32
      %convert_element_type3A_230 = arith.extui %ge3A_229 : i1 to i32
      %cond3A_231 = arith.constant 0 : i32
      %cond3A_232 = arith.cmpi ne, %convert_element_type3A_230, %cond3A_231 : i32
      scf.if %cond3A_232 {
        %dma_wait3A_351 = arith.constant 0 : i32
        %dma_wait3A_352 = tpu.memref_slice %arg13[%dma_wait3A_351] : memref<80128xf32, #tpu.memory_space<vmem_shared>> -> memref<80128xf32, #tpu.memory_space<vmem_shared>>
        tpu.wait_indirect_dma semaphore(%arg17 : memref<!tpu.dma_semaphore, #tpu.memory_space<semaphore_mem>>) src(%arg11 : memref<128xf32, #tpu.memory_space<vmem>>) dst(%dma_wait3A_352 : memref<80128xf32, #tpu.memory_space<vmem_shared>>)
      } else {
      }
      %get3A_233 = arith.constant 0 : index
      %get3A_234 = tpu.vector_load %arg7[%get3A_233] {strides = array<i32>} : memref<128xi32, #tpu.memory_space<vmem>>, vector<16xi32>,
      %get3A_235 = vector.shape_cast %get3A_234 : vector<16xi32> to vector<16xi32>
      %mul3A_236 = arith.constant 8 : i32
      %mul3A_237 = vector.broadcast %mul3A_236 : i32 to vector<16xi32>
      %mul3A_238 = arith.muli %get3A_235, %mul3A_237 : vector<16xi32>
      %get3A_239 = arith.constant 0 : index
      %get3A_240 = tpu.vector_load %arg8[%get3A_239] {strides = array<i32>} : memref<128xi32, #tpu.memory_space<vmem>>, vector<16xi32>,
      %get3A_241 = vector.shape_cast %get3A_240 : vector<16xi32> to vector<16xi32>
      %add3A_242 = arith.addi %mul3A_238, %get3A_241 : vector<16xi32>
      %swap3A_243 = arith.constant 0 : index
      %swap3A_244 = tpu.vector_load %arg10[%swap3A_243] {strides = array<i32>} : memref<128xi32, #tpu.memory_space<vmem>>, vector<16xi32>,
      %swap3A_245 = vector.shape_cast %swap3A_244 : vector<16xi32> to vector<16xi32>
      %swap3A_246 = vector.shape_cast %add3A_242 : vector<16xi32> to vector<16xi32>
      tpu.vector_store %arg10[%swap3A_243], %swap3A_246 {strides = array<i32>} : memref<128xi32, #tpu.memory_space<vmem>>, vector<16xi32>,
      %get3A_247 = arith.constant 16 : index
      %get3A_248 = tpu.vector_load %arg7[%get3A_247] {strides = array<i32>} : memref<128xi32, #tpu.memory_space<vmem>>, vector<16xi32>,
      %get3A_249 = vector.shape_cast %get3A_248 : vector<16xi32> to vector<16xi32>
      %mul3A_250 = arith.constant 8 : i32
      %mul3A_251 = vector.broadcast %mul3A_250 : i32 to vector<16xi32>
      %mul3A_252 = arith.muli %get3A_249, %mul3A_251 : vector<16xi32>
      %get3A_253 = arith.constant 16 : index
      %get3A_254 = tpu.vector_load %arg8[%get3A_253] {strides = array<i32>} : memref<128xi32, #tpu.memory_space<vmem>>, vector<16xi32>,
      %get3A_255 = vector.shape_cast %get3A_254 : vector<16xi32> to vector<16xi32>
      %add3A_256 = arith.addi %mul3A_252, %get3A_255 : vector<16xi32>
      %swap3A_257 = arith.constant 16 : index
      %swap3A_258 = tpu.vector_load %arg10[%swap3A_257] {strides = array<i32>} : memref<128xi32, #tpu.memory_space<vmem>>, vector<16xi32>,
      %swap3A_259 = vector.shape_cast %swap3A_258 : vector<16xi32> to vector<16xi32>
      %swap3A_260 = vector.shape_cast %add3A_256 : vector<16xi32> to vector<16xi32>
      tpu.vector_store %arg10[%swap3A_257], %swap3A_260 {strides = array<i32>} : memref<128xi32, #tpu.memory_space<vmem>>, vector<16xi32>,
      %get3A_261 = arith.constant 32 : index
      %get3A_262 = tpu.vector_load %arg7[%get3A_261] {strides = array<i32>} : memref<128xi32, #tpu.memory_space<vmem>>, vector<16xi32>,
      %get3A_263 = vector.shape_cast %get3A_262 : vector<16xi32> to vector<16xi32>
      %mul3A_264 = arith.constant 8 : i32
      %mul3A_265 = vector.broadcast %mul3A_264 : i32 to vector<16xi32>
      %mul3A_266 = arith.muli %get3A_263, %mul3A_265 : vector<16xi32>
      %get3A_267 = arith.constant 32 : index
      %get3A_268 = tpu.vector_load %arg8[%get3A_267] {strides = array<i32>} : memref<128xi32, #tpu.memory_space<vmem>>, vector<16xi32>,
      %get3A_269 = vector.shape_cast %get3A_268 : vector<16xi32> to vector<16xi32>
      %add3A_270 = arith.addi %mul3A_266, %get3A_269 : vector<16xi32>
      %swap3A_271 = arith.constant 32 : index
      %swap3A_272 = tpu.vector_load %arg10[%swap3A_271] {strides = array<i32>} : memref<128xi32, #tpu.memory_space<vmem>>, vector<16xi32>,
      %swap3A_273 = vector.shape_cast %swap3A_272 : vector<16xi32> to vector<16xi32>
      %swap3A_274 = vector.shape_cast %add3A_270 : vector<16xi32> to vector<16xi32>
      tpu.vector_store %arg10[%swap3A_271], %swap3A_274 {strides = array<i32>} : memref<128xi32, #tpu.memory_space<vmem>>, vector<16xi32>,
      %get3A_275 = arith.constant 48 : index
      %get3A_276 = tpu.vector_load %arg7[%get3A_275] {strides = array<i32>} : memref<128xi32, #tpu.memory_space<vmem>>, vector<16xi32>,
      %get3A_277 = vector.shape_cast %get3A_276 : vector<16xi32> to vector<16xi32>
      %mul3A_278 = arith.constant 8 : i32
      %mul3A_279 = vector.broadcast %mul3A_278 : i32 to vector<16xi32>
      %mul3A_280 = arith.muli %get3A_277, %mul3A_279 : vector<16xi32>
      %get3A_281 = arith.constant 48 : index
      %get3A_282 = tpu.vector_load %arg8[%get3A_281] {strides = array<i32>} : memref<128xi32, #tpu.memory_space<vmem>>, vector<16xi32>,
      %get3A_283 = vector.shape_cast %get3A_282 : vector<16xi32> to vector<16xi32>
      %add3A_284 = arith.addi %mul3A_280, %get3A_283 : vector<16xi32>
      %swap3A_285 = arith.constant 48 : index
      %swap3A_286 = tpu.vector_load %arg10[%swap3A_285] {strides = array<i32>} : memref<128xi32, #tpu.memory_space<vmem>>, vector<16xi32>,
      %swap3A_287 = vector.shape_cast %swap3A_286 : vector<16xi32> to vector<16xi32>
      %swap3A_288 = vector.shape_cast %add3A_284 : vector<16xi32> to vector<16xi32>
      tpu.vector_store %arg10[%swap3A_285], %swap3A_288 {strides = array<i32>} : memref<128xi32, #tpu.memory_space<vmem>>, vector<16xi32>,
      %get3A_289 = arith.constant 64 : index
      %get3A_290 = tpu.vector_load %arg7[%get3A_289] {strides = array<i32>} : memref<128xi32, #tpu.memory_space<vmem>>, vector<16xi32>,
      %get3A_291 = vector.shape_cast %get3A_290 : vector<16xi32> to vector<16xi32>
      %mul3A_292 = arith.constant 8 : i32
      %mul3A_293 = vector.broadcast %mul3A_292 : i32 to vector<16xi32>
      %mul3A_294 = arith.muli %get3A_291, %mul3A_293 : vector<16xi32>
      %get3A_295 = arith.constant 64 : index
      %get3A_296 = tpu.vector_load %arg8[%get3A_295] {strides = array<i32>} : memref<128xi32, #tpu.memory_space<vmem>>, vector<16xi32>,
      %get3A_297 = vector.shape_cast %get3A_296 : vector<16xi32> to vector<16xi32>
      %add3A_298 = arith.addi %mul3A_294, %get3A_297 : vector<16xi32>
      %swap3A_299 = arith.constant 64 : index
      %swap3A_300 = tpu.vector_load %arg10[%swap3A_299] {strides = array<i32>} : memref<128xi32, #tpu.memory_space<vmem>>, vector<16xi32>,
      %swap3A_301 = vector.shape_cast %swap3A_300 : vector<16xi32> to vector<16xi32>
      %swap3A_302 = vector.shape_cast %add3A_298 : vector<16xi32> to vector<16xi32>
      tpu.vector_store %arg10[%swap3A_299], %swap3A_302 {strides = array<i32>} : memref<128xi32, #tpu.memory_space<vmem>>, vector<16xi32>,
      %get3A_303 = arith.constant 80 : index
      %get3A_304 = tpu.vector_load %arg7[%get3A_303] {strides = array<i32>} : memref<128xi32, #tpu.memory_space<vmem>>, vector<16xi32>,
      %get3A_305 = vector.shape_cast %get3A_304 : vector<16xi32> to vector<16xi32>
      %mul3A_306 = arith.constant 8 : i32
      %mul3A_307 = vector.broadcast %mul3A_306 : i32 to vector<16xi32>
      %mul3A_308 = arith.muli %get3A_305, %mul3A_307 : vector<16xi32>
      %get3A_309 = arith.constant 80 : index
      %get3A_310 = tpu.vector_load %arg8[%get3A_309] {strides = array<i32>} : memref<128xi32, #tpu.memory_space<vmem>>, vector<16xi32>,
      %get3A_311 = vector.shape_cast %get3A_310 : vector<16xi32> to vector<16xi32>
      %add3A_312 = arith.addi %mul3A_308, %get3A_311 : vector<16xi32>
      %swap3A_313 = arith.constant 80 : index
      %swap3A_314 = tpu.vector_load %arg10[%swap3A_313] {strides = array<i32>} : memref<128xi32, #tpu.memory_space<vmem>>, vector<16xi32>,
      %swap3A_315 = vector.shape_cast %swap3A_314 : vector<16xi32> to vector<16xi32>
      %swap3A_316 = vector.shape_cast %add3A_312 : vector<16xi32> to vector<16xi32>
      tpu.vector_store %arg10[%swap3A_313], %swap3A_316 {strides = array<i32>} : memref<128xi32, #tpu.memory_space<vmem>>, vector<16xi32>,
      %get3A_317 = arith.constant 96 : index
      %get3A_318 = tpu.vector_load %arg7[%get3A_317] {strides = array<i32>} : memref<128xi32, #tpu.memory_space<vmem>>, vector<16xi32>,
      %get3A_319 = vector.shape_cast %get3A_318 : vector<16xi32> to vector<16xi32>
      %mul3A_320 = arith.constant 8 : i32
      %mul3A_321 = vector.broadcast %mul3A_320 : i32 to vector<16xi32>
      %mul3A_322 = arith.muli %get3A_319, %mul3A_321 : vector<16xi32>
      %get3A_323 = arith.constant 96 : index
      %get3A_324 = tpu.vector_load %arg8[%get3A_323] {strides = array<i32>} : memref<128xi32, #tpu.memory_space<vmem>>, vector<16xi32>,
      %get3A_325 = vector.shape_cast %get3A_324 : vector<16xi32> to vector<16xi32>
      %add3A_326 = arith.addi %mul3A_322, %get3A_325 : vector<16xi32>
      %swap3A_327 = arith.constant 96 : index
      %swap3A_328 = tpu.vector_load %arg10[%swap3A_327] {strides = array<i32>} : memref<128xi32, #tpu.memory_space<vmem>>, vector<16xi32>,
      %swap3A_329 = vector.shape_cast %swap3A_328 : vector<16xi32> to vector<16xi32>
      %swap3A_330 = vector.shape_cast %add3A_326 : vector<16xi32> to vector<16xi32>
      tpu.vector_store %arg10[%swap3A_327], %swap3A_330 {strides = array<i32>} : memref<128xi32, #tpu.memory_space<vmem>>, vector<16xi32>,
      %get3A_331 = arith.constant 112 : index
      %get3A_332 = tpu.vector_load %arg7[%get3A_331] {strides = array<i32>} : memref<128xi32, #tpu.memory_space<vmem>>, vector<16xi32>,
      %get3A_333 = vector.shape_cast %get3A_332 : vector<16xi32> to vector<16xi32>
      %mul3A_334 = arith.constant 8 : i32
      %mul3A_335 = vector.broadcast %mul3A_334 : i32 to vector<16xi32>
      %mul3A_336 = arith.muli %get3A_333, %mul3A_335 : vector<16xi32>
      %get3A_337 = arith.constant 112 : index
      %get3A_338 = tpu.vector_load %arg8[%get3A_337] {strides = array<i32>} : memref<128xi32, #tpu.memory_space<vmem>>, vector<16xi32>,
      %get3A_339 = vector.shape_cast %get3A_338 : vector<16xi32> to vector<16xi32>
      %add3A_340 = arith.addi %mul3A_336, %get3A_339 : vector<16xi32>
      %swap3A_341 = arith.constant 112 : index
      %swap3A_342 = tpu.vector_load %arg10[%swap3A_341] {strides = array<i32>} : memref<128xi32, #tpu.memory_space<vmem>>, vector<16xi32>,
      %swap3A_343 = vector.shape_cast %swap3A_342 : vector<16xi32> to vector<16xi32>
      %swap3A_344 = vector.shape_cast %add3A_340 : vector<16xi32> to vector<16xi32>
      tpu.vector_store %arg10[%swap3A_341], %swap3A_344 {strides = array<i32>} : memref<128xi32, #tpu.memory_space<vmem>>, vector<16xi32>,
      %convert_element_type3A_345 = arith.extui %lt3A_219 : i1 to i32
      %cond3A_346 = arith.constant 0 : i32
      %cond3A_347 = arith.cmpi ne, %convert_element_type3A_345, %cond3A_346 : i32
      scf.if %cond3A_347 {
        %add3A_351 = arith.constant 2 : i32
        %add3A_352 = arith.addi %add3A_215, %add3A_351 : i32
        %mul3A_353 = arith.constant 128 : i32
        %mul3A_354 = arith.muli %add3A_352, %mul3A_353 : i32
        %add3A_355 = arith.addi %mul3A_2, %mul3A_354 : i32
        %dma_start3A_356 = tpu.memref_slice %arg2[%add3A_355] : memref<327680xi32, #tpu.memory_space<hbm>> -> memref<128xi32, #tpu.memory_space<hbm>>
        %dma_start3A_357 = tpu.memref_slice %arg2[%add3A_355] : memref<327680xi32, #tpu.memory_space<hbm>> -> memref<128xi32, #tpu.memory_space<hbm>>
        tpu.enqueue_dma source(%dma_start3A_357 : memref<128xi32, #tpu.memory_space<hbm>>) target(%arg7 : memref<128xi32, #tpu.memory_space<vmem>>) target_semaphore(%arg15 : memref<!tpu.dma_semaphore, #tpu.memory_space<semaphore_mem>>)
        %dma_start3A_358 = tpu.memref_slice %arg3[%add3A_355] : memref<327680xi32, #tpu.memory_space<hbm>> -> memref<128xi32, #tpu.memory_space<hbm>>
        %dma_start3A_359 = tpu.memref_slice %arg3[%add3A_355] : memref<327680xi32, #tpu.memory_space<hbm>> -> memref<128xi32, #tpu.memory_space<hbm>>
        tpu.enqueue_dma source(%dma_start3A_359 : memref<128xi32, #tpu.memory_space<hbm>>) target(%arg8 : memref<128xi32, #tpu.memory_space<vmem>>) target_semaphore(%arg15 : memref<!tpu.dma_semaphore, #tpu.memory_space<semaphore_mem>>)
      } else {
      }
      %dma_start3A_348 = arith.constant 0 : i32
      %dma_start3A_349 = tpu.memref_slice %arg13[%dma_start3A_348] : memref<80128xf32, #tpu.memory_space<vmem_shared>> -> memref<80128xf32, #tpu.memory_space<vmem_shared>>
      tpu.enqueue_indirect_dma source(%arg11 : memref<128xf32, #tpu.memory_space<vmem>>) target(%dma_start3A_349 : memref<80128xf32, #tpu.memory_space<vmem_shared>>) offsets(%arg10 : memref<128xi32, #tpu.memory_space<vmem>>) semaphore(%arg17 : memref<!tpu.dma_semaphore, #tpu.memory_space<semaphore_mem>>) {add = true}
      %scan3A_350 = arith.constant 0 : i32
      scf.yield %scan3A_350 : i32
    }
    %scan3A_74 = arith.constant 40 : i32
    %dma_wait3A = arith.constant 0 : i32
    %dma_wait3A_75 = tpu.memref_slice %arg13[%dma_wait3A] : memref<80128xf32, #tpu.memory_space<vmem_shared>> -> memref<80128xf32, #tpu.memory_space<vmem_shared>>
    tpu.wait_indirect_dma semaphore(%arg16 : memref<!tpu.dma_semaphore, #tpu.memory_space<semaphore_mem>>) src(%arg11 : memref<128xf32, #tpu.memory_space<vmem>>) dst(%dma_wait3A_75 : memref<80128xf32, #tpu.memory_space<vmem_shared>>)
    %dma_wait3A_76 = arith.constant 0 : i32
    %dma_wait3A_77 = tpu.memref_slice %arg13[%dma_wait3A_76] : memref<80128xf32, #tpu.memory_space<vmem_shared>> -> memref<80128xf32, #tpu.memory_space<vmem_shared>>
    tpu.wait_indirect_dma semaphore(%arg17 : memref<!tpu.dma_semaphore, #tpu.memory_space<semaphore_mem>>) src(%arg11 : memref<128xf32, #tpu.memory_space<vmem>>) dst(%dma_wait3A_77 : memref<80128xf32, #tpu.memory_space<vmem_shared>>)
    %barrier3A_78 = arith.constant 0 : index
    tpu.barrier barrier_id(%barrier3A_78)
    %mul3A_79 = arith.constant 5008 : i32
    %mul3A_80 = arith.muli %arg1, %mul3A_79 : i32
    "tpu.region"() ({
      %run_scoped3A = tpu.sem_alloc : memref<!tpu.dma_semaphore, #tpu.memory_space<semaphore_mem>>
      %dma_start3A_81 = tpu.memref_slice %arg13[%mul3A_80] : memref<80128xf32, #tpu.memory_space<vmem_shared>> -> memref<5008xf32, #tpu.memory_space<vmem_shared>>
      %dma_start3A_82 = tpu.memref_slice %arg13[%mul3A_80] : memref<80128xf32, #tpu.memory_space<vmem_shared>> -> memref<5008xf32, #tpu.memory_space<vmem_shared>>
      tpu.enqueue_dma source(%dma_start3A_82 : memref<5008xf32, #tpu.memory_space<vmem_shared>>) target(%arg12 : memref<5008xf32, #tpu.memory_space<vmem>>) target_semaphore(%run_scoped3A : memref<!tpu.dma_semaphore, #tpu.memory_space<semaphore_mem>>)
      %dma_wait3A_83 = tpu.memref_slice %arg13[%mul3A_80] : memref<80128xf32, #tpu.memory_space<vmem_shared>> -> memref<5008xf32, #tpu.memory_space<vmem_shared>>
      %dma_wait3A_84 = tpu.memref_slice %arg13[%mul3A_80] : memref<80128xf32, #tpu.memory_space<vmem_shared>> -> memref<5008xf32, #tpu.memory_space<vmem_shared>>
      tpu.wait_dma2 semaphore(%run_scoped3A : memref<!tpu.dma_semaphore, #tpu.memory_space<semaphore_mem>>) src(%dma_wait3A_84 : memref<5008xf32, #tpu.memory_space<vmem_shared>>) dst(%arg12 : memref<5008xf32, #tpu.memory_space<vmem>>)
      tpu.yield
    }) : () -> ()
    "tpu.region"() ({
      %run_scoped3A = tpu.sem_alloc : memref<!tpu.dma_semaphore, #tpu.memory_space<semaphore_mem>>
      %dma_start3A_81 = arith.constant 0 : i32
      %dma_start3A_82 = tpu.memref_slice %arg4[%arg0, %arg1, %dma_start3A_81] : memref<2x16x5008xf32, #tpu.memory_space<hbm>> -> memref<1x1x5008xf32, #tpu.memory_space<hbm>>
      %dma_start3A_83 = tpu.memref_squeeze %dma_start3A_82 : memref<1x1x5008xf32, #tpu.memory_space<hbm>> -> memref<5008xf32, #tpu.memory_space<hbm>>
      %dma_start3A_84 = arith.constant 0 : i32
      %dma_start3A_85 = tpu.memref_slice %arg4[%arg0, %arg1, %dma_start3A_84] : memref<2x16x5008xf32, #tpu.memory_space<hbm>> -> memref<1x1x5008xf32, #tpu.memory_space<hbm>>
      %dma_start3A_86 = tpu.memref_squeeze %dma_start3A_85 : memref<1x1x5008xf32, #tpu.memory_space<hbm>> -> memref<5008xf32, #tpu.memory_space<hbm>>
      tpu.enqueue_dma source(%arg12 : memref<5008xf32, #tpu.memory_space<vmem>>) target(%dma_start3A_86 : memref<5008xf32, #tpu.memory_space<hbm>>) target_semaphore(%run_scoped3A : memref<!tpu.dma_semaphore, #tpu.memory_space<semaphore_mem>>)
      %dma_wait3A_87 = arith.constant 0 : i32
      %dma_wait3A_88 = tpu.memref_slice %arg4[%arg0, %arg1, %dma_wait3A_87] : memref<2x16x5008xf32, #tpu.memory_space<hbm>> -> memref<1x1x5008xf32, #tpu.memory_space<hbm>>
      %dma_wait3A_89 = tpu.memref_squeeze %dma_wait3A_88 : memref<1x1x5008xf32, #tpu.memory_space<hbm>> -> memref<5008xf32, #tpu.memory_space<hbm>>
      %dma_wait3A_90 = arith.constant 0 : i32
      %dma_wait3A_91 = tpu.memref_slice %arg4[%arg0, %arg1, %dma_wait3A_90] : memref<2x16x5008xf32, #tpu.memory_space<hbm>> -> memref<1x1x5008xf32, #tpu.memory_space<hbm>>
      %dma_wait3A_92 = tpu.memref_squeeze %dma_wait3A_91 : memref<1x1x5008xf32, #tpu.memory_space<hbm>> -> memref<5008xf32, #tpu.memory_space<hbm>>
      tpu.wait_dma2 semaphore(%run_scoped3A : memref<!tpu.dma_semaphore, #tpu.memory_space<semaphore_mem>>) src(%arg12 : memref<5008xf32, #tpu.memory_space<vmem>>) dst(%dma_wait3A_92 : memref<5008xf32, #tpu.memory_space<hbm>>)
      tpu.yield
    }) : () -> ()
    return
  }
}

#map = affine_map<(d0, d1) -> (0)>
#map1 = affine_map<(d0, d1) -> (0, 0)>
#map2 = affine_map<(d0, d1) -> (0, 0, 0, 0)>
module attributes {stable_mosaic.version = 14 : i64} {
  func.func @_agg_sc(%arg0: i32, %arg1: i32, %arg2: memref<327680xi32, #tpu.memory_space<hbm>>, %arg3: memref<327680xi32, #tpu.memory_space<hbm>>, %arg4: memref<327680xi32, #tpu.memory_space<hbm>>, %arg5: memref<80000x16xf32, #tpu.memory_space<hbm>>, %arg6: memref<80128xf32, #tpu.memory_space<hbm>>, %arg7: memref<2x16x640x16xf32, #tpu.memory_space<hbm>>, %arg8: memref<128xi32, #tpu.memory_space<vmem>>, %arg9: memref<128xi32, #tpu.memory_space<vmem>>, %arg10: memref<128xi32, #tpu.memory_space<vmem>>, %arg11: memref<128xi32, #tpu.memory_space<vmem>>, %arg12: memref<128xi32, #tpu.memory_space<vmem>>, %arg13: memref<128xi32, #tpu.memory_space<vmem>>, %arg14: memref<128xi32, #tpu.memory_space<vmem>>, %arg15: memref<128xi32, #tpu.memory_space<vmem>>, %arg16: memref<128xi32, #tpu.memory_space<vmem>>, %arg17: memref<128xi32, #tpu.memory_space<vmem>>, %arg18: memref<128xi32, #tpu.memory_space<vmem>>, %arg19: memref<128xi32, #tpu.memory_space<vmem>>, %arg20: memref<128x16xf32, #tpu.memory_space<vmem>>, %arg21: memref<128x16xf32, #tpu.memory_space<vmem>>, %arg22: memref<128xf32, #tpu.memory_space<vmem>>, %arg23: memref<128xf32, #tpu.memory_space<vmem>>, %arg24: memref<640x16xf32, #tpu.memory_space<vmem>>, %arg25: memref<10240x16xf32, #tpu.memory_space<vmem_shared>>, %arg26: memref<!tpu.dma_semaphore, #tpu.memory_space<semaphore_mem>>, %arg27: memref<!tpu.dma_semaphore, #tpu.memory_space<semaphore_mem>>, %arg28: memref<!tpu.dma_semaphore, #tpu.memory_space<semaphore_mem>>, %arg29: memref<!tpu.dma_semaphore, #tpu.memory_space<semaphore_mem>>, %arg30: memref<!tpu.dma_semaphore, #tpu.memory_space<semaphore_mem>>, %arg31: memref<!tpu.dma_semaphore, #tpu.memory_space<semaphore_mem>>) attributes {dimension_semantics = [#tpu.dimension_semantics<core_parallel>, #tpu.dimension_semantics<subcore_parallel>], iteration_bounds = array<i64: 2, 16>, scalar_prefetch = 0 : i64, scratch_operands = 24 : i64, tpu.core_type = #tpu.core_type<sc_vector_subcore>, window_params = [{transform_indices = #map}, {transform_indices = #map}, {transform_indices = #map}, {transform_indices = #map1}, {transform_indices = #map}, {transform_indices = #map2}]} {
    %mul3A = arith.constant 2 : i32
    %mul3A_0 = arith.muli %arg1, %mul3A : i32
    %add3A = arith.addi %mul3A_0, %arg0 : i32
    %mul3A_1 = arith.constant 10240 : i32
    %mul3A_2 = arith.muli %add3A, %mul3A_1 : i32
    %scan3A = arith.constant 0 : i32
    %scan3A_3 = arith.constant 0 : i32
    %scan3A_4 = arith.constant 640 : i32
    %scan3A_5 = arith.addi %scan3A_3, %scan3A_4 : i32
    %scan3A_6 = arith.constant 1 : i32
    %scan3A_7 = scf.for %scan3A_288 = %scan3A_3 to %scan3A_5 step %scan3A_6 iter_args(%scan3A_289 = %scan3A) -> (i32)  : i32 {
      %broadcast_in_dim3A = arith.constant 0.000000e+00 : f32
      %broadcast_in_dim3A_290 = vector.broadcast %broadcast_in_dim3A : f32 to vector<16xf32>
      %swap3A_291 = arith.index_cast %scan3A_288 : i32 to index
      %swap3A_292 = arith.constant 0 : index
      %swap3A_293 = tpu.vector_load %arg24[%swap3A_291, %swap3A_292] {strides = array<i32>} : memref<640x16xf32, #tpu.memory_space<vmem>>, vector<1x16xf32>,
      %swap3A_294 = vector.shape_cast %swap3A_293 : vector<1x16xf32> to vector<16xf32>
      %swap3A_295 = vector.shape_cast %broadcast_in_dim3A_290 : vector<16xf32> to vector<1x16xf32>
      tpu.vector_store %arg24[%swap3A_291, %swap3A_292], %swap3A_295 {strides = array<i32>} : memref<640x16xf32, #tpu.memory_space<vmem>>, vector<1x16xf32>,
      %scan3A_296 = arith.constant 0 : i32
      scf.yield %scan3A_296 : i32
    }
    %scan3A_8 = arith.constant 640 : i32
    %mul3A_9 = arith.constant 640 : i32
    %mul3A_10 = arith.muli %arg1, %mul3A_9 : i32
    "tpu.region"() ({
      %run_scoped3A = tpu.sem_alloc : memref<!tpu.dma_semaphore, #tpu.memory_space<semaphore_mem>>
      %dma_start3A_288 = arith.constant 0 : i32
      %dma_start3A_289 = tpu.memref_slice %arg25[%mul3A_10, %dma_start3A_288] : memref<10240x16xf32, #tpu.memory_space<vmem_shared>> -> memref<640x16xf32, #tpu.memory_space<vmem_shared>>
      %dma_start3A_290 = arith.constant 0 : i32
      %dma_start3A_291 = tpu.memref_slice %arg25[%mul3A_10, %dma_start3A_290] : memref<10240x16xf32, #tpu.memory_space<vmem_shared>> -> memref<640x16xf32, #tpu.memory_space<vmem_shared>>
      tpu.enqueue_dma source(%arg24 : memref<640x16xf32, #tpu.memory_space<vmem>>) target(%dma_start3A_291 : memref<640x16xf32, #tpu.memory_space<vmem_shared>>) target_semaphore(%run_scoped3A : memref<!tpu.dma_semaphore, #tpu.memory_space<semaphore_mem>>)
      %dma_wait3A_292 = arith.constant 0 : i32
      %dma_wait3A_293 = tpu.memref_slice %arg25[%mul3A_10, %dma_wait3A_292] : memref<10240x16xf32, #tpu.memory_space<vmem_shared>> -> memref<640x16xf32, #tpu.memory_space<vmem_shared>>
      %dma_wait3A_294 = arith.constant 0 : i32
      %dma_wait3A_295 = tpu.memref_slice %arg25[%mul3A_10, %dma_wait3A_294] : memref<10240x16xf32, #tpu.memory_space<vmem_shared>> -> memref<640x16xf32, #tpu.memory_space<vmem_shared>>
      tpu.wait_dma2 semaphore(%run_scoped3A : memref<!tpu.dma_semaphore, #tpu.memory_space<semaphore_mem>>) src(%arg24 : memref<640x16xf32, #tpu.memory_space<vmem>>) dst(%dma_wait3A_295 : memref<640x16xf32, #tpu.memory_space<vmem_shared>>)
      tpu.yield
    }) : () -> ()
    %barrier3A = arith.constant 0 : index
    tpu.barrier barrier_id(%barrier3A)
    %add3A_11 = arith.constant 0 : i32
    %add3A_12 = arith.addi %mul3A_2, %add3A_11 : i32
    %dma_start3A = tpu.memref_slice %arg2[%add3A_12] : memref<327680xi32, #tpu.memory_space<hbm>> -> memref<128xi32, #tpu.memory_space<hbm>>
    %dma_start3A_13 = tpu.memref_slice %arg2[%add3A_12] : memref<327680xi32, #tpu.memory_space<hbm>> -> memref<128xi32, #tpu.memory_space<hbm>>
    tpu.enqueue_dma source(%dma_start3A_13 : memref<128xi32, #tpu.memory_space<hbm>>) target(%arg8 : memref<128xi32, #tpu.memory_space<vmem>>) target_semaphore(%arg26 : memref<!tpu.dma_semaphore, #tpu.memory_space<semaphore_mem>>)
    %dma_start3A_14 = tpu.memref_slice %arg3[%add3A_12] : memref<327680xi32, #tpu.memory_space<hbm>> -> memref<128xi32, #tpu.memory_space<hbm>>
    %dma_start3A_15 = tpu.memref_slice %arg3[%add3A_12] : memref<327680xi32, #tpu.memory_space<hbm>> -> memref<128xi32, #tpu.memory_space<hbm>>
    tpu.enqueue_dma source(%dma_start3A_15 : memref<128xi32, #tpu.memory_space<hbm>>) target(%arg9 : memref<128xi32, #tpu.memory_space<vmem>>) target_semaphore(%arg26 : memref<!tpu.dma_semaphore, #tpu.memory_space<semaphore_mem>>)
    %dma_start3A_16 = tpu.memref_slice %arg4[%add3A_12] : memref<327680xi32, #tpu.memory_space<hbm>> -> memref<128xi32, #tpu.memory_space<hbm>>
    %dma_start3A_17 = tpu.memref_slice %arg4[%add3A_12] : memref<327680xi32, #tpu.memory_space<hbm>> -> memref<128xi32, #tpu.memory_space<hbm>>
    tpu.enqueue_dma source(%dma_start3A_17 : memref<128xi32, #tpu.memory_space<hbm>>) target(%arg10 : memref<128xi32, #tpu.memory_space<vmem>>) target_semaphore(%arg26 : memref<!tpu.dma_semaphore, #tpu.memory_space<semaphore_mem>>)
    %add3A_18 = arith.constant 128 : i32
    %add3A_19 = arith.addi %mul3A_2, %add3A_18 : i32
    %dma_start3A_20 = tpu.memref_slice %arg2[%add3A_19] : memref<327680xi32, #tpu.memory_space<hbm>> -> memref<128xi32, #tpu.memory_space<hbm>>
    %dma_start3A_21 = tpu.memref_slice %arg2[%add3A_19] : memref<327680xi32, #tpu.memory_space<hbm>> -> memref<128xi32, #tpu.memory_space<hbm>>
    tpu.enqueue_dma source(%dma_start3A_21 : memref<128xi32, #tpu.memory_space<hbm>>) target(%arg11 : memref<128xi32, #tpu.memory_space<vmem>>) target_semaphore(%arg27 : memref<!tpu.dma_semaphore, #tpu.memory_space<semaphore_mem>>)
    %dma_start3A_22 = tpu.memref_slice %arg3[%add3A_19] : memref<327680xi32, #tpu.memory_space<hbm>> -> memref<128xi32, #tpu.memory_space<hbm>>
    %dma_start3A_23 = tpu.memref_slice %arg3[%add3A_19] : memref<327680xi32, #tpu.memory_space<hbm>> -> memref<128xi32, #tpu.memory_space<hbm>>
    tpu.enqueue_dma source(%dma_start3A_23 : memref<128xi32, #tpu.memory_space<hbm>>) target(%arg12 : memref<128xi32, #tpu.memory_space<vmem>>) target_semaphore(%arg27 : memref<!tpu.dma_semaphore, #tpu.memory_space<semaphore_mem>>)
    %dma_start3A_24 = tpu.memref_slice %arg4[%add3A_19] : memref<327680xi32, #tpu.memory_space<hbm>> -> memref<128xi32, #tpu.memory_space<hbm>>
    %dma_start3A_25 = tpu.memref_slice %arg4[%add3A_19] : memref<327680xi32, #tpu.memory_space<hbm>> -> memref<128xi32, #tpu.memory_space<hbm>>
    tpu.enqueue_dma source(%dma_start3A_25 : memref<128xi32, #tpu.memory_space<hbm>>) target(%arg13 : memref<128xi32, #tpu.memory_space<vmem>>) target_semaphore(%arg27 : memref<!tpu.dma_semaphore, #tpu.memory_space<semaphore_mem>>)
    %dma_wait3A = arith.constant 0 : i32
    %dma_wait3A_26 = tpu.memref_slice %arg2[%dma_wait3A] : memref<327680xi32, #tpu.memory_space<hbm>> -> memref<128xi32, #tpu.memory_space<hbm>>
    %dma_wait3A_27 = arith.constant 0 : i32
    %dma_wait3A_28 = tpu.memref_slice %arg2[%dma_wait3A_27] : memref<327680xi32, #tpu.memory_space<hbm>> -> memref<128xi32, #tpu.memory_space<hbm>>
    tpu.wait_dma2 semaphore(%arg26 : memref<!tpu.dma_semaphore, #tpu.memory_space<semaphore_mem>>) src(%dma_wait3A_28 : memref<128xi32, #tpu.memory_space<hbm>>) dst(%arg8 : memref<128xi32, #tpu.memory_space<vmem>>)
    %dma_wait3A_29 = arith.constant 0 : i32
    %dma_wait3A_30 = tpu.memref_slice %arg3[%dma_wait3A_29] : memref<327680xi32, #tpu.memory_space<hbm>> -> memref<128xi32, #tpu.memory_space<hbm>>
    %dma_wait3A_31 = arith.constant 0 : i32
    %dma_wait3A_32 = tpu.memref_slice %arg3[%dma_wait3A_31] : memref<327680xi32, #tpu.memory_space<hbm>> -> memref<128xi32, #tpu.memory_space<hbm>>
    tpu.wait_dma2 semaphore(%arg26 : memref<!tpu.dma_semaphore, #tpu.memory_space<semaphore_mem>>) src(%dma_wait3A_32 : memref<128xi32, #tpu.memory_space<hbm>>) dst(%arg9 : memref<128xi32, #tpu.memory_space<vmem>>)
    %dma_wait3A_33 = arith.constant 0 : i32
    %dma_wait3A_34 = tpu.memref_slice %arg4[%dma_wait3A_33] : memref<327680xi32, #tpu.memory_space<hbm>> -> memref<128xi32, #tpu.memory_space<hbm>>
    %dma_wait3A_35 = arith.constant 0 : i32
    %dma_wait3A_36 = tpu.memref_slice %arg4[%dma_wait3A_35] : memref<327680xi32, #tpu.memory_space<hbm>> -> memref<128xi32, #tpu.memory_space<hbm>>
    tpu.wait_dma2 semaphore(%arg26 : memref<!tpu.dma_semaphore, #tpu.memory_space<semaphore_mem>>) src(%dma_wait3A_36 : memref<128xi32, #tpu.memory_space<hbm>>) dst(%arg10 : memref<128xi32, #tpu.memory_space<vmem>>)
    %get3A = arith.constant 0 : index
    %get3A_37 = tpu.vector_load %arg10[%get3A] {strides = array<i32>} : memref<128xi32, #tpu.memory_space<vmem>>, vector<16xi32>,
    %get3A_38 = vector.shape_cast %get3A_37 : vector<16xi32> to vector<16xi32>
    %get3A_39 = arith.constant 0 : index
    %get3A_40 = tpu.vector_load %arg9[%get3A_39] {strides = array<i32>} : memref<128xi32, #tpu.memory_space<vmem>>, vector<16xi32>,
    %get3A_41 = vector.shape_cast %get3A_40 : vector<16xi32> to vector<16xi32>
    %get3A_42 = arith.constant 0 : index
    %get3A_43 = tpu.vector_load %arg8[%get3A_42] {strides = array<i32>} : memref<128xi32, #tpu.memory_space<vmem>>, vector<16xi32>,
    %get3A_44 = vector.shape_cast %get3A_43 : vector<16xi32> to vector<16xi32>
    %mul3A_45 = arith.constant 8 : i32
    %mul3A_46 = vector.broadcast %mul3A_45 : i32 to vector<16xi32>
    %mul3A_47 = arith.muli %get3A_44, %mul3A_46 : vector<16xi32>
    %add3A_48 = arith.addi %mul3A_47, %get3A_38 : vector<16xi32>
    %swap3A = arith.constant 0 : index
    %swap3A_49 = tpu.vector_load %arg14[%swap3A] {strides = array<i32>} : memref<128xi32, #tpu.memory_space<vmem>>, vector<16xi32>,
    %swap3A_50 = vector.shape_cast %swap3A_49 : vector<16xi32> to vector<16xi32>
    %swap3A_51 = vector.shape_cast %add3A_48 : vector<16xi32> to vector<16xi32>
    tpu.vector_store %arg14[%swap3A], %swap3A_51 {strides = array<i32>} : memref<128xi32, #tpu.memory_space<vmem>>, vector<16xi32>,
    %mul3A_52 = arith.constant 8 : i32
    %mul3A_53 = vector.broadcast %mul3A_52 : i32 to vector<16xi32>
    %mul3A_54 = arith.muli %get3A_41, %mul3A_53 : vector<16xi32>
    %add3A_55 = arith.addi %mul3A_54, %get3A_38 : vector<16xi32>
    %swap3A_56 = arith.constant 0 : index
    %swap3A_57 = tpu.vector_load %arg15[%swap3A_56] {strides = array<i32>} : memref<128xi32, #tpu.memory_space<vmem>>, vector<16xi32>,
    %swap3A_58 = vector.shape_cast %swap3A_57 : vector<16xi32> to vector<16xi32>
    %swap3A_59 = vector.shape_cast %add3A_55 : vector<16xi32> to vector<16xi32>
    tpu.vector_store %arg15[%swap3A_56], %swap3A_59 {strides = array<i32>} : memref<128xi32, #tpu.memory_space<vmem>>, vector<16xi32>,
    %swap3A_60 = arith.constant 0 : index
    %swap3A_61 = tpu.vector_load %arg18[%swap3A_60] {strides = array<i32>} : memref<128xi32, #tpu.memory_space<vmem>>, vector<16xi32>,
    %swap3A_62 = vector.shape_cast %swap3A_61 : vector<16xi32> to vector<16xi32>
    %swap3A_63 = vector.shape_cast %get3A_41 : vector<16xi32> to vector<16xi32>
    tpu.vector_store %arg18[%swap3A_60], %swap3A_63 {strides = array<i32>} : memref<128xi32, #tpu.memory_space<vmem>>, vector<16xi32>,
    %get3A_64 = arith.constant 16 : index
    %get3A_65 = tpu.vector_load %arg10[%get3A_64] {strides = array<i32>} : memref<128xi32, #tpu.memory_space<vmem>>, vector<16xi32>,
    %get3A_66 = vector.shape_cast %get3A_65 : vector<16xi32> to vector<16xi32>
    %get3A_67 = arith.constant 16 : index
    %get3A_68 = tpu.vector_load %arg9[%get3A_67] {strides = array<i32>} : memref<128xi32, #tpu.memory_space<vmem>>, vector<16xi32>,
    %get3A_69 = vector.shape_cast %get3A_68 : vector<16xi32> to vector<16xi32>
    %get3A_70 = arith.constant 16 : index
    %get3A_71 = tpu.vector_load %arg8[%get3A_70] {strides = array<i32>} : memref<128xi32, #tpu.memory_space<vmem>>, vector<16xi32>,
    %get3A_72 = vector.shape_cast %get3A_71 : vector<16xi32> to vector<16xi32>
    %mul3A_73 = arith.constant 8 : i32
    %mul3A_74 = vector.broadcast %mul3A_73 : i32 to vector<16xi32>
    %mul3A_75 = arith.muli %get3A_72, %mul3A_74 : vector<16xi32>
    %add3A_76 = arith.addi %mul3A_75, %get3A_66 : vector<16xi32>
    %swap3A_77 = arith.constant 16 : index
    %swap3A_78 = tpu.vector_load %arg14[%swap3A_77] {strides = array<i32>} : memref<128xi32, #tpu.memory_space<vmem>>, vector<16xi32>,
    %swap3A_79 = vector.shape_cast %swap3A_78 : vector<16xi32> to vector<16xi32>
    %swap3A_80 = vector.shape_cast %add3A_76 : vector<16xi32> to vector<16xi32>
    tpu.vector_store %arg14[%swap3A_77], %swap3A_80 {strides = array<i32>} : memref<128xi32, #tpu.memory_space<vmem>>, vector<16xi32>,
    %mul3A_81 = arith.constant 8 : i32
    %mul3A_82 = vector.broadcast %mul3A_81 : i32 to vector<16xi32>
    %mul3A_83 = arith.muli %get3A_69, %mul3A_82 : vector<16xi32>
    %add3A_84 = arith.addi %mul3A_83, %get3A_66 : vector<16xi32>
    %swap3A_85 = arith.constant 16 : index
    %swap3A_86 = tpu.vector_load %arg15[%swap3A_85] {strides = array<i32>} : memref<128xi32, #tpu.memory_space<vmem>>, vector<16xi32>,
    %swap3A_87 = vector.shape_cast %swap3A_86 : vector<16xi32> to vector<16xi32>
    %swap3A_88 = vector.shape_cast %add3A_84 : vector<16xi32> to vector<16xi32>
    tpu.vector_store %arg15[%swap3A_85], %swap3A_88 {strides = array<i32>} : memref<128xi32, #tpu.memory_space<vmem>>, vector<16xi32>,
    %swap3A_89 = arith.constant 16 : index
    %swap3A_90 = tpu.vector_load %arg18[%swap3A_89] {strides = array<i32>} : memref<128xi32, #tpu.memory_space<vmem>>, vector<16xi32>,
    %swap3A_91 = vector.shape_cast %swap3A_90 : vector<16xi32> to vector<16xi32>
    %swap3A_92 = vector.shape_cast %get3A_69 : vector<16xi32> to vector<16xi32>
    tpu.vector_store %arg18[%swap3A_89], %swap3A_92 {strides = array<i32>} : memref<128xi32, #tpu.memory_space<vmem>>, vector<16xi32>,
    %get3A_93 = arith.constant 32 : index
    %get3A_94 = tpu.vector_load %arg10[%get3A_93] {strides = array<i32>} : memref<128xi32, #tpu.memory_space<vmem>>, vector<16xi32>,
    %get3A_95 = vector.shape_cast %get3A_94 : vector<16xi32> to vector<16xi32>
    %get3A_96 = arith.constant 32 : index
    %get3A_97 = tpu.vector_load %arg9[%get3A_96] {strides = array<i32>} : memref<128xi32, #tpu.memory_space<vmem>>, vector<16xi32>,
    %get3A_98 = vector.shape_cast %get3A_97 : vector<16xi32> to vector<16xi32>
    %get3A_99 = arith.constant 32 : index
    %get3A_100 = tpu.vector_load %arg8[%get3A_99] {strides = array<i32>} : memref<128xi32, #tpu.memory_space<vmem>>, vector<16xi32>,
    %get3A_101 = vector.shape_cast %get3A_100 : vector<16xi32> to vector<16xi32>
    %mul3A_102 = arith.constant 8 : i32
    %mul3A_103 = vector.broadcast %mul3A_102 : i32 to vector<16xi32>
    %mul3A_104 = arith.muli %get3A_101, %mul3A_103 : vector<16xi32>
    %add3A_105 = arith.addi %mul3A_104, %get3A_95 : vector<16xi32>
    %swap3A_106 = arith.constant 32 : index
    %swap3A_107 = tpu.vector_load %arg14[%swap3A_106] {strides = array<i32>} : memref<128xi32, #tpu.memory_space<vmem>>, vector<16xi32>,
    %swap3A_108 = vector.shape_cast %swap3A_107 : vector<16xi32> to vector<16xi32>
    %swap3A_109 = vector.shape_cast %add3A_105 : vector<16xi32> to vector<16xi32>
    tpu.vector_store %arg14[%swap3A_106], %swap3A_109 {strides = array<i32>} : memref<128xi32, #tpu.memory_space<vmem>>, vector<16xi32>,
    %mul3A_110 = arith.constant 8 : i32
    %mul3A_111 = vector.broadcast %mul3A_110 : i32 to vector<16xi32>
    %mul3A_112 = arith.muli %get3A_98, %mul3A_111 : vector<16xi32>
    %add3A_113 = arith.addi %mul3A_112, %get3A_95 : vector<16xi32>
    %swap3A_114 = arith.constant 32 : index
    %swap3A_115 = tpu.vector_load %arg15[%swap3A_114] {strides = array<i32>} : memref<128xi32, #tpu.memory_space<vmem>>, vector<16xi32>,
    %swap3A_116 = vector.shape_cast %swap3A_115 : vector<16xi32> to vector<16xi32>
    %swap3A_117 = vector.shape_cast %add3A_113 : vector<16xi32> to vector<16xi32>
    tpu.vector_store %arg15[%swap3A_114], %swap3A_117 {strides = array<i32>} : memref<128xi32, #tpu.memory_space<vmem>>, vector<16xi32>,
    %swap3A_118 = arith.constant 32 : index
    %swap3A_119 = tpu.vector_load %arg18[%swap3A_118] {strides = array<i32>} : memref<128xi32, #tpu.memory_space<vmem>>, vector<16xi32>,
    %swap3A_120 = vector.shape_cast %swap3A_119 : vector<16xi32> to vector<16xi32>
    %swap3A_121 = vector.shape_cast %get3A_98 : vector<16xi32> to vector<16xi32>
    tpu.vector_store %arg18[%swap3A_118], %swap3A_121 {strides = array<i32>} : memref<128xi32, #tpu.memory_space<vmem>>, vector<16xi32>,
    %get3A_122 = arith.constant 48 : index
    %get3A_123 = tpu.vector_load %arg10[%get3A_122] {strides = array<i32>} : memref<128xi32, #tpu.memory_space<vmem>>, vector<16xi32>,
    %get3A_124 = vector.shape_cast %get3A_123 : vector<16xi32> to vector<16xi32>
    %get3A_125 = arith.constant 48 : index
    %get3A_126 = tpu.vector_load %arg9[%get3A_125] {strides = array<i32>} : memref<128xi32, #tpu.memory_space<vmem>>, vector<16xi32>,
    %get3A_127 = vector.shape_cast %get3A_126 : vector<16xi32> to vector<16xi32>
    %get3A_128 = arith.constant 48 : index
    %get3A_129 = tpu.vector_load %arg8[%get3A_128] {strides = array<i32>} : memref<128xi32, #tpu.memory_space<vmem>>, vector<16xi32>,
    %get3A_130 = vector.shape_cast %get3A_129 : vector<16xi32> to vector<16xi32>
    %mul3A_131 = arith.constant 8 : i32
    %mul3A_132 = vector.broadcast %mul3A_131 : i32 to vector<16xi32>
    %mul3A_133 = arith.muli %get3A_130, %mul3A_132 : vector<16xi32>
    %add3A_134 = arith.addi %mul3A_133, %get3A_124 : vector<16xi32>
    %swap3A_135 = arith.constant 48 : index
    %swap3A_136 = tpu.vector_load %arg14[%swap3A_135] {strides = array<i32>} : memref<128xi32, #tpu.memory_space<vmem>>, vector<16xi32>,
    %swap3A_137 = vector.shape_cast %swap3A_136 : vector<16xi32> to vector<16xi32>
    %swap3A_138 = vector.shape_cast %add3A_134 : vector<16xi32> to vector<16xi32>
    tpu.vector_store %arg14[%swap3A_135], %swap3A_138 {strides = array<i32>} : memref<128xi32, #tpu.memory_space<vmem>>, vector<16xi32>,
    %mul3A_139 = arith.constant 8 : i32
    %mul3A_140 = vector.broadcast %mul3A_139 : i32 to vector<16xi32>
    %mul3A_141 = arith.muli %get3A_127, %mul3A_140 : vector<16xi32>
    %add3A_142 = arith.addi %mul3A_141, %get3A_124 : vector<16xi32>
    %swap3A_143 = arith.constant 48 : index
    %swap3A_144 = tpu.vector_load %arg15[%swap3A_143] {strides = array<i32>} : memref<128xi32, #tpu.memory_space<vmem>>, vector<16xi32>,
    %swap3A_145 = vector.shape_cast %swap3A_144 : vector<16xi32> to vector<16xi32>
    %swap3A_146 = vector.shape_cast %add3A_142 : vector<16xi32> to vector<16xi32>
    tpu.vector_store %arg15[%swap3A_143], %swap3A_146 {strides = array<i32>} : memref<128xi32, #tpu.memory_space<vmem>>, vector<16xi32>,
    %swap3A_147 = arith.constant 48 : index
    %swap3A_148 = tpu.vector_load %arg18[%swap3A_147] {strides = array<i32>} : memref<128xi32, #tpu.memory_space<vmem>>, vector<16xi32>,
    %swap3A_149 = vector.shape_cast %swap3A_148 : vector<16xi32> to vector<16xi32>
    %swap3A_150 = vector.shape_cast %get3A_127 : vector<16xi32> to vector<16xi32>
    tpu.vector_store %arg18[%swap3A_147], %swap3A_150 {strides = array<i32>} : memref<128xi32, #tpu.memory_space<vmem>>, vector<16xi32>,
    %get3A_151 = arith.constant 64 : index
    %get3A_152 = tpu.vector_load %arg10[%get3A_151] {strides = array<i32>} : memref<128xi32, #tpu.memory_space<vmem>>, vector<16xi32>,
    %get3A_153 = vector.shape_cast %get3A_152 : vector<16xi32> to vector<16xi32>
    %get3A_154 = arith.constant 64 : index
    %get3A_155 = tpu.vector_load %arg9[%get3A_154] {strides = array<i32>} : memref<128xi32, #tpu.memory_space<vmem>>, vector<16xi32>,
    %get3A_156 = vector.shape_cast %get3A_155 : vector<16xi32> to vector<16xi32>
    %get3A_157 = arith.constant 64 : index
    %get3A_158 = tpu.vector_load %arg8[%get3A_157] {strides = array<i32>} : memref<128xi32, #tpu.memory_space<vmem>>, vector<16xi32>,
    %get3A_159 = vector.shape_cast %get3A_158 : vector<16xi32> to vector<16xi32>
    %mul3A_160 = arith.constant 8 : i32
    %mul3A_161 = vector.broadcast %mul3A_160 : i32 to vector<16xi32>
    %mul3A_162 = arith.muli %get3A_159, %mul3A_161 : vector<16xi32>
    %add3A_163 = arith.addi %mul3A_162, %get3A_153 : vector<16xi32>
    %swap3A_164 = arith.constant 64 : index
    %swap3A_165 = tpu.vector_load %arg14[%swap3A_164] {strides = array<i32>} : memref<128xi32, #tpu.memory_space<vmem>>, vector<16xi32>,
    %swap3A_166 = vector.shape_cast %swap3A_165 : vector<16xi32> to vector<16xi32>
    %swap3A_167 = vector.shape_cast %add3A_163 : vector<16xi32> to vector<16xi32>
    tpu.vector_store %arg14[%swap3A_164], %swap3A_167 {strides = array<i32>} : memref<128xi32, #tpu.memory_space<vmem>>, vector<16xi32>,
    %mul3A_168 = arith.constant 8 : i32
    %mul3A_169 = vector.broadcast %mul3A_168 : i32 to vector<16xi32>
    %mul3A_170 = arith.muli %get3A_156, %mul3A_169 : vector<16xi32>
    %add3A_171 = arith.addi %mul3A_170, %get3A_153 : vector<16xi32>
    %swap3A_172 = arith.constant 64 : index
    %swap3A_173 = tpu.vector_load %arg15[%swap3A_172] {strides = array<i32>} : memref<128xi32, #tpu.memory_space<vmem>>, vector<16xi32>,
    %swap3A_174 = vector.shape_cast %swap3A_173 : vector<16xi32> to vector<16xi32>
    %swap3A_175 = vector.shape_cast %add3A_171 : vector<16xi32> to vector<16xi32>
    tpu.vector_store %arg15[%swap3A_172], %swap3A_175 {strides = array<i32>} : memref<128xi32, #tpu.memory_space<vmem>>, vector<16xi32>,
    %swap3A_176 = arith.constant 64 : index
    %swap3A_177 = tpu.vector_load %arg18[%swap3A_176] {strides = array<i32>} : memref<128xi32, #tpu.memory_space<vmem>>, vector<16xi32>,
    %swap3A_178 = vector.shape_cast %swap3A_177 : vector<16xi32> to vector<16xi32>
    %swap3A_179 = vector.shape_cast %get3A_156 : vector<16xi32> to vector<16xi32>
    tpu.vector_store %arg18[%swap3A_176], %swap3A_179 {strides = array<i32>} : memref<128xi32, #tpu.memory_space<vmem>>, vector<16xi32>,
    %get3A_180 = arith.constant 80 : index
    %get3A_181 = tpu.vector_load %arg10[%get3A_180] {strides = array<i32>} : memref<128xi32, #tpu.memory_space<vmem>>, vector<16xi32>,
    %get3A_182 = vector.shape_cast %get3A_181 : vector<16xi32> to vector<16xi32>
    %get3A_183 = arith.constant 80 : index
    %get3A_184 = tpu.vector_load %arg9[%get3A_183] {strides = array<i32>} : memref<128xi32, #tpu.memory_space<vmem>>, vector<16xi32>,
    %get3A_185 = vector.shape_cast %get3A_184 : vector<16xi32> to vector<16xi32>
    %get3A_186 = arith.constant 80 : index
    %get3A_187 = tpu.vector_load %arg8[%get3A_186] {strides = array<i32>} : memref<128xi32, #tpu.memory_space<vmem>>, vector<16xi32>,
    %get3A_188 = vector.shape_cast %get3A_187 : vector<16xi32> to vector<16xi32>
    %mul3A_189 = arith.constant 8 : i32
    %mul3A_190 = vector.broadcast %mul3A_189 : i32 to vector<16xi32>
    %mul3A_191 = arith.muli %get3A_188, %mul3A_190 : vector<16xi32>
    %add3A_192 = arith.addi %mul3A_191, %get3A_182 : vector<16xi32>
    %swap3A_193 = arith.constant 80 : index
    %swap3A_194 = tpu.vector_load %arg14[%swap3A_193] {strides = array<i32>} : memref<128xi32, #tpu.memory_space<vmem>>, vector<16xi32>,
    %swap3A_195 = vector.shape_cast %swap3A_194 : vector<16xi32> to vector<16xi32>
    %swap3A_196 = vector.shape_cast %add3A_192 : vector<16xi32> to vector<16xi32>
    tpu.vector_store %arg14[%swap3A_193], %swap3A_196 {strides = array<i32>} : memref<128xi32, #tpu.memory_space<vmem>>, vector<16xi32>,
    %mul3A_197 = arith.constant 8 : i32
    %mul3A_198 = vector.broadcast %mul3A_197 : i32 to vector<16xi32>
    %mul3A_199 = arith.muli %get3A_185, %mul3A_198 : vector<16xi32>
    %add3A_200 = arith.addi %mul3A_199, %get3A_182 : vector<16xi32>
    %swap3A_201 = arith.constant 80 : index
    %swap3A_202 = tpu.vector_load %arg15[%swap3A_201] {strides = array<i32>} : memref<128xi32, #tpu.memory_space<vmem>>, vector<16xi32>,
    %swap3A_203 = vector.shape_cast %swap3A_202 : vector<16xi32> to vector<16xi32>
    %swap3A_204 = vector.shape_cast %add3A_200 : vector<16xi32> to vector<16xi32>
    tpu.vector_store %arg15[%swap3A_201], %swap3A_204 {strides = array<i32>} : memref<128xi32, #tpu.memory_space<vmem>>, vector<16xi32>,
    %swap3A_205 = arith.constant 80 : index
    %swap3A_206 = tpu.vector_load %arg18[%swap3A_205] {strides = array<i32>} : memref<128xi32, #tpu.memory_space<vmem>>, vector<16xi32>,
    %swap3A_207 = vector.shape_cast %swap3A_206 : vector<16xi32> to vector<16xi32>
    %swap3A_208 = vector.shape_cast %get3A_185 : vector<16xi32> to vector<16xi32>
    tpu.vector_store %arg18[%swap3A_205], %swap3A_208 {strides = array<i32>} : memref<128xi32, #tpu.memory_space<vmem>>, vector<16xi32>,
    %get3A_209 = arith.constant 96 : index
    %get3A_210 = tpu.vector_load %arg10[%get3A_209] {strides = array<i32>} : memref<128xi32, #tpu.memory_space<vmem>>, vector<16xi32>,
    %get3A_211 = vector.shape_cast %get3A_210 : vector<16xi32> to vector<16xi32>
    %get3A_212 = arith.constant 96 : index
    %get3A_213 = tpu.vector_load %arg9[%get3A_212] {strides = array<i32>} : memref<128xi32, #tpu.memory_space<vmem>>, vector<16xi32>,
    %get3A_214 = vector.shape_cast %get3A_213 : vector<16xi32> to vector<16xi32>
    %get3A_215 = arith.constant 96 : index
    %get3A_216 = tpu.vector_load %arg8[%get3A_215] {strides = array<i32>} : memref<128xi32, #tpu.memory_space<vmem>>, vector<16xi32>,
    %get3A_217 = vector.shape_cast %get3A_216 : vector<16xi32> to vector<16xi32>
    %mul3A_218 = arith.constant 8 : i32
    %mul3A_219 = vector.broadcast %mul3A_218 : i32 to vector<16xi32>
    %mul3A_220 = arith.muli %get3A_217, %mul3A_219 : vector<16xi32>
    %add3A_221 = arith.addi %mul3A_220, %get3A_211 : vector<16xi32>
    %swap3A_222 = arith.constant 96 : index
    %swap3A_223 = tpu.vector_load %arg14[%swap3A_222] {strides = array<i32>} : memref<128xi32, #tpu.memory_space<vmem>>, vector<16xi32>,
    %swap3A_224 = vector.shape_cast %swap3A_223 : vector<16xi32> to vector<16xi32>
    %swap3A_225 = vector.shape_cast %add3A_221 : vector<16xi32> to vector<16xi32>
    tpu.vector_store %arg14[%swap3A_222], %swap3A_225 {strides = array<i32>} : memref<128xi32, #tpu.memory_space<vmem>>, vector<16xi32>,
    %mul3A_226 = arith.constant 8 : i32
    %mul3A_227 = vector.broadcast %mul3A_226 : i32 to vector<16xi32>
    %mul3A_228 = arith.muli %get3A_214, %mul3A_227 : vector<16xi32>
    %add3A_229 = arith.addi %mul3A_228, %get3A_211 : vector<16xi32>
    %swap3A_230 = arith.constant 96 : index
    %swap3A_231 = tpu.vector_load %arg15[%swap3A_230] {strides = array<i32>} : memref<128xi32, #tpu.memory_space<vmem>>, vector<16xi32>,
    %swap3A_232 = vector.shape_cast %swap3A_231 : vector<16xi32> to vector<16xi32>
    %swap3A_233 = vector.shape_cast %add3A_229 : vector<16xi32> to vector<16xi32>
    tpu.vector_store %arg15[%swap3A_230], %swap3A_233 {strides = array<i32>} : memref<128xi32, #tpu.memory_space<vmem>>, vector<16xi32>,
    %swap3A_234 = arith.constant 96 : index
    %swap3A_235 = tpu.vector_load %arg18[%swap3A_234] {strides = array<i32>} : memref<128xi32, #tpu.memory_space<vmem>>, vector<16xi32>,
    %swap3A_236 = vector.shape_cast %swap3A_235 : vector<16xi32> to vector<16xi32>
    %swap3A_237 = vector.shape_cast %get3A_214 : vector<16xi32> to vector<16xi32>
    tpu.vector_store %arg18[%swap3A_234], %swap3A_237 {strides = array<i32>} : memref<128xi32, #tpu.memory_space<vmem>>, vector<16xi32>,
    %get3A_238 = arith.constant 112 : index
    %get3A_239 = tpu.vector_load %arg10[%get3A_238] {strides = array<i32>} : memref<128xi32, #tpu.memory_space<vmem>>, vector<16xi32>,
    %get3A_240 = vector.shape_cast %get3A_239 : vector<16xi32> to vector<16xi32>
    %get3A_241 = arith.constant 112 : index
    %get3A_242 = tpu.vector_load %arg9[%get3A_241] {strides = array<i32>} : memref<128xi32, #tpu.memory_space<vmem>>, vector<16xi32>,
    %get3A_243 = vector.shape_cast %get3A_242 : vector<16xi32> to vector<16xi32>
    %get3A_244 = arith.constant 112 : index
    %get3A_245 = tpu.vector_load %arg8[%get3A_244] {strides = array<i32>} : memref<128xi32, #tpu.memory_space<vmem>>, vector<16xi32>,
    %get3A_246 = vector.shape_cast %get3A_245 : vector<16xi32> to vector<16xi32>
    %mul3A_247 = arith.constant 8 : i32
    %mul3A_248 = vector.broadcast %mul3A_247 : i32 to vector<16xi32>
    %mul3A_249 = arith.muli %get3A_246, %mul3A_248 : vector<16xi32>
    %add3A_250 = arith.addi %mul3A_249, %get3A_240 : vector<16xi32>
    %swap3A_251 = arith.constant 112 : index
    %swap3A_252 = tpu.vector_load %arg14[%swap3A_251] {strides = array<i32>} : memref<128xi32, #tpu.memory_space<vmem>>, vector<16xi32>,
    %swap3A_253 = vector.shape_cast %swap3A_252 : vector<16xi32> to vector<16xi32>
    %swap3A_254 = vector.shape_cast %add3A_250 : vector<16xi32> to vector<16xi32>
    tpu.vector_store %arg14[%swap3A_251], %swap3A_254 {strides = array<i32>} : memref<128xi32, #tpu.memory_space<vmem>>, vector<16xi32>,
    %mul3A_255 = arith.constant 8 : i32
    %mul3A_256 = vector.broadcast %mul3A_255 : i32 to vector<16xi32>
    %mul3A_257 = arith.muli %get3A_243, %mul3A_256 : vector<16xi32>
    %add3A_258 = arith.addi %mul3A_257, %get3A_240 : vector<16xi32>
    %swap3A_259 = arith.constant 112 : index
    %swap3A_260 = tpu.vector_load %arg15[%swap3A_259] {strides = array<i32>} : memref<128xi32, #tpu.memory_space<vmem>>, vector<16xi32>,
    %swap3A_261 = vector.shape_cast %swap3A_260 : vector<16xi32> to vector<16xi32>
    %swap3A_262 = vector.shape_cast %add3A_258 : vector<16xi32> to vector<16xi32>
    tpu.vector_store %arg15[%swap3A_259], %swap3A_262 {strides = array<i32>} : memref<128xi32, #tpu.memory_space<vmem>>, vector<16xi32>,
    %swap3A_263 = arith.constant 112 : index
    %swap3A_264 = tpu.vector_load %arg18[%swap3A_263] {strides = array<i32>} : memref<128xi32, #tpu.memory_space<vmem>>, vector<16xi32>,
    %swap3A_265 = vector.shape_cast %swap3A_264 : vector<16xi32> to vector<16xi32>
    %swap3A_266 = vector.shape_cast %get3A_243 : vector<16xi32> to vector<16xi32>
    tpu.vector_store %arg18[%swap3A_263], %swap3A_266 {strides = array<i32>} : memref<128xi32, #tpu.memory_space<vmem>>, vector<16xi32>,
    %dma_start3A_267 = arith.constant 0 : i32
    %dma_start3A_268 = arith.constant 0 : i32
    %dma_start3A_269 = tpu.memref_slice %arg5[%dma_start3A_267, %dma_start3A_268] : memref<80000x16xf32, #tpu.memory_space<hbm>> -> memref<80000x16xf32, #tpu.memory_space<hbm>>
    tpu.enqueue_indirect_dma source(%dma_start3A_269 : memref<80000x16xf32, #tpu.memory_space<hbm>>) target(%arg20 : memref<128x16xf32, #tpu.memory_space<vmem>>) offsets(%arg14 : memref<128xi32, #tpu.memory_space<vmem>>) semaphore(%arg28 : memref<!tpu.dma_semaphore, #tpu.memory_space<semaphore_mem>>)
    %dma_start3A_270 = arith.constant 0 : i32
    %dma_start3A_271 = tpu.memref_slice %arg6[%dma_start3A_270] : memref<80128xf32, #tpu.memory_space<hbm>> -> memref<80128xf32, #tpu.memory_space<hbm>>
    tpu.enqueue_indirect_dma source(%dma_start3A_271 : memref<80128xf32, #tpu.memory_space<hbm>>) target(%arg22 : memref<128xf32, #tpu.memory_space<vmem>>) offsets(%arg15 : memref<128xi32, #tpu.memory_space<vmem>>) semaphore(%arg28 : memref<!tpu.dma_semaphore, #tpu.memory_space<semaphore_mem>>)
    %scan3A_272 = arith.constant 0 : i32
    %scan3A_273 = arith.constant 0 : i32
    %scan3A_274 = arith.constant 40 : i32
    %scan3A_275 = arith.addi %scan3A_273, %scan3A_274 : i32
    %scan3A_276 = arith.constant 1 : i32
    %scan3A_277 = scf.for %scan3A_288 = %scan3A_273 to %scan3A_275 step %scan3A_276 iter_args(%scan3A_289 = %scan3A_272) -> (i32)  : i32 {
      %mul3A_290 = arith.constant 2 : i32
      %mul3A_291 = arith.muli %scan3A_288, %mul3A_290 : i32
      %add3A_292 = arith.constant 2 : i32
      %add3A_293 = arith.addi %mul3A_291, %add3A_292 : i32
      %lt3A = arith.constant 80 : i32
      %lt3A_294 = arith.cmpi slt, %add3A_293, %lt3A : i32
      %ge3A = arith.constant 2 : i32
      %ge3A_295 = arith.cmpi sge, %mul3A_291, %ge3A : i32
      %convert_element_type3A = arith.extui %ge3A_295 : i1 to i32
      %cond3A = arith.constant 0 : i32
      %cond3A_296 = arith.cmpi ne, %convert_element_type3A, %cond3A : i32
      scf.if %cond3A_296 {
        %dma_wait3A_583 = arith.constant 0 : i32
        %dma_wait3A_584 = arith.constant 0 : i32
        %dma_wait3A_585 = tpu.memref_slice %arg25[%dma_wait3A_583, %dma_wait3A_584] : memref<10240x16xf32, #tpu.memory_space<vmem_shared>> -> memref<10240x16xf32, #tpu.memory_space<vmem_shared>>
        tpu.wait_indirect_dma semaphore(%arg31 : memref<!tpu.dma_semaphore, #tpu.memory_space<semaphore_mem>>) src(%arg21 : memref<128x16xf32, #tpu.memory_space<vmem>>) dst(%dma_wait3A_585 : memref<10240x16xf32, #tpu.memory_space<vmem_shared>>)
      } else {
      }
      %convert_element_type3A_297 = arith.extui %lt3A_294 : i1 to i32
      %cond3A_298 = arith.constant 0 : i32
      %cond3A_299 = arith.cmpi ne, %convert_element_type3A_297, %cond3A_298 : i32
      scf.if %cond3A_299 {
        %add3A_583 = arith.constant 2 : i32
        %add3A_584 = arith.addi %mul3A_291, %add3A_583 : i32
        %mul3A_585 = arith.constant 128 : i32
        %mul3A_586 = arith.muli %add3A_584, %mul3A_585 : i32
        %add3A_587 = arith.addi %mul3A_2, %mul3A_586 : i32
        %dma_start3A_588 = tpu.memref_slice %arg2[%add3A_587] : memref<327680xi32, #tpu.memory_space<hbm>> -> memref<128xi32, #tpu.memory_space<hbm>>
        %dma_start3A_589 = tpu.memref_slice %arg2[%add3A_587] : memref<327680xi32, #tpu.memory_space<hbm>> -> memref<128xi32, #tpu.memory_space<hbm>>
        tpu.enqueue_dma source(%dma_start3A_589 : memref<128xi32, #tpu.memory_space<hbm>>) target(%arg8 : memref<128xi32, #tpu.memory_space<vmem>>) target_semaphore(%arg26 : memref<!tpu.dma_semaphore, #tpu.memory_space<semaphore_mem>>)
        %dma_start3A_590 = tpu.memref_slice %arg3[%add3A_587] : memref<327680xi32, #tpu.memory_space<hbm>> -> memref<128xi32, #tpu.memory_space<hbm>>
        %dma_start3A_591 = tpu.memref_slice %arg3[%add3A_587] : memref<327680xi32, #tpu.memory_space<hbm>> -> memref<128xi32, #tpu.memory_space<hbm>>
        tpu.enqueue_dma source(%dma_start3A_591 : memref<128xi32, #tpu.memory_space<hbm>>) target(%arg9 : memref<128xi32, #tpu.memory_space<vmem>>) target_semaphore(%arg26 : memref<!tpu.dma_semaphore, #tpu.memory_space<semaphore_mem>>)
        %dma_start3A_592 = tpu.memref_slice %arg4[%add3A_587] : memref<327680xi32, #tpu.memory_space<hbm>> -> memref<128xi32, #tpu.memory_space<hbm>>
        %dma_start3A_593 = tpu.memref_slice %arg4[%add3A_587] : memref<327680xi32, #tpu.memory_space<hbm>> -> memref<128xi32, #tpu.memory_space<hbm>>
        tpu.enqueue_dma source(%dma_start3A_593 : memref<128xi32, #tpu.memory_space<hbm>>) target(%arg10 : memref<128xi32, #tpu.memory_space<vmem>>) target_semaphore(%arg26 : memref<!tpu.dma_semaphore, #tpu.memory_space<semaphore_mem>>)
      } else {
      }
      %dma_wait3A_300 = arith.constant 0 : i32
      %dma_wait3A_301 = tpu.memref_slice %arg2[%dma_wait3A_300] : memref<327680xi32, #tpu.memory_space<hbm>> -> memref<128xi32, #tpu.memory_space<hbm>>
      %dma_wait3A_302 = arith.constant 0 : i32
      %dma_wait3A_303 = tpu.memref_slice %arg2[%dma_wait3A_302] : memref<327680xi32, #tpu.memory_space<hbm>> -> memref<128xi32, #tpu.memory_space<hbm>>
      tpu.wait_dma2 semaphore(%arg27 : memref<!tpu.dma_semaphore, #tpu.memory_space<semaphore_mem>>) src(%dma_wait3A_303 : memref<128xi32, #tpu.memory_space<hbm>>) dst(%arg11 : memref<128xi32, #tpu.memory_space<vmem>>)
      %dma_wait3A_304 = arith.constant 0 : i32
      %dma_wait3A_305 = tpu.memref_slice %arg3[%dma_wait3A_304] : memref<327680xi32, #tpu.memory_space<hbm>> -> memref<128xi32, #tpu.memory_space<hbm>>
      %dma_wait3A_306 = arith.constant 0 : i32
      %dma_wait3A_307 = tpu.memref_slice %arg3[%dma_wait3A_306] : memref<327680xi32, #tpu.memory_space<hbm>> -> memref<128xi32, #tpu.memory_space<hbm>>
      tpu.wait_dma2 semaphore(%arg27 : memref<!tpu.dma_semaphore, #tpu.memory_space<semaphore_mem>>) src(%dma_wait3A_307 : memref<128xi32, #tpu.memory_space<hbm>>) dst(%arg12 : memref<128xi32, #tpu.memory_space<vmem>>)
      %dma_wait3A_308 = arith.constant 0 : i32
      %dma_wait3A_309 = tpu.memref_slice %arg4[%dma_wait3A_308] : memref<327680xi32, #tpu.memory_space<hbm>> -> memref<128xi32, #tpu.memory_space<hbm>>
      %dma_wait3A_310 = arith.constant 0 : i32
      %dma_wait3A_311 = tpu.memref_slice %arg4[%dma_wait3A_310] : memref<327680xi32, #tpu.memory_space<hbm>> -> memref<128xi32, #tpu.memory_space<hbm>>
      tpu.wait_dma2 semaphore(%arg27 : memref<!tpu.dma_semaphore, #tpu.memory_space<semaphore_mem>>) src(%dma_wait3A_311 : memref<128xi32, #tpu.memory_space<hbm>>) dst(%arg13 : memref<128xi32, #tpu.memory_space<vmem>>)
      %get3A_312 = arith.constant 0 : index
      %get3A_313 = tpu.vector_load %arg13[%get3A_312] {strides = array<i32>} : memref<128xi32, #tpu.memory_space<vmem>>, vector<16xi32>,
      %get3A_314 = vector.shape_cast %get3A_313 : vector<16xi32> to vector<16xi32>
      %get3A_315 = arith.constant 0 : index
      %get3A_316 = tpu.vector_load %arg12[%get3A_315] {strides = array<i32>} : memref<128xi32, #tpu.memory_space<vmem>>, vector<16xi32>,
      %get3A_317 = vector.shape_cast %get3A_316 : vector<16xi32> to vector<16xi32>
      %get3A_318 = arith.constant 0 : index
      %get3A_319 = tpu.vector_load %arg11[%get3A_318] {strides = array<i32>} : memref<128xi32, #tpu.memory_space<vmem>>, vector<16xi32>,
      %get3A_320 = vector.shape_cast %get3A_319 : vector<16xi32> to vector<16xi32>
      %mul3A_321 = arith.constant 8 : i32
      %mul3A_322 = vector.broadcast %mul3A_321 : i32 to vector<16xi32>
      %mul3A_323 = arith.muli %get3A_320, %mul3A_322 : vector<16xi32>
      %add3A_324 = arith.addi %mul3A_323, %get3A_314 : vector<16xi32>
      %swap3A_325 = arith.constant 0 : index
      %swap3A_326 = tpu.vector_load %arg16[%swap3A_325] {strides = array<i32>} : memref<128xi32, #tpu.memory_space<vmem>>, vector<16xi32>,
      %swap3A_327 = vector.shape_cast %swap3A_326 : vector<16xi32> to vector<16xi32>
      %swap3A_328 = vector.shape_cast %add3A_324 : vector<16xi32> to vector<16xi32>
      tpu.vector_store %arg16[%swap3A_325], %swap3A_328 {strides = array<i32>} : memref<128xi32, #tpu.memory_space<vmem>>, vector<16xi32>,
      %mul3A_329 = arith.constant 8 : i32
      %mul3A_330 = vector.broadcast %mul3A_329 : i32 to vector<16xi32>
      %mul3A_331 = arith.muli %get3A_317, %mul3A_330 : vector<16xi32>
      %add3A_332 = arith.addi %mul3A_331, %get3A_314 : vector<16xi32>
      %swap3A_333 = arith.constant 0 : index
      %swap3A_334 = tpu.vector_load %arg17[%swap3A_333] {strides = array<i32>} : memref<128xi32, #tpu.memory_space<vmem>>, vector<16xi32>,
      %swap3A_335 = vector.shape_cast %swap3A_334 : vector<16xi32> to vector<16xi32>
      %swap3A_336 = vector.shape_cast %add3A_332 : vector<16xi32> to vector<16xi32>
      tpu.vector_store %arg17[%swap3A_333], %swap3A_336 {strides = array<i32>} : memref<128xi32, #tpu.memory_space<vmem>>, vector<16xi32>,
      %swap3A_337 = arith.constant 0 : index
      %swap3A_338 = tpu.vector_load %arg19[%swap3A_337] {strides = array<i32>} : memref<128xi32, #tpu.memory_space<vmem>>, vector<16xi32>,
      %swap3A_339 = vector.shape_cast %swap3A_338 : vector<16xi32> to vector<16xi32>
      %swap3A_340 = vector.shape_cast %get3A_317 : vector<16xi32> to vector<16xi32>
      tpu.vector_store %arg19[%swap3A_337], %swap3A_340 {strides = array<i32>} : memref<128xi32, #tpu.memory_space<vmem>>, vector<16xi32>,
      %get3A_341 = arith.constant 16 : index
      %get3A_342 = tpu.vector_load %arg13[%get3A_341] {strides = array<i32>} : memref<128xi32, #tpu.memory_space<vmem>>, vector<16xi32>,
      %get3A_343 = vector.shape_cast %get3A_342 : vector<16xi32> to vector<16xi32>
      %get3A_344 = arith.constant 16 : index
      %get3A_345 = tpu.vector_load %arg12[%get3A_344] {strides = array<i32>} : memref<128xi32, #tpu.memory_space<vmem>>, vector<16xi32>,
      %get3A_346 = vector.shape_cast %get3A_345 : vector<16xi32> to vector<16xi32>
      %get3A_347 = arith.constant 16 : index
      %get3A_348 = tpu.vector_load %arg11[%get3A_347] {strides = array<i32>} : memref<128xi32, #tpu.memory_space<vmem>>, vector<16xi32>,
      %get3A_349 = vector.shape_cast %get3A_348 : vector<16xi32> to vector<16xi32>
      %mul3A_350 = arith.constant 8 : i32
      %mul3A_351 = vector.broadcast %mul3A_350 : i32 to vector<16xi32>
      %mul3A_352 = arith.muli %get3A_349, %mul3A_351 : vector<16xi32>
      %add3A_353 = arith.addi %mul3A_352, %get3A_343 : vector<16xi32>
      %swap3A_354 = arith.constant 16 : index
      %swap3A_355 = tpu.vector_load %arg16[%swap3A_354] {strides = array<i32>} : memref<128xi32, #tpu.memory_space<vmem>>, vector<16xi32>,
      %swap3A_356 = vector.shape_cast %swap3A_355 : vector<16xi32> to vector<16xi32>
      %swap3A_357 = vector.shape_cast %add3A_353 : vector<16xi32> to vector<16xi32>
      tpu.vector_store %arg16[%swap3A_354], %swap3A_357 {strides = array<i32>} : memref<128xi32, #tpu.memory_space<vmem>>, vector<16xi32>,
      %mul3A_358 = arith.constant 8 : i32
      %mul3A_359 = vector.broadcast %mul3A_358 : i32 to vector<16xi32>
      %mul3A_360 = arith.muli %get3A_346, %mul3A_359 : vector<16xi32>
      %add3A_361 = arith.addi %mul3A_360, %get3A_343 : vector<16xi32>
      %swap3A_362 = arith.constant 16 : index
      %swap3A_363 = tpu.vector_load %arg17[%swap3A_362] {strides = array<i32>} : memref<128xi32, #tpu.memory_space<vmem>>, vector<16xi32>,
      %swap3A_364 = vector.shape_cast %swap3A_363 : vector<16xi32> to vector<16xi32>
      %swap3A_365 = vector.shape_cast %add3A_361 : vector<16xi32> to vector<16xi32>
      tpu.vector_store %arg17[%swap3A_362], %swap3A_365 {strides = array<i32>} : memref<128xi32, #tpu.memory_space<vmem>>, vector<16xi32>,
      %swap3A_366 = arith.constant 16 : index
      %swap3A_367 = tpu.vector_load %arg19[%swap3A_366] {strides = array<i32>} : memref<128xi32, #tpu.memory_space<vmem>>, vector<16xi32>,
      %swap3A_368 = vector.shape_cast %swap3A_367 : vector<16xi32> to vector<16xi32>
      %swap3A_369 = vector.shape_cast %get3A_346 : vector<16xi32> to vector<16xi32>
      tpu.vector_store %arg19[%swap3A_366], %swap3A_369 {strides = array<i32>} : memref<128xi32, #tpu.memory_space<vmem>>, vector<16xi32>,
      %get3A_370 = arith.constant 32 : index
      %get3A_371 = tpu.vector_load %arg13[%get3A_370] {strides = array<i32>} : memref<128xi32, #tpu.memory_space<vmem>>, vector<16xi32>,
      %get3A_372 = vector.shape_cast %get3A_371 : vector<16xi32> to vector<16xi32>
      %get3A_373 = arith.constant 32 : index
      %get3A_374 = tpu.vector_load %arg12[%get3A_373] {strides = array<i32>} : memref<128xi32, #tpu.memory_space<vmem>>, vector<16xi32>,
      %get3A_375 = vector.shape_cast %get3A_374 : vector<16xi32> to vector<16xi32>
      %get3A_376 = arith.constant 32 : index
      %get3A_377 = tpu.vector_load %arg11[%get3A_376] {strides = array<i32>} : memref<128xi32, #tpu.memory_space<vmem>>, vector<16xi32>,
      %get3A_378 = vector.shape_cast %get3A_377 : vector<16xi32> to vector<16xi32>
      %mul3A_379 = arith.constant 8 : i32
      %mul3A_380 = vector.broadcast %mul3A_379 : i32 to vector<16xi32>
      %mul3A_381 = arith.muli %get3A_378, %mul3A_380 : vector<16xi32>
      %add3A_382 = arith.addi %mul3A_381, %get3A_372 : vector<16xi32>
      %swap3A_383 = arith.constant 32 : index
      %swap3A_384 = tpu.vector_load %arg16[%swap3A_383] {strides = array<i32>} : memref<128xi32, #tpu.memory_space<vmem>>, vector<16xi32>,
      %swap3A_385 = vector.shape_cast %swap3A_384 : vector<16xi32> to vector<16xi32>
      %swap3A_386 = vector.shape_cast %add3A_382 : vector<16xi32> to vector<16xi32>
      tpu.vector_store %arg16[%swap3A_383], %swap3A_386 {strides = array<i32>} : memref<128xi32, #tpu.memory_space<vmem>>, vector<16xi32>,
      %mul3A_387 = arith.constant 8 : i32
      %mul3A_388 = vector.broadcast %mul3A_387 : i32 to vector<16xi32>
      %mul3A_389 = arith.muli %get3A_375, %mul3A_388 : vector<16xi32>
      %add3A_390 = arith.addi %mul3A_389, %get3A_372 : vector<16xi32>
      %swap3A_391 = arith.constant 32 : index
      %swap3A_392 = tpu.vector_load %arg17[%swap3A_391] {strides = array<i32>} : memref<128xi32, #tpu.memory_space<vmem>>, vector<16xi32>,
      %swap3A_393 = vector.shape_cast %swap3A_392 : vector<16xi32> to vector<16xi32>
      %swap3A_394 = vector.shape_cast %add3A_390 : vector<16xi32> to vector<16xi32>
      tpu.vector_store %arg17[%swap3A_391], %swap3A_394 {strides = array<i32>} : memref<128xi32, #tpu.memory_space<vmem>>, vector<16xi32>,
      %swap3A_395 = arith.constant 32 : index
      %swap3A_396 = tpu.vector_load %arg19[%swap3A_395] {strides = array<i32>} : memref<128xi32, #tpu.memory_space<vmem>>, vector<16xi32>,
      %swap3A_397 = vector.shape_cast %swap3A_396 : vector<16xi32> to vector<16xi32>
      %swap3A_398 = vector.shape_cast %get3A_375 : vector<16xi32> to vector<16xi32>
      tpu.vector_store %arg19[%swap3A_395], %swap3A_398 {strides = array<i32>} : memref<128xi32, #tpu.memory_space<vmem>>, vector<16xi32>,
      %get3A_399 = arith.constant 48 : index
      %get3A_400 = tpu.vector_load %arg13[%get3A_399] {strides = array<i32>} : memref<128xi32, #tpu.memory_space<vmem>>, vector<16xi32>,
      %get3A_401 = vector.shape_cast %get3A_400 : vector<16xi32> to vector<16xi32>
      %get3A_402 = arith.constant 48 : index
      %get3A_403 = tpu.vector_load %arg12[%get3A_402] {strides = array<i32>} : memref<128xi32, #tpu.memory_space<vmem>>, vector<16xi32>,
      %get3A_404 = vector.shape_cast %get3A_403 : vector<16xi32> to vector<16xi32>
      %get3A_405 = arith.constant 48 : index
      %get3A_406 = tpu.vector_load %arg11[%get3A_405] {strides = array<i32>} : memref<128xi32, #tpu.memory_space<vmem>>, vector<16xi32>,
      %get3A_407 = vector.shape_cast %get3A_406 : vector<16xi32> to vector<16xi32>
      %mul3A_408 = arith.constant 8 : i32
      %mul3A_409 = vector.broadcast %mul3A_408 : i32 to vector<16xi32>
      %mul3A_410 = arith.muli %get3A_407, %mul3A_409 : vector<16xi32>
      %add3A_411 = arith.addi %mul3A_410, %get3A_401 : vector<16xi32>
      %swap3A_412 = arith.constant 48 : index
      %swap3A_413 = tpu.vector_load %arg16[%swap3A_412] {strides = array<i32>} : memref<128xi32, #tpu.memory_space<vmem>>, vector<16xi32>,
      %swap3A_414 = vector.shape_cast %swap3A_413 : vector<16xi32> to vector<16xi32>
      %swap3A_415 = vector.shape_cast %add3A_411 : vector<16xi32> to vector<16xi32>
      tpu.vector_store %arg16[%swap3A_412], %swap3A_415 {strides = array<i32>} : memref<128xi32, #tpu.memory_space<vmem>>, vector<16xi32>,
      %mul3A_416 = arith.constant 8 : i32
      %mul3A_417 = vector.broadcast %mul3A_416 : i32 to vector<16xi32>
      %mul3A_418 = arith.muli %get3A_404, %mul3A_417 : vector<16xi32>
      %add3A_419 = arith.addi %mul3A_418, %get3A_401 : vector<16xi32>
      %swap3A_420 = arith.constant 48 : index
      %swap3A_421 = tpu.vector_load %arg17[%swap3A_420] {strides = array<i32>} : memref<128xi32, #tpu.memory_space<vmem>>, vector<16xi32>,
      %swap3A_422 = vector.shape_cast %swap3A_421 : vector<16xi32> to vector<16xi32>
      %swap3A_423 = vector.shape_cast %add3A_419 : vector<16xi32> to vector<16xi32>
      tpu.vector_store %arg17[%swap3A_420], %swap3A_423 {strides = array<i32>} : memref<128xi32, #tpu.memory_space<vmem>>, vector<16xi32>,
      %swap3A_424 = arith.constant 48 : index
      %swap3A_425 = tpu.vector_load %arg19[%swap3A_424] {strides = array<i32>} : memref<128xi32, #tpu.memory_space<vmem>>, vector<16xi32>,
      %swap3A_426 = vector.shape_cast %swap3A_425 : vector<16xi32> to vector<16xi32>
      %swap3A_427 = vector.shape_cast %get3A_404 : vector<16xi32> to vector<16xi32>
      tpu.vector_store %arg19[%swap3A_424], %swap3A_427 {strides = array<i32>} : memref<128xi32, #tpu.memory_space<vmem>>, vector<16xi32>,
      %get3A_428 = arith.constant 64 : index
      %get3A_429 = tpu.vector_load %arg13[%get3A_428] {strides = array<i32>} : memref<128xi32, #tpu.memory_space<vmem>>, vector<16xi32>,
      %get3A_430 = vector.shape_cast %get3A_429 : vector<16xi32> to vector<16xi32>
      %get3A_431 = arith.constant 64 : index
      %get3A_432 = tpu.vector_load %arg12[%get3A_431] {strides = array<i32>} : memref<128xi32, #tpu.memory_space<vmem>>, vector<16xi32>,
      %get3A_433 = vector.shape_cast %get3A_432 : vector<16xi32> to vector<16xi32>
      %get3A_434 = arith.constant 64 : index
      %get3A_435 = tpu.vector_load %arg11[%get3A_434] {strides = array<i32>} : memref<128xi32, #tpu.memory_space<vmem>>, vector<16xi32>,
      %get3A_436 = vector.shape_cast %get3A_435 : vector<16xi32> to vector<16xi32>
      %mul3A_437 = arith.constant 8 : i32
      %mul3A_438 = vector.broadcast %mul3A_437 : i32 to vector<16xi32>
      %mul3A_439 = arith.muli %get3A_436, %mul3A_438 : vector<16xi32>
      %add3A_440 = arith.addi %mul3A_439, %get3A_430 : vector<16xi32>
      %swap3A_441 = arith.constant 64 : index
      %swap3A_442 = tpu.vector_load %arg16[%swap3A_441] {strides = array<i32>} : memref<128xi32, #tpu.memory_space<vmem>>, vector<16xi32>,
      %swap3A_443 = vector.shape_cast %swap3A_442 : vector<16xi32> to vector<16xi32>
      %swap3A_444 = vector.shape_cast %add3A_440 : vector<16xi32> to vector<16xi32>
      tpu.vector_store %arg16[%swap3A_441], %swap3A_444 {strides = array<i32>} : memref<128xi32, #tpu.memory_space<vmem>>, vector<16xi32>,
      %mul3A_445 = arith.constant 8 : i32
      %mul3A_446 = vector.broadcast %mul3A_445 : i32 to vector<16xi32>
      %mul3A_447 = arith.muli %get3A_433, %mul3A_446 : vector<16xi32>
      %add3A_448 = arith.addi %mul3A_447, %get3A_430 : vector<16xi32>
      %swap3A_449 = arith.constant 64 : index
      %swap3A_450 = tpu.vector_load %arg17[%swap3A_449] {strides = array<i32>} : memref<128xi32, #tpu.memory_space<vmem>>, vector<16xi32>,
      %swap3A_451 = vector.shape_cast %swap3A_450 : vector<16xi32> to vector<16xi32>
      %swap3A_452 = vector.shape_cast %add3A_448 : vector<16xi32> to vector<16xi32>
      tpu.vector_store %arg17[%swap3A_449], %swap3A_452 {strides = array<i32>} : memref<128xi32, #tpu.memory_space<vmem>>, vector<16xi32>,
      %swap3A_453 = arith.constant 64 : index
      %swap3A_454 = tpu.vector_load %arg19[%swap3A_453] {strides = array<i32>} : memref<128xi32, #tpu.memory_space<vmem>>, vector<16xi32>,
      %swap3A_455 = vector.shape_cast %swap3A_454 : vector<16xi32> to vector<16xi32>
      %swap3A_456 = vector.shape_cast %get3A_433 : vector<16xi32> to vector<16xi32>
      tpu.vector_store %arg19[%swap3A_453], %swap3A_456 {strides = array<i32>} : memref<128xi32, #tpu.memory_space<vmem>>, vector<16xi32>,
      %get3A_457 = arith.constant 80 : index
      %get3A_458 = tpu.vector_load %arg13[%get3A_457] {strides = array<i32>} : memref<128xi32, #tpu.memory_space<vmem>>, vector<16xi32>,
      %get3A_459 = vector.shape_cast %get3A_458 : vector<16xi32> to vector<16xi32>
      %get3A_460 = arith.constant 80 : index
      %get3A_461 = tpu.vector_load %arg12[%get3A_460] {strides = array<i32>} : memref<128xi32, #tpu.memory_space<vmem>>, vector<16xi32>,
      %get3A_462 = vector.shape_cast %get3A_461 : vector<16xi32> to vector<16xi32>
      %get3A_463 = arith.constant 80 : index
      %get3A_464 = tpu.vector_load %arg11[%get3A_463] {strides = array<i32>} : memref<128xi32, #tpu.memory_space<vmem>>, vector<16xi32>,
      %get3A_465 = vector.shape_cast %get3A_464 : vector<16xi32> to vector<16xi32>
      %mul3A_466 = arith.constant 8 : i32
      %mul3A_467 = vector.broadcast %mul3A_466 : i32 to vector<16xi32>
      %mul3A_468 = arith.muli %get3A_465, %mul3A_467 : vector<16xi32>
      %add3A_469 = arith.addi %mul3A_468, %get3A_459 : vector<16xi32>
      %swap3A_470 = arith.constant 80 : index
      %swap3A_471 = tpu.vector_load %arg16[%swap3A_470] {strides = array<i32>} : memref<128xi32, #tpu.memory_space<vmem>>, vector<16xi32>,
      %swap3A_472 = vector.shape_cast %swap3A_471 : vector<16xi32> to vector<16xi32>
      %swap3A_473 = vector.shape_cast %add3A_469 : vector<16xi32> to vector<16xi32>
      tpu.vector_store %arg16[%swap3A_470], %swap3A_473 {strides = array<i32>} : memref<128xi32, #tpu.memory_space<vmem>>, vector<16xi32>,
      %mul3A_474 = arith.constant 8 : i32
      %mul3A_475 = vector.broadcast %mul3A_474 : i32 to vector<16xi32>
      %mul3A_476 = arith.muli %get3A_462, %mul3A_475 : vector<16xi32>
      %add3A_477 = arith.addi %mul3A_476, %get3A_459 : vector<16xi32>
      %swap3A_478 = arith.constant 80 : index
      %swap3A_479 = tpu.vector_load %arg17[%swap3A_478] {strides = array<i32>} : memref<128xi32, #tpu.memory_space<vmem>>, vector<16xi32>,
      %swap3A_480 = vector.shape_cast %swap3A_479 : vector<16xi32> to vector<16xi32>
      %swap3A_481 = vector.shape_cast %add3A_477 : vector<16xi32> to vector<16xi32>
      tpu.vector_store %arg17[%swap3A_478], %swap3A_481 {strides = array<i32>} : memref<128xi32, #tpu.memory_space<vmem>>, vector<16xi32>,
      %swap3A_482 = arith.constant 80 : index
      %swap3A_483 = tpu.vector_load %arg19[%swap3A_482] {strides = array<i32>} : memref<128xi32, #tpu.memory_space<vmem>>, vector<16xi32>,
      %swap3A_484 = vector.shape_cast %swap3A_483 : vector<16xi32> to vector<16xi32>
      %swap3A_485 = vector.shape_cast %get3A_462 : vector<16xi32> to vector<16xi32>
      tpu.vector_store %arg19[%swap3A_482], %swap3A_485 {strides = array<i32>} : memref<128xi32, #tpu.memory_space<vmem>>, vector<16xi32>,
      %get3A_486 = arith.constant 96 : index
      %get3A_487 = tpu.vector_load %arg13[%get3A_486] {strides = array<i32>} : memref<128xi32, #tpu.memory_space<vmem>>, vector<16xi32>,
      %get3A_488 = vector.shape_cast %get3A_487 : vector<16xi32> to vector<16xi32>
      %get3A_489 = arith.constant 96 : index
      %get3A_490 = tpu.vector_load %arg12[%get3A_489] {strides = array<i32>} : memref<128xi32, #tpu.memory_space<vmem>>, vector<16xi32>,
      %get3A_491 = vector.shape_cast %get3A_490 : vector<16xi32> to vector<16xi32>
      %get3A_492 = arith.constant 96 : index
      %get3A_493 = tpu.vector_load %arg11[%get3A_492] {strides = array<i32>} : memref<128xi32, #tpu.memory_space<vmem>>, vector<16xi32>,
      %get3A_494 = vector.shape_cast %get3A_493 : vector<16xi32> to vector<16xi32>
      %mul3A_495 = arith.constant 8 : i32
      %mul3A_496 = vector.broadcast %mul3A_495 : i32 to vector<16xi32>
      %mul3A_497 = arith.muli %get3A_494, %mul3A_496 : vector<16xi32>
      %add3A_498 = arith.addi %mul3A_497, %get3A_488 : vector<16xi32>
      %swap3A_499 = arith.constant 96 : index
      %swap3A_500 = tpu.vector_load %arg16[%swap3A_499] {strides = array<i32>} : memref<128xi32, #tpu.memory_space<vmem>>, vector<16xi32>,
      %swap3A_501 = vector.shape_cast %swap3A_500 : vector<16xi32> to vector<16xi32>
      %swap3A_502 = vector.shape_cast %add3A_498 : vector<16xi32> to vector<16xi32>
      tpu.vector_store %arg16[%swap3A_499], %swap3A_502 {strides = array<i32>} : memref<128xi32, #tpu.memory_space<vmem>>, vector<16xi32>,
      %mul3A_503 = arith.constant 8 : i32
      %mul3A_504 = vector.broadcast %mul3A_503 : i32 to vector<16xi32>
      %mul3A_505 = arith.muli %get3A_491, %mul3A_504 : vector<16xi32>
      %add3A_506 = arith.addi %mul3A_505, %get3A_488 : vector<16xi32>
      %swap3A_507 = arith.constant 96 : index
      %swap3A_508 = tpu.vector_load %arg17[%swap3A_507] {strides = array<i32>} : memref<128xi32, #tpu.memory_space<vmem>>, vector<16xi32>,
      %swap3A_509 = vector.shape_cast %swap3A_508 : vector<16xi32> to vector<16xi32>
      %swap3A_510 = vector.shape_cast %add3A_506 : vector<16xi32> to vector<16xi32>
      tpu.vector_store %arg17[%swap3A_507], %swap3A_510 {strides = array<i32>} : memref<128xi32, #tpu.memory_space<vmem>>, vector<16xi32>,
      %swap3A_511 = arith.constant 96 : index
      %swap3A_512 = tpu.vector_load %arg19[%swap3A_511] {strides = array<i32>} : memref<128xi32, #tpu.memory_space<vmem>>, vector<16xi32>,
      %swap3A_513 = vector.shape_cast %swap3A_512 : vector<16xi32> to vector<16xi32>
      %swap3A_514 = vector.shape_cast %get3A_491 : vector<16xi32> to vector<16xi32>
      tpu.vector_store %arg19[%swap3A_511], %swap3A_514 {strides = array<i32>} : memref<128xi32, #tpu.memory_space<vmem>>, vector<16xi32>,
      %get3A_515 = arith.constant 112 : index
      %get3A_516 = tpu.vector_load %arg13[%get3A_515] {strides = array<i32>} : memref<128xi32, #tpu.memory_space<vmem>>, vector<16xi32>,
      %get3A_517 = vector.shape_cast %get3A_516 : vector<16xi32> to vector<16xi32>
      %get3A_518 = arith.constant 112 : index
      %get3A_519 = tpu.vector_load %arg12[%get3A_518] {strides = array<i32>} : memref<128xi32, #tpu.memory_space<vmem>>, vector<16xi32>,
      %get3A_520 = vector.shape_cast %get3A_519 : vector<16xi32> to vector<16xi32>
      %get3A_521 = arith.constant 112 : index
      %get3A_522 = tpu.vector_load %arg11[%get3A_521] {strides = array<i32>} : memref<128xi32, #tpu.memory_space<vmem>>, vector<16xi32>,
      %get3A_523 = vector.shape_cast %get3A_522 : vector<16xi32> to vector<16xi32>
      %mul3A_524 = arith.constant 8 : i32
      %mul3A_525 = vector.broadcast %mul3A_524 : i32 to vector<16xi32>
      %mul3A_526 = arith.muli %get3A_523, %mul3A_525 : vector<16xi32>
      %add3A_527 = arith.addi %mul3A_526, %get3A_517 : vector<16xi32>
      %swap3A_528 = arith.constant 112 : index
      %swap3A_529 = tpu.vector_load %arg16[%swap3A_528] {strides = array<i32>} : memref<128xi32, #tpu.memory_space<vmem>>, vector<16xi32>,
      %swap3A_530 = vector.shape_cast %swap3A_529 : vector<16xi32> to vector<16xi32>
      %swap3A_531 = vector.shape_cast %add3A_527 : vector<16xi32> to vector<16xi32>
      tpu.vector_store %arg16[%swap3A_528], %swap3A_531 {strides = array<i32>} : memref<128xi32, #tpu.memory_space<vmem>>, vector<16xi32>,
      %mul3A_532 = arith.constant 8 : i32
      %mul3A_533 = vector.broadcast %mul3A_532 : i32 to vector<16xi32>
      %mul3A_534 = arith.muli %get3A_520, %mul3A_533 : vector<16xi32>
      %add3A_535 = arith.addi %mul3A_534, %get3A_517 : vector<16xi32>
      %swap3A_536 = arith.constant 112 : index
      %swap3A_537 = tpu.vector_load %arg17[%swap3A_536] {strides = array<i32>} : memref<128xi32, #tpu.memory_space<vmem>>, vector<16xi32>,
      %swap3A_538 = vector.shape_cast %swap3A_537 : vector<16xi32> to vector<16xi32>
      %swap3A_539 = vector.shape_cast %add3A_535 : vector<16xi32> to vector<16xi32>
      tpu.vector_store %arg17[%swap3A_536], %swap3A_539 {strides = array<i32>} : memref<128xi32, #tpu.memory_space<vmem>>, vector<16xi32>,
      %swap3A_540 = arith.constant 112 : index
      %swap3A_541 = tpu.vector_load %arg19[%swap3A_540] {strides = array<i32>} : memref<128xi32, #tpu.memory_space<vmem>>, vector<16xi32>,
      %swap3A_542 = vector.shape_cast %swap3A_541 : vector<16xi32> to vector<16xi32>
      %swap3A_543 = vector.shape_cast %get3A_520 : vector<16xi32> to vector<16xi32>
      tpu.vector_store %arg19[%swap3A_540], %swap3A_543 {strides = array<i32>} : memref<128xi32, #tpu.memory_space<vmem>>, vector<16xi32>,
      %dma_start3A_544 = arith.constant 0 : i32
      %dma_start3A_545 = arith.constant 0 : i32
      %dma_start3A_546 = tpu.memref_slice %arg5[%dma_start3A_544, %dma_start3A_545] : memref<80000x16xf32, #tpu.memory_space<hbm>> -> memref<80000x16xf32, #tpu.memory_space<hbm>>
      tpu.enqueue_indirect_dma source(%dma_start3A_546 : memref<80000x16xf32, #tpu.memory_space<hbm>>) target(%arg21 : memref<128x16xf32, #tpu.memory_space<vmem>>) offsets(%arg16 : memref<128xi32, #tpu.memory_space<vmem>>) semaphore(%arg29 : memref<!tpu.dma_semaphore, #tpu.memory_space<semaphore_mem>>)
      %dma_start3A_547 = arith.constant 0 : i32
      %dma_start3A_548 = tpu.memref_slice %arg6[%dma_start3A_547] : memref<80128xf32, #tpu.memory_space<hbm>> -> memref<80128xf32, #tpu.memory_space<hbm>>
      tpu.enqueue_indirect_dma source(%dma_start3A_548 : memref<80128xf32, #tpu.memory_space<hbm>>) target(%arg23 : memref<128xf32, #tpu.memory_space<vmem>>) offsets(%arg17 : memref<128xi32, #tpu.memory_space<vmem>>) semaphore(%arg29 : memref<!tpu.dma_semaphore, #tpu.memory_space<semaphore_mem>>)
      %dma_wait3A_549 = arith.constant 0 : i32
      %dma_wait3A_550 = arith.constant 0 : i32
      %dma_wait3A_551 = tpu.memref_slice %arg5[%dma_wait3A_549, %dma_wait3A_550] : memref<80000x16xf32, #tpu.memory_space<hbm>> -> memref<80000x16xf32, #tpu.memory_space<hbm>>
      tpu.wait_indirect_dma semaphore(%arg28 : memref<!tpu.dma_semaphore, #tpu.memory_space<semaphore_mem>>) src(%dma_wait3A_551 : memref<80000x16xf32, #tpu.memory_space<hbm>>) dst(%arg20 : memref<128x16xf32, #tpu.memory_space<vmem>>)
      %dma_wait3A_552 = arith.constant 0 : i32
      %dma_wait3A_553 = tpu.memref_slice %arg6[%dma_wait3A_552] : memref<80128xf32, #tpu.memory_space<hbm>> -> memref<80128xf32, #tpu.memory_space<hbm>>
      tpu.wait_indirect_dma semaphore(%arg28 : memref<!tpu.dma_semaphore, #tpu.memory_space<semaphore_mem>>) src(%dma_wait3A_553 : memref<80128xf32, #tpu.memory_space<hbm>>) dst(%arg22 : memref<128xf32, #tpu.memory_space<vmem>>)
      %scan3A_554 = arith.constant 0 : i32
      %scan3A_555 = arith.constant 0 : i32
      %scan3A_556 = arith.constant 8 : i32
      %scan3A_557 = arith.addi %scan3A_555, %scan3A_556 : i32
      %scan3A_558 = arith.constant 1 : i32
      %scan3A_559 = scf.for %scan3A_583 = %scan3A_555 to %scan3A_557 step %scan3A_558 iter_args(%scan3A_584 = %scan3A_554) -> (i32)  : i32 {
        %mul3A_585 = arith.constant 16 : i32
        %mul3A_586 = arith.muli %scan3A_583, %mul3A_585 : i32
        %get3A_587 = arith.index_cast %mul3A_586 : i32 to index
        %get3A_588 = tpu.vector_load %arg22[%get3A_587] {strides = array<i32>} : memref<128xf32, #tpu.memory_space<vmem>>, vector<16xf32>,
        %get3A_589 = vector.shape_cast %get3A_588 : vector<16xf32> to vector<16xf32>
        %slice3A = vector.extract_strided_slice %get3A_589 {offsets = [0], sizes = [1], strides = [1]} : vector<16xf32> to vector<1xf32>
        %squeeze3A = vector.extract %slice3A[0] : f32 from vector<1xf32>
        %mul3A_590 = arith.constant 16 : i32
        %mul3A_591 = arith.muli %scan3A_583, %mul3A_590 : i32
        %add3A_592 = arith.constant 0 : i32
        %add3A_593 = arith.addi %mul3A_591, %add3A_592 : i32
        %get3A_594 = arith.index_cast %add3A_593 : i32 to index
        %get3A_595 = arith.constant 0 : index
        %get3A_596 = tpu.vector_load %arg20[%get3A_594, %get3A_595] {strides = array<i32>} : memref<128x16xf32, #tpu.memory_space<vmem>>, vector<1x16xf32>,
        %get3A_597 = vector.shape_cast %get3A_596 : vector<1x16xf32> to vector<16xf32>
        %mul3A_598 = vector.broadcast %squeeze3A : f32 to vector<16xf32>
        %mul3A_599 = arith.mulf %get3A_597, %mul3A_598 : vector<16xf32>
        %swap3A_600 = arith.index_cast %add3A_593 : i32 to index
        %swap3A_601 = arith.constant 0 : index
        %swap3A_602 = tpu.vector_load %arg20[%swap3A_600, %swap3A_601] {strides = array<i32>} : memref<128x16xf32, #tpu.memory_space<vmem>>, vector<1x16xf32>,
        %swap3A_603 = vector.shape_cast %swap3A_602 : vector<1x16xf32> to vector<16xf32>
        %swap3A_604 = vector.shape_cast %mul3A_599 : vector<16xf32> to vector<1x16xf32>
        tpu.vector_store %arg20[%swap3A_600, %swap3A_601], %swap3A_604 {strides = array<i32>} : memref<128x16xf32, #tpu.memory_space<vmem>>, vector<1x16xf32>,
        %slice3A_605 = vector.extract_strided_slice %get3A_589 {offsets = [1], sizes = [1], strides = [1]} : vector<16xf32> to vector<1xf32>
        %squeeze3A_606 = vector.extract %slice3A_605[0] : f32 from vector<1xf32>
        %mul3A_607 = arith.constant 16 : i32
        %mul3A_608 = arith.muli %scan3A_583, %mul3A_607 : i32
        %add3A_609 = arith.constant 1 : i32
        %add3A_610 = arith.addi %mul3A_608, %add3A_609 : i32
        %get3A_611 = arith.index_cast %add3A_610 : i32 to index
        %get3A_612 = arith.constant 0 : index
        %get3A_613 = tpu.vector_load %arg20[%get3A_611, %get3A_612] {strides = array<i32>} : memref<128x16xf32, #tpu.memory_space<vmem>>, vector<1x16xf32>,
        %get3A_614 = vector.shape_cast %get3A_613 : vector<1x16xf32> to vector<16xf32>
        %mul3A_615 = vector.broadcast %squeeze3A_606 : f32 to vector<16xf32>
        %mul3A_616 = arith.mulf %get3A_614, %mul3A_615 : vector<16xf32>
        %swap3A_617 = arith.index_cast %add3A_610 : i32 to index
        %swap3A_618 = arith.constant 0 : index
        %swap3A_619 = tpu.vector_load %arg20[%swap3A_617, %swap3A_618] {strides = array<i32>} : memref<128x16xf32, #tpu.memory_space<vmem>>, vector<1x16xf32>,
        %swap3A_620 = vector.shape_cast %swap3A_619 : vector<1x16xf32> to vector<16xf32>
        %swap3A_621 = vector.shape_cast %mul3A_616 : vector<16xf32> to vector<1x16xf32>
        tpu.vector_store %arg20[%swap3A_617, %swap3A_618], %swap3A_621 {strides = array<i32>} : memref<128x16xf32, #tpu.memory_space<vmem>>, vector<1x16xf32>,
        %slice3A_622 = vector.extract_strided_slice %get3A_589 {offsets = [2], sizes = [1], strides = [1]} : vector<16xf32> to vector<1xf32>
        %squeeze3A_623 = vector.extract %slice3A_622[0] : f32 from vector<1xf32>
        %mul3A_624 = arith.constant 16 : i32
        %mul3A_625 = arith.muli %scan3A_583, %mul3A_624 : i32
        %add3A_626 = arith.constant 2 : i32
        %add3A_627 = arith.addi %mul3A_625, %add3A_626 : i32
        %get3A_628 = arith.index_cast %add3A_627 : i32 to index
        %get3A_629 = arith.constant 0 : index
        %get3A_630 = tpu.vector_load %arg20[%get3A_628, %get3A_629] {strides = array<i32>} : memref<128x16xf32, #tpu.memory_space<vmem>>, vector<1x16xf32>,
        %get3A_631 = vector.shape_cast %get3A_630 : vector<1x16xf32> to vector<16xf32>
        %mul3A_632 = vector.broadcast %squeeze3A_623 : f32 to vector<16xf32>
        %mul3A_633 = arith.mulf %get3A_631, %mul3A_632 : vector<16xf32>
        %swap3A_634 = arith.index_cast %add3A_627 : i32 to index
        %swap3A_635 = arith.constant 0 : index
        %swap3A_636 = tpu.vector_load %arg20[%swap3A_634, %swap3A_635] {strides = array<i32>} : memref<128x16xf32, #tpu.memory_space<vmem>>, vector<1x16xf32>,
        %swap3A_637 = vector.shape_cast %swap3A_636 : vector<1x16xf32> to vector<16xf32>
        %swap3A_638 = vector.shape_cast %mul3A_633 : vector<16xf32> to vector<1x16xf32>
        tpu.vector_store %arg20[%swap3A_634, %swap3A_635], %swap3A_638 {strides = array<i32>} : memref<128x16xf32, #tpu.memory_space<vmem>>, vector<1x16xf32>,
        %slice3A_639 = vector.extract_strided_slice %get3A_589 {offsets = [3], sizes = [1], strides = [1]} : vector<16xf32> to vector<1xf32>
        %squeeze3A_640 = vector.extract %slice3A_639[0] : f32 from vector<1xf32>
        %mul3A_641 = arith.constant 16 : i32
        %mul3A_642 = arith.muli %scan3A_583, %mul3A_641 : i32
        %add3A_643 = arith.constant 3 : i32
        %add3A_644 = arith.addi %mul3A_642, %add3A_643 : i32
        %get3A_645 = arith.index_cast %add3A_644 : i32 to index
        %get3A_646 = arith.constant 0 : index
        %get3A_647 = tpu.vector_load %arg20[%get3A_645, %get3A_646] {strides = array<i32>} : memref<128x16xf32, #tpu.memory_space<vmem>>, vector<1x16xf32>,
        %get3A_648 = vector.shape_cast %get3A_647 : vector<1x16xf32> to vector<16xf32>
        %mul3A_649 = vector.broadcast %squeeze3A_640 : f32 to vector<16xf32>
        %mul3A_650 = arith.mulf %get3A_648, %mul3A_649 : vector<16xf32>
        %swap3A_651 = arith.index_cast %add3A_644 : i32 to index
        %swap3A_652 = arith.constant 0 : index
        %swap3A_653 = tpu.vector_load %arg20[%swap3A_651, %swap3A_652] {strides = array<i32>} : memref<128x16xf32, #tpu.memory_space<vmem>>, vector<1x16xf32>,
        %swap3A_654 = vector.shape_cast %swap3A_653 : vector<1x16xf32> to vector<16xf32>
        %swap3A_655 = vector.shape_cast %mul3A_650 : vector<16xf32> to vector<1x16xf32>
        tpu.vector_store %arg20[%swap3A_651, %swap3A_652], %swap3A_655 {strides = array<i32>} : memref<128x16xf32, #tpu.memory_space<vmem>>, vector<1x16xf32>,
        %slice3A_656 = vector.extract_strided_slice %get3A_589 {offsets = [4], sizes = [1], strides = [1]} : vector<16xf32> to vector<1xf32>
        %squeeze3A_657 = vector.extract %slice3A_656[0] : f32 from vector<1xf32>
        %mul3A_658 = arith.constant 16 : i32
        %mul3A_659 = arith.muli %scan3A_583, %mul3A_658 : i32
        %add3A_660 = arith.constant 4 : i32
        %add3A_661 = arith.addi %mul3A_659, %add3A_660 : i32
        %get3A_662 = arith.index_cast %add3A_661 : i32 to index
        %get3A_663 = arith.constant 0 : index
        %get3A_664 = tpu.vector_load %arg20[%get3A_662, %get3A_663] {strides = array<i32>} : memref<128x16xf32, #tpu.memory_space<vmem>>, vector<1x16xf32>,
        %get3A_665 = vector.shape_cast %get3A_664 : vector<1x16xf32> to vector<16xf32>
        %mul3A_666 = vector.broadcast %squeeze3A_657 : f32 to vector<16xf32>
        %mul3A_667 = arith.mulf %get3A_665, %mul3A_666 : vector<16xf32>
        %swap3A_668 = arith.index_cast %add3A_661 : i32 to index
        %swap3A_669 = arith.constant 0 : index
        %swap3A_670 = tpu.vector_load %arg20[%swap3A_668, %swap3A_669] {strides = array<i32>} : memref<128x16xf32, #tpu.memory_space<vmem>>, vector<1x16xf32>,
        %swap3A_671 = vector.shape_cast %swap3A_670 : vector<1x16xf32> to vector<16xf32>
        %swap3A_672 = vector.shape_cast %mul3A_667 : vector<16xf32> to vector<1x16xf32>
        tpu.vector_store %arg20[%swap3A_668, %swap3A_669], %swap3A_672 {strides = array<i32>} : memref<128x16xf32, #tpu.memory_space<vmem>>, vector<1x16xf32>,
        %slice3A_673 = vector.extract_strided_slice %get3A_589 {offsets = [5], sizes = [1], strides = [1]} : vector<16xf32> to vector<1xf32>
        %squeeze3A_674 = vector.extract %slice3A_673[0] : f32 from vector<1xf32>
        %mul3A_675 = arith.constant 16 : i32
        %mul3A_676 = arith.muli %scan3A_583, %mul3A_675 : i32
        %add3A_677 = arith.constant 5 : i32
        %add3A_678 = arith.addi %mul3A_676, %add3A_677 : i32
        %get3A_679 = arith.index_cast %add3A_678 : i32 to index
        %get3A_680 = arith.constant 0 : index
        %get3A_681 = tpu.vector_load %arg20[%get3A_679, %get3A_680] {strides = array<i32>} : memref<128x16xf32, #tpu.memory_space<vmem>>, vector<1x16xf32>,
        %get3A_682 = vector.shape_cast %get3A_681 : vector<1x16xf32> to vector<16xf32>
        %mul3A_683 = vector.broadcast %squeeze3A_674 : f32 to vector<16xf32>
        %mul3A_684 = arith.mulf %get3A_682, %mul3A_683 : vector<16xf32>
        %swap3A_685 = arith.index_cast %add3A_678 : i32 to index
        %swap3A_686 = arith.constant 0 : index
        %swap3A_687 = tpu.vector_load %arg20[%swap3A_685, %swap3A_686] {strides = array<i32>} : memref<128x16xf32, #tpu.memory_space<vmem>>, vector<1x16xf32>,
        %swap3A_688 = vector.shape_cast %swap3A_687 : vector<1x16xf32> to vector<16xf32>
        %swap3A_689 = vector.shape_cast %mul3A_684 : vector<16xf32> to vector<1x16xf32>
        tpu.vector_store %arg20[%swap3A_685, %swap3A_686], %swap3A_689 {strides = array<i32>} : memref<128x16xf32, #tpu.memory_space<vmem>>, vector<1x16xf32>,
        %slice3A_690 = vector.extract_strided_slice %get3A_589 {offsets = [6], sizes = [1], strides = [1]} : vector<16xf32> to vector<1xf32>
        %squeeze3A_691 = vector.extract %slice3A_690[0] : f32 from vector<1xf32>
        %mul3A_692 = arith.constant 16 : i32
        %mul3A_693 = arith.muli %scan3A_583, %mul3A_692 : i32
        %add3A_694 = arith.constant 6 : i32
        %add3A_695 = arith.addi %mul3A_693, %add3A_694 : i32
        %get3A_696 = arith.index_cast %add3A_695 : i32 to index
        %get3A_697 = arith.constant 0 : index
        %get3A_698 = tpu.vector_load %arg20[%get3A_696, %get3A_697] {strides = array<i32>} : memref<128x16xf32, #tpu.memory_space<vmem>>, vector<1x16xf32>,
        %get3A_699 = vector.shape_cast %get3A_698 : vector<1x16xf32> to vector<16xf32>
        %mul3A_700 = vector.broadcast %squeeze3A_691 : f32 to vector<16xf32>
        %mul3A_701 = arith.mulf %get3A_699, %mul3A_700 : vector<16xf32>
        %swap3A_702 = arith.index_cast %add3A_695 : i32 to index
        %swap3A_703 = arith.constant 0 : index
        %swap3A_704 = tpu.vector_load %arg20[%swap3A_702, %swap3A_703] {strides = array<i32>} : memref<128x16xf32, #tpu.memory_space<vmem>>, vector<1x16xf32>,
        %swap3A_705 = vector.shape_cast %swap3A_704 : vector<1x16xf32> to vector<16xf32>
        %swap3A_706 = vector.shape_cast %mul3A_701 : vector<16xf32> to vector<1x16xf32>
        tpu.vector_store %arg20[%swap3A_702, %swap3A_703], %swap3A_706 {strides = array<i32>} : memref<128x16xf32, #tpu.memory_space<vmem>>, vector<1x16xf32>,
        %slice3A_707 = vector.extract_strided_slice %get3A_589 {offsets = [7], sizes = [1], strides = [1]} : vector<16xf32> to vector<1xf32>
        %squeeze3A_708 = vector.extract %slice3A_707[0] : f32 from vector<1xf32>
        %mul3A_709 = arith.constant 16 : i32
        %mul3A_710 = arith.muli %scan3A_583, %mul3A_709 : i32
        %add3A_711 = arith.constant 7 : i32
        %add3A_712 = arith.addi %mul3A_710, %add3A_711 : i32
        %get3A_713 = arith.index_cast %add3A_712 : i32 to index
        %get3A_714 = arith.constant 0 : index
        %get3A_715 = tpu.vector_load %arg20[%get3A_713, %get3A_714] {strides = array<i32>} : memref<128x16xf32, #tpu.memory_space<vmem>>, vector<1x16xf32>,
        %get3A_716 = vector.shape_cast %get3A_715 : vector<1x16xf32> to vector<16xf32>
        %mul3A_717 = vector.broadcast %squeeze3A_708 : f32 to vector<16xf32>
        %mul3A_718 = arith.mulf %get3A_716, %mul3A_717 : vector<16xf32>
        %swap3A_719 = arith.index_cast %add3A_712 : i32 to index
        %swap3A_720 = arith.constant 0 : index
        %swap3A_721 = tpu.vector_load %arg20[%swap3A_719, %swap3A_720] {strides = array<i32>} : memref<128x16xf32, #tpu.memory_space<vmem>>, vector<1x16xf32>,
        %swap3A_722 = vector.shape_cast %swap3A_721 : vector<1x16xf32> to vector<16xf32>
        %swap3A_723 = vector.shape_cast %mul3A_718 : vector<16xf32> to vector<1x16xf32>
        tpu.vector_store %arg20[%swap3A_719, %swap3A_720], %swap3A_723 {strides = array<i32>} : memref<128x16xf32, #tpu.memory_space<vmem>>, vector<1x16xf32>,
        %slice3A_724 = vector.extract_strided_slice %get3A_589 {offsets = [8], sizes = [1], strides = [1]} : vector<16xf32> to vector<1xf32>
        %squeeze3A_725 = vector.extract %slice3A_724[0] : f32 from vector<1xf32>
        %mul3A_726 = arith.constant 16 : i32
        %mul3A_727 = arith.muli %scan3A_583, %mul3A_726 : i32
        %add3A_728 = arith.constant 8 : i32
        %add3A_729 = arith.addi %mul3A_727, %add3A_728 : i32
        %get3A_730 = arith.index_cast %add3A_729 : i32 to index
        %get3A_731 = arith.constant 0 : index
        %get3A_732 = tpu.vector_load %arg20[%get3A_730, %get3A_731] {strides = array<i32>} : memref<128x16xf32, #tpu.memory_space<vmem>>, vector<1x16xf32>,
        %get3A_733 = vector.shape_cast %get3A_732 : vector<1x16xf32> to vector<16xf32>
        %mul3A_734 = vector.broadcast %squeeze3A_725 : f32 to vector<16xf32>
        %mul3A_735 = arith.mulf %get3A_733, %mul3A_734 : vector<16xf32>
        %swap3A_736 = arith.index_cast %add3A_729 : i32 to index
        %swap3A_737 = arith.constant 0 : index
        %swap3A_738 = tpu.vector_load %arg20[%swap3A_736, %swap3A_737] {strides = array<i32>} : memref<128x16xf32, #tpu.memory_space<vmem>>, vector<1x16xf32>,
        %swap3A_739 = vector.shape_cast %swap3A_738 : vector<1x16xf32> to vector<16xf32>
        %swap3A_740 = vector.shape_cast %mul3A_735 : vector<16xf32> to vector<1x16xf32>
        tpu.vector_store %arg20[%swap3A_736, %swap3A_737], %swap3A_740 {strides = array<i32>} : memref<128x16xf32, #tpu.memory_space<vmem>>, vector<1x16xf32>,
        %slice3A_741 = vector.extract_strided_slice %get3A_589 {offsets = [9], sizes = [1], strides = [1]} : vector<16xf32> to vector<1xf32>
        %squeeze3A_742 = vector.extract %slice3A_741[0] : f32 from vector<1xf32>
        %mul3A_743 = arith.constant 16 : i32
        %mul3A_744 = arith.muli %scan3A_583, %mul3A_743 : i32
        %add3A_745 = arith.constant 9 : i32
        %add3A_746 = arith.addi %mul3A_744, %add3A_745 : i32
        %get3A_747 = arith.index_cast %add3A_746 : i32 to index
        %get3A_748 = arith.constant 0 : index
        %get3A_749 = tpu.vector_load %arg20[%get3A_747, %get3A_748] {strides = array<i32>} : memref<128x16xf32, #tpu.memory_space<vmem>>, vector<1x16xf32>,
        %get3A_750 = vector.shape_cast %get3A_749 : vector<1x16xf32> to vector<16xf32>
        %mul3A_751 = vector.broadcast %squeeze3A_742 : f32 to vector<16xf32>
        %mul3A_752 = arith.mulf %get3A_750, %mul3A_751 : vector<16xf32>
        %swap3A_753 = arith.index_cast %add3A_746 : i32 to index
        %swap3A_754 = arith.constant 0 : index
        %swap3A_755 = tpu.vector_load %arg20[%swap3A_753, %swap3A_754] {strides = array<i32>} : memref<128x16xf32, #tpu.memory_space<vmem>>, vector<1x16xf32>,
        %swap3A_756 = vector.shape_cast %swap3A_755 : vector<1x16xf32> to vector<16xf32>
        %swap3A_757 = vector.shape_cast %mul3A_752 : vector<16xf32> to vector<1x16xf32>
        tpu.vector_store %arg20[%swap3A_753, %swap3A_754], %swap3A_757 {strides = array<i32>} : memref<128x16xf32, #tpu.memory_space<vmem>>, vector<1x16xf32>,
        %slice3A_758 = vector.extract_strided_slice %get3A_589 {offsets = [10], sizes = [1], strides = [1]} : vector<16xf32> to vector<1xf32>
        %squeeze3A_759 = vector.extract %slice3A_758[0] : f32 from vector<1xf32>
        %mul3A_760 = arith.constant 16 : i32
        %mul3A_761 = arith.muli %scan3A_583, %mul3A_760 : i32
        %add3A_762 = arith.constant 10 : i32
        %add3A_763 = arith.addi %mul3A_761, %add3A_762 : i32
        %get3A_764 = arith.index_cast %add3A_763 : i32 to index
        %get3A_765 = arith.constant 0 : index
        %get3A_766 = tpu.vector_load %arg20[%get3A_764, %get3A_765] {strides = array<i32>} : memref<128x16xf32, #tpu.memory_space<vmem>>, vector<1x16xf32>,
        %get3A_767 = vector.shape_cast %get3A_766 : vector<1x16xf32> to vector<16xf32>
        %mul3A_768 = vector.broadcast %squeeze3A_759 : f32 to vector<16xf32>
        %mul3A_769 = arith.mulf %get3A_767, %mul3A_768 : vector<16xf32>
        %swap3A_770 = arith.index_cast %add3A_763 : i32 to index
        %swap3A_771 = arith.constant 0 : index
        %swap3A_772 = tpu.vector_load %arg20[%swap3A_770, %swap3A_771] {strides = array<i32>} : memref<128x16xf32, #tpu.memory_space<vmem>>, vector<1x16xf32>,
        %swap3A_773 = vector.shape_cast %swap3A_772 : vector<1x16xf32> to vector<16xf32>
        %swap3A_774 = vector.shape_cast %mul3A_769 : vector<16xf32> to vector<1x16xf32>
        tpu.vector_store %arg20[%swap3A_770, %swap3A_771], %swap3A_774 {strides = array<i32>} : memref<128x16xf32, #tpu.memory_space<vmem>>, vector<1x16xf32>,
        %slice3A_775 = vector.extract_strided_slice %get3A_589 {offsets = [11], sizes = [1], strides = [1]} : vector<16xf32> to vector<1xf32>
        %squeeze3A_776 = vector.extract %slice3A_775[0] : f32 from vector<1xf32>
        %mul3A_777 = arith.constant 16 : i32
        %mul3A_778 = arith.muli %scan3A_583, %mul3A_777 : i32
        %add3A_779 = arith.constant 11 : i32
        %add3A_780 = arith.addi %mul3A_778, %add3A_779 : i32
        %get3A_781 = arith.index_cast %add3A_780 : i32 to index
        %get3A_782 = arith.constant 0 : index
        %get3A_783 = tpu.vector_load %arg20[%get3A_781, %get3A_782] {strides = array<i32>} : memref<128x16xf32, #tpu.memory_space<vmem>>, vector<1x16xf32>,
        %get3A_784 = vector.shape_cast %get3A_783 : vector<1x16xf32> to vector<16xf32>
        %mul3A_785 = vector.broadcast %squeeze3A_776 : f32 to vector<16xf32>
        %mul3A_786 = arith.mulf %get3A_784, %mul3A_785 : vector<16xf32>
        %swap3A_787 = arith.index_cast %add3A_780 : i32 to index
        %swap3A_788 = arith.constant 0 : index
        %swap3A_789 = tpu.vector_load %arg20[%swap3A_787, %swap3A_788] {strides = array<i32>} : memref<128x16xf32, #tpu.memory_space<vmem>>, vector<1x16xf32>,
        %swap3A_790 = vector.shape_cast %swap3A_789 : vector<1x16xf32> to vector<16xf32>
        %swap3A_791 = vector.shape_cast %mul3A_786 : vector<16xf32> to vector<1x16xf32>
        tpu.vector_store %arg20[%swap3A_787, %swap3A_788], %swap3A_791 {strides = array<i32>} : memref<128x16xf32, #tpu.memory_space<vmem>>, vector<1x16xf32>,
        %slice3A_792 = vector.extract_strided_slice %get3A_589 {offsets = [12], sizes = [1], strides = [1]} : vector<16xf32> to vector<1xf32>
        %squeeze3A_793 = vector.extract %slice3A_792[0] : f32 from vector<1xf32>
        %mul3A_794 = arith.constant 16 : i32
        %mul3A_795 = arith.muli %scan3A_583, %mul3A_794 : i32
        %add3A_796 = arith.constant 12 : i32
        %add3A_797 = arith.addi %mul3A_795, %add3A_796 : i32
        %get3A_798 = arith.index_cast %add3A_797 : i32 to index
        %get3A_799 = arith.constant 0 : index
        %get3A_800 = tpu.vector_load %arg20[%get3A_798, %get3A_799] {strides = array<i32>} : memref<128x16xf32, #tpu.memory_space<vmem>>, vector<1x16xf32>,
        %get3A_801 = vector.shape_cast %get3A_800 : vector<1x16xf32> to vector<16xf32>
        %mul3A_802 = vector.broadcast %squeeze3A_793 : f32 to vector<16xf32>
        %mul3A_803 = arith.mulf %get3A_801, %mul3A_802 : vector<16xf32>
        %swap3A_804 = arith.index_cast %add3A_797 : i32 to index
        %swap3A_805 = arith.constant 0 : index
        %swap3A_806 = tpu.vector_load %arg20[%swap3A_804, %swap3A_805] {strides = array<i32>} : memref<128x16xf32, #tpu.memory_space<vmem>>, vector<1x16xf32>,
        %swap3A_807 = vector.shape_cast %swap3A_806 : vector<1x16xf32> to vector<16xf32>
        %swap3A_808 = vector.shape_cast %mul3A_803 : vector<16xf32> to vector<1x16xf32>
        tpu.vector_store %arg20[%swap3A_804, %swap3A_805], %swap3A_808 {strides = array<i32>} : memref<128x16xf32, #tpu.memory_space<vmem>>, vector<1x16xf32>,
        %slice3A_809 = vector.extract_strided_slice %get3A_589 {offsets = [13], sizes = [1], strides = [1]} : vector<16xf32> to vector<1xf32>
        %squeeze3A_810 = vector.extract %slice3A_809[0] : f32 from vector<1xf32>
        %mul3A_811 = arith.constant 16 : i32
        %mul3A_812 = arith.muli %scan3A_583, %mul3A_811 : i32
        %add3A_813 = arith.constant 13 : i32
        %add3A_814 = arith.addi %mul3A_812, %add3A_813 : i32
        %get3A_815 = arith.index_cast %add3A_814 : i32 to index
        %get3A_816 = arith.constant 0 : index
        %get3A_817 = tpu.vector_load %arg20[%get3A_815, %get3A_816] {strides = array<i32>} : memref<128x16xf32, #tpu.memory_space<vmem>>, vector<1x16xf32>,
        %get3A_818 = vector.shape_cast %get3A_817 : vector<1x16xf32> to vector<16xf32>
        %mul3A_819 = vector.broadcast %squeeze3A_810 : f32 to vector<16xf32>
        %mul3A_820 = arith.mulf %get3A_818, %mul3A_819 : vector<16xf32>
        %swap3A_821 = arith.index_cast %add3A_814 : i32 to index
        %swap3A_822 = arith.constant 0 : index
        %swap3A_823 = tpu.vector_load %arg20[%swap3A_821, %swap3A_822] {strides = array<i32>} : memref<128x16xf32, #tpu.memory_space<vmem>>, vector<1x16xf32>,
        %swap3A_824 = vector.shape_cast %swap3A_823 : vector<1x16xf32> to vector<16xf32>
        %swap3A_825 = vector.shape_cast %mul3A_820 : vector<16xf32> to vector<1x16xf32>
        tpu.vector_store %arg20[%swap3A_821, %swap3A_822], %swap3A_825 {strides = array<i32>} : memref<128x16xf32, #tpu.memory_space<vmem>>, vector<1x16xf32>,
        %slice3A_826 = vector.extract_strided_slice %get3A_589 {offsets = [14], sizes = [1], strides = [1]} : vector<16xf32> to vector<1xf32>
        %squeeze3A_827 = vector.extract %slice3A_826[0] : f32 from vector<1xf32>
        %mul3A_828 = arith.constant 16 : i32
        %mul3A_829 = arith.muli %scan3A_583, %mul3A_828 : i32
        %add3A_830 = arith.constant 14 : i32
        %add3A_831 = arith.addi %mul3A_829, %add3A_830 : i32
        %get3A_832 = arith.index_cast %add3A_831 : i32 to index
        %get3A_833 = arith.constant 0 : index
        %get3A_834 = tpu.vector_load %arg20[%get3A_832, %get3A_833] {strides = array<i32>} : memref<128x16xf32, #tpu.memory_space<vmem>>, vector<1x16xf32>,
        %get3A_835 = vector.shape_cast %get3A_834 : vector<1x16xf32> to vector<16xf32>
        %mul3A_836 = vector.broadcast %squeeze3A_827 : f32 to vector<16xf32>
        %mul3A_837 = arith.mulf %get3A_835, %mul3A_836 : vector<16xf32>
        %swap3A_838 = arith.index_cast %add3A_831 : i32 to index
        %swap3A_839 = arith.constant 0 : index
        %swap3A_840 = tpu.vector_load %arg20[%swap3A_838, %swap3A_839] {strides = array<i32>} : memref<128x16xf32, #tpu.memory_space<vmem>>, vector<1x16xf32>,
        %swap3A_841 = vector.shape_cast %swap3A_840 : vector<1x16xf32> to vector<16xf32>
        %swap3A_842 = vector.shape_cast %mul3A_837 : vector<16xf32> to vector<1x16xf32>
        tpu.vector_store %arg20[%swap3A_838, %swap3A_839], %swap3A_842 {strides = array<i32>} : memref<128x16xf32, #tpu.memory_space<vmem>>, vector<1x16xf32>,
        %slice3A_843 = vector.extract_strided_slice %get3A_589 {offsets = [15], sizes = [1], strides = [1]} : vector<16xf32> to vector<1xf32>
        %squeeze3A_844 = vector.extract %slice3A_843[0] : f32 from vector<1xf32>
        %mul3A_845 = arith.constant 16 : i32
        %mul3A_846 = arith.muli %scan3A_583, %mul3A_845 : i32
        %add3A_847 = arith.constant 15 : i32
        %add3A_848 = arith.addi %mul3A_846, %add3A_847 : i32
        %get3A_849 = arith.index_cast %add3A_848 : i32 to index
        %get3A_850 = arith.constant 0 : index
        %get3A_851 = tpu.vector_load %arg20[%get3A_849, %get3A_850] {strides = array<i32>} : memref<128x16xf32, #tpu.memory_space<vmem>>, vector<1x16xf32>,
        %get3A_852 = vector.shape_cast %get3A_851 : vector<1x16xf32> to vector<16xf32>
        %mul3A_853 = vector.broadcast %squeeze3A_844 : f32 to vector<16xf32>
        %mul3A_854 = arith.mulf %get3A_852, %mul3A_853 : vector<16xf32>
        %swap3A_855 = arith.index_cast %add3A_848 : i32 to index
        %swap3A_856 = arith.constant 0 : index
        %swap3A_857 = tpu.vector_load %arg20[%swap3A_855, %swap3A_856] {strides = array<i32>} : memref<128x16xf32, #tpu.memory_space<vmem>>, vector<1x16xf32>,
        %swap3A_858 = vector.shape_cast %swap3A_857 : vector<1x16xf32> to vector<16xf32>
        %swap3A_859 = vector.shape_cast %mul3A_854 : vector<16xf32> to vector<1x16xf32>
        tpu.vector_store %arg20[%swap3A_855, %swap3A_856], %swap3A_859 {strides = array<i32>} : memref<128x16xf32, #tpu.memory_space<vmem>>, vector<1x16xf32>,
        %scan3A_860 = arith.constant 0 : i32
        scf.yield %scan3A_860 : i32
      }
      %scan3A_560 = arith.constant 8 : i32
      %dma_start3A_561 = arith.constant 0 : i32
      %dma_start3A_562 = arith.constant 0 : i32
      %dma_start3A_563 = tpu.memref_slice %arg25[%dma_start3A_561, %dma_start3A_562] : memref<10240x16xf32, #tpu.memory_space<vmem_shared>> -> memref<10240x16xf32, #tpu.memory_space<vmem_shared>>
      tpu.enqueue_indirect_dma source(%arg20 : memref<128x16xf32, #tpu.memory_space<vmem>>) target(%dma_start3A_563 : memref<10240x16xf32, #tpu.memory_space<vmem_shared>>) offsets(%arg18 : memref<128xi32, #tpu.memory_space<vmem>>) semaphore(%arg30 : memref<!tpu.dma_semaphore, #tpu.memory_space<semaphore_mem>>) {add = true}
      %convert_element_type3A_564 = arith.extui %lt3A_294 : i1 to i32
      %cond3A_565 = arith.constant 0 : i32
      %cond3A_566 = arith.cmpi ne, %convert_element_type3A_564, %cond3A_565 : i32
      scf.if %cond3A_566 {
        %add3A_583 = arith.constant 3 : i32
        %add3A_584 = arith.addi %mul3A_291, %add3A_583 : i32
        %mul3A_585 = arith.constant 128 : i32
        %mul3A_586 = arith.muli %add3A_584, %mul3A_585 : i32
        %add3A_587 = arith.addi %mul3A_2, %mul3A_586 : i32
        %dma_start3A_588 = tpu.memref_slice %arg2[%add3A_587] : memref<327680xi32, #tpu.memory_space<hbm>> -> memref<128xi32, #tpu.memory_space<hbm>>
        %dma_start3A_589 = tpu.memref_slice %arg2[%add3A_587] : memref<327680xi32, #tpu.memory_space<hbm>> -> memref<128xi32, #tpu.memory_space<hbm>>
        tpu.enqueue_dma source(%dma_start3A_589 : memref<128xi32, #tpu.memory_space<hbm>>) target(%arg11 : memref<128xi32, #tpu.memory_space<vmem>>) target_semaphore(%arg27 : memref<!tpu.dma_semaphore, #tpu.memory_space<semaphore_mem>>)
        %dma_start3A_590 = tpu.memref_slice %arg3[%add3A_587] : memref<327680xi32, #tpu.memory_space<hbm>> -> memref<128xi32, #tpu.memory_space<hbm>>
        %dma_start3A_591 = tpu.memref_slice %arg3[%add3A_587] : memref<327680xi32, #tpu.memory_space<hbm>> -> memref<128xi32, #tpu.memory_space<hbm>>
        tpu.enqueue_dma source(%dma_start3A_591 : memref<128xi32, #tpu.memory_space<hbm>>) target(%arg12 : memref<128xi32, #tpu.memory_space<vmem>>) target_semaphore(%arg27 : memref<!tpu.dma_semaphore, #tpu.memory_space<semaphore_mem>>)
        %dma_start3A_592 = tpu.memref_slice %arg4[%add3A_587] : memref<327680xi32, #tpu.memory_space<hbm>> -> memref<128xi32, #tpu.memory_space<hbm>>
        %dma_start3A_593 = tpu.memref_slice %arg4[%add3A_587] : memref<327680xi32, #tpu.memory_space<hbm>> -> memref<128xi32, #tpu.memory_space<hbm>>
        tpu.enqueue_dma source(%dma_start3A_593 : memref<128xi32, #tpu.memory_space<hbm>>) target(%arg13 : memref<128xi32, #tpu.memory_space<vmem>>) target_semaphore(%arg27 : memref<!tpu.dma_semaphore, #tpu.memory_space<semaphore_mem>>)
        %dma_wait3A_594 = arith.constant 0 : i32
        %dma_wait3A_595 = tpu.memref_slice %arg2[%dma_wait3A_594] : memref<327680xi32, #tpu.memory_space<hbm>> -> memref<128xi32, #tpu.memory_space<hbm>>
        %dma_wait3A_596 = arith.constant 0 : i32
        %dma_wait3A_597 = tpu.memref_slice %arg2[%dma_wait3A_596] : memref<327680xi32, #tpu.memory_space<hbm>> -> memref<128xi32, #tpu.memory_space<hbm>>
        tpu.wait_dma2 semaphore(%arg26 : memref<!tpu.dma_semaphore, #tpu.memory_space<semaphore_mem>>) src(%dma_wait3A_597 : memref<128xi32, #tpu.memory_space<hbm>>) dst(%arg8 : memref<128xi32, #tpu.memory_space<vmem>>)
        %dma_wait3A_598 = arith.constant 0 : i32
        %dma_wait3A_599 = tpu.memref_slice %arg3[%dma_wait3A_598] : memref<327680xi32, #tpu.memory_space<hbm>> -> memref<128xi32, #tpu.memory_space<hbm>>
        %dma_wait3A_600 = arith.constant 0 : i32
        %dma_wait3A_601 = tpu.memref_slice %arg3[%dma_wait3A_600] : memref<327680xi32, #tpu.memory_space<hbm>> -> memref<128xi32, #tpu.memory_space<hbm>>
        tpu.wait_dma2 semaphore(%arg26 : memref<!tpu.dma_semaphore, #tpu.memory_space<semaphore_mem>>) src(%dma_wait3A_601 : memref<128xi32, #tpu.memory_space<hbm>>) dst(%arg9 : memref<128xi32, #tpu.memory_space<vmem>>)
        %dma_wait3A_602 = arith.constant 0 : i32
        %dma_wait3A_603 = tpu.memref_slice %arg4[%dma_wait3A_602] : memref<327680xi32, #tpu.memory_space<hbm>> -> memref<128xi32, #tpu.memory_space<hbm>>
        %dma_wait3A_604 = arith.constant 0 : i32
        %dma_wait3A_605 = tpu.memref_slice %arg4[%dma_wait3A_604] : memref<327680xi32, #tpu.memory_space<hbm>> -> memref<128xi32, #tpu.memory_space<hbm>>
        tpu.wait_dma2 semaphore(%arg26 : memref<!tpu.dma_semaphore, #tpu.memory_space<semaphore_mem>>) src(%dma_wait3A_605 : memref<128xi32, #tpu.memory_space<hbm>>) dst(%arg10 : memref<128xi32, #tpu.memory_space<vmem>>)
        %dma_wait3A_606 = arith.constant 0 : i32
        %dma_wait3A_607 = arith.constant 0 : i32
        %dma_wait3A_608 = tpu.memref_slice %arg25[%dma_wait3A_606, %dma_wait3A_607] : memref<10240x16xf32, #tpu.memory_space<vmem_shared>> -> memref<10240x16xf32, #tpu.memory_space<vmem_shared>>
        tpu.wait_indirect_dma semaphore(%arg30 : memref<!tpu.dma_semaphore, #tpu.memory_space<semaphore_mem>>) src(%arg20 : memref<128x16xf32, #tpu.memory_space<vmem>>) dst(%dma_wait3A_608 : memref<10240x16xf32, #tpu.memory_space<vmem_shared>>)
        %get3A_609 = arith.constant 0 : index
        %get3A_610 = tpu.vector_load %arg10[%get3A_609] {strides = array<i32>} : memref<128xi32, #tpu.memory_space<vmem>>, vector<16xi32>,
        %get3A_611 = vector.shape_cast %get3A_610 : vector<16xi32> to vector<16xi32>
        %get3A_612 = arith.constant 0 : index
        %get3A_613 = tpu.vector_load %arg9[%get3A_612] {strides = array<i32>} : memref<128xi32, #tpu.memory_space<vmem>>, vector<16xi32>,
        %get3A_614 = vector.shape_cast %get3A_613 : vector<16xi32> to vector<16xi32>
        %get3A_615 = arith.constant 0 : index
        %get3A_616 = tpu.vector_load %arg8[%get3A_615] {strides = array<i32>} : memref<128xi32, #tpu.memory_space<vmem>>, vector<16xi32>,
        %get3A_617 = vector.shape_cast %get3A_616 : vector<16xi32> to vector<16xi32>
        %mul3A_618 = arith.constant 8 : i32
        %mul3A_619 = vector.broadcast %mul3A_618 : i32 to vector<16xi32>
        %mul3A_620 = arith.muli %get3A_617, %mul3A_619 : vector<16xi32>
        %add3A_621 = arith.addi %mul3A_620, %get3A_611 : vector<16xi32>
        %swap3A_622 = arith.constant 0 : index
        %swap3A_623 = tpu.vector_load %arg14[%swap3A_622] {strides = array<i32>} : memref<128xi32, #tpu.memory_space<vmem>>, vector<16xi32>,
        %swap3A_624 = vector.shape_cast %swap3A_623 : vector<16xi32> to vector<16xi32>
        %swap3A_625 = vector.shape_cast %add3A_621 : vector<16xi32> to vector<16xi32>
        tpu.vector_store %arg14[%swap3A_622], %swap3A_625 {strides = array<i32>} : memref<128xi32, #tpu.memory_space<vmem>>, vector<16xi32>,
        %mul3A_626 = arith.constant 8 : i32
        %mul3A_627 = vector.broadcast %mul3A_626 : i32 to vector<16xi32>
        %mul3A_628 = arith.muli %get3A_614, %mul3A_627 : vector<16xi32>
        %add3A_629 = arith.addi %mul3A_628, %get3A_611 : vector<16xi32>
        %swap3A_630 = arith.constant 0 : index
        %swap3A_631 = tpu.vector_load %arg15[%swap3A_630] {strides = array<i32>} : memref<128xi32, #tpu.memory_space<vmem>>, vector<16xi32>,
        %swap3A_632 = vector.shape_cast %swap3A_631 : vector<16xi32> to vector<16xi32>
        %swap3A_633 = vector.shape_cast %add3A_629 : vector<16xi32> to vector<16xi32>
        tpu.vector_store %arg15[%swap3A_630], %swap3A_633 {strides = array<i32>} : memref<128xi32, #tpu.memory_space<vmem>>, vector<16xi32>,
        %swap3A_634 = arith.constant 0 : index
        %swap3A_635 = tpu.vector_load %arg18[%swap3A_634] {strides = array<i32>} : memref<128xi32, #tpu.memory_space<vmem>>, vector<16xi32>,
        %swap3A_636 = vector.shape_cast %swap3A_635 : vector<16xi32> to vector<16xi32>
        %swap3A_637 = vector.shape_cast %get3A_614 : vector<16xi32> to vector<16xi32>
        tpu.vector_store %arg18[%swap3A_634], %swap3A_637 {strides = array<i32>} : memref<128xi32, #tpu.memory_space<vmem>>, vector<16xi32>,
        %get3A_638 = arith.constant 16 : index
        %get3A_639 = tpu.vector_load %arg10[%get3A_638] {strides = array<i32>} : memref<128xi32, #tpu.memory_space<vmem>>, vector<16xi32>,
        %get3A_640 = vector.shape_cast %get3A_639 : vector<16xi32> to vector<16xi32>
        %get3A_641 = arith.constant 16 : index
        %get3A_642 = tpu.vector_load %arg9[%get3A_641] {strides = array<i32>} : memref<128xi32, #tpu.memory_space<vmem>>, vector<16xi32>,
        %get3A_643 = vector.shape_cast %get3A_642 : vector<16xi32> to vector<16xi32>
        %get3A_644 = arith.constant 16 : index
        %get3A_645 = tpu.vector_load %arg8[%get3A_644] {strides = array<i32>} : memref<128xi32, #tpu.memory_space<vmem>>, vector<16xi32>,
        %get3A_646 = vector.shape_cast %get3A_645 : vector<16xi32> to vector<16xi32>
        %mul3A_647 = arith.constant 8 : i32
        %mul3A_648 = vector.broadcast %mul3A_647 : i32 to vector<16xi32>
        %mul3A_649 = arith.muli %get3A_646, %mul3A_648 : vector<16xi32>
        %add3A_650 = arith.addi %mul3A_649, %get3A_640 : vector<16xi32>
        %swap3A_651 = arith.constant 16 : index
        %swap3A_652 = tpu.vector_load %arg14[%swap3A_651] {strides = array<i32>} : memref<128xi32, #tpu.memory_space<vmem>>, vector<16xi32>,
        %swap3A_653 = vector.shape_cast %swap3A_652 : vector<16xi32> to vector<16xi32>
        %swap3A_654 = vector.shape_cast %add3A_650 : vector<16xi32> to vector<16xi32>
        tpu.vector_store %arg14[%swap3A_651], %swap3A_654 {strides = array<i32>} : memref<128xi32, #tpu.memory_space<vmem>>, vector<16xi32>,
        %mul3A_655 = arith.constant 8 : i32
        %mul3A_656 = vector.broadcast %mul3A_655 : i32 to vector<16xi32>
        %mul3A_657 = arith.muli %get3A_643, %mul3A_656 : vector<16xi32>
        %add3A_658 = arith.addi %mul3A_657, %get3A_640 : vector<16xi32>
        %swap3A_659 = arith.constant 16 : index
        %swap3A_660 = tpu.vector_load %arg15[%swap3A_659] {strides = array<i32>} : memref<128xi32, #tpu.memory_space<vmem>>, vector<16xi32>,
        %swap3A_661 = vector.shape_cast %swap3A_660 : vector<16xi32> to vector<16xi32>
        %swap3A_662 = vector.shape_cast %add3A_658 : vector<16xi32> to vector<16xi32>
        tpu.vector_store %arg15[%swap3A_659], %swap3A_662 {strides = array<i32>} : memref<128xi32, #tpu.memory_space<vmem>>, vector<16xi32>,
        %swap3A_663 = arith.constant 16 : index
        %swap3A_664 = tpu.vector_load %arg18[%swap3A_663] {strides = array<i32>} : memref<128xi32, #tpu.memory_space<vmem>>, vector<16xi32>,
        %swap3A_665 = vector.shape_cast %swap3A_664 : vector<16xi32> to vector<16xi32>
        %swap3A_666 = vector.shape_cast %get3A_643 : vector<16xi32> to vector<16xi32>
        tpu.vector_store %arg18[%swap3A_663], %swap3A_666 {strides = array<i32>} : memref<128xi32, #tpu.memory_space<vmem>>, vector<16xi32>,
        %get3A_667 = arith.constant 32 : index
        %get3A_668 = tpu.vector_load %arg10[%get3A_667] {strides = array<i32>} : memref<128xi32, #tpu.memory_space<vmem>>, vector<16xi32>,
        %get3A_669 = vector.shape_cast %get3A_668 : vector<16xi32> to vector<16xi32>
        %get3A_670 = arith.constant 32 : index
        %get3A_671 = tpu.vector_load %arg9[%get3A_670] {strides = array<i32>} : memref<128xi32, #tpu.memory_space<vmem>>, vector<16xi32>,
        %get3A_672 = vector.shape_cast %get3A_671 : vector<16xi32> to vector<16xi32>
        %get3A_673 = arith.constant 32 : index
        %get3A_674 = tpu.vector_load %arg8[%get3A_673] {strides = array<i32>} : memref<128xi32, #tpu.memory_space<vmem>>, vector<16xi32>,
        %get3A_675 = vector.shape_cast %get3A_674 : vector<16xi32> to vector<16xi32>
        %mul3A_676 = arith.constant 8 : i32
        %mul3A_677 = vector.broadcast %mul3A_676 : i32 to vector<16xi32>
        %mul3A_678 = arith.muli %get3A_675, %mul3A_677 : vector<16xi32>
        %add3A_679 = arith.addi %mul3A_678, %get3A_669 : vector<16xi32>
        %swap3A_680 = arith.constant 32 : index
        %swap3A_681 = tpu.vector_load %arg14[%swap3A_680] {strides = array<i32>} : memref<128xi32, #tpu.memory_space<vmem>>, vector<16xi32>,
        %swap3A_682 = vector.shape_cast %swap3A_681 : vector<16xi32> to vector<16xi32>
        %swap3A_683 = vector.shape_cast %add3A_679 : vector<16xi32> to vector<16xi32>
        tpu.vector_store %arg14[%swap3A_680], %swap3A_683 {strides = array<i32>} : memref<128xi32, #tpu.memory_space<vmem>>, vector<16xi32>,
        %mul3A_684 = arith.constant 8 : i32
        %mul3A_685 = vector.broadcast %mul3A_684 : i32 to vector<16xi32>
        %mul3A_686 = arith.muli %get3A_672, %mul3A_685 : vector<16xi32>
        %add3A_687 = arith.addi %mul3A_686, %get3A_669 : vector<16xi32>
        %swap3A_688 = arith.constant 32 : index
        %swap3A_689 = tpu.vector_load %arg15[%swap3A_688] {strides = array<i32>} : memref<128xi32, #tpu.memory_space<vmem>>, vector<16xi32>,
        %swap3A_690 = vector.shape_cast %swap3A_689 : vector<16xi32> to vector<16xi32>
        %swap3A_691 = vector.shape_cast %add3A_687 : vector<16xi32> to vector<16xi32>
        tpu.vector_store %arg15[%swap3A_688], %swap3A_691 {strides = array<i32>} : memref<128xi32, #tpu.memory_space<vmem>>, vector<16xi32>,
        %swap3A_692 = arith.constant 32 : index
        %swap3A_693 = tpu.vector_load %arg18[%swap3A_692] {strides = array<i32>} : memref<128xi32, #tpu.memory_space<vmem>>, vector<16xi32>,
        %swap3A_694 = vector.shape_cast %swap3A_693 : vector<16xi32> to vector<16xi32>
        %swap3A_695 = vector.shape_cast %get3A_672 : vector<16xi32> to vector<16xi32>
        tpu.vector_store %arg18[%swap3A_692], %swap3A_695 {strides = array<i32>} : memref<128xi32, #tpu.memory_space<vmem>>, vector<16xi32>,
        %get3A_696 = arith.constant 48 : index
        %get3A_697 = tpu.vector_load %arg10[%get3A_696] {strides = array<i32>} : memref<128xi32, #tpu.memory_space<vmem>>, vector<16xi32>,
        %get3A_698 = vector.shape_cast %get3A_697 : vector<16xi32> to vector<16xi32>
        %get3A_699 = arith.constant 48 : index
        %get3A_700 = tpu.vector_load %arg9[%get3A_699] {strides = array<i32>} : memref<128xi32, #tpu.memory_space<vmem>>, vector<16xi32>,
        %get3A_701 = vector.shape_cast %get3A_700 : vector<16xi32> to vector<16xi32>
        %get3A_702 = arith.constant 48 : index
        %get3A_703 = tpu.vector_load %arg8[%get3A_702] {strides = array<i32>} : memref<128xi32, #tpu.memory_space<vmem>>, vector<16xi32>,
        %get3A_704 = vector.shape_cast %get3A_703 : vector<16xi32> to vector<16xi32>
        %mul3A_705 = arith.constant 8 : i32
        %mul3A_706 = vector.broadcast %mul3A_705 : i32 to vector<16xi32>
        %mul3A_707 = arith.muli %get3A_704, %mul3A_706 : vector<16xi32>
        %add3A_708 = arith.addi %mul3A_707, %get3A_698 : vector<16xi32>
        %swap3A_709 = arith.constant 48 : index
        %swap3A_710 = tpu.vector_load %arg14[%swap3A_709] {strides = array<i32>} : memref<128xi32, #tpu.memory_space<vmem>>, vector<16xi32>,
        %swap3A_711 = vector.shape_cast %swap3A_710 : vector<16xi32> to vector<16xi32>
        %swap3A_712 = vector.shape_cast %add3A_708 : vector<16xi32> to vector<16xi32>
        tpu.vector_store %arg14[%swap3A_709], %swap3A_712 {strides = array<i32>} : memref<128xi32, #tpu.memory_space<vmem>>, vector<16xi32>,
        %mul3A_713 = arith.constant 8 : i32
        %mul3A_714 = vector.broadcast %mul3A_713 : i32 to vector<16xi32>
        %mul3A_715 = arith.muli %get3A_701, %mul3A_714 : vector<16xi32>
        %add3A_716 = arith.addi %mul3A_715, %get3A_698 : vector<16xi32>
        %swap3A_717 = arith.constant 48 : index
        %swap3A_718 = tpu.vector_load %arg15[%swap3A_717] {strides = array<i32>} : memref<128xi32, #tpu.memory_space<vmem>>, vector<16xi32>,
        %swap3A_719 = vector.shape_cast %swap3A_718 : vector<16xi32> to vector<16xi32>
        %swap3A_720 = vector.shape_cast %add3A_716 : vector<16xi32> to vector<16xi32>
        tpu.vector_store %arg15[%swap3A_717], %swap3A_720 {strides = array<i32>} : memref<128xi32, #tpu.memory_space<vmem>>, vector<16xi32>,
        %swap3A_721 = arith.constant 48 : index
        %swap3A_722 = tpu.vector_load %arg18[%swap3A_721] {strides = array<i32>} : memref<128xi32, #tpu.memory_space<vmem>>, vector<16xi32>,
        %swap3A_723 = vector.shape_cast %swap3A_722 : vector<16xi32> to vector<16xi32>
        %swap3A_724 = vector.shape_cast %get3A_701 : vector<16xi32> to vector<16xi32>
        tpu.vector_store %arg18[%swap3A_721], %swap3A_724 {strides = array<i32>} : memref<128xi32, #tpu.memory_space<vmem>>, vector<16xi32>,
        %get3A_725 = arith.constant 64 : index
        %get3A_726 = tpu.vector_load %arg10[%get3A_725] {strides = array<i32>} : memref<128xi32, #tpu.memory_space<vmem>>, vector<16xi32>,
        %get3A_727 = vector.shape_cast %get3A_726 : vector<16xi32> to vector<16xi32>
        %get3A_728 = arith.constant 64 : index
        %get3A_729 = tpu.vector_load %arg9[%get3A_728] {strides = array<i32>} : memref<128xi32, #tpu.memory_space<vmem>>, vector<16xi32>,
        %get3A_730 = vector.shape_cast %get3A_729 : vector<16xi32> to vector<16xi32>
        %get3A_731 = arith.constant 64 : index
        %get3A_732 = tpu.vector_load %arg8[%get3A_731] {strides = array<i32>} : memref<128xi32, #tpu.memory_space<vmem>>, vector<16xi32>,
        %get3A_733 = vector.shape_cast %get3A_732 : vector<16xi32> to vector<16xi32>
        %mul3A_734 = arith.constant 8 : i32
        %mul3A_735 = vector.broadcast %mul3A_734 : i32 to vector<16xi32>
        %mul3A_736 = arith.muli %get3A_733, %mul3A_735 : vector<16xi32>
        %add3A_737 = arith.addi %mul3A_736, %get3A_727 : vector<16xi32>
        %swap3A_738 = arith.constant 64 : index
        %swap3A_739 = tpu.vector_load %arg14[%swap3A_738] {strides = array<i32>} : memref<128xi32, #tpu.memory_space<vmem>>, vector<16xi32>,
        %swap3A_740 = vector.shape_cast %swap3A_739 : vector<16xi32> to vector<16xi32>
        %swap3A_741 = vector.shape_cast %add3A_737 : vector<16xi32> to vector<16xi32>
        tpu.vector_store %arg14[%swap3A_738], %swap3A_741 {strides = array<i32>} : memref<128xi32, #tpu.memory_space<vmem>>, vector<16xi32>,
        %mul3A_742 = arith.constant 8 : i32
        %mul3A_743 = vector.broadcast %mul3A_742 : i32 to vector<16xi32>
        %mul3A_744 = arith.muli %get3A_730, %mul3A_743 : vector<16xi32>
        %add3A_745 = arith.addi %mul3A_744, %get3A_727 : vector<16xi32>
        %swap3A_746 = arith.constant 64 : index
        %swap3A_747 = tpu.vector_load %arg15[%swap3A_746] {strides = array<i32>} : memref<128xi32, #tpu.memory_space<vmem>>, vector<16xi32>,
        %swap3A_748 = vector.shape_cast %swap3A_747 : vector<16xi32> to vector<16xi32>
        %swap3A_749 = vector.shape_cast %add3A_745 : vector<16xi32> to vector<16xi32>
        tpu.vector_store %arg15[%swap3A_746], %swap3A_749 {strides = array<i32>} : memref<128xi32, #tpu.memory_space<vmem>>, vector<16xi32>,
        %swap3A_750 = arith.constant 64 : index
        %swap3A_751 = tpu.vector_load %arg18[%swap3A_750] {strides = array<i32>} : memref<128xi32, #tpu.memory_space<vmem>>, vector<16xi32>,
        %swap3A_752 = vector.shape_cast %swap3A_751 : vector<16xi32> to vector<16xi32>
        %swap3A_753 = vector.shape_cast %get3A_730 : vector<16xi32> to vector<16xi32>
        tpu.vector_store %arg18[%swap3A_750], %swap3A_753 {strides = array<i32>} : memref<128xi32, #tpu.memory_space<vmem>>, vector<16xi32>,
        %get3A_754 = arith.constant 80 : index
        %get3A_755 = tpu.vector_load %arg10[%get3A_754] {strides = array<i32>} : memref<128xi32, #tpu.memory_space<vmem>>, vector<16xi32>,
        %get3A_756 = vector.shape_cast %get3A_755 : vector<16xi32> to vector<16xi32>
        %get3A_757 = arith.constant 80 : index
        %get3A_758 = tpu.vector_load %arg9[%get3A_757] {strides = array<i32>} : memref<128xi32, #tpu.memory_space<vmem>>, vector<16xi32>,
        %get3A_759 = vector.shape_cast %get3A_758 : vector<16xi32> to vector<16xi32>
        %get3A_760 = arith.constant 80 : index
        %get3A_761 = tpu.vector_load %arg8[%get3A_760] {strides = array<i32>} : memref<128xi32, #tpu.memory_space<vmem>>, vector<16xi32>,
        %get3A_762 = vector.shape_cast %get3A_761 : vector<16xi32> to vector<16xi32>
        %mul3A_763 = arith.constant 8 : i32
        %mul3A_764 = vector.broadcast %mul3A_763 : i32 to vector<16xi32>
        %mul3A_765 = arith.muli %get3A_762, %mul3A_764 : vector<16xi32>
        %add3A_766 = arith.addi %mul3A_765, %get3A_756 : vector<16xi32>
        %swap3A_767 = arith.constant 80 : index
        %swap3A_768 = tpu.vector_load %arg14[%swap3A_767] {strides = array<i32>} : memref<128xi32, #tpu.memory_space<vmem>>, vector<16xi32>,
        %swap3A_769 = vector.shape_cast %swap3A_768 : vector<16xi32> to vector<16xi32>
        %swap3A_770 = vector.shape_cast %add3A_766 : vector<16xi32> to vector<16xi32>
        tpu.vector_store %arg14[%swap3A_767], %swap3A_770 {strides = array<i32>} : memref<128xi32, #tpu.memory_space<vmem>>, vector<16xi32>,
        %mul3A_771 = arith.constant 8 : i32
        %mul3A_772 = vector.broadcast %mul3A_771 : i32 to vector<16xi32>
        %mul3A_773 = arith.muli %get3A_759, %mul3A_772 : vector<16xi32>
        %add3A_774 = arith.addi %mul3A_773, %get3A_756 : vector<16xi32>
        %swap3A_775 = arith.constant 80 : index
        %swap3A_776 = tpu.vector_load %arg15[%swap3A_775] {strides = array<i32>} : memref<128xi32, #tpu.memory_space<vmem>>, vector<16xi32>,
        %swap3A_777 = vector.shape_cast %swap3A_776 : vector<16xi32> to vector<16xi32>
        %swap3A_778 = vector.shape_cast %add3A_774 : vector<16xi32> to vector<16xi32>
        tpu.vector_store %arg15[%swap3A_775], %swap3A_778 {strides = array<i32>} : memref<128xi32, #tpu.memory_space<vmem>>, vector<16xi32>,
        %swap3A_779 = arith.constant 80 : index
        %swap3A_780 = tpu.vector_load %arg18[%swap3A_779] {strides = array<i32>} : memref<128xi32, #tpu.memory_space<vmem>>, vector<16xi32>,
        %swap3A_781 = vector.shape_cast %swap3A_780 : vector<16xi32> to vector<16xi32>
        %swap3A_782 = vector.shape_cast %get3A_759 : vector<16xi32> to vector<16xi32>
        tpu.vector_store %arg18[%swap3A_779], %swap3A_782 {strides = array<i32>} : memref<128xi32, #tpu.memory_space<vmem>>, vector<16xi32>,
        %get3A_783 = arith.constant 96 : index
        %get3A_784 = tpu.vector_load %arg10[%get3A_783] {strides = array<i32>} : memref<128xi32, #tpu.memory_space<vmem>>, vector<16xi32>,
        %get3A_785 = vector.shape_cast %get3A_784 : vector<16xi32> to vector<16xi32>
        %get3A_786 = arith.constant 96 : index
        %get3A_787 = tpu.vector_load %arg9[%get3A_786] {strides = array<i32>} : memref<128xi32, #tpu.memory_space<vmem>>, vector<16xi32>,
        %get3A_788 = vector.shape_cast %get3A_787 : vector<16xi32> to vector<16xi32>
        %get3A_789 = arith.constant 96 : index
        %get3A_790 = tpu.vector_load %arg8[%get3A_789] {strides = array<i32>} : memref<128xi32, #tpu.memory_space<vmem>>, vector<16xi32>,
        %get3A_791 = vector.shape_cast %get3A_790 : vector<16xi32> to vector<16xi32>
        %mul3A_792 = arith.constant 8 : i32
        %mul3A_793 = vector.broadcast %mul3A_792 : i32 to vector<16xi32>
        %mul3A_794 = arith.muli %get3A_791, %mul3A_793 : vector<16xi32>
        %add3A_795 = arith.addi %mul3A_794, %get3A_785 : vector<16xi32>
        %swap3A_796 = arith.constant 96 : index
        %swap3A_797 = tpu.vector_load %arg14[%swap3A_796] {strides = array<i32>} : memref<128xi32, #tpu.memory_space<vmem>>, vector<16xi32>,
        %swap3A_798 = vector.shape_cast %swap3A_797 : vector<16xi32> to vector<16xi32>
        %swap3A_799 = vector.shape_cast %add3A_795 : vector<16xi32> to vector<16xi32>
        tpu.vector_store %arg14[%swap3A_796], %swap3A_799 {strides = array<i32>} : memref<128xi32, #tpu.memory_space<vmem>>, vector<16xi32>,
        %mul3A_800 = arith.constant 8 : i32
        %mul3A_801 = vector.broadcast %mul3A_800 : i32 to vector<16xi32>
        %mul3A_802 = arith.muli %get3A_788, %mul3A_801 : vector<16xi32>
        %add3A_803 = arith.addi %mul3A_802, %get3A_785 : vector<16xi32>
        %swap3A_804 = arith.constant 96 : index
        %swap3A_805 = tpu.vector_load %arg15[%swap3A_804] {strides = array<i32>} : memref<128xi32, #tpu.memory_space<vmem>>, vector<16xi32>,
        %swap3A_806 = vector.shape_cast %swap3A_805 : vector<16xi32> to vector<16xi32>
        %swap3A_807 = vector.shape_cast %add3A_803 : vector<16xi32> to vector<16xi32>
        tpu.vector_store %arg15[%swap3A_804], %swap3A_807 {strides = array<i32>} : memref<128xi32, #tpu.memory_space<vmem>>, vector<16xi32>,
        %swap3A_808 = arith.constant 96 : index
        %swap3A_809 = tpu.vector_load %arg18[%swap3A_808] {strides = array<i32>} : memref<128xi32, #tpu.memory_space<vmem>>, vector<16xi32>,
        %swap3A_810 = vector.shape_cast %swap3A_809 : vector<16xi32> to vector<16xi32>
        %swap3A_811 = vector.shape_cast %get3A_788 : vector<16xi32> to vector<16xi32>
        tpu.vector_store %arg18[%swap3A_808], %swap3A_811 {strides = array<i32>} : memref<128xi32, #tpu.memory_space<vmem>>, vector<16xi32>,
        %get3A_812 = arith.constant 112 : index
        %get3A_813 = tpu.vector_load %arg10[%get3A_812] {strides = array<i32>} : memref<128xi32, #tpu.memory_space<vmem>>, vector<16xi32>,
        %get3A_814 = vector.shape_cast %get3A_813 : vector<16xi32> to vector<16xi32>
        %get3A_815 = arith.constant 112 : index
        %get3A_816 = tpu.vector_load %arg9[%get3A_815] {strides = array<i32>} : memref<128xi32, #tpu.memory_space<vmem>>, vector<16xi32>,
        %get3A_817 = vector.shape_cast %get3A_816 : vector<16xi32> to vector<16xi32>
        %get3A_818 = arith.constant 112 : index
        %get3A_819 = tpu.vector_load %arg8[%get3A_818] {strides = array<i32>} : memref<128xi32, #tpu.memory_space<vmem>>, vector<16xi32>,
        %get3A_820 = vector.shape_cast %get3A_819 : vector<16xi32> to vector<16xi32>
        %mul3A_821 = arith.constant 8 : i32
        %mul3A_822 = vector.broadcast %mul3A_821 : i32 to vector<16xi32>
        %mul3A_823 = arith.muli %get3A_820, %mul3A_822 : vector<16xi32>
        %add3A_824 = arith.addi %mul3A_823, %get3A_814 : vector<16xi32>
        %swap3A_825 = arith.constant 112 : index
        %swap3A_826 = tpu.vector_load %arg14[%swap3A_825] {strides = array<i32>} : memref<128xi32, #tpu.memory_space<vmem>>, vector<16xi32>,
        %swap3A_827 = vector.shape_cast %swap3A_826 : vector<16xi32> to vector<16xi32>
        %swap3A_828 = vector.shape_cast %add3A_824 : vector<16xi32> to vector<16xi32>
        tpu.vector_store %arg14[%swap3A_825], %swap3A_828 {strides = array<i32>} : memref<128xi32, #tpu.memory_space<vmem>>, vector<16xi32>,
        %mul3A_829 = arith.constant 8 : i32
        %mul3A_830 = vector.broadcast %mul3A_829 : i32 to vector<16xi32>
        %mul3A_831 = arith.muli %get3A_817, %mul3A_830 : vector<16xi32>
        %add3A_832 = arith.addi %mul3A_831, %get3A_814 : vector<16xi32>
        %swap3A_833 = arith.constant 112 : index
        %swap3A_834 = tpu.vector_load %arg15[%swap3A_833] {strides = array<i32>} : memref<128xi32, #tpu.memory_space<vmem>>, vector<16xi32>,
        %swap3A_835 = vector.shape_cast %swap3A_834 : vector<16xi32> to vector<16xi32>
        %swap3A_836 = vector.shape_cast %add3A_832 : vector<16xi32> to vector<16xi32>
        tpu.vector_store %arg15[%swap3A_833], %swap3A_836 {strides = array<i32>} : memref<128xi32, #tpu.memory_space<vmem>>, vector<16xi32>,
        %swap3A_837 = arith.constant 112 : index
        %swap3A_838 = tpu.vector_load %arg18[%swap3A_837] {strides = array<i32>} : memref<128xi32, #tpu.memory_space<vmem>>, vector<16xi32>,
        %swap3A_839 = vector.shape_cast %swap3A_838 : vector<16xi32> to vector<16xi32>
        %swap3A_840 = vector.shape_cast %get3A_817 : vector<16xi32> to vector<16xi32>
        tpu.vector_store %arg18[%swap3A_837], %swap3A_840 {strides = array<i32>} : memref<128xi32, #tpu.memory_space<vmem>>, vector<16xi32>,
        %dma_start3A_841 = arith.constant 0 : i32
        %dma_start3A_842 = arith.constant 0 : i32
        %dma_start3A_843 = tpu.memref_slice %arg5[%dma_start3A_841, %dma_start3A_842] : memref<80000x16xf32, #tpu.memory_space<hbm>> -> memref<80000x16xf32, #tpu.memory_space<hbm>>
        tpu.enqueue_indirect_dma source(%dma_start3A_843 : memref<80000x16xf32, #tpu.memory_space<hbm>>) target(%arg20 : memref<128x16xf32, #tpu.memory_space<vmem>>) offsets(%arg14 : memref<128xi32, #tpu.memory_space<vmem>>) semaphore(%arg28 : memref<!tpu.dma_semaphore, #tpu.memory_space<semaphore_mem>>)
        %dma_start3A_844 = arith.constant 0 : i32
        %dma_start3A_845 = tpu.memref_slice %arg6[%dma_start3A_844] : memref<80128xf32, #tpu.memory_space<hbm>> -> memref<80128xf32, #tpu.memory_space<hbm>>
        tpu.enqueue_indirect_dma source(%dma_start3A_845 : memref<80128xf32, #tpu.memory_space<hbm>>) target(%arg22 : memref<128xf32, #tpu.memory_space<vmem>>) offsets(%arg15 : memref<128xi32, #tpu.memory_space<vmem>>) semaphore(%arg28 : memref<!tpu.dma_semaphore, #tpu.memory_space<semaphore_mem>>)
      } else {
      }
      %dma_wait3A_567 = arith.constant 0 : i32
      %dma_wait3A_568 = arith.constant 0 : i32
      %dma_wait3A_569 = tpu.memref_slice %arg5[%dma_wait3A_567, %dma_wait3A_568] : memref<80000x16xf32, #tpu.memory_space<hbm>> -> memref<80000x16xf32, #tpu.memory_space<hbm>>
      tpu.wait_indirect_dma semaphore(%arg29 : memref<!tpu.dma_semaphore, #tpu.memory_space<semaphore_mem>>) src(%dma_wait3A_569 : memref<80000x16xf32, #tpu.memory_space<hbm>>) dst(%arg21 : memref<128x16xf32, #tpu.memory_space<vmem>>)
      %dma_wait3A_570 = arith.constant 0 : i32
      %dma_wait3A_571 = tpu.memref_slice %arg6[%dma_wait3A_570] : memref<80128xf32, #tpu.memory_space<hbm>> -> memref<80128xf32, #tpu.memory_space<hbm>>
      tpu.wait_indirect_dma semaphore(%arg29 : memref<!tpu.dma_semaphore, #tpu.memory_space<semaphore_mem>>) src(%dma_wait3A_571 : memref<80128xf32, #tpu.memory_space<hbm>>) dst(%arg23 : memref<128xf32, #tpu.memory_space<vmem>>)
      %scan3A_572 = arith.constant 0 : i32
      %scan3A_573 = arith.constant 0 : i32
      %scan3A_574 = arith.constant 8 : i32
      %scan3A_575 = arith.addi %scan3A_573, %scan3A_574 : i32
      %scan3A_576 = arith.constant 1 : i32
      %scan3A_577 = scf.for %scan3A_583 = %scan3A_573 to %scan3A_575 step %scan3A_576 iter_args(%scan3A_584 = %scan3A_572) -> (i32)  : i32 {
        %mul3A_585 = arith.constant 16 : i32
        %mul3A_586 = arith.muli %scan3A_583, %mul3A_585 : i32
        %get3A_587 = arith.index_cast %mul3A_586 : i32 to index
        %get3A_588 = tpu.vector_load %arg23[%get3A_587] {strides = array<i32>} : memref<128xf32, #tpu.memory_space<vmem>>, vector<16xf32>,
        %get3A_589 = vector.shape_cast %get3A_588 : vector<16xf32> to vector<16xf32>
        %slice3A = vector.extract_strided_slice %get3A_589 {offsets = [0], sizes = [1], strides = [1]} : vector<16xf32> to vector<1xf32>
        %squeeze3A = vector.extract %slice3A[0] : f32 from vector<1xf32>
        %mul3A_590 = arith.constant 16 : i32
        %mul3A_591 = arith.muli %scan3A_583, %mul3A_590 : i32
        %add3A_592 = arith.constant 0 : i32
        %add3A_593 = arith.addi %mul3A_591, %add3A_592 : i32
        %get3A_594 = arith.index_cast %add3A_593 : i32 to index
        %get3A_595 = arith.constant 0 : index
        %get3A_596 = tpu.vector_load %arg21[%get3A_594, %get3A_595] {strides = array<i32>} : memref<128x16xf32, #tpu.memory_space<vmem>>, vector<1x16xf32>,
        %get3A_597 = vector.shape_cast %get3A_596 : vector<1x16xf32> to vector<16xf32>
        %mul3A_598 = vector.broadcast %squeeze3A : f32 to vector<16xf32>
        %mul3A_599 = arith.mulf %get3A_597, %mul3A_598 : vector<16xf32>
        %swap3A_600 = arith.index_cast %add3A_593 : i32 to index
        %swap3A_601 = arith.constant 0 : index
        %swap3A_602 = tpu.vector_load %arg21[%swap3A_600, %swap3A_601] {strides = array<i32>} : memref<128x16xf32, #tpu.memory_space<vmem>>, vector<1x16xf32>,
        %swap3A_603 = vector.shape_cast %swap3A_602 : vector<1x16xf32> to vector<16xf32>
        %swap3A_604 = vector.shape_cast %mul3A_599 : vector<16xf32> to vector<1x16xf32>
        tpu.vector_store %arg21[%swap3A_600, %swap3A_601], %swap3A_604 {strides = array<i32>} : memref<128x16xf32, #tpu.memory_space<vmem>>, vector<1x16xf32>,
        %slice3A_605 = vector.extract_strided_slice %get3A_589 {offsets = [1], sizes = [1], strides = [1]} : vector<16xf32> to vector<1xf32>
        %squeeze3A_606 = vector.extract %slice3A_605[0] : f32 from vector<1xf32>
        %mul3A_607 = arith.constant 16 : i32
        %mul3A_608 = arith.muli %scan3A_583, %mul3A_607 : i32
        %add3A_609 = arith.constant 1 : i32
        %add3A_610 = arith.addi %mul3A_608, %add3A_609 : i32
        %get3A_611 = arith.index_cast %add3A_610 : i32 to index
        %get3A_612 = arith.constant 0 : index
        %get3A_613 = tpu.vector_load %arg21[%get3A_611, %get3A_612] {strides = array<i32>} : memref<128x16xf32, #tpu.memory_space<vmem>>, vector<1x16xf32>,
        %get3A_614 = vector.shape_cast %get3A_613 : vector<1x16xf32> to vector<16xf32>
        %mul3A_615 = vector.broadcast %squeeze3A_606 : f32 to vector<16xf32>
        %mul3A_616 = arith.mulf %get3A_614, %mul3A_615 : vector<16xf32>
        %swap3A_617 = arith.index_cast %add3A_610 : i32 to index
        %swap3A_618 = arith.constant 0 : index
        %swap3A_619 = tpu.vector_load %arg21[%swap3A_617, %swap3A_618] {strides = array<i32>} : memref<128x16xf32, #tpu.memory_space<vmem>>, vector<1x16xf32>,
        %swap3A_620 = vector.shape_cast %swap3A_619 : vector<1x16xf32> to vector<16xf32>
        %swap3A_621 = vector.shape_cast %mul3A_616 : vector<16xf32> to vector<1x16xf32>
        tpu.vector_store %arg21[%swap3A_617, %swap3A_618], %swap3A_621 {strides = array<i32>} : memref<128x16xf32, #tpu.memory_space<vmem>>, vector<1x16xf32>,
        %slice3A_622 = vector.extract_strided_slice %get3A_589 {offsets = [2], sizes = [1], strides = [1]} : vector<16xf32> to vector<1xf32>
        %squeeze3A_623 = vector.extract %slice3A_622[0] : f32 from vector<1xf32>
        %mul3A_624 = arith.constant 16 : i32
        %mul3A_625 = arith.muli %scan3A_583, %mul3A_624 : i32
        %add3A_626 = arith.constant 2 : i32
        %add3A_627 = arith.addi %mul3A_625, %add3A_626 : i32
        %get3A_628 = arith.index_cast %add3A_627 : i32 to index
        %get3A_629 = arith.constant 0 : index
        %get3A_630 = tpu.vector_load %arg21[%get3A_628, %get3A_629] {strides = array<i32>} : memref<128x16xf32, #tpu.memory_space<vmem>>, vector<1x16xf32>,
        %get3A_631 = vector.shape_cast %get3A_630 : vector<1x16xf32> to vector<16xf32>
        %mul3A_632 = vector.broadcast %squeeze3A_623 : f32 to vector<16xf32>
        %mul3A_633 = arith.mulf %get3A_631, %mul3A_632 : vector<16xf32>
        %swap3A_634 = arith.index_cast %add3A_627 : i32 to index
        %swap3A_635 = arith.constant 0 : index
        %swap3A_636 = tpu.vector_load %arg21[%swap3A_634, %swap3A_635] {strides = array<i32>} : memref<128x16xf32, #tpu.memory_space<vmem>>, vector<1x16xf32>,
        %swap3A_637 = vector.shape_cast %swap3A_636 : vector<1x16xf32> to vector<16xf32>
        %swap3A_638 = vector.shape_cast %mul3A_633 : vector<16xf32> to vector<1x16xf32>
        tpu.vector_store %arg21[%swap3A_634, %swap3A_635], %swap3A_638 {strides = array<i32>} : memref<128x16xf32, #tpu.memory_space<vmem>>, vector<1x16xf32>,
        %slice3A_639 = vector.extract_strided_slice %get3A_589 {offsets = [3], sizes = [1], strides = [1]} : vector<16xf32> to vector<1xf32>
        %squeeze3A_640 = vector.extract %slice3A_639[0] : f32 from vector<1xf32>
        %mul3A_641 = arith.constant 16 : i32
        %mul3A_642 = arith.muli %scan3A_583, %mul3A_641 : i32
        %add3A_643 = arith.constant 3 : i32
        %add3A_644 = arith.addi %mul3A_642, %add3A_643 : i32
        %get3A_645 = arith.index_cast %add3A_644 : i32 to index
        %get3A_646 = arith.constant 0 : index
        %get3A_647 = tpu.vector_load %arg21[%get3A_645, %get3A_646] {strides = array<i32>} : memref<128x16xf32, #tpu.memory_space<vmem>>, vector<1x16xf32>,
        %get3A_648 = vector.shape_cast %get3A_647 : vector<1x16xf32> to vector<16xf32>
        %mul3A_649 = vector.broadcast %squeeze3A_640 : f32 to vector<16xf32>
        %mul3A_650 = arith.mulf %get3A_648, %mul3A_649 : vector<16xf32>
        %swap3A_651 = arith.index_cast %add3A_644 : i32 to index
        %swap3A_652 = arith.constant 0 : index
        %swap3A_653 = tpu.vector_load %arg21[%swap3A_651, %swap3A_652] {strides = array<i32>} : memref<128x16xf32, #tpu.memory_space<vmem>>, vector<1x16xf32>,
        %swap3A_654 = vector.shape_cast %swap3A_653 : vector<1x16xf32> to vector<16xf32>
        %swap3A_655 = vector.shape_cast %mul3A_650 : vector<16xf32> to vector<1x16xf32>
        tpu.vector_store %arg21[%swap3A_651, %swap3A_652], %swap3A_655 {strides = array<i32>} : memref<128x16xf32, #tpu.memory_space<vmem>>, vector<1x16xf32>,
        %slice3A_656 = vector.extract_strided_slice %get3A_589 {offsets = [4], sizes = [1], strides = [1]} : vector<16xf32> to vector<1xf32>
        %squeeze3A_657 = vector.extract %slice3A_656[0] : f32 from vector<1xf32>
        %mul3A_658 = arith.constant 16 : i32
        %mul3A_659 = arith.muli %scan3A_583, %mul3A_658 : i32
        %add3A_660 = arith.constant 4 : i32
        %add3A_661 = arith.addi %mul3A_659, %add3A_660 : i32
        %get3A_662 = arith.index_cast %add3A_661 : i32 to index
        %get3A_663 = arith.constant 0 : index
        %get3A_664 = tpu.vector_load %arg21[%get3A_662, %get3A_663] {strides = array<i32>} : memref<128x16xf32, #tpu.memory_space<vmem>>, vector<1x16xf32>,
        %get3A_665 = vector.shape_cast %get3A_664 : vector<1x16xf32> to vector<16xf32>
        %mul3A_666 = vector.broadcast %squeeze3A_657 : f32 to vector<16xf32>
        %mul3A_667 = arith.mulf %get3A_665, %mul3A_666 : vector<16xf32>
        %swap3A_668 = arith.index_cast %add3A_661 : i32 to index
        %swap3A_669 = arith.constant 0 : index
        %swap3A_670 = tpu.vector_load %arg21[%swap3A_668, %swap3A_669] {strides = array<i32>} : memref<128x16xf32, #tpu.memory_space<vmem>>, vector<1x16xf32>,
        %swap3A_671 = vector.shape_cast %swap3A_670 : vector<1x16xf32> to vector<16xf32>
        %swap3A_672 = vector.shape_cast %mul3A_667 : vector<16xf32> to vector<1x16xf32>
        tpu.vector_store %arg21[%swap3A_668, %swap3A_669], %swap3A_672 {strides = array<i32>} : memref<128x16xf32, #tpu.memory_space<vmem>>, vector<1x16xf32>,
        %slice3A_673 = vector.extract_strided_slice %get3A_589 {offsets = [5], sizes = [1], strides = [1]} : vector<16xf32> to vector<1xf32>
        %squeeze3A_674 = vector.extract %slice3A_673[0] : f32 from vector<1xf32>
        %mul3A_675 = arith.constant 16 : i32
        %mul3A_676 = arith.muli %scan3A_583, %mul3A_675 : i32
        %add3A_677 = arith.constant 5 : i32
        %add3A_678 = arith.addi %mul3A_676, %add3A_677 : i32
        %get3A_679 = arith.index_cast %add3A_678 : i32 to index
        %get3A_680 = arith.constant 0 : index
        %get3A_681 = tpu.vector_load %arg21[%get3A_679, %get3A_680] {strides = array<i32>} : memref<128x16xf32, #tpu.memory_space<vmem>>, vector<1x16xf32>,
        %get3A_682 = vector.shape_cast %get3A_681 : vector<1x16xf32> to vector<16xf32>
        %mul3A_683 = vector.broadcast %squeeze3A_674 : f32 to vector<16xf32>
        %mul3A_684 = arith.mulf %get3A_682, %mul3A_683 : vector<16xf32>
        %swap3A_685 = arith.index_cast %add3A_678 : i32 to index
        %swap3A_686 = arith.constant 0 : index
        %swap3A_687 = tpu.vector_load %arg21[%swap3A_685, %swap3A_686] {strides = array<i32>} : memref<128x16xf32, #tpu.memory_space<vmem>>, vector<1x16xf32>,
        %swap3A_688 = vector.shape_cast %swap3A_687 : vector<1x16xf32> to vector<16xf32>
        %swap3A_689 = vector.shape_cast %mul3A_684 : vector<16xf32> to vector<1x16xf32>
        tpu.vector_store %arg21[%swap3A_685, %swap3A_686], %swap3A_689 {strides = array<i32>} : memref<128x16xf32, #tpu.memory_space<vmem>>, vector<1x16xf32>,
        %slice3A_690 = vector.extract_strided_slice %get3A_589 {offsets = [6], sizes = [1], strides = [1]} : vector<16xf32> to vector<1xf32>
        %squeeze3A_691 = vector.extract %slice3A_690[0] : f32 from vector<1xf32>
        %mul3A_692 = arith.constant 16 : i32
        %mul3A_693 = arith.muli %scan3A_583, %mul3A_692 : i32
        %add3A_694 = arith.constant 6 : i32
        %add3A_695 = arith.addi %mul3A_693, %add3A_694 : i32
        %get3A_696 = arith.index_cast %add3A_695 : i32 to index
        %get3A_697 = arith.constant 0 : index
        %get3A_698 = tpu.vector_load %arg21[%get3A_696, %get3A_697] {strides = array<i32>} : memref<128x16xf32, #tpu.memory_space<vmem>>, vector<1x16xf32>,
        %get3A_699 = vector.shape_cast %get3A_698 : vector<1x16xf32> to vector<16xf32>
        %mul3A_700 = vector.broadcast %squeeze3A_691 : f32 to vector<16xf32>
        %mul3A_701 = arith.mulf %get3A_699, %mul3A_700 : vector<16xf32>
        %swap3A_702 = arith.index_cast %add3A_695 : i32 to index
        %swap3A_703 = arith.constant 0 : index
        %swap3A_704 = tpu.vector_load %arg21[%swap3A_702, %swap3A_703] {strides = array<i32>} : memref<128x16xf32, #tpu.memory_space<vmem>>, vector<1x16xf32>,
        %swap3A_705 = vector.shape_cast %swap3A_704 : vector<1x16xf32> to vector<16xf32>
        %swap3A_706 = vector.shape_cast %mul3A_701 : vector<16xf32> to vector<1x16xf32>
        tpu.vector_store %arg21[%swap3A_702, %swap3A_703], %swap3A_706 {strides = array<i32>} : memref<128x16xf32, #tpu.memory_space<vmem>>, vector<1x16xf32>,
        %slice3A_707 = vector.extract_strided_slice %get3A_589 {offsets = [7], sizes = [1], strides = [1]} : vector<16xf32> to vector<1xf32>
        %squeeze3A_708 = vector.extract %slice3A_707[0] : f32 from vector<1xf32>
        %mul3A_709 = arith.constant 16 : i32
        %mul3A_710 = arith.muli %scan3A_583, %mul3A_709 : i32
        %add3A_711 = arith.constant 7 : i32
        %add3A_712 = arith.addi %mul3A_710, %add3A_711 : i32
        %get3A_713 = arith.index_cast %add3A_712 : i32 to index
        %get3A_714 = arith.constant 0 : index
        %get3A_715 = tpu.vector_load %arg21[%get3A_713, %get3A_714] {strides = array<i32>} : memref<128x16xf32, #tpu.memory_space<vmem>>, vector<1x16xf32>,
        %get3A_716 = vector.shape_cast %get3A_715 : vector<1x16xf32> to vector<16xf32>
        %mul3A_717 = vector.broadcast %squeeze3A_708 : f32 to vector<16xf32>
        %mul3A_718 = arith.mulf %get3A_716, %mul3A_717 : vector<16xf32>
        %swap3A_719 = arith.index_cast %add3A_712 : i32 to index
        %swap3A_720 = arith.constant 0 : index
        %swap3A_721 = tpu.vector_load %arg21[%swap3A_719, %swap3A_720] {strides = array<i32>} : memref<128x16xf32, #tpu.memory_space<vmem>>, vector<1x16xf32>,
        %swap3A_722 = vector.shape_cast %swap3A_721 : vector<1x16xf32> to vector<16xf32>
        %swap3A_723 = vector.shape_cast %mul3A_718 : vector<16xf32> to vector<1x16xf32>
        tpu.vector_store %arg21[%swap3A_719, %swap3A_720], %swap3A_723 {strides = array<i32>} : memref<128x16xf32, #tpu.memory_space<vmem>>, vector<1x16xf32>,
        %slice3A_724 = vector.extract_strided_slice %get3A_589 {offsets = [8], sizes = [1], strides = [1]} : vector<16xf32> to vector<1xf32>
        %squeeze3A_725 = vector.extract %slice3A_724[0] : f32 from vector<1xf32>
        %mul3A_726 = arith.constant 16 : i32
        %mul3A_727 = arith.muli %scan3A_583, %mul3A_726 : i32
        %add3A_728 = arith.constant 8 : i32
        %add3A_729 = arith.addi %mul3A_727, %add3A_728 : i32
        %get3A_730 = arith.index_cast %add3A_729 : i32 to index
        %get3A_731 = arith.constant 0 : index
        %get3A_732 = tpu.vector_load %arg21[%get3A_730, %get3A_731] {strides = array<i32>} : memref<128x16xf32, #tpu.memory_space<vmem>>, vector<1x16xf32>,
        %get3A_733 = vector.shape_cast %get3A_732 : vector<1x16xf32> to vector<16xf32>
        %mul3A_734 = vector.broadcast %squeeze3A_725 : f32 to vector<16xf32>
        %mul3A_735 = arith.mulf %get3A_733, %mul3A_734 : vector<16xf32>
        %swap3A_736 = arith.index_cast %add3A_729 : i32 to index
        %swap3A_737 = arith.constant 0 : index
        %swap3A_738 = tpu.vector_load %arg21[%swap3A_736, %swap3A_737] {strides = array<i32>} : memref<128x16xf32, #tpu.memory_space<vmem>>, vector<1x16xf32>,
        %swap3A_739 = vector.shape_cast %swap3A_738 : vector<1x16xf32> to vector<16xf32>
        %swap3A_740 = vector.shape_cast %mul3A_735 : vector<16xf32> to vector<1x16xf32>
        tpu.vector_store %arg21[%swap3A_736, %swap3A_737], %swap3A_740 {strides = array<i32>} : memref<128x16xf32, #tpu.memory_space<vmem>>, vector<1x16xf32>,
        %slice3A_741 = vector.extract_strided_slice %get3A_589 {offsets = [9], sizes = [1], strides = [1]} : vector<16xf32> to vector<1xf32>
        %squeeze3A_742 = vector.extract %slice3A_741[0] : f32 from vector<1xf32>
        %mul3A_743 = arith.constant 16 : i32
        %mul3A_744 = arith.muli %scan3A_583, %mul3A_743 : i32
        %add3A_745 = arith.constant 9 : i32
        %add3A_746 = arith.addi %mul3A_744, %add3A_745 : i32
        %get3A_747 = arith.index_cast %add3A_746 : i32 to index
        %get3A_748 = arith.constant 0 : index
        %get3A_749 = tpu.vector_load %arg21[%get3A_747, %get3A_748] {strides = array<i32>} : memref<128x16xf32, #tpu.memory_space<vmem>>, vector<1x16xf32>,
        %get3A_750 = vector.shape_cast %get3A_749 : vector<1x16xf32> to vector<16xf32>
        %mul3A_751 = vector.broadcast %squeeze3A_742 : f32 to vector<16xf32>
        %mul3A_752 = arith.mulf %get3A_750, %mul3A_751 : vector<16xf32>
        %swap3A_753 = arith.index_cast %add3A_746 : i32 to index
        %swap3A_754 = arith.constant 0 : index
        %swap3A_755 = tpu.vector_load %arg21[%swap3A_753, %swap3A_754] {strides = array<i32>} : memref<128x16xf32, #tpu.memory_space<vmem>>, vector<1x16xf32>,
        %swap3A_756 = vector.shape_cast %swap3A_755 : vector<1x16xf32> to vector<16xf32>
        %swap3A_757 = vector.shape_cast %mul3A_752 : vector<16xf32> to vector<1x16xf32>
        tpu.vector_store %arg21[%swap3A_753, %swap3A_754], %swap3A_757 {strides = array<i32>} : memref<128x16xf32, #tpu.memory_space<vmem>>, vector<1x16xf32>,
        %slice3A_758 = vector.extract_strided_slice %get3A_589 {offsets = [10], sizes = [1], strides = [1]} : vector<16xf32> to vector<1xf32>
        %squeeze3A_759 = vector.extract %slice3A_758[0] : f32 from vector<1xf32>
        %mul3A_760 = arith.constant 16 : i32
        %mul3A_761 = arith.muli %scan3A_583, %mul3A_760 : i32
        %add3A_762 = arith.constant 10 : i32
        %add3A_763 = arith.addi %mul3A_761, %add3A_762 : i32
        %get3A_764 = arith.index_cast %add3A_763 : i32 to index
        %get3A_765 = arith.constant 0 : index
        %get3A_766 = tpu.vector_load %arg21[%get3A_764, %get3A_765] {strides = array<i32>} : memref<128x16xf32, #tpu.memory_space<vmem>>, vector<1x16xf32>,
        %get3A_767 = vector.shape_cast %get3A_766 : vector<1x16xf32> to vector<16xf32>
        %mul3A_768 = vector.broadcast %squeeze3A_759 : f32 to vector<16xf32>
        %mul3A_769 = arith.mulf %get3A_767, %mul3A_768 : vector<16xf32>
        %swap3A_770 = arith.index_cast %add3A_763 : i32 to index
        %swap3A_771 = arith.constant 0 : index
        %swap3A_772 = tpu.vector_load %arg21[%swap3A_770, %swap3A_771] {strides = array<i32>} : memref<128x16xf32, #tpu.memory_space<vmem>>, vector<1x16xf32>,
        %swap3A_773 = vector.shape_cast %swap3A_772 : vector<1x16xf32> to vector<16xf32>
        %swap3A_774 = vector.shape_cast %mul3A_769 : vector<16xf32> to vector<1x16xf32>
        tpu.vector_store %arg21[%swap3A_770, %swap3A_771], %swap3A_774 {strides = array<i32>} : memref<128x16xf32, #tpu.memory_space<vmem>>, vector<1x16xf32>,
        %slice3A_775 = vector.extract_strided_slice %get3A_589 {offsets = [11], sizes = [1], strides = [1]} : vector<16xf32> to vector<1xf32>
        %squeeze3A_776 = vector.extract %slice3A_775[0] : f32 from vector<1xf32>
        %mul3A_777 = arith.constant 16 : i32
        %mul3A_778 = arith.muli %scan3A_583, %mul3A_777 : i32
        %add3A_779 = arith.constant 11 : i32
        %add3A_780 = arith.addi %mul3A_778, %add3A_779 : i32
        %get3A_781 = arith.index_cast %add3A_780 : i32 to index
        %get3A_782 = arith.constant 0 : index
        %get3A_783 = tpu.vector_load %arg21[%get3A_781, %get3A_782] {strides = array<i32>} : memref<128x16xf32, #tpu.memory_space<vmem>>, vector<1x16xf32>,
        %get3A_784 = vector.shape_cast %get3A_783 : vector<1x16xf32> to vector<16xf32>
        %mul3A_785 = vector.broadcast %squeeze3A_776 : f32 to vector<16xf32>
        %mul3A_786 = arith.mulf %get3A_784, %mul3A_785 : vector<16xf32>
        %swap3A_787 = arith.index_cast %add3A_780 : i32 to index
        %swap3A_788 = arith.constant 0 : index
        %swap3A_789 = tpu.vector_load %arg21[%swap3A_787, %swap3A_788] {strides = array<i32>} : memref<128x16xf32, #tpu.memory_space<vmem>>, vector<1x16xf32>,
        %swap3A_790 = vector.shape_cast %swap3A_789 : vector<1x16xf32> to vector<16xf32>
        %swap3A_791 = vector.shape_cast %mul3A_786 : vector<16xf32> to vector<1x16xf32>
        tpu.vector_store %arg21[%swap3A_787, %swap3A_788], %swap3A_791 {strides = array<i32>} : memref<128x16xf32, #tpu.memory_space<vmem>>, vector<1x16xf32>,
        %slice3A_792 = vector.extract_strided_slice %get3A_589 {offsets = [12], sizes = [1], strides = [1]} : vector<16xf32> to vector<1xf32>
        %squeeze3A_793 = vector.extract %slice3A_792[0] : f32 from vector<1xf32>
        %mul3A_794 = arith.constant 16 : i32
        %mul3A_795 = arith.muli %scan3A_583, %mul3A_794 : i32
        %add3A_796 = arith.constant 12 : i32
        %add3A_797 = arith.addi %mul3A_795, %add3A_796 : i32
        %get3A_798 = arith.index_cast %add3A_797 : i32 to index
        %get3A_799 = arith.constant 0 : index
        %get3A_800 = tpu.vector_load %arg21[%get3A_798, %get3A_799] {strides = array<i32>} : memref<128x16xf32, #tpu.memory_space<vmem>>, vector<1x16xf32>,
        %get3A_801 = vector.shape_cast %get3A_800 : vector<1x16xf32> to vector<16xf32>
        %mul3A_802 = vector.broadcast %squeeze3A_793 : f32 to vector<16xf32>
        %mul3A_803 = arith.mulf %get3A_801, %mul3A_802 : vector<16xf32>
        %swap3A_804 = arith.index_cast %add3A_797 : i32 to index
        %swap3A_805 = arith.constant 0 : index
        %swap3A_806 = tpu.vector_load %arg21[%swap3A_804, %swap3A_805] {strides = array<i32>} : memref<128x16xf32, #tpu.memory_space<vmem>>, vector<1x16xf32>,
        %swap3A_807 = vector.shape_cast %swap3A_806 : vector<1x16xf32> to vector<16xf32>
        %swap3A_808 = vector.shape_cast %mul3A_803 : vector<16xf32> to vector<1x16xf32>
        tpu.vector_store %arg21[%swap3A_804, %swap3A_805], %swap3A_808 {strides = array<i32>} : memref<128x16xf32, #tpu.memory_space<vmem>>, vector<1x16xf32>,
        %slice3A_809 = vector.extract_strided_slice %get3A_589 {offsets = [13], sizes = [1], strides = [1]} : vector<16xf32> to vector<1xf32>
        %squeeze3A_810 = vector.extract %slice3A_809[0] : f32 from vector<1xf32>
        %mul3A_811 = arith.constant 16 : i32
        %mul3A_812 = arith.muli %scan3A_583, %mul3A_811 : i32
        %add3A_813 = arith.constant 13 : i32
        %add3A_814 = arith.addi %mul3A_812, %add3A_813 : i32
        %get3A_815 = arith.index_cast %add3A_814 : i32 to index
        %get3A_816 = arith.constant 0 : index
        %get3A_817 = tpu.vector_load %arg21[%get3A_815, %get3A_816] {strides = array<i32>} : memref<128x16xf32, #tpu.memory_space<vmem>>, vector<1x16xf32>,
        %get3A_818 = vector.shape_cast %get3A_817 : vector<1x16xf32> to vector<16xf32>
        %mul3A_819 = vector.broadcast %squeeze3A_810 : f32 to vector<16xf32>
        %mul3A_820 = arith.mulf %get3A_818, %mul3A_819 : vector<16xf32>
        %swap3A_821 = arith.index_cast %add3A_814 : i32 to index
        %swap3A_822 = arith.constant 0 : index
        %swap3A_823 = tpu.vector_load %arg21[%swap3A_821, %swap3A_822] {strides = array<i32>} : memref<128x16xf32, #tpu.memory_space<vmem>>, vector<1x16xf32>,
        %swap3A_824 = vector.shape_cast %swap3A_823 : vector<1x16xf32> to vector<16xf32>
        %swap3A_825 = vector.shape_cast %mul3A_820 : vector<16xf32> to vector<1x16xf32>
        tpu.vector_store %arg21[%swap3A_821, %swap3A_822], %swap3A_825 {strides = array<i32>} : memref<128x16xf32, #tpu.memory_space<vmem>>, vector<1x16xf32>,
        %slice3A_826 = vector.extract_strided_slice %get3A_589 {offsets = [14], sizes = [1], strides = [1]} : vector<16xf32> to vector<1xf32>
        %squeeze3A_827 = vector.extract %slice3A_826[0] : f32 from vector<1xf32>
        %mul3A_828 = arith.constant 16 : i32
        %mul3A_829 = arith.muli %scan3A_583, %mul3A_828 : i32
        %add3A_830 = arith.constant 14 : i32
        %add3A_831 = arith.addi %mul3A_829, %add3A_830 : i32
        %get3A_832 = arith.index_cast %add3A_831 : i32 to index
        %get3A_833 = arith.constant 0 : index
        %get3A_834 = tpu.vector_load %arg21[%get3A_832, %get3A_833] {strides = array<i32>} : memref<128x16xf32, #tpu.memory_space<vmem>>, vector<1x16xf32>,
        %get3A_835 = vector.shape_cast %get3A_834 : vector<1x16xf32> to vector<16xf32>
        %mul3A_836 = vector.broadcast %squeeze3A_827 : f32 to vector<16xf32>
        %mul3A_837 = arith.mulf %get3A_835, %mul3A_836 : vector<16xf32>
        %swap3A_838 = arith.index_cast %add3A_831 : i32 to index
        %swap3A_839 = arith.constant 0 : index
        %swap3A_840 = tpu.vector_load %arg21[%swap3A_838, %swap3A_839] {strides = array<i32>} : memref<128x16xf32, #tpu.memory_space<vmem>>, vector<1x16xf32>,
        %swap3A_841 = vector.shape_cast %swap3A_840 : vector<1x16xf32> to vector<16xf32>
        %swap3A_842 = vector.shape_cast %mul3A_837 : vector<16xf32> to vector<1x16xf32>
        tpu.vector_store %arg21[%swap3A_838, %swap3A_839], %swap3A_842 {strides = array<i32>} : memref<128x16xf32, #tpu.memory_space<vmem>>, vector<1x16xf32>,
        %slice3A_843 = vector.extract_strided_slice %get3A_589 {offsets = [15], sizes = [1], strides = [1]} : vector<16xf32> to vector<1xf32>
        %squeeze3A_844 = vector.extract %slice3A_843[0] : f32 from vector<1xf32>
        %mul3A_845 = arith.constant 16 : i32
        %mul3A_846 = arith.muli %scan3A_583, %mul3A_845 : i32
        %add3A_847 = arith.constant 15 : i32
        %add3A_848 = arith.addi %mul3A_846, %add3A_847 : i32
        %get3A_849 = arith.index_cast %add3A_848 : i32 to index
        %get3A_850 = arith.constant 0 : index
        %get3A_851 = tpu.vector_load %arg21[%get3A_849, %get3A_850] {strides = array<i32>} : memref<128x16xf32, #tpu.memory_space<vmem>>, vector<1x16xf32>,
        %get3A_852 = vector.shape_cast %get3A_851 : vector<1x16xf32> to vector<16xf32>
        %mul3A_853 = vector.broadcast %squeeze3A_844 : f32 to vector<16xf32>
        %mul3A_854 = arith.mulf %get3A_852, %mul3A_853 : vector<16xf32>
        %swap3A_855 = arith.index_cast %add3A_848 : i32 to index
        %swap3A_856 = arith.constant 0 : index
        %swap3A_857 = tpu.vector_load %arg21[%swap3A_855, %swap3A_856] {strides = array<i32>} : memref<128x16xf32, #tpu.memory_space<vmem>>, vector<1x16xf32>,
        %swap3A_858 = vector.shape_cast %swap3A_857 : vector<1x16xf32> to vector<16xf32>
        %swap3A_859 = vector.shape_cast %mul3A_854 : vector<16xf32> to vector<1x16xf32>
        tpu.vector_store %arg21[%swap3A_855, %swap3A_856], %swap3A_859 {strides = array<i32>} : memref<128x16xf32, #tpu.memory_space<vmem>>, vector<1x16xf32>,
        %scan3A_860 = arith.constant 0 : i32
        scf.yield %scan3A_860 : i32
      }
      %scan3A_578 = arith.constant 8 : i32
      %dma_start3A_579 = arith.constant 0 : i32
      %dma_start3A_580 = arith.constant 0 : i32
      %dma_start3A_581 = tpu.memref_slice %arg25[%dma_start3A_579, %dma_start3A_580] : memref<10240x16xf32, #tpu.memory_space<vmem_shared>> -> memref<10240x16xf32, #tpu.memory_space<vmem_shared>>
      tpu.enqueue_indirect_dma source(%arg21 : memref<128x16xf32, #tpu.memory_space<vmem>>) target(%dma_start3A_581 : memref<10240x16xf32, #tpu.memory_space<vmem_shared>>) offsets(%arg19 : memref<128xi32, #tpu.memory_space<vmem>>) semaphore(%arg31 : memref<!tpu.dma_semaphore, #tpu.memory_space<semaphore_mem>>) {add = true}
      %scan3A_582 = arith.constant 0 : i32
      scf.yield %scan3A_582 : i32
    }
    %scan3A_278 = arith.constant 40 : i32
    %dma_wait3A_279 = arith.constant 0 : i32
    %dma_wait3A_280 = arith.constant 0 : i32
    %dma_wait3A_281 = tpu.memref_slice %arg25[%dma_wait3A_279, %dma_wait3A_280] : memref<10240x16xf32, #tpu.memory_space<vmem_shared>> -> memref<10240x16xf32, #tpu.memory_space<vmem_shared>>
    tpu.wait_indirect_dma semaphore(%arg30 : memref<!tpu.dma_semaphore, #tpu.memory_space<semaphore_mem>>) src(%arg20 : memref<128x16xf32, #tpu.memory_space<vmem>>) dst(%dma_wait3A_281 : memref<10240x16xf32, #tpu.memory_space<vmem_shared>>)
    %dma_wait3A_282 = arith.constant 0 : i32
    %dma_wait3A_283 = arith.constant 0 : i32
    %dma_wait3A_284 = tpu.memref_slice %arg25[%dma_wait3A_282, %dma_wait3A_283] : memref<10240x16xf32, #tpu.memory_space<vmem_shared>> -> memref<10240x16xf32, #tpu.memory_space<vmem_shared>>
    tpu.wait_indirect_dma semaphore(%arg31 : memref<!tpu.dma_semaphore, #tpu.memory_space<semaphore_mem>>) src(%arg21 : memref<128x16xf32, #tpu.memory_space<vmem>>) dst(%dma_wait3A_284 : memref<10240x16xf32, #tpu.memory_space<vmem_shared>>)
    %barrier3A_285 = arith.constant 0 : index
    tpu.barrier barrier_id(%barrier3A_285)
    %mul3A_286 = arith.constant 640 : i32
    %mul3A_287 = arith.muli %arg1, %mul3A_286 : i32
    "tpu.region"() ({
      %run_scoped3A = tpu.sem_alloc : memref<!tpu.dma_semaphore, #tpu.memory_space<semaphore_mem>>
      %dma_start3A_288 = arith.constant 0 : i32
      %dma_start3A_289 = tpu.memref_slice %arg25[%mul3A_287, %dma_start3A_288] : memref<10240x16xf32, #tpu.memory_space<vmem_shared>> -> memref<640x16xf32, #tpu.memory_space<vmem_shared>>
      %dma_start3A_290 = arith.constant 0 : i32
      %dma_start3A_291 = tpu.memref_slice %arg25[%mul3A_287, %dma_start3A_290] : memref<10240x16xf32, #tpu.memory_space<vmem_shared>> -> memref<640x16xf32, #tpu.memory_space<vmem_shared>>
      tpu.enqueue_dma source(%dma_start3A_291 : memref<640x16xf32, #tpu.memory_space<vmem_shared>>) target(%arg24 : memref<640x16xf32, #tpu.memory_space<vmem>>) target_semaphore(%run_scoped3A : memref<!tpu.dma_semaphore, #tpu.memory_space<semaphore_mem>>)
      %dma_wait3A_292 = arith.constant 0 : i32
      %dma_wait3A_293 = tpu.memref_slice %arg25[%mul3A_287, %dma_wait3A_292] : memref<10240x16xf32, #tpu.memory_space<vmem_shared>> -> memref<640x16xf32, #tpu.memory_space<vmem_shared>>
      %dma_wait3A_294 = arith.constant 0 : i32
      %dma_wait3A_295 = tpu.memref_slice %arg25[%mul3A_287, %dma_wait3A_294] : memref<10240x16xf32, #tpu.memory_space<vmem_shared>> -> memref<640x16xf32, #tpu.memory_space<vmem_shared>>
      tpu.wait_dma2 semaphore(%run_scoped3A : memref<!tpu.dma_semaphore, #tpu.memory_space<semaphore_mem>>) src(%dma_wait3A_295 : memref<640x16xf32, #tpu.memory_space<vmem_shared>>) dst(%arg24 : memref<640x16xf32, #tpu.memory_space<vmem>>)
      tpu.yield
    }) : () -> ()
    "tpu.region"() ({
      %run_scoped3A = tpu.sem_alloc : memref<!tpu.dma_semaphore, #tpu.memory_space<semaphore_mem>>
      %dma_start3A_288 = arith.constant 0 : i32
      %dma_start3A_289 = arith.constant 0 : i32
      %dma_start3A_290 = tpu.memref_slice %arg7[%arg0, %arg1, %dma_start3A_288, %dma_start3A_289] : memref<2x16x640x16xf32, #tpu.memory_space<hbm>> -> memref<1x1x640x16xf32, #tpu.memory_space<hbm>>
      %dma_start3A_291 = tpu.memref_squeeze %dma_start3A_290 : memref<1x1x640x16xf32, #tpu.memory_space<hbm>> -> memref<640x16xf32, #tpu.memory_space<hbm>>
      %dma_start3A_292 = arith.constant 0 : i32
      %dma_start3A_293 = arith.constant 0 : i32
      %dma_start3A_294 = tpu.memref_slice %arg7[%arg0, %arg1, %dma_start3A_292, %dma_start3A_293] : memref<2x16x640x16xf32, #tpu.memory_space<hbm>> -> memref<1x1x640x16xf32, #tpu.memory_space<hbm>>
      %dma_start3A_295 = tpu.memref_squeeze %dma_start3A_294 : memref<1x1x640x16xf32, #tpu.memory_space<hbm>> -> memref<640x16xf32, #tpu.memory_space<hbm>>
      tpu.enqueue_dma source(%arg24 : memref<640x16xf32, #tpu.memory_space<vmem>>) target(%dma_start3A_295 : memref<640x16xf32, #tpu.memory_space<hbm>>) target_semaphore(%run_scoped3A : memref<!tpu.dma_semaphore, #tpu.memory_space<semaphore_mem>>)
      %dma_wait3A_296 = arith.constant 0 : i32
      %dma_wait3A_297 = arith.constant 0 : i32
      %dma_wait3A_298 = tpu.memref_slice %arg7[%arg0, %arg1, %dma_wait3A_296, %dma_wait3A_297] : memref<2x16x640x16xf32, #tpu.memory_space<hbm>> -> memref<1x1x640x16xf32, #tpu.memory_space<hbm>>
      %dma_wait3A_299 = tpu.memref_squeeze %dma_wait3A_298 : memref<1x1x640x16xf32, #tpu.memory_space<hbm>> -> memref<640x16xf32, #tpu.memory_space<hbm>>
      %dma_wait3A_300 = arith.constant 0 : i32
      %dma_wait3A_301 = arith.constant 0 : i32
      %dma_wait3A_302 = tpu.memref_slice %arg7[%arg0, %arg1, %dma_wait3A_300, %dma_wait3A_301] : memref<2x16x640x16xf32, #tpu.memory_space<hbm>> -> memref<1x1x640x16xf32, #tpu.memory_space<hbm>>
      %dma_wait3A_303 = tpu.memref_squeeze %dma_wait3A_302 : memref<1x1x640x16xf32, #tpu.memory_space<hbm>> -> memref<640x16xf32, #tpu.memory_space<hbm>>
      tpu.wait_dma2 semaphore(%run_scoped3A : memref<!tpu.dma_semaphore, #tpu.memory_space<semaphore_mem>>) src(%arg24 : memref<640x16xf32, #tpu.memory_space<vmem>>) dst(%dma_wait3A_303 : memref<640x16xf32, #tpu.memory_space<hbm>>)
      tpu.yield
    }) : () -> ()
    return
  }
}

#map = affine_map<(d0, d1) -> (0)>
#map1 = affine_map<(d0, d1) -> (0, 0)>
#map2 = affine_map<(d0, d1) -> (0, 0, 0, 0)>
module attributes {stable_mosaic.version = 14 : i64} {
  func.func @_agg_sc(%arg0: i32, %arg1: i32, %arg2: memref<327680xi32, #tpu.memory_space<hbm>>, %arg3: memref<327680xi32, #tpu.memory_space<hbm>>, %arg4: memref<327680xi32, #tpu.memory_space<hbm>>, %arg5: memref<80000x32xf32, #tpu.memory_space<hbm>>, %arg6: memref<80128xf32, #tpu.memory_space<hbm>>, %arg7: memref<2x16x640x32xf32, #tpu.memory_space<hbm>>, %arg8: memref<128xi32, #tpu.memory_space<vmem>>, %arg9: memref<128xi32, #tpu.memory_space<vmem>>, %arg10: memref<128xi32, #tpu.memory_space<vmem>>, %arg11: memref<128xi32, #tpu.memory_space<vmem>>, %arg12: memref<128xi32, #tpu.memory_space<vmem>>, %arg13: memref<128xi32, #tpu.memory_space<vmem>>, %arg14: memref<128xi32, #tpu.memory_space<vmem>>, %arg15: memref<128xi32, #tpu.memory_space<vmem>>, %arg16: memref<128xi32, #tpu.memory_space<vmem>>, %arg17: memref<128xi32, #tpu.memory_space<vmem>>, %arg18: memref<128xi32, #tpu.memory_space<vmem>>, %arg19: memref<128xi32, #tpu.memory_space<vmem>>, %arg20: memref<128x32xf32, #tpu.memory_space<vmem>>, %arg21: memref<128x32xf32, #tpu.memory_space<vmem>>, %arg22: memref<128xf32, #tpu.memory_space<vmem>>, %arg23: memref<128xf32, #tpu.memory_space<vmem>>, %arg24: memref<640x32xf32, #tpu.memory_space<vmem>>, %arg25: memref<10240x32xf32, #tpu.memory_space<vmem_shared>>, %arg26: memref<!tpu.dma_semaphore, #tpu.memory_space<semaphore_mem>>, %arg27: memref<!tpu.dma_semaphore, #tpu.memory_space<semaphore_mem>>, %arg28: memref<!tpu.dma_semaphore, #tpu.memory_space<semaphore_mem>>, %arg29: memref<!tpu.dma_semaphore, #tpu.memory_space<semaphore_mem>>, %arg30: memref<!tpu.dma_semaphore, #tpu.memory_space<semaphore_mem>>, %arg31: memref<!tpu.dma_semaphore, #tpu.memory_space<semaphore_mem>>) attributes {dimension_semantics = [#tpu.dimension_semantics<core_parallel>, #tpu.dimension_semantics<subcore_parallel>], iteration_bounds = array<i64: 2, 16>, scalar_prefetch = 0 : i64, scratch_operands = 24 : i64, tpu.core_type = #tpu.core_type<sc_vector_subcore>, window_params = [{transform_indices = #map}, {transform_indices = #map}, {transform_indices = #map}, {transform_indices = #map1}, {transform_indices = #map}, {transform_indices = #map2}]} {
    %mul3A = arith.constant 2 : i32
    %mul3A_0 = arith.muli %arg1, %mul3A : i32
    %add3A = arith.addi %mul3A_0, %arg0 : i32
    %mul3A_1 = arith.constant 10240 : i32
    %mul3A_2 = arith.muli %add3A, %mul3A_1 : i32
    %scan3A = arith.constant 0 : i32
    %scan3A_3 = arith.constant 0 : i32
    %scan3A_4 = arith.constant 640 : i32
    %scan3A_5 = arith.addi %scan3A_3, %scan3A_4 : i32
    %scan3A_6 = arith.constant 1 : i32
    %scan3A_7 = scf.for %scan3A_288 = %scan3A_3 to %scan3A_5 step %scan3A_6 iter_args(%scan3A_289 = %scan3A) -> (i32)  : i32 {
      %broadcast_in_dim3A = arith.constant 0.000000e+00 : f32
      %broadcast_in_dim3A_290 = vector.broadcast %broadcast_in_dim3A : f32 to vector<16xf32>
      %swap3A_291 = arith.index_cast %scan3A_288 : i32 to index
      %swap3A_292 = arith.constant 0 : index
      %swap3A_293 = tpu.vector_load %arg24[%swap3A_291, %swap3A_292] {strides = array<i32>} : memref<640x32xf32, #tpu.memory_space<vmem>>, vector<1x16xf32>,
      %swap3A_294 = vector.shape_cast %swap3A_293 : vector<1x16xf32> to vector<16xf32>
      %swap3A_295 = vector.shape_cast %broadcast_in_dim3A_290 : vector<16xf32> to vector<1x16xf32>
      tpu.vector_store %arg24[%swap3A_291, %swap3A_292], %swap3A_295 {strides = array<i32>} : memref<640x32xf32, #tpu.memory_space<vmem>>, vector<1x16xf32>,
      %broadcast_in_dim3A_296 = arith.constant 0.000000e+00 : f32
      %broadcast_in_dim3A_297 = vector.broadcast %broadcast_in_dim3A_296 : f32 to vector<16xf32>
      %swap3A_298 = arith.index_cast %scan3A_288 : i32 to index
      %swap3A_299 = arith.constant 16 : index
      %swap3A_300 = tpu.vector_load %arg24[%swap3A_298, %swap3A_299] {strides = array<i32>} : memref<640x32xf32, #tpu.memory_space<vmem>>, vector<1x16xf32>,
      %swap3A_301 = vector.shape_cast %swap3A_300 : vector<1x16xf32> to vector<16xf32>
      %swap3A_302 = vector.shape_cast %broadcast_in_dim3A_297 : vector<16xf32> to vector<1x16xf32>
      tpu.vector_store %arg24[%swap3A_298, %swap3A_299], %swap3A_302 {strides = array<i32>} : memref<640x32xf32, #tpu.memory_space<vmem>>, vector<1x16xf32>,
      %scan3A_303 = arith.constant 0 : i32
      scf.yield %scan3A_303 : i32
    }
    %scan3A_8 = arith.constant 640 : i32
    %mul3A_9 = arith.constant 640 : i32
    %mul3A_10 = arith.muli %arg1, %mul3A_9 : i32
    "tpu.region"() ({
      %run_scoped3A = tpu.sem_alloc : memref<!tpu.dma_semaphore, #tpu.memory_space<semaphore_mem>>
      %dma_start3A_288 = arith.constant 0 : i32
      %dma_start3A_289 = tpu.memref_slice %arg25[%mul3A_10, %dma_start3A_288] : memref<10240x32xf32, #tpu.memory_space<vmem_shared>> -> memref<640x32xf32, #tpu.memory_space<vmem_shared>>
      %dma_start3A_290 = arith.constant 0 : i32
      %dma_start3A_291 = tpu.memref_slice %arg25[%mul3A_10, %dma_start3A_290] : memref<10240x32xf32, #tpu.memory_space<vmem_shared>> -> memref<640x32xf32, #tpu.memory_space<vmem_shared>>
      tpu.enqueue_dma source(%arg24 : memref<640x32xf32, #tpu.memory_space<vmem>>) target(%dma_start3A_291 : memref<640x32xf32, #tpu.memory_space<vmem_shared>>) target_semaphore(%run_scoped3A : memref<!tpu.dma_semaphore, #tpu.memory_space<semaphore_mem>>)
      %dma_wait3A_292 = arith.constant 0 : i32
      %dma_wait3A_293 = tpu.memref_slice %arg25[%mul3A_10, %dma_wait3A_292] : memref<10240x32xf32, #tpu.memory_space<vmem_shared>> -> memref<640x32xf32, #tpu.memory_space<vmem_shared>>
      %dma_wait3A_294 = arith.constant 0 : i32
      %dma_wait3A_295 = tpu.memref_slice %arg25[%mul3A_10, %dma_wait3A_294] : memref<10240x32xf32, #tpu.memory_space<vmem_shared>> -> memref<640x32xf32, #tpu.memory_space<vmem_shared>>
      tpu.wait_dma2 semaphore(%run_scoped3A : memref<!tpu.dma_semaphore, #tpu.memory_space<semaphore_mem>>) src(%arg24 : memref<640x32xf32, #tpu.memory_space<vmem>>) dst(%dma_wait3A_295 : memref<640x32xf32, #tpu.memory_space<vmem_shared>>)
      tpu.yield
    }) : () -> ()
    %barrier3A = arith.constant 0 : index
    tpu.barrier barrier_id(%barrier3A)
    %add3A_11 = arith.constant 0 : i32
    %add3A_12 = arith.addi %mul3A_2, %add3A_11 : i32
    %dma_start3A = tpu.memref_slice %arg2[%add3A_12] : memref<327680xi32, #tpu.memory_space<hbm>> -> memref<128xi32, #tpu.memory_space<hbm>>
    %dma_start3A_13 = tpu.memref_slice %arg2[%add3A_12] : memref<327680xi32, #tpu.memory_space<hbm>> -> memref<128xi32, #tpu.memory_space<hbm>>
    tpu.enqueue_dma source(%dma_start3A_13 : memref<128xi32, #tpu.memory_space<hbm>>) target(%arg8 : memref<128xi32, #tpu.memory_space<vmem>>) target_semaphore(%arg26 : memref<!tpu.dma_semaphore, #tpu.memory_space<semaphore_mem>>)
    %dma_start3A_14 = tpu.memref_slice %arg3[%add3A_12] : memref<327680xi32, #tpu.memory_space<hbm>> -> memref<128xi32, #tpu.memory_space<hbm>>
    %dma_start3A_15 = tpu.memref_slice %arg3[%add3A_12] : memref<327680xi32, #tpu.memory_space<hbm>> -> memref<128xi32, #tpu.memory_space<hbm>>
    tpu.enqueue_dma source(%dma_start3A_15 : memref<128xi32, #tpu.memory_space<hbm>>) target(%arg9 : memref<128xi32, #tpu.memory_space<vmem>>) target_semaphore(%arg26 : memref<!tpu.dma_semaphore, #tpu.memory_space<semaphore_mem>>)
    %dma_start3A_16 = tpu.memref_slice %arg4[%add3A_12] : memref<327680xi32, #tpu.memory_space<hbm>> -> memref<128xi32, #tpu.memory_space<hbm>>
    %dma_start3A_17 = tpu.memref_slice %arg4[%add3A_12] : memref<327680xi32, #tpu.memory_space<hbm>> -> memref<128xi32, #tpu.memory_space<hbm>>
    tpu.enqueue_dma source(%dma_start3A_17 : memref<128xi32, #tpu.memory_space<hbm>>) target(%arg10 : memref<128xi32, #tpu.memory_space<vmem>>) target_semaphore(%arg26 : memref<!tpu.dma_semaphore, #tpu.memory_space<semaphore_mem>>)
    %add3A_18 = arith.constant 128 : i32
    %add3A_19 = arith.addi %mul3A_2, %add3A_18 : i32
    %dma_start3A_20 = tpu.memref_slice %arg2[%add3A_19] : memref<327680xi32, #tpu.memory_space<hbm>> -> memref<128xi32, #tpu.memory_space<hbm>>
    %dma_start3A_21 = tpu.memref_slice %arg2[%add3A_19] : memref<327680xi32, #tpu.memory_space<hbm>> -> memref<128xi32, #tpu.memory_space<hbm>>
    tpu.enqueue_dma source(%dma_start3A_21 : memref<128xi32, #tpu.memory_space<hbm>>) target(%arg11 : memref<128xi32, #tpu.memory_space<vmem>>) target_semaphore(%arg27 : memref<!tpu.dma_semaphore, #tpu.memory_space<semaphore_mem>>)
    %dma_start3A_22 = tpu.memref_slice %arg3[%add3A_19] : memref<327680xi32, #tpu.memory_space<hbm>> -> memref<128xi32, #tpu.memory_space<hbm>>
    %dma_start3A_23 = tpu.memref_slice %arg3[%add3A_19] : memref<327680xi32, #tpu.memory_space<hbm>> -> memref<128xi32, #tpu.memory_space<hbm>>
    tpu.enqueue_dma source(%dma_start3A_23 : memref<128xi32, #tpu.memory_space<hbm>>) target(%arg12 : memref<128xi32, #tpu.memory_space<vmem>>) target_semaphore(%arg27 : memref<!tpu.dma_semaphore, #tpu.memory_space<semaphore_mem>>)
    %dma_start3A_24 = tpu.memref_slice %arg4[%add3A_19] : memref<327680xi32, #tpu.memory_space<hbm>> -> memref<128xi32, #tpu.memory_space<hbm>>
    %dma_start3A_25 = tpu.memref_slice %arg4[%add3A_19] : memref<327680xi32, #tpu.memory_space<hbm>> -> memref<128xi32, #tpu.memory_space<hbm>>
    tpu.enqueue_dma source(%dma_start3A_25 : memref<128xi32, #tpu.memory_space<hbm>>) target(%arg13 : memref<128xi32, #tpu.memory_space<vmem>>) target_semaphore(%arg27 : memref<!tpu.dma_semaphore, #tpu.memory_space<semaphore_mem>>)
    %dma_wait3A = arith.constant 0 : i32
    %dma_wait3A_26 = tpu.memref_slice %arg2[%dma_wait3A] : memref<327680xi32, #tpu.memory_space<hbm>> -> memref<128xi32, #tpu.memory_space<hbm>>
    %dma_wait3A_27 = arith.constant 0 : i32
    %dma_wait3A_28 = tpu.memref_slice %arg2[%dma_wait3A_27] : memref<327680xi32, #tpu.memory_space<hbm>> -> memref<128xi32, #tpu.memory_space<hbm>>
    tpu.wait_dma2 semaphore(%arg26 : memref<!tpu.dma_semaphore, #tpu.memory_space<semaphore_mem>>) src(%dma_wait3A_28 : memref<128xi32, #tpu.memory_space<hbm>>) dst(%arg8 : memref<128xi32, #tpu.memory_space<vmem>>)
    %dma_wait3A_29 = arith.constant 0 : i32
    %dma_wait3A_30 = tpu.memref_slice %arg3[%dma_wait3A_29] : memref<327680xi32, #tpu.memory_space<hbm>> -> memref<128xi32, #tpu.memory_space<hbm>>
    %dma_wait3A_31 = arith.constant 0 : i32
    %dma_wait3A_32 = tpu.memref_slice %arg3[%dma_wait3A_31] : memref<327680xi32, #tpu.memory_space<hbm>> -> memref<128xi32, #tpu.memory_space<hbm>>
    tpu.wait_dma2 semaphore(%arg26 : memref<!tpu.dma_semaphore, #tpu.memory_space<semaphore_mem>>) src(%dma_wait3A_32 : memref<128xi32, #tpu.memory_space<hbm>>) dst(%arg9 : memref<128xi32, #tpu.memory_space<vmem>>)
    %dma_wait3A_33 = arith.constant 0 : i32
    %dma_wait3A_34 = tpu.memref_slice %arg4[%dma_wait3A_33] : memref<327680xi32, #tpu.memory_space<hbm>> -> memref<128xi32, #tpu.memory_space<hbm>>
    %dma_wait3A_35 = arith.constant 0 : i32
    %dma_wait3A_36 = tpu.memref_slice %arg4[%dma_wait3A_35] : memref<327680xi32, #tpu.memory_space<hbm>> -> memref<128xi32, #tpu.memory_space<hbm>>
    tpu.wait_dma2 semaphore(%arg26 : memref<!tpu.dma_semaphore, #tpu.memory_space<semaphore_mem>>) src(%dma_wait3A_36 : memref<128xi32, #tpu.memory_space<hbm>>) dst(%arg10 : memref<128xi32, #tpu.memory_space<vmem>>)
    %get3A = arith.constant 0 : index
    %get3A_37 = tpu.vector_load %arg10[%get3A] {strides = array<i32>} : memref<128xi32, #tpu.memory_space<vmem>>, vector<16xi32>,
    %get3A_38 = vector.shape_cast %get3A_37 : vector<16xi32> to vector<16xi32>
    %get3A_39 = arith.constant 0 : index
    %get3A_40 = tpu.vector_load %arg9[%get3A_39] {strides = array<i32>} : memref<128xi32, #tpu.memory_space<vmem>>, vector<16xi32>,
    %get3A_41 = vector.shape_cast %get3A_40 : vector<16xi32> to vector<16xi32>
    %get3A_42 = arith.constant 0 : index
    %get3A_43 = tpu.vector_load %arg8[%get3A_42] {strides = array<i32>} : memref<128xi32, #tpu.memory_space<vmem>>, vector<16xi32>,
    %get3A_44 = vector.shape_cast %get3A_43 : vector<16xi32> to vector<16xi32>
    %mul3A_45 = arith.constant 8 : i32
    %mul3A_46 = vector.broadcast %mul3A_45 : i32 to vector<16xi32>
    %mul3A_47 = arith.muli %get3A_44, %mul3A_46 : vector<16xi32>
    %add3A_48 = arith.addi %mul3A_47, %get3A_38 : vector<16xi32>
    %swap3A = arith.constant 0 : index
    %swap3A_49 = tpu.vector_load %arg14[%swap3A] {strides = array<i32>} : memref<128xi32, #tpu.memory_space<vmem>>, vector<16xi32>,
    %swap3A_50 = vector.shape_cast %swap3A_49 : vector<16xi32> to vector<16xi32>
    %swap3A_51 = vector.shape_cast %add3A_48 : vector<16xi32> to vector<16xi32>
    tpu.vector_store %arg14[%swap3A], %swap3A_51 {strides = array<i32>} : memref<128xi32, #tpu.memory_space<vmem>>, vector<16xi32>,
    %mul3A_52 = arith.constant 8 : i32
    %mul3A_53 = vector.broadcast %mul3A_52 : i32 to vector<16xi32>
    %mul3A_54 = arith.muli %get3A_41, %mul3A_53 : vector<16xi32>
    %add3A_55 = arith.addi %mul3A_54, %get3A_38 : vector<16xi32>
    %swap3A_56 = arith.constant 0 : index
    %swap3A_57 = tpu.vector_load %arg15[%swap3A_56] {strides = array<i32>} : memref<128xi32, #tpu.memory_space<vmem>>, vector<16xi32>,
    %swap3A_58 = vector.shape_cast %swap3A_57 : vector<16xi32> to vector<16xi32>
    %swap3A_59 = vector.shape_cast %add3A_55 : vector<16xi32> to vector<16xi32>
    tpu.vector_store %arg15[%swap3A_56], %swap3A_59 {strides = array<i32>} : memref<128xi32, #tpu.memory_space<vmem>>, vector<16xi32>,
    %swap3A_60 = arith.constant 0 : index
    %swap3A_61 = tpu.vector_load %arg18[%swap3A_60] {strides = array<i32>} : memref<128xi32, #tpu.memory_space<vmem>>, vector<16xi32>,
    %swap3A_62 = vector.shape_cast %swap3A_61 : vector<16xi32> to vector<16xi32>
    %swap3A_63 = vector.shape_cast %get3A_41 : vector<16xi32> to vector<16xi32>
    tpu.vector_store %arg18[%swap3A_60], %swap3A_63 {strides = array<i32>} : memref<128xi32, #tpu.memory_space<vmem>>, vector<16xi32>,
    %get3A_64 = arith.constant 16 : index
    %get3A_65 = tpu.vector_load %arg10[%get3A_64] {strides = array<i32>} : memref<128xi32, #tpu.memory_space<vmem>>, vector<16xi32>,
    %get3A_66 = vector.shape_cast %get3A_65 : vector<16xi32> to vector<16xi32>
    %get3A_67 = arith.constant 16 : index
    %get3A_68 = tpu.vector_load %arg9[%get3A_67] {strides = array<i32>} : memref<128xi32, #tpu.memory_space<vmem>>, vector<16xi32>,
    %get3A_69 = vector.shape_cast %get3A_68 : vector<16xi32> to vector<16xi32>
    %get3A_70 = arith.constant 16 : index
    %get3A_71 = tpu.vector_load %arg8[%get3A_70] {strides = array<i32>} : memref<128xi32, #tpu.memory_space<vmem>>, vector<16xi32>,
    %get3A_72 = vector.shape_cast %get3A_71 : vector<16xi32> to vector<16xi32>
    %mul3A_73 = arith.constant 8 : i32
    %mul3A_74 = vector.broadcast %mul3A_73 : i32 to vector<16xi32>
    %mul3A_75 = arith.muli %get3A_72, %mul3A_74 : vector<16xi32>
    %add3A_76 = arith.addi %mul3A_75, %get3A_66 : vector<16xi32>
    %swap3A_77 = arith.constant 16 : index
    %swap3A_78 = tpu.vector_load %arg14[%swap3A_77] {strides = array<i32>} : memref<128xi32, #tpu.memory_space<vmem>>, vector<16xi32>,
    %swap3A_79 = vector.shape_cast %swap3A_78 : vector<16xi32> to vector<16xi32>
    %swap3A_80 = vector.shape_cast %add3A_76 : vector<16xi32> to vector<16xi32>
    tpu.vector_store %arg14[%swap3A_77], %swap3A_80 {strides = array<i32>} : memref<128xi32, #tpu.memory_space<vmem>>, vector<16xi32>,
    %mul3A_81 = arith.constant 8 : i32
    %mul3A_82 = vector.broadcast %mul3A_81 : i32 to vector<16xi32>
    %mul3A_83 = arith.muli %get3A_69, %mul3A_82 : vector<16xi32>
    %add3A_84 = arith.addi %mul3A_83, %get3A_66 : vector<16xi32>
    %swap3A_85 = arith.constant 16 : index
    %swap3A_86 = tpu.vector_load %arg15[%swap3A_85] {strides = array<i32>} : memref<128xi32, #tpu.memory_space<vmem>>, vector<16xi32>,
    %swap3A_87 = vector.shape_cast %swap3A_86 : vector<16xi32> to vector<16xi32>
    %swap3A_88 = vector.shape_cast %add3A_84 : vector<16xi32> to vector<16xi32>
    tpu.vector_store %arg15[%swap3A_85], %swap3A_88 {strides = array<i32>} : memref<128xi32, #tpu.memory_space<vmem>>, vector<16xi32>,
    %swap3A_89 = arith.constant 16 : index
    %swap3A_90 = tpu.vector_load %arg18[%swap3A_89] {strides = array<i32>} : memref<128xi32, #tpu.memory_space<vmem>>, vector<16xi32>,
    %swap3A_91 = vector.shape_cast %swap3A_90 : vector<16xi32> to vector<16xi32>
    %swap3A_92 = vector.shape_cast %get3A_69 : vector<16xi32> to vector<16xi32>
    tpu.vector_store %arg18[%swap3A_89], %swap3A_92 {strides = array<i32>} : memref<128xi32, #tpu.memory_space<vmem>>, vector<16xi32>,
    %get3A_93 = arith.constant 32 : index
    %get3A_94 = tpu.vector_load %arg10[%get3A_93] {strides = array<i32>} : memref<128xi32, #tpu.memory_space<vmem>>, vector<16xi32>,
    %get3A_95 = vector.shape_cast %get3A_94 : vector<16xi32> to vector<16xi32>
    %get3A_96 = arith.constant 32 : index
    %get3A_97 = tpu.vector_load %arg9[%get3A_96] {strides = array<i32>} : memref<128xi32, #tpu.memory_space<vmem>>, vector<16xi32>,
    %get3A_98 = vector.shape_cast %get3A_97 : vector<16xi32> to vector<16xi32>
    %get3A_99 = arith.constant 32 : index
    %get3A_100 = tpu.vector_load %arg8[%get3A_99] {strides = array<i32>} : memref<128xi32, #tpu.memory_space<vmem>>, vector<16xi32>,
    %get3A_101 = vector.shape_cast %get3A_100 : vector<16xi32> to vector<16xi32>
    %mul3A_102 = arith.constant 8 : i32
    %mul3A_103 = vector.broadcast %mul3A_102 : i32 to vector<16xi32>
    %mul3A_104 = arith.muli %get3A_101, %mul3A_103 : vector<16xi32>
    %add3A_105 = arith.addi %mul3A_104, %get3A_95 : vector<16xi32>
    %swap3A_106 = arith.constant 32 : index
    %swap3A_107 = tpu.vector_load %arg14[%swap3A_106] {strides = array<i32>} : memref<128xi32, #tpu.memory_space<vmem>>, vector<16xi32>,
    %swap3A_108 = vector.shape_cast %swap3A_107 : vector<16xi32> to vector<16xi32>
    %swap3A_109 = vector.shape_cast %add3A_105 : vector<16xi32> to vector<16xi32>
    tpu.vector_store %arg14[%swap3A_106], %swap3A_109 {strides = array<i32>} : memref<128xi32, #tpu.memory_space<vmem>>, vector<16xi32>,
    %mul3A_110 = arith.constant 8 : i32
    %mul3A_111 = vector.broadcast %mul3A_110 : i32 to vector<16xi32>
    %mul3A_112 = arith.muli %get3A_98, %mul3A_111 : vector<16xi32>
    %add3A_113 = arith.addi %mul3A_112, %get3A_95 : vector<16xi32>
    %swap3A_114 = arith.constant 32 : index
    %swap3A_115 = tpu.vector_load %arg15[%swap3A_114] {strides = array<i32>} : memref<128xi32, #tpu.memory_space<vmem>>, vector<16xi32>,
    %swap3A_116 = vector.shape_cast %swap3A_115 : vector<16xi32> to vector<16xi32>
    %swap3A_117 = vector.shape_cast %add3A_113 : vector<16xi32> to vector<16xi32>
    tpu.vector_store %arg15[%swap3A_114], %swap3A_117 {strides = array<i32>} : memref<128xi32, #tpu.memory_space<vmem>>, vector<16xi32>,
    %swap3A_118 = arith.constant 32 : index
    %swap3A_119 = tpu.vector_load %arg18[%swap3A_118] {strides = array<i32>} : memref<128xi32, #tpu.memory_space<vmem>>, vector<16xi32>,
    %swap3A_120 = vector.shape_cast %swap3A_119 : vector<16xi32> to vector<16xi32>
    %swap3A_121 = vector.shape_cast %get3A_98 : vector<16xi32> to vector<16xi32>
    tpu.vector_store %arg18[%swap3A_118], %swap3A_121 {strides = array<i32>} : memref<128xi32, #tpu.memory_space<vmem>>, vector<16xi32>,
    %get3A_122 = arith.constant 48 : index
    %get3A_123 = tpu.vector_load %arg10[%get3A_122] {strides = array<i32>} : memref<128xi32, #tpu.memory_space<vmem>>, vector<16xi32>,
    %get3A_124 = vector.shape_cast %get3A_123 : vector<16xi32> to vector<16xi32>
    %get3A_125 = arith.constant 48 : index
    %get3A_126 = tpu.vector_load %arg9[%get3A_125] {strides = array<i32>} : memref<128xi32, #tpu.memory_space<vmem>>, vector<16xi32>,
    %get3A_127 = vector.shape_cast %get3A_126 : vector<16xi32> to vector<16xi32>
    %get3A_128 = arith.constant 48 : index
    %get3A_129 = tpu.vector_load %arg8[%get3A_128] {strides = array<i32>} : memref<128xi32, #tpu.memory_space<vmem>>, vector<16xi32>,
    %get3A_130 = vector.shape_cast %get3A_129 : vector<16xi32> to vector<16xi32>
    %mul3A_131 = arith.constant 8 : i32
    %mul3A_132 = vector.broadcast %mul3A_131 : i32 to vector<16xi32>
    %mul3A_133 = arith.muli %get3A_130, %mul3A_132 : vector<16xi32>
    %add3A_134 = arith.addi %mul3A_133, %get3A_124 : vector<16xi32>
    %swap3A_135 = arith.constant 48 : index
    %swap3A_136 = tpu.vector_load %arg14[%swap3A_135] {strides = array<i32>} : memref<128xi32, #tpu.memory_space<vmem>>, vector<16xi32>,
    %swap3A_137 = vector.shape_cast %swap3A_136 : vector<16xi32> to vector<16xi32>
    %swap3A_138 = vector.shape_cast %add3A_134 : vector<16xi32> to vector<16xi32>
    tpu.vector_store %arg14[%swap3A_135], %swap3A_138 {strides = array<i32>} : memref<128xi32, #tpu.memory_space<vmem>>, vector<16xi32>,
    %mul3A_139 = arith.constant 8 : i32
    %mul3A_140 = vector.broadcast %mul3A_139 : i32 to vector<16xi32>
    %mul3A_141 = arith.muli %get3A_127, %mul3A_140 : vector<16xi32>
    %add3A_142 = arith.addi %mul3A_141, %get3A_124 : vector<16xi32>
    %swap3A_143 = arith.constant 48 : index
    %swap3A_144 = tpu.vector_load %arg15[%swap3A_143] {strides = array<i32>} : memref<128xi32, #tpu.memory_space<vmem>>, vector<16xi32>,
    %swap3A_145 = vector.shape_cast %swap3A_144 : vector<16xi32> to vector<16xi32>
    %swap3A_146 = vector.shape_cast %add3A_142 : vector<16xi32> to vector<16xi32>
    tpu.vector_store %arg15[%swap3A_143], %swap3A_146 {strides = array<i32>} : memref<128xi32, #tpu.memory_space<vmem>>, vector<16xi32>,
    %swap3A_147 = arith.constant 48 : index
    %swap3A_148 = tpu.vector_load %arg18[%swap3A_147] {strides = array<i32>} : memref<128xi32, #tpu.memory_space<vmem>>, vector<16xi32>,
    %swap3A_149 = vector.shape_cast %swap3A_148 : vector<16xi32> to vector<16xi32>
    %swap3A_150 = vector.shape_cast %get3A_127 : vector<16xi32> to vector<16xi32>
    tpu.vector_store %arg18[%swap3A_147], %swap3A_150 {strides = array<i32>} : memref<128xi32, #tpu.memory_space<vmem>>, vector<16xi32>,
    %get3A_151 = arith.constant 64 : index
    %get3A_152 = tpu.vector_load %arg10[%get3A_151] {strides = array<i32>} : memref<128xi32, #tpu.memory_space<vmem>>, vector<16xi32>,
    %get3A_153 = vector.shape_cast %get3A_152 : vector<16xi32> to vector<16xi32>
    %get3A_154 = arith.constant 64 : index
    %get3A_155 = tpu.vector_load %arg9[%get3A_154] {strides = array<i32>} : memref<128xi32, #tpu.memory_space<vmem>>, vector<16xi32>,
    %get3A_156 = vector.shape_cast %get3A_155 : vector<16xi32> to vector<16xi32>
    %get3A_157 = arith.constant 64 : index
    %get3A_158 = tpu.vector_load %arg8[%get3A_157] {strides = array<i32>} : memref<128xi32, #tpu.memory_space<vmem>>, vector<16xi32>,
    %get3A_159 = vector.shape_cast %get3A_158 : vector<16xi32> to vector<16xi32>
    %mul3A_160 = arith.constant 8 : i32
    %mul3A_161 = vector.broadcast %mul3A_160 : i32 to vector<16xi32>
    %mul3A_162 = arith.muli %get3A_159, %mul3A_161 : vector<16xi32>
    %add3A_163 = arith.addi %mul3A_162, %get3A_153 : vector<16xi32>
    %swap3A_164 = arith.constant 64 : index
    %swap3A_165 = tpu.vector_load %arg14[%swap3A_164] {strides = array<i32>} : memref<128xi32, #tpu.memory_space<vmem>>, vector<16xi32>,
    %swap3A_166 = vector.shape_cast %swap3A_165 : vector<16xi32> to vector<16xi32>
    %swap3A_167 = vector.shape_cast %add3A_163 : vector<16xi32> to vector<16xi32>
    tpu.vector_store %arg14[%swap3A_164], %swap3A_167 {strides = array<i32>} : memref<128xi32, #tpu.memory_space<vmem>>, vector<16xi32>,
    %mul3A_168 = arith.constant 8 : i32
    %mul3A_169 = vector.broadcast %mul3A_168 : i32 to vector<16xi32>
    %mul3A_170 = arith.muli %get3A_156, %mul3A_169 : vector<16xi32>
    %add3A_171 = arith.addi %mul3A_170, %get3A_153 : vector<16xi32>
    %swap3A_172 = arith.constant 64 : index
    %swap3A_173 = tpu.vector_load %arg15[%swap3A_172] {strides = array<i32>} : memref<128xi32, #tpu.memory_space<vmem>>, vector<16xi32>,
    %swap3A_174 = vector.shape_cast %swap3A_173 : vector<16xi32> to vector<16xi32>
    %swap3A_175 = vector.shape_cast %add3A_171 : vector<16xi32> to vector<16xi32>
    tpu.vector_store %arg15[%swap3A_172], %swap3A_175 {strides = array<i32>} : memref<128xi32, #tpu.memory_space<vmem>>, vector<16xi32>,
    %swap3A_176 = arith.constant 64 : index
    %swap3A_177 = tpu.vector_load %arg18[%swap3A_176] {strides = array<i32>} : memref<128xi32, #tpu.memory_space<vmem>>, vector<16xi32>,
    %swap3A_178 = vector.shape_cast %swap3A_177 : vector<16xi32> to vector<16xi32>
    %swap3A_179 = vector.shape_cast %get3A_156 : vector<16xi32> to vector<16xi32>
    tpu.vector_store %arg18[%swap3A_176], %swap3A_179 {strides = array<i32>} : memref<128xi32, #tpu.memory_space<vmem>>, vector<16xi32>,
    %get3A_180 = arith.constant 80 : index
    %get3A_181 = tpu.vector_load %arg10[%get3A_180] {strides = array<i32>} : memref<128xi32, #tpu.memory_space<vmem>>, vector<16xi32>,
    %get3A_182 = vector.shape_cast %get3A_181 : vector<16xi32> to vector<16xi32>
    %get3A_183 = arith.constant 80 : index
    %get3A_184 = tpu.vector_load %arg9[%get3A_183] {strides = array<i32>} : memref<128xi32, #tpu.memory_space<vmem>>, vector<16xi32>,
    %get3A_185 = vector.shape_cast %get3A_184 : vector<16xi32> to vector<16xi32>
    %get3A_186 = arith.constant 80 : index
    %get3A_187 = tpu.vector_load %arg8[%get3A_186] {strides = array<i32>} : memref<128xi32, #tpu.memory_space<vmem>>, vector<16xi32>,
    %get3A_188 = vector.shape_cast %get3A_187 : vector<16xi32> to vector<16xi32>
    %mul3A_189 = arith.constant 8 : i32
    %mul3A_190 = vector.broadcast %mul3A_189 : i32 to vector<16xi32>
    %mul3A_191 = arith.muli %get3A_188, %mul3A_190 : vector<16xi32>
    %add3A_192 = arith.addi %mul3A_191, %get3A_182 : vector<16xi32>
    %swap3A_193 = arith.constant 80 : index
    %swap3A_194 = tpu.vector_load %arg14[%swap3A_193] {strides = array<i32>} : memref<128xi32, #tpu.memory_space<vmem>>, vector<16xi32>,
    %swap3A_195 = vector.shape_cast %swap3A_194 : vector<16xi32> to vector<16xi32>
    %swap3A_196 = vector.shape_cast %add3A_192 : vector<16xi32> to vector<16xi32>
    tpu.vector_store %arg14[%swap3A_193], %swap3A_196 {strides = array<i32>} : memref<128xi32, #tpu.memory_space<vmem>>, vector<16xi32>,
    %mul3A_197 = arith.constant 8 : i32
    %mul3A_198 = vector.broadcast %mul3A_197 : i32 to vector<16xi32>
    %mul3A_199 = arith.muli %get3A_185, %mul3A_198 : vector<16xi32>
    %add3A_200 = arith.addi %mul3A_199, %get3A_182 : vector<16xi32>
    %swap3A_201 = arith.constant 80 : index
    %swap3A_202 = tpu.vector_load %arg15[%swap3A_201] {strides = array<i32>} : memref<128xi32, #tpu.memory_space<vmem>>, vector<16xi32>,
    %swap3A_203 = vector.shape_cast %swap3A_202 : vector<16xi32> to vector<16xi32>
    %swap3A_204 = vector.shape_cast %add3A_200 : vector<16xi32> to vector<16xi32>
    tpu.vector_store %arg15[%swap3A_201], %swap3A_204 {strides = array<i32>} : memref<128xi32, #tpu.memory_space<vmem>>, vector<16xi32>,
    %swap3A_205 = arith.constant 80 : index
    %swap3A_206 = tpu.vector_load %arg18[%swap3A_205] {strides = array<i32>} : memref<128xi32, #tpu.memory_space<vmem>>, vector<16xi32>,
    %swap3A_207 = vector.shape_cast %swap3A_206 : vector<16xi32> to vector<16xi32>
    %swap3A_208 = vector.shape_cast %get3A_185 : vector<16xi32> to vector<16xi32>
    tpu.vector_store %arg18[%swap3A_205], %swap3A_208 {strides = array<i32>} : memref<128xi32, #tpu.memory_space<vmem>>, vector<16xi32>,
    %get3A_209 = arith.constant 96 : index
    %get3A_210 = tpu.vector_load %arg10[%get3A_209] {strides = array<i32>} : memref<128xi32, #tpu.memory_space<vmem>>, vector<16xi32>,
    %get3A_211 = vector.shape_cast %get3A_210 : vector<16xi32> to vector<16xi32>
    %get3A_212 = arith.constant 96 : index
    %get3A_213 = tpu.vector_load %arg9[%get3A_212] {strides = array<i32>} : memref<128xi32, #tpu.memory_space<vmem>>, vector<16xi32>,
    %get3A_214 = vector.shape_cast %get3A_213 : vector<16xi32> to vector<16xi32>
    %get3A_215 = arith.constant 96 : index
    %get3A_216 = tpu.vector_load %arg8[%get3A_215] {strides = array<i32>} : memref<128xi32, #tpu.memory_space<vmem>>, vector<16xi32>,
    %get3A_217 = vector.shape_cast %get3A_216 : vector<16xi32> to vector<16xi32>
    %mul3A_218 = arith.constant 8 : i32
    %mul3A_219 = vector.broadcast %mul3A_218 : i32 to vector<16xi32>
    %mul3A_220 = arith.muli %get3A_217, %mul3A_219 : vector<16xi32>
    %add3A_221 = arith.addi %mul3A_220, %get3A_211 : vector<16xi32>
    %swap3A_222 = arith.constant 96 : index
    %swap3A_223 = tpu.vector_load %arg14[%swap3A_222] {strides = array<i32>} : memref<128xi32, #tpu.memory_space<vmem>>, vector<16xi32>,
    %swap3A_224 = vector.shape_cast %swap3A_223 : vector<16xi32> to vector<16xi32>
    %swap3A_225 = vector.shape_cast %add3A_221 : vector<16xi32> to vector<16xi32>
    tpu.vector_store %arg14[%swap3A_222], %swap3A_225 {strides = array<i32>} : memref<128xi32, #tpu.memory_space<vmem>>, vector<16xi32>,
    %mul3A_226 = arith.constant 8 : i32
    %mul3A_227 = vector.broadcast %mul3A_226 : i32 to vector<16xi32>
    %mul3A_228 = arith.muli %get3A_214, %mul3A_227 : vector<16xi32>
    %add3A_229 = arith.addi %mul3A_228, %get3A_211 : vector<16xi32>
    %swap3A_230 = arith.constant 96 : index
    %swap3A_231 = tpu.vector_load %arg15[%swap3A_230] {strides = array<i32>} : memref<128xi32, #tpu.memory_space<vmem>>, vector<16xi32>,
    %swap3A_232 = vector.shape_cast %swap3A_231 : vector<16xi32> to vector<16xi32>
    %swap3A_233 = vector.shape_cast %add3A_229 : vector<16xi32> to vector<16xi32>
    tpu.vector_store %arg15[%swap3A_230], %swap3A_233 {strides = array<i32>} : memref<128xi32, #tpu.memory_space<vmem>>, vector<16xi32>,
    %swap3A_234 = arith.constant 96 : index
    %swap3A_235 = tpu.vector_load %arg18[%swap3A_234] {strides = array<i32>} : memref<128xi32, #tpu.memory_space<vmem>>, vector<16xi32>,
    %swap3A_236 = vector.shape_cast %swap3A_235 : vector<16xi32> to vector<16xi32>
    %swap3A_237 = vector.shape_cast %get3A_214 : vector<16xi32> to vector<16xi32>
    tpu.vector_store %arg18[%swap3A_234], %swap3A_237 {strides = array<i32>} : memref<128xi32, #tpu.memory_space<vmem>>, vector<16xi32>,
    %get3A_238 = arith.constant 112 : index
    %get3A_239 = tpu.vector_load %arg10[%get3A_238] {strides = array<i32>} : memref<128xi32, #tpu.memory_space<vmem>>, vector<16xi32>,
    %get3A_240 = vector.shape_cast %get3A_239 : vector<16xi32> to vector<16xi32>
    %get3A_241 = arith.constant 112 : index
    %get3A_242 = tpu.vector_load %arg9[%get3A_241] {strides = array<i32>} : memref<128xi32, #tpu.memory_space<vmem>>, vector<16xi32>,
    %get3A_243 = vector.shape_cast %get3A_242 : vector<16xi32> to vector<16xi32>
    %get3A_244 = arith.constant 112 : index
    %get3A_245 = tpu.vector_load %arg8[%get3A_244] {strides = array<i32>} : memref<128xi32, #tpu.memory_space<vmem>>, vector<16xi32>,
    %get3A_246 = vector.shape_cast %get3A_245 : vector<16xi32> to vector<16xi32>
    %mul3A_247 = arith.constant 8 : i32
    %mul3A_248 = vector.broadcast %mul3A_247 : i32 to vector<16xi32>
    %mul3A_249 = arith.muli %get3A_246, %mul3A_248 : vector<16xi32>
    %add3A_250 = arith.addi %mul3A_249, %get3A_240 : vector<16xi32>
    %swap3A_251 = arith.constant 112 : index
    %swap3A_252 = tpu.vector_load %arg14[%swap3A_251] {strides = array<i32>} : memref<128xi32, #tpu.memory_space<vmem>>, vector<16xi32>,
    %swap3A_253 = vector.shape_cast %swap3A_252 : vector<16xi32> to vector<16xi32>
    %swap3A_254 = vector.shape_cast %add3A_250 : vector<16xi32> to vector<16xi32>
    tpu.vector_store %arg14[%swap3A_251], %swap3A_254 {strides = array<i32>} : memref<128xi32, #tpu.memory_space<vmem>>, vector<16xi32>,
    %mul3A_255 = arith.constant 8 : i32
    %mul3A_256 = vector.broadcast %mul3A_255 : i32 to vector<16xi32>
    %mul3A_257 = arith.muli %get3A_243, %mul3A_256 : vector<16xi32>
    %add3A_258 = arith.addi %mul3A_257, %get3A_240 : vector<16xi32>
    %swap3A_259 = arith.constant 112 : index
    %swap3A_260 = tpu.vector_load %arg15[%swap3A_259] {strides = array<i32>} : memref<128xi32, #tpu.memory_space<vmem>>, vector<16xi32>,
    %swap3A_261 = vector.shape_cast %swap3A_260 : vector<16xi32> to vector<16xi32>
    %swap3A_262 = vector.shape_cast %add3A_258 : vector<16xi32> to vector<16xi32>
    tpu.vector_store %arg15[%swap3A_259], %swap3A_262 {strides = array<i32>} : memref<128xi32, #tpu.memory_space<vmem>>, vector<16xi32>,
    %swap3A_263 = arith.constant 112 : index
    %swap3A_264 = tpu.vector_load %arg18[%swap3A_263] {strides = array<i32>} : memref<128xi32, #tpu.memory_space<vmem>>, vector<16xi32>,
    %swap3A_265 = vector.shape_cast %swap3A_264 : vector<16xi32> to vector<16xi32>
    %swap3A_266 = vector.shape_cast %get3A_243 : vector<16xi32> to vector<16xi32>
    tpu.vector_store %arg18[%swap3A_263], %swap3A_266 {strides = array<i32>} : memref<128xi32, #tpu.memory_space<vmem>>, vector<16xi32>,
    %dma_start3A_267 = arith.constant 0 : i32
    %dma_start3A_268 = arith.constant 0 : i32
    %dma_start3A_269 = tpu.memref_slice %arg5[%dma_start3A_267, %dma_start3A_268] : memref<80000x32xf32, #tpu.memory_space<hbm>> -> memref<80000x32xf32, #tpu.memory_space<hbm>>
    tpu.enqueue_indirect_dma source(%dma_start3A_269 : memref<80000x32xf32, #tpu.memory_space<hbm>>) target(%arg20 : memref<128x32xf32, #tpu.memory_space<vmem>>) offsets(%arg14 : memref<128xi32, #tpu.memory_space<vmem>>) semaphore(%arg28 : memref<!tpu.dma_semaphore, #tpu.memory_space<semaphore_mem>>)
    %dma_start3A_270 = arith.constant 0 : i32
    %dma_start3A_271 = tpu.memref_slice %arg6[%dma_start3A_270] : memref<80128xf32, #tpu.memory_space<hbm>> -> memref<80128xf32, #tpu.memory_space<hbm>>
    tpu.enqueue_indirect_dma source(%dma_start3A_271 : memref<80128xf32, #tpu.memory_space<hbm>>) target(%arg22 : memref<128xf32, #tpu.memory_space<vmem>>) offsets(%arg15 : memref<128xi32, #tpu.memory_space<vmem>>) semaphore(%arg28 : memref<!tpu.dma_semaphore, #tpu.memory_space<semaphore_mem>>)
    %scan3A_272 = arith.constant 0 : i32
    %scan3A_273 = arith.constant 0 : i32
    %scan3A_274 = arith.constant 40 : i32
    %scan3A_275 = arith.addi %scan3A_273, %scan3A_274 : i32
    %scan3A_276 = arith.constant 1 : i32
    %scan3A_277 = scf.for %scan3A_288 = %scan3A_273 to %scan3A_275 step %scan3A_276 iter_args(%scan3A_289 = %scan3A_272) -> (i32)  : i32 {
      %mul3A_290 = arith.constant 2 : i32
      %mul3A_291 = arith.muli %scan3A_288, %mul3A_290 : i32
      %add3A_292 = arith.constant 2 : i32
      %add3A_293 = arith.addi %mul3A_291, %add3A_292 : i32
      %lt3A = arith.constant 80 : i32
      %lt3A_294 = arith.cmpi slt, %add3A_293, %lt3A : i32
      %ge3A = arith.constant 2 : i32
      %ge3A_295 = arith.cmpi sge, %mul3A_291, %ge3A : i32
      %convert_element_type3A = arith.extui %ge3A_295 : i1 to i32
      %cond3A = arith.constant 0 : i32
      %cond3A_296 = arith.cmpi ne, %convert_element_type3A, %cond3A : i32
      scf.if %cond3A_296 {
        %dma_wait3A_583 = arith.constant 0 : i32
        %dma_wait3A_584 = arith.constant 0 : i32
        %dma_wait3A_585 = tpu.memref_slice %arg25[%dma_wait3A_583, %dma_wait3A_584] : memref<10240x32xf32, #tpu.memory_space<vmem_shared>> -> memref<10240x32xf32, #tpu.memory_space<vmem_shared>>
        tpu.wait_indirect_dma semaphore(%arg31 : memref<!tpu.dma_semaphore, #tpu.memory_space<semaphore_mem>>) src(%arg21 : memref<128x32xf32, #tpu.memory_space<vmem>>) dst(%dma_wait3A_585 : memref<10240x32xf32, #tpu.memory_space<vmem_shared>>)
      } else {
      }
      %convert_element_type3A_297 = arith.extui %lt3A_294 : i1 to i32
      %cond3A_298 = arith.constant 0 : i32
      %cond3A_299 = arith.cmpi ne, %convert_element_type3A_297, %cond3A_298 : i32
      scf.if %cond3A_299 {
        %add3A_583 = arith.constant 2 : i32
        %add3A_584 = arith.addi %mul3A_291, %add3A_583 : i32
        %mul3A_585 = arith.constant 128 : i32
        %mul3A_586 = arith.muli %add3A_584, %mul3A_585 : i32
        %add3A_587 = arith.addi %mul3A_2, %mul3A_586 : i32
        %dma_start3A_588 = tpu.memref_slice %arg2[%add3A_587] : memref<327680xi32, #tpu.memory_space<hbm>> -> memref<128xi32, #tpu.memory_space<hbm>>
        %dma_start3A_589 = tpu.memref_slice %arg2[%add3A_587] : memref<327680xi32, #tpu.memory_space<hbm>> -> memref<128xi32, #tpu.memory_space<hbm>>
        tpu.enqueue_dma source(%dma_start3A_589 : memref<128xi32, #tpu.memory_space<hbm>>) target(%arg8 : memref<128xi32, #tpu.memory_space<vmem>>) target_semaphore(%arg26 : memref<!tpu.dma_semaphore, #tpu.memory_space<semaphore_mem>>)
        %dma_start3A_590 = tpu.memref_slice %arg3[%add3A_587] : memref<327680xi32, #tpu.memory_space<hbm>> -> memref<128xi32, #tpu.memory_space<hbm>>
        %dma_start3A_591 = tpu.memref_slice %arg3[%add3A_587] : memref<327680xi32, #tpu.memory_space<hbm>> -> memref<128xi32, #tpu.memory_space<hbm>>
        tpu.enqueue_dma source(%dma_start3A_591 : memref<128xi32, #tpu.memory_space<hbm>>) target(%arg9 : memref<128xi32, #tpu.memory_space<vmem>>) target_semaphore(%arg26 : memref<!tpu.dma_semaphore, #tpu.memory_space<semaphore_mem>>)
        %dma_start3A_592 = tpu.memref_slice %arg4[%add3A_587] : memref<327680xi32, #tpu.memory_space<hbm>> -> memref<128xi32, #tpu.memory_space<hbm>>
        %dma_start3A_593 = tpu.memref_slice %arg4[%add3A_587] : memref<327680xi32, #tpu.memory_space<hbm>> -> memref<128xi32, #tpu.memory_space<hbm>>
        tpu.enqueue_dma source(%dma_start3A_593 : memref<128xi32, #tpu.memory_space<hbm>>) target(%arg10 : memref<128xi32, #tpu.memory_space<vmem>>) target_semaphore(%arg26 : memref<!tpu.dma_semaphore, #tpu.memory_space<semaphore_mem>>)
      } else {
      }
      %dma_wait3A_300 = arith.constant 0 : i32
      %dma_wait3A_301 = tpu.memref_slice %arg2[%dma_wait3A_300] : memref<327680xi32, #tpu.memory_space<hbm>> -> memref<128xi32, #tpu.memory_space<hbm>>
      %dma_wait3A_302 = arith.constant 0 : i32
      %dma_wait3A_303 = tpu.memref_slice %arg2[%dma_wait3A_302] : memref<327680xi32, #tpu.memory_space<hbm>> -> memref<128xi32, #tpu.memory_space<hbm>>
      tpu.wait_dma2 semaphore(%arg27 : memref<!tpu.dma_semaphore, #tpu.memory_space<semaphore_mem>>) src(%dma_wait3A_303 : memref<128xi32, #tpu.memory_space<hbm>>) dst(%arg11 : memref<128xi32, #tpu.memory_space<vmem>>)
      %dma_wait3A_304 = arith.constant 0 : i32
      %dma_wait3A_305 = tpu.memref_slice %arg3[%dma_wait3A_304] : memref<327680xi32, #tpu.memory_space<hbm>> -> memref<128xi32, #tpu.memory_space<hbm>>
      %dma_wait3A_306 = arith.constant 0 : i32
      %dma_wait3A_307 = tpu.memref_slice %arg3[%dma_wait3A_306] : memref<327680xi32, #tpu.memory_space<hbm>> -> memref<128xi32, #tpu.memory_space<hbm>>
      tpu.wait_dma2 semaphore(%arg27 : memref<!tpu.dma_semaphore, #tpu.memory_space<semaphore_mem>>) src(%dma_wait3A_307 : memref<128xi32, #tpu.memory_space<hbm>>) dst(%arg12 : memref<128xi32, #tpu.memory_space<vmem>>)
      %dma_wait3A_308 = arith.constant 0 : i32
      %dma_wait3A_309 = tpu.memref_slice %arg4[%dma_wait3A_308] : memref<327680xi32, #tpu.memory_space<hbm>> -> memref<128xi32, #tpu.memory_space<hbm>>
      %dma_wait3A_310 = arith.constant 0 : i32
      %dma_wait3A_311 = tpu.memref_slice %arg4[%dma_wait3A_310] : memref<327680xi32, #tpu.memory_space<hbm>> -> memref<128xi32, #tpu.memory_space<hbm>>
      tpu.wait_dma2 semaphore(%arg27 : memref<!tpu.dma_semaphore, #tpu.memory_space<semaphore_mem>>) src(%dma_wait3A_311 : memref<128xi32, #tpu.memory_space<hbm>>) dst(%arg13 : memref<128xi32, #tpu.memory_space<vmem>>)
      %get3A_312 = arith.constant 0 : index
      %get3A_313 = tpu.vector_load %arg13[%get3A_312] {strides = array<i32>} : memref<128xi32, #tpu.memory_space<vmem>>, vector<16xi32>,
      %get3A_314 = vector.shape_cast %get3A_313 : vector<16xi32> to vector<16xi32>
      %get3A_315 = arith.constant 0 : index
      %get3A_316 = tpu.vector_load %arg12[%get3A_315] {strides = array<i32>} : memref<128xi32, #tpu.memory_space<vmem>>, vector<16xi32>,
      %get3A_317 = vector.shape_cast %get3A_316 : vector<16xi32> to vector<16xi32>
      %get3A_318 = arith.constant 0 : index
      %get3A_319 = tpu.vector_load %arg11[%get3A_318] {strides = array<i32>} : memref<128xi32, #tpu.memory_space<vmem>>, vector<16xi32>,
      %get3A_320 = vector.shape_cast %get3A_319 : vector<16xi32> to vector<16xi32>
      %mul3A_321 = arith.constant 8 : i32
      %mul3A_322 = vector.broadcast %mul3A_321 : i32 to vector<16xi32>
      %mul3A_323 = arith.muli %get3A_320, %mul3A_322 : vector<16xi32>
      %add3A_324 = arith.addi %mul3A_323, %get3A_314 : vector<16xi32>
      %swap3A_325 = arith.constant 0 : index
      %swap3A_326 = tpu.vector_load %arg16[%swap3A_325] {strides = array<i32>} : memref<128xi32, #tpu.memory_space<vmem>>, vector<16xi32>,
      %swap3A_327 = vector.shape_cast %swap3A_326 : vector<16xi32> to vector<16xi32>
      %swap3A_328 = vector.shape_cast %add3A_324 : vector<16xi32> to vector<16xi32>
      tpu.vector_store %arg16[%swap3A_325], %swap3A_328 {strides = array<i32>} : memref<128xi32, #tpu.memory_space<vmem>>, vector<16xi32>,
      %mul3A_329 = arith.constant 8 : i32
      %mul3A_330 = vector.broadcast %mul3A_329 : i32 to vector<16xi32>
      %mul3A_331 = arith.muli %get3A_317, %mul3A_330 : vector<16xi32>
      %add3A_332 = arith.addi %mul3A_331, %get3A_314 : vector<16xi32>
      %swap3A_333 = arith.constant 0 : index
      %swap3A_334 = tpu.vector_load %arg17[%swap3A_333] {strides = array<i32>} : memref<128xi32, #tpu.memory_space<vmem>>, vector<16xi32>,
      %swap3A_335 = vector.shape_cast %swap3A_334 : vector<16xi32> to vector<16xi32>
      %swap3A_336 = vector.shape_cast %add3A_332 : vector<16xi32> to vector<16xi32>
      tpu.vector_store %arg17[%swap3A_333], %swap3A_336 {strides = array<i32>} : memref<128xi32, #tpu.memory_space<vmem>>, vector<16xi32>,
      %swap3A_337 = arith.constant 0 : index
      %swap3A_338 = tpu.vector_load %arg19[%swap3A_337] {strides = array<i32>} : memref<128xi32, #tpu.memory_space<vmem>>, vector<16xi32>,
      %swap3A_339 = vector.shape_cast %swap3A_338 : vector<16xi32> to vector<16xi32>
      %swap3A_340 = vector.shape_cast %get3A_317 : vector<16xi32> to vector<16xi32>
      tpu.vector_store %arg19[%swap3A_337], %swap3A_340 {strides = array<i32>} : memref<128xi32, #tpu.memory_space<vmem>>, vector<16xi32>,
      %get3A_341 = arith.constant 16 : index
      %get3A_342 = tpu.vector_load %arg13[%get3A_341] {strides = array<i32>} : memref<128xi32, #tpu.memory_space<vmem>>, vector<16xi32>,
      %get3A_343 = vector.shape_cast %get3A_342 : vector<16xi32> to vector<16xi32>
      %get3A_344 = arith.constant 16 : index
      %get3A_345 = tpu.vector_load %arg12[%get3A_344] {strides = array<i32>} : memref<128xi32, #tpu.memory_space<vmem>>, vector<16xi32>,
      %get3A_346 = vector.shape_cast %get3A_345 : vector<16xi32> to vector<16xi32>
      %get3A_347 = arith.constant 16 : index
      %get3A_348 = tpu.vector_load %arg11[%get3A_347] {strides = array<i32>} : memref<128xi32, #tpu.memory_space<vmem>>, vector<16xi32>,
      %get3A_349 = vector.shape_cast %get3A_348 : vector<16xi32> to vector<16xi32>
      %mul3A_350 = arith.constant 8 : i32
      %mul3A_351 = vector.broadcast %mul3A_350 : i32 to vector<16xi32>
      %mul3A_352 = arith.muli %get3A_349, %mul3A_351 : vector<16xi32>
      %add3A_353 = arith.addi %mul3A_352, %get3A_343 : vector<16xi32>
      %swap3A_354 = arith.constant 16 : index
      %swap3A_355 = tpu.vector_load %arg16[%swap3A_354] {strides = array<i32>} : memref<128xi32, #tpu.memory_space<vmem>>, vector<16xi32>,
      %swap3A_356 = vector.shape_cast %swap3A_355 : vector<16xi32> to vector<16xi32>
      %swap3A_357 = vector.shape_cast %add3A_353 : vector<16xi32> to vector<16xi32>
      tpu.vector_store %arg16[%swap3A_354], %swap3A_357 {strides = array<i32>} : memref<128xi32, #tpu.memory_space<vmem>>, vector<16xi32>,
      %mul3A_358 = arith.constant 8 : i32
      %mul3A_359 = vector.broadcast %mul3A_358 : i32 to vector<16xi32>
      %mul3A_360 = arith.muli %get3A_346, %mul3A_359 : vector<16xi32>
      %add3A_361 = arith.addi %mul3A_360, %get3A_343 : vector<16xi32>
      %swap3A_362 = arith.constant 16 : index
      %swap3A_363 = tpu.vector_load %arg17[%swap3A_362] {strides = array<i32>} : memref<128xi32, #tpu.memory_space<vmem>>, vector<16xi32>,
      %swap3A_364 = vector.shape_cast %swap3A_363 : vector<16xi32> to vector<16xi32>
      %swap3A_365 = vector.shape_cast %add3A_361 : vector<16xi32> to vector<16xi32>
      tpu.vector_store %arg17[%swap3A_362], %swap3A_365 {strides = array<i32>} : memref<128xi32, #tpu.memory_space<vmem>>, vector<16xi32>,
      %swap3A_366 = arith.constant 16 : index
      %swap3A_367 = tpu.vector_load %arg19[%swap3A_366] {strides = array<i32>} : memref<128xi32, #tpu.memory_space<vmem>>, vector<16xi32>,
      %swap3A_368 = vector.shape_cast %swap3A_367 : vector<16xi32> to vector<16xi32>
      %swap3A_369 = vector.shape_cast %get3A_346 : vector<16xi32> to vector<16xi32>
      tpu.vector_store %arg19[%swap3A_366], %swap3A_369 {strides = array<i32>} : memref<128xi32, #tpu.memory_space<vmem>>, vector<16xi32>,
      %get3A_370 = arith.constant 32 : index
      %get3A_371 = tpu.vector_load %arg13[%get3A_370] {strides = array<i32>} : memref<128xi32, #tpu.memory_space<vmem>>, vector<16xi32>,
      %get3A_372 = vector.shape_cast %get3A_371 : vector<16xi32> to vector<16xi32>
      %get3A_373 = arith.constant 32 : index
      %get3A_374 = tpu.vector_load %arg12[%get3A_373] {strides = array<i32>} : memref<128xi32, #tpu.memory_space<vmem>>, vector<16xi32>,
      %get3A_375 = vector.shape_cast %get3A_374 : vector<16xi32> to vector<16xi32>
      %get3A_376 = arith.constant 32 : index
      %get3A_377 = tpu.vector_load %arg11[%get3A_376] {strides = array<i32>} : memref<128xi32, #tpu.memory_space<vmem>>, vector<16xi32>,
      %get3A_378 = vector.shape_cast %get3A_377 : vector<16xi32> to vector<16xi32>
      %mul3A_379 = arith.constant 8 : i32
      %mul3A_380 = vector.broadcast %mul3A_379 : i32 to vector<16xi32>
      %mul3A_381 = arith.muli %get3A_378, %mul3A_380 : vector<16xi32>
      %add3A_382 = arith.addi %mul3A_381, %get3A_372 : vector<16xi32>
      %swap3A_383 = arith.constant 32 : index
      %swap3A_384 = tpu.vector_load %arg16[%swap3A_383] {strides = array<i32>} : memref<128xi32, #tpu.memory_space<vmem>>, vector<16xi32>,
      %swap3A_385 = vector.shape_cast %swap3A_384 : vector<16xi32> to vector<16xi32>
      %swap3A_386 = vector.shape_cast %add3A_382 : vector<16xi32> to vector<16xi32>
      tpu.vector_store %arg16[%swap3A_383], %swap3A_386 {strides = array<i32>} : memref<128xi32, #tpu.memory_space<vmem>>, vector<16xi32>,
      %mul3A_387 = arith.constant 8 : i32
      %mul3A_388 = vector.broadcast %mul3A_387 : i32 to vector<16xi32>
      %mul3A_389 = arith.muli %get3A_375, %mul3A_388 : vector<16xi32>
      %add3A_390 = arith.addi %mul3A_389, %get3A_372 : vector<16xi32>
      %swap3A_391 = arith.constant 32 : index
      %swap3A_392 = tpu.vector_load %arg17[%swap3A_391] {strides = array<i32>} : memref<128xi32, #tpu.memory_space<vmem>>, vector<16xi32>,
      %swap3A_393 = vector.shape_cast %swap3A_392 : vector<16xi32> to vector<16xi32>
      %swap3A_394 = vector.shape_cast %add3A_390 : vector<16xi32> to vector<16xi32>
      tpu.vector_store %arg17[%swap3A_391], %swap3A_394 {strides = array<i32>} : memref<128xi32, #tpu.memory_space<vmem>>, vector<16xi32>,
      %swap3A_395 = arith.constant 32 : index
      %swap3A_396 = tpu.vector_load %arg19[%swap3A_395] {strides = array<i32>} : memref<128xi32, #tpu.memory_space<vmem>>, vector<16xi32>,
      %swap3A_397 = vector.shape_cast %swap3A_396 : vector<16xi32> to vector<16xi32>
      %swap3A_398 = vector.shape_cast %get3A_375 : vector<16xi32> to vector<16xi32>
      tpu.vector_store %arg19[%swap3A_395], %swap3A_398 {strides = array<i32>} : memref<128xi32, #tpu.memory_space<vmem>>, vector<16xi32>,
      %get3A_399 = arith.constant 48 : index
      %get3A_400 = tpu.vector_load %arg13[%get3A_399] {strides = array<i32>} : memref<128xi32, #tpu.memory_space<vmem>>, vector<16xi32>,
      %get3A_401 = vector.shape_cast %get3A_400 : vector<16xi32> to vector<16xi32>
      %get3A_402 = arith.constant 48 : index
      %get3A_403 = tpu.vector_load %arg12[%get3A_402] {strides = array<i32>} : memref<128xi32, #tpu.memory_space<vmem>>, vector<16xi32>,
      %get3A_404 = vector.shape_cast %get3A_403 : vector<16xi32> to vector<16xi32>
      %get3A_405 = arith.constant 48 : index
      %get3A_406 = tpu.vector_load %arg11[%get3A_405] {strides = array<i32>} : memref<128xi32, #tpu.memory_space<vmem>>, vector<16xi32>,
      %get3A_407 = vector.shape_cast %get3A_406 : vector<16xi32> to vector<16xi32>
      %mul3A_408 = arith.constant 8 : i32
      %mul3A_409 = vector.broadcast %mul3A_408 : i32 to vector<16xi32>
      %mul3A_410 = arith.muli %get3A_407, %mul3A_409 : vector<16xi32>
      %add3A_411 = arith.addi %mul3A_410, %get3A_401 : vector<16xi32>
      %swap3A_412 = arith.constant 48 : index
      %swap3A_413 = tpu.vector_load %arg16[%swap3A_412] {strides = array<i32>} : memref<128xi32, #tpu.memory_space<vmem>>, vector<16xi32>,
      %swap3A_414 = vector.shape_cast %swap3A_413 : vector<16xi32> to vector<16xi32>
      %swap3A_415 = vector.shape_cast %add3A_411 : vector<16xi32> to vector<16xi32>
      tpu.vector_store %arg16[%swap3A_412], %swap3A_415 {strides = array<i32>} : memref<128xi32, #tpu.memory_space<vmem>>, vector<16xi32>,
      %mul3A_416 = arith.constant 8 : i32
      %mul3A_417 = vector.broadcast %mul3A_416 : i32 to vector<16xi32>
      %mul3A_418 = arith.muli %get3A_404, %mul3A_417 : vector<16xi32>
      %add3A_419 = arith.addi %mul3A_418, %get3A_401 : vector<16xi32>
      %swap3A_420 = arith.constant 48 : index
      %swap3A_421 = tpu.vector_load %arg17[%swap3A_420] {strides = array<i32>} : memref<128xi32, #tpu.memory_space<vmem>>, vector<16xi32>,
      %swap3A_422 = vector.shape_cast %swap3A_421 : vector<16xi32> to vector<16xi32>
      %swap3A_423 = vector.shape_cast %add3A_419 : vector<16xi32> to vector<16xi32>
      tpu.vector_store %arg17[%swap3A_420], %swap3A_423 {strides = array<i32>} : memref<128xi32, #tpu.memory_space<vmem>>, vector<16xi32>,
      %swap3A_424 = arith.constant 48 : index
      %swap3A_425 = tpu.vector_load %arg19[%swap3A_424] {strides = array<i32>} : memref<128xi32, #tpu.memory_space<vmem>>, vector<16xi32>,
      %swap3A_426 = vector.shape_cast %swap3A_425 : vector<16xi32> to vector<16xi32>
      %swap3A_427 = vector.shape_cast %get3A_404 : vector<16xi32> to vector<16xi32>
      tpu.vector_store %arg19[%swap3A_424], %swap3A_427 {strides = array<i32>} : memref<128xi32, #tpu.memory_space<vmem>>, vector<16xi32>,
      %get3A_428 = arith.constant 64 : index
      %get3A_429 = tpu.vector_load %arg13[%get3A_428] {strides = array<i32>} : memref<128xi32, #tpu.memory_space<vmem>>, vector<16xi32>,
      %get3A_430 = vector.shape_cast %get3A_429 : vector<16xi32> to vector<16xi32>
      %get3A_431 = arith.constant 64 : index
      %get3A_432 = tpu.vector_load %arg12[%get3A_431] {strides = array<i32>} : memref<128xi32, #tpu.memory_space<vmem>>, vector<16xi32>,
      %get3A_433 = vector.shape_cast %get3A_432 : vector<16xi32> to vector<16xi32>
      %get3A_434 = arith.constant 64 : index
      %get3A_435 = tpu.vector_load %arg11[%get3A_434] {strides = array<i32>} : memref<128xi32, #tpu.memory_space<vmem>>, vector<16xi32>,
      %get3A_436 = vector.shape_cast %get3A_435 : vector<16xi32> to vector<16xi32>
      %mul3A_437 = arith.constant 8 : i32
      %mul3A_438 = vector.broadcast %mul3A_437 : i32 to vector<16xi32>
      %mul3A_439 = arith.muli %get3A_436, %mul3A_438 : vector<16xi32>
      %add3A_440 = arith.addi %mul3A_439, %get3A_430 : vector<16xi32>
      %swap3A_441 = arith.constant 64 : index
      %swap3A_442 = tpu.vector_load %arg16[%swap3A_441] {strides = array<i32>} : memref<128xi32, #tpu.memory_space<vmem>>, vector<16xi32>,
      %swap3A_443 = vector.shape_cast %swap3A_442 : vector<16xi32> to vector<16xi32>
      %swap3A_444 = vector.shape_cast %add3A_440 : vector<16xi32> to vector<16xi32>
      tpu.vector_store %arg16[%swap3A_441], %swap3A_444 {strides = array<i32>} : memref<128xi32, #tpu.memory_space<vmem>>, vector<16xi32>,
      %mul3A_445 = arith.constant 8 : i32
      %mul3A_446 = vector.broadcast %mul3A_445 : i32 to vector<16xi32>
      %mul3A_447 = arith.muli %get3A_433, %mul3A_446 : vector<16xi32>
      %add3A_448 = arith.addi %mul3A_447, %get3A_430 : vector<16xi32>
      %swap3A_449 = arith.constant 64 : index
      %swap3A_450 = tpu.vector_load %arg17[%swap3A_449] {strides = array<i32>} : memref<128xi32, #tpu.memory_space<vmem>>, vector<16xi32>,
      %swap3A_451 = vector.shape_cast %swap3A_450 : vector<16xi32> to vector<16xi32>
      %swap3A_452 = vector.shape_cast %add3A_448 : vector<16xi32> to vector<16xi32>
      tpu.vector_store %arg17[%swap3A_449], %swap3A_452 {strides = array<i32>} : memref<128xi32, #tpu.memory_space<vmem>>, vector<16xi32>,
      %swap3A_453 = arith.constant 64 : index
      %swap3A_454 = tpu.vector_load %arg19[%swap3A_453] {strides = array<i32>} : memref<128xi32, #tpu.memory_space<vmem>>, vector<16xi32>,
      %swap3A_455 = vector.shape_cast %swap3A_454 : vector<16xi32> to vector<16xi32>
      %swap3A_456 = vector.shape_cast %get3A_433 : vector<16xi32> to vector<16xi32>
      tpu.vector_store %arg19[%swap3A_453], %swap3A_456 {strides = array<i32>} : memref<128xi32, #tpu.memory_space<vmem>>, vector<16xi32>,
      %get3A_457 = arith.constant 80 : index
      %get3A_458 = tpu.vector_load %arg13[%get3A_457] {strides = array<i32>} : memref<128xi32, #tpu.memory_space<vmem>>, vector<16xi32>,
      %get3A_459 = vector.shape_cast %get3A_458 : vector<16xi32> to vector<16xi32>
      %get3A_460 = arith.constant 80 : index
      %get3A_461 = tpu.vector_load %arg12[%get3A_460] {strides = array<i32>} : memref<128xi32, #tpu.memory_space<vmem>>, vector<16xi32>,
      %get3A_462 = vector.shape_cast %get3A_461 : vector<16xi32> to vector<16xi32>
      %get3A_463 = arith.constant 80 : index
      %get3A_464 = tpu.vector_load %arg11[%get3A_463] {strides = array<i32>} : memref<128xi32, #tpu.memory_space<vmem>>, vector<16xi32>,
      %get3A_465 = vector.shape_cast %get3A_464 : vector<16xi32> to vector<16xi32>
      %mul3A_466 = arith.constant 8 : i32
      %mul3A_467 = vector.broadcast %mul3A_466 : i32 to vector<16xi32>
      %mul3A_468 = arith.muli %get3A_465, %mul3A_467 : vector<16xi32>
      %add3A_469 = arith.addi %mul3A_468, %get3A_459 : vector<16xi32>
      %swap3A_470 = arith.constant 80 : index
      %swap3A_471 = tpu.vector_load %arg16[%swap3A_470] {strides = array<i32>} : memref<128xi32, #tpu.memory_space<vmem>>, vector<16xi32>,
      %swap3A_472 = vector.shape_cast %swap3A_471 : vector<16xi32> to vector<16xi32>
      %swap3A_473 = vector.shape_cast %add3A_469 : vector<16xi32> to vector<16xi32>
      tpu.vector_store %arg16[%swap3A_470], %swap3A_473 {strides = array<i32>} : memref<128xi32, #tpu.memory_space<vmem>>, vector<16xi32>,
      %mul3A_474 = arith.constant 8 : i32
      %mul3A_475 = vector.broadcast %mul3A_474 : i32 to vector<16xi32>
      %mul3A_476 = arith.muli %get3A_462, %mul3A_475 : vector<16xi32>
      %add3A_477 = arith.addi %mul3A_476, %get3A_459 : vector<16xi32>
      %swap3A_478 = arith.constant 80 : index
      %swap3A_479 = tpu.vector_load %arg17[%swap3A_478] {strides = array<i32>} : memref<128xi32, #tpu.memory_space<vmem>>, vector<16xi32>,
      %swap3A_480 = vector.shape_cast %swap3A_479 : vector<16xi32> to vector<16xi32>
      %swap3A_481 = vector.shape_cast %add3A_477 : vector<16xi32> to vector<16xi32>
      tpu.vector_store %arg17[%swap3A_478], %swap3A_481 {strides = array<i32>} : memref<128xi32, #tpu.memory_space<vmem>>, vector<16xi32>,
      %swap3A_482 = arith.constant 80 : index
      %swap3A_483 = tpu.vector_load %arg19[%swap3A_482] {strides = array<i32>} : memref<128xi32, #tpu.memory_space<vmem>>, vector<16xi32>,
      %swap3A_484 = vector.shape_cast %swap3A_483 : vector<16xi32> to vector<16xi32>
      %swap3A_485 = vector.shape_cast %get3A_462 : vector<16xi32> to vector<16xi32>
      tpu.vector_store %arg19[%swap3A_482], %swap3A_485 {strides = array<i32>} : memref<128xi32, #tpu.memory_space<vmem>>, vector<16xi32>,
      %get3A_486 = arith.constant 96 : index
      %get3A_487 = tpu.vector_load %arg13[%get3A_486] {strides = array<i32>} : memref<128xi32, #tpu.memory_space<vmem>>, vector<16xi32>,
      %get3A_488 = vector.shape_cast %get3A_487 : vector<16xi32> to vector<16xi32>
      %get3A_489 = arith.constant 96 : index
      %get3A_490 = tpu.vector_load %arg12[%get3A_489] {strides = array<i32>} : memref<128xi32, #tpu.memory_space<vmem>>, vector<16xi32>,
      %get3A_491 = vector.shape_cast %get3A_490 : vector<16xi32> to vector<16xi32>
      %get3A_492 = arith.constant 96 : index
      %get3A_493 = tpu.vector_load %arg11[%get3A_492] {strides = array<i32>} : memref<128xi32, #tpu.memory_space<vmem>>, vector<16xi32>,
      %get3A_494 = vector.shape_cast %get3A_493 : vector<16xi32> to vector<16xi32>
      %mul3A_495 = arith.constant 8 : i32
      %mul3A_496 = vector.broadcast %mul3A_495 : i32 to vector<16xi32>
      %mul3A_497 = arith.muli %get3A_494, %mul3A_496 : vector<16xi32>
      %add3A_498 = arith.addi %mul3A_497, %get3A_488 : vector<16xi32>
      %swap3A_499 = arith.constant 96 : index
      %swap3A_500 = tpu.vector_load %arg16[%swap3A_499] {strides = array<i32>} : memref<128xi32, #tpu.memory_space<vmem>>, vector<16xi32>,
      %swap3A_501 = vector.shape_cast %swap3A_500 : vector<16xi32> to vector<16xi32>
      %swap3A_502 = vector.shape_cast %add3A_498 : vector<16xi32> to vector<16xi32>
      tpu.vector_store %arg16[%swap3A_499], %swap3A_502 {strides = array<i32>} : memref<128xi32, #tpu.memory_space<vmem>>, vector<16xi32>,
      %mul3A_503 = arith.constant 8 : i32
      %mul3A_504 = vector.broadcast %mul3A_503 : i32 to vector<16xi32>
      %mul3A_505 = arith.muli %get3A_491, %mul3A_504 : vector<16xi32>
      %add3A_506 = arith.addi %mul3A_505, %get3A_488 : vector<16xi32>
      %swap3A_507 = arith.constant 96 : index
      %swap3A_508 = tpu.vector_load %arg17[%swap3A_507] {strides = array<i32>} : memref<128xi32, #tpu.memory_space<vmem>>, vector<16xi32>,
      %swap3A_509 = vector.shape_cast %swap3A_508 : vector<16xi32> to vector<16xi32>
      %swap3A_510 = vector.shape_cast %add3A_506 : vector<16xi32> to vector<16xi32>
      tpu.vector_store %arg17[%swap3A_507], %swap3A_510 {strides = array<i32>} : memref<128xi32, #tpu.memory_space<vmem>>, vector<16xi32>,
      %swap3A_511 = arith.constant 96 : index
      %swap3A_512 = tpu.vector_load %arg19[%swap3A_511] {strides = array<i32>} : memref<128xi32, #tpu.memory_space<vmem>>, vector<16xi32>,
      %swap3A_513 = vector.shape_cast %swap3A_512 : vector<16xi32> to vector<16xi32>
      %swap3A_514 = vector.shape_cast %get3A_491 : vector<16xi32> to vector<16xi32>
      tpu.vector_store %arg19[%swap3A_511], %swap3A_514 {strides = array<i32>} : memref<128xi32, #tpu.memory_space<vmem>>, vector<16xi32>,
      %get3A_515 = arith.constant 112 : index
      %get3A_516 = tpu.vector_load %arg13[%get3A_515] {strides = array<i32>} : memref<128xi32, #tpu.memory_space<vmem>>, vector<16xi32>,
      %get3A_517 = vector.shape_cast %get3A_516 : vector<16xi32> to vector<16xi32>
      %get3A_518 = arith.constant 112 : index
      %get3A_519 = tpu.vector_load %arg12[%get3A_518] {strides = array<i32>} : memref<128xi32, #tpu.memory_space<vmem>>, vector<16xi32>,
      %get3A_520 = vector.shape_cast %get3A_519 : vector<16xi32> to vector<16xi32>
      %get3A_521 = arith.constant 112 : index
      %get3A_522 = tpu.vector_load %arg11[%get3A_521] {strides = array<i32>} : memref<128xi32, #tpu.memory_space<vmem>>, vector<16xi32>,
      %get3A_523 = vector.shape_cast %get3A_522 : vector<16xi32> to vector<16xi32>
      %mul3A_524 = arith.constant 8 : i32
      %mul3A_525 = vector.broadcast %mul3A_524 : i32 to vector<16xi32>
      %mul3A_526 = arith.muli %get3A_523, %mul3A_525 : vector<16xi32>
      %add3A_527 = arith.addi %mul3A_526, %get3A_517 : vector<16xi32>
      %swap3A_528 = arith.constant 112 : index
      %swap3A_529 = tpu.vector_load %arg16[%swap3A_528] {strides = array<i32>} : memref<128xi32, #tpu.memory_space<vmem>>, vector<16xi32>,
      %swap3A_530 = vector.shape_cast %swap3A_529 : vector<16xi32> to vector<16xi32>
      %swap3A_531 = vector.shape_cast %add3A_527 : vector<16xi32> to vector<16xi32>
      tpu.vector_store %arg16[%swap3A_528], %swap3A_531 {strides = array<i32>} : memref<128xi32, #tpu.memory_space<vmem>>, vector<16xi32>,
      %mul3A_532 = arith.constant 8 : i32
      %mul3A_533 = vector.broadcast %mul3A_532 : i32 to vector<16xi32>
      %mul3A_534 = arith.muli %get3A_520, %mul3A_533 : vector<16xi32>
      %add3A_535 = arith.addi %mul3A_534, %get3A_517 : vector<16xi32>
      %swap3A_536 = arith.constant 112 : index
      %swap3A_537 = tpu.vector_load %arg17[%swap3A_536] {strides = array<i32>} : memref<128xi32, #tpu.memory_space<vmem>>, vector<16xi32>,
      %swap3A_538 = vector.shape_cast %swap3A_537 : vector<16xi32> to vector<16xi32>
      %swap3A_539 = vector.shape_cast %add3A_535 : vector<16xi32> to vector<16xi32>
      tpu.vector_store %arg17[%swap3A_536], %swap3A_539 {strides = array<i32>} : memref<128xi32, #tpu.memory_space<vmem>>, vector<16xi32>,
      %swap3A_540 = arith.constant 112 : index
      %swap3A_541 = tpu.vector_load %arg19[%swap3A_540] {strides = array<i32>} : memref<128xi32, #tpu.memory_space<vmem>>, vector<16xi32>,
      %swap3A_542 = vector.shape_cast %swap3A_541 : vector<16xi32> to vector<16xi32>
      %swap3A_543 = vector.shape_cast %get3A_520 : vector<16xi32> to vector<16xi32>
      tpu.vector_store %arg19[%swap3A_540], %swap3A_543 {strides = array<i32>} : memref<128xi32, #tpu.memory_space<vmem>>, vector<16xi32>,
      %dma_start3A_544 = arith.constant 0 : i32
      %dma_start3A_545 = arith.constant 0 : i32
      %dma_start3A_546 = tpu.memref_slice %arg5[%dma_start3A_544, %dma_start3A_545] : memref<80000x32xf32, #tpu.memory_space<hbm>> -> memref<80000x32xf32, #tpu.memory_space<hbm>>
      tpu.enqueue_indirect_dma source(%dma_start3A_546 : memref<80000x32xf32, #tpu.memory_space<hbm>>) target(%arg21 : memref<128x32xf32, #tpu.memory_space<vmem>>) offsets(%arg16 : memref<128xi32, #tpu.memory_space<vmem>>) semaphore(%arg29 : memref<!tpu.dma_semaphore, #tpu.memory_space<semaphore_mem>>)
      %dma_start3A_547 = arith.constant 0 : i32
      %dma_start3A_548 = tpu.memref_slice %arg6[%dma_start3A_547] : memref<80128xf32, #tpu.memory_space<hbm>> -> memref<80128xf32, #tpu.memory_space<hbm>>
      tpu.enqueue_indirect_dma source(%dma_start3A_548 : memref<80128xf32, #tpu.memory_space<hbm>>) target(%arg23 : memref<128xf32, #tpu.memory_space<vmem>>) offsets(%arg17 : memref<128xi32, #tpu.memory_space<vmem>>) semaphore(%arg29 : memref<!tpu.dma_semaphore, #tpu.memory_space<semaphore_mem>>)
      %dma_wait3A_549 = arith.constant 0 : i32
      %dma_wait3A_550 = arith.constant 0 : i32
      %dma_wait3A_551 = tpu.memref_slice %arg5[%dma_wait3A_549, %dma_wait3A_550] : memref<80000x32xf32, #tpu.memory_space<hbm>> -> memref<80000x32xf32, #tpu.memory_space<hbm>>
      tpu.wait_indirect_dma semaphore(%arg28 : memref<!tpu.dma_semaphore, #tpu.memory_space<semaphore_mem>>) src(%dma_wait3A_551 : memref<80000x32xf32, #tpu.memory_space<hbm>>) dst(%arg20 : memref<128x32xf32, #tpu.memory_space<vmem>>)
      %dma_wait3A_552 = arith.constant 0 : i32
      %dma_wait3A_553 = tpu.memref_slice %arg6[%dma_wait3A_552] : memref<80128xf32, #tpu.memory_space<hbm>> -> memref<80128xf32, #tpu.memory_space<hbm>>
      tpu.wait_indirect_dma semaphore(%arg28 : memref<!tpu.dma_semaphore, #tpu.memory_space<semaphore_mem>>) src(%dma_wait3A_553 : memref<80128xf32, #tpu.memory_space<hbm>>) dst(%arg22 : memref<128xf32, #tpu.memory_space<vmem>>)
      %scan3A_554 = arith.constant 0 : i32
      %scan3A_555 = arith.constant 0 : i32
      %scan3A_556 = arith.constant 8 : i32
      %scan3A_557 = arith.addi %scan3A_555, %scan3A_556 : i32
      %scan3A_558 = arith.constant 1 : i32
      %scan3A_559 = scf.for %scan3A_583 = %scan3A_555 to %scan3A_557 step %scan3A_558 iter_args(%scan3A_584 = %scan3A_554) -> (i32)  : i32 {
        %mul3A_585 = arith.constant 16 : i32
        %mul3A_586 = arith.muli %scan3A_583, %mul3A_585 : i32
        %get3A_587 = arith.index_cast %mul3A_586 : i32 to index
        %get3A_588 = tpu.vector_load %arg22[%get3A_587] {strides = array<i32>} : memref<128xf32, #tpu.memory_space<vmem>>, vector<16xf32>,
        %get3A_589 = vector.shape_cast %get3A_588 : vector<16xf32> to vector<16xf32>
        %slice3A = vector.extract_strided_slice %get3A_589 {offsets = [0], sizes = [1], strides = [1]} : vector<16xf32> to vector<1xf32>
        %squeeze3A = vector.extract %slice3A[0] : f32 from vector<1xf32>
        %mul3A_590 = arith.constant 16 : i32
        %mul3A_591 = arith.muli %scan3A_583, %mul3A_590 : i32
        %add3A_592 = arith.constant 0 : i32
        %add3A_593 = arith.addi %mul3A_591, %add3A_592 : i32
        %get3A_594 = arith.index_cast %add3A_593 : i32 to index
        %get3A_595 = arith.constant 0 : index
        %get3A_596 = tpu.vector_load %arg20[%get3A_594, %get3A_595] {strides = array<i32>} : memref<128x32xf32, #tpu.memory_space<vmem>>, vector<1x16xf32>,
        %get3A_597 = vector.shape_cast %get3A_596 : vector<1x16xf32> to vector<16xf32>
        %mul3A_598 = vector.broadcast %squeeze3A : f32 to vector<16xf32>
        %mul3A_599 = arith.mulf %get3A_597, %mul3A_598 : vector<16xf32>
        %swap3A_600 = arith.index_cast %add3A_593 : i32 to index
        %swap3A_601 = arith.constant 0 : index
        %swap3A_602 = tpu.vector_load %arg20[%swap3A_600, %swap3A_601] {strides = array<i32>} : memref<128x32xf32, #tpu.memory_space<vmem>>, vector<1x16xf32>,
        %swap3A_603 = vector.shape_cast %swap3A_602 : vector<1x16xf32> to vector<16xf32>
        %swap3A_604 = vector.shape_cast %mul3A_599 : vector<16xf32> to vector<1x16xf32>
        tpu.vector_store %arg20[%swap3A_600, %swap3A_601], %swap3A_604 {strides = array<i32>} : memref<128x32xf32, #tpu.memory_space<vmem>>, vector<1x16xf32>,
        %get3A_605 = arith.index_cast %add3A_593 : i32 to index
        %get3A_606 = arith.constant 16 : index
        %get3A_607 = tpu.vector_load %arg20[%get3A_605, %get3A_606] {strides = array<i32>} : memref<128x32xf32, #tpu.memory_space<vmem>>, vector<1x16xf32>,
        %get3A_608 = vector.shape_cast %get3A_607 : vector<1x16xf32> to vector<16xf32>
        %mul3A_609 = vector.broadcast %squeeze3A : f32 to vector<16xf32>
        %mul3A_610 = arith.mulf %get3A_608, %mul3A_609 : vector<16xf32>
        %swap3A_611 = arith.index_cast %add3A_593 : i32 to index
        %swap3A_612 = arith.constant 16 : index
        %swap3A_613 = tpu.vector_load %arg20[%swap3A_611, %swap3A_612] {strides = array<i32>} : memref<128x32xf32, #tpu.memory_space<vmem>>, vector<1x16xf32>,
        %swap3A_614 = vector.shape_cast %swap3A_613 : vector<1x16xf32> to vector<16xf32>
        %swap3A_615 = vector.shape_cast %mul3A_610 : vector<16xf32> to vector<1x16xf32>
        tpu.vector_store %arg20[%swap3A_611, %swap3A_612], %swap3A_615 {strides = array<i32>} : memref<128x32xf32, #tpu.memory_space<vmem>>, vector<1x16xf32>,
        %slice3A_616 = vector.extract_strided_slice %get3A_589 {offsets = [1], sizes = [1], strides = [1]} : vector<16xf32> to vector<1xf32>
        %squeeze3A_617 = vector.extract %slice3A_616[0] : f32 from vector<1xf32>
        %mul3A_618 = arith.constant 16 : i32
        %mul3A_619 = arith.muli %scan3A_583, %mul3A_618 : i32
        %add3A_620 = arith.constant 1 : i32
        %add3A_621 = arith.addi %mul3A_619, %add3A_620 : i32
        %get3A_622 = arith.index_cast %add3A_621 : i32 to index
        %get3A_623 = arith.constant 0 : index
        %get3A_624 = tpu.vector_load %arg20[%get3A_622, %get3A_623] {strides = array<i32>} : memref<128x32xf32, #tpu.memory_space<vmem>>, vector<1x16xf32>,
        %get3A_625 = vector.shape_cast %get3A_624 : vector<1x16xf32> to vector<16xf32>
        %mul3A_626 = vector.broadcast %squeeze3A_617 : f32 to vector<16xf32>
        %mul3A_627 = arith.mulf %get3A_625, %mul3A_626 : vector<16xf32>
        %swap3A_628 = arith.index_cast %add3A_621 : i32 to index
        %swap3A_629 = arith.constant 0 : index
        %swap3A_630 = tpu.vector_load %arg20[%swap3A_628, %swap3A_629] {strides = array<i32>} : memref<128x32xf32, #tpu.memory_space<vmem>>, vector<1x16xf32>,
        %swap3A_631 = vector.shape_cast %swap3A_630 : vector<1x16xf32> to vector<16xf32>
        %swap3A_632 = vector.shape_cast %mul3A_627 : vector<16xf32> to vector<1x16xf32>
        tpu.vector_store %arg20[%swap3A_628, %swap3A_629], %swap3A_632 {strides = array<i32>} : memref<128x32xf32, #tpu.memory_space<vmem>>, vector<1x16xf32>,
        %get3A_633 = arith.index_cast %add3A_621 : i32 to index
        %get3A_634 = arith.constant 16 : index
        %get3A_635 = tpu.vector_load %arg20[%get3A_633, %get3A_634] {strides = array<i32>} : memref<128x32xf32, #tpu.memory_space<vmem>>, vector<1x16xf32>,
        %get3A_636 = vector.shape_cast %get3A_635 : vector<1x16xf32> to vector<16xf32>
        %mul3A_637 = vector.broadcast %squeeze3A_617 : f32 to vector<16xf32>
        %mul3A_638 = arith.mulf %get3A_636, %mul3A_637 : vector<16xf32>
        %swap3A_639 = arith.index_cast %add3A_621 : i32 to index
        %swap3A_640 = arith.constant 16 : index
        %swap3A_641 = tpu.vector_load %arg20[%swap3A_639, %swap3A_640] {strides = array<i32>} : memref<128x32xf32, #tpu.memory_space<vmem>>, vector<1x16xf32>,
        %swap3A_642 = vector.shape_cast %swap3A_641 : vector<1x16xf32> to vector<16xf32>
        %swap3A_643 = vector.shape_cast %mul3A_638 : vector<16xf32> to vector<1x16xf32>
        tpu.vector_store %arg20[%swap3A_639, %swap3A_640], %swap3A_643 {strides = array<i32>} : memref<128x32xf32, #tpu.memory_space<vmem>>, vector<1x16xf32>,
        %slice3A_644 = vector.extract_strided_slice %get3A_589 {offsets = [2], sizes = [1], strides = [1]} : vector<16xf32> to vector<1xf32>
        %squeeze3A_645 = vector.extract %slice3A_644[0] : f32 from vector<1xf32>
        %mul3A_646 = arith.constant 16 : i32
        %mul3A_647 = arith.muli %scan3A_583, %mul3A_646 : i32
        %add3A_648 = arith.constant 2 : i32
        %add3A_649 = arith.addi %mul3A_647, %add3A_648 : i32
        %get3A_650 = arith.index_cast %add3A_649 : i32 to index
        %get3A_651 = arith.constant 0 : index
        %get3A_652 = tpu.vector_load %arg20[%get3A_650, %get3A_651] {strides = array<i32>} : memref<128x32xf32, #tpu.memory_space<vmem>>, vector<1x16xf32>,
        %get3A_653 = vector.shape_cast %get3A_652 : vector<1x16xf32> to vector<16xf32>
        %mul3A_654 = vector.broadcast %squeeze3A_645 : f32 to vector<16xf32>
        %mul3A_655 = arith.mulf %get3A_653, %mul3A_654 : vector<16xf32>
        %swap3A_656 = arith.index_cast %add3A_649 : i32 to index
        %swap3A_657 = arith.constant 0 : index
        %swap3A_658 = tpu.vector_load %arg20[%swap3A_656, %swap3A_657] {strides = array<i32>} : memref<128x32xf32, #tpu.memory_space<vmem>>, vector<1x16xf32>,
        %swap3A_659 = vector.shape_cast %swap3A_658 : vector<1x16xf32> to vector<16xf32>
        %swap3A_660 = vector.shape_cast %mul3A_655 : vector<16xf32> to vector<1x16xf32>
        tpu.vector_store %arg20[%swap3A_656, %swap3A_657], %swap3A_660 {strides = array<i32>} : memref<128x32xf32, #tpu.memory_space<vmem>>, vector<1x16xf32>,
        %get3A_661 = arith.index_cast %add3A_649 : i32 to index
        %get3A_662 = arith.constant 16 : index
        %get3A_663 = tpu.vector_load %arg20[%get3A_661, %get3A_662] {strides = array<i32>} : memref<128x32xf32, #tpu.memory_space<vmem>>, vector<1x16xf32>,
        %get3A_664 = vector.shape_cast %get3A_663 : vector<1x16xf32> to vector<16xf32>
        %mul3A_665 = vector.broadcast %squeeze3A_645 : f32 to vector<16xf32>
        %mul3A_666 = arith.mulf %get3A_664, %mul3A_665 : vector<16xf32>
        %swap3A_667 = arith.index_cast %add3A_649 : i32 to index
        %swap3A_668 = arith.constant 16 : index
        %swap3A_669 = tpu.vector_load %arg20[%swap3A_667, %swap3A_668] {strides = array<i32>} : memref<128x32xf32, #tpu.memory_space<vmem>>, vector<1x16xf32>,
        %swap3A_670 = vector.shape_cast %swap3A_669 : vector<1x16xf32> to vector<16xf32>
        %swap3A_671 = vector.shape_cast %mul3A_666 : vector<16xf32> to vector<1x16xf32>
        tpu.vector_store %arg20[%swap3A_667, %swap3A_668], %swap3A_671 {strides = array<i32>} : memref<128x32xf32, #tpu.memory_space<vmem>>, vector<1x16xf32>,
        %slice3A_672 = vector.extract_strided_slice %get3A_589 {offsets = [3], sizes = [1], strides = [1]} : vector<16xf32> to vector<1xf32>
        %squeeze3A_673 = vector.extract %slice3A_672[0] : f32 from vector<1xf32>
        %mul3A_674 = arith.constant 16 : i32
        %mul3A_675 = arith.muli %scan3A_583, %mul3A_674 : i32
        %add3A_676 = arith.constant 3 : i32
        %add3A_677 = arith.addi %mul3A_675, %add3A_676 : i32
        %get3A_678 = arith.index_cast %add3A_677 : i32 to index
        %get3A_679 = arith.constant 0 : index
        %get3A_680 = tpu.vector_load %arg20[%get3A_678, %get3A_679] {strides = array<i32>} : memref<128x32xf32, #tpu.memory_space<vmem>>, vector<1x16xf32>,
        %get3A_681 = vector.shape_cast %get3A_680 : vector<1x16xf32> to vector<16xf32>
        %mul3A_682 = vector.broadcast %squeeze3A_673 : f32 to vector<16xf32>
        %mul3A_683 = arith.mulf %get3A_681, %mul3A_682 : vector<16xf32>
        %swap3A_684 = arith.index_cast %add3A_677 : i32 to index
        %swap3A_685 = arith.constant 0 : index
        %swap3A_686 = tpu.vector_load %arg20[%swap3A_684, %swap3A_685] {strides = array<i32>} : memref<128x32xf32, #tpu.memory_space<vmem>>, vector<1x16xf32>,
        %swap3A_687 = vector.shape_cast %swap3A_686 : vector<1x16xf32> to vector<16xf32>
        %swap3A_688 = vector.shape_cast %mul3A_683 : vector<16xf32> to vector<1x16xf32>
        tpu.vector_store %arg20[%swap3A_684, %swap3A_685], %swap3A_688 {strides = array<i32>} : memref<128x32xf32, #tpu.memory_space<vmem>>, vector<1x16xf32>,
        %get3A_689 = arith.index_cast %add3A_677 : i32 to index
        %get3A_690 = arith.constant 16 : index
        %get3A_691 = tpu.vector_load %arg20[%get3A_689, %get3A_690] {strides = array<i32>} : memref<128x32xf32, #tpu.memory_space<vmem>>, vector<1x16xf32>,
        %get3A_692 = vector.shape_cast %get3A_691 : vector<1x16xf32> to vector<16xf32>
        %mul3A_693 = vector.broadcast %squeeze3A_673 : f32 to vector<16xf32>
        %mul3A_694 = arith.mulf %get3A_692, %mul3A_693 : vector<16xf32>
        %swap3A_695 = arith.index_cast %add3A_677 : i32 to index
        %swap3A_696 = arith.constant 16 : index
        %swap3A_697 = tpu.vector_load %arg20[%swap3A_695, %swap3A_696] {strides = array<i32>} : memref<128x32xf32, #tpu.memory_space<vmem>>, vector<1x16xf32>,
        %swap3A_698 = vector.shape_cast %swap3A_697 : vector<1x16xf32> to vector<16xf32>
        %swap3A_699 = vector.shape_cast %mul3A_694 : vector<16xf32> to vector<1x16xf32>
        tpu.vector_store %arg20[%swap3A_695, %swap3A_696], %swap3A_699 {strides = array<i32>} : memref<128x32xf32, #tpu.memory_space<vmem>>, vector<1x16xf32>,
        %slice3A_700 = vector.extract_strided_slice %get3A_589 {offsets = [4], sizes = [1], strides = [1]} : vector<16xf32> to vector<1xf32>
        %squeeze3A_701 = vector.extract %slice3A_700[0] : f32 from vector<1xf32>
        %mul3A_702 = arith.constant 16 : i32
        %mul3A_703 = arith.muli %scan3A_583, %mul3A_702 : i32
        %add3A_704 = arith.constant 4 : i32
        %add3A_705 = arith.addi %mul3A_703, %add3A_704 : i32
        %get3A_706 = arith.index_cast %add3A_705 : i32 to index
        %get3A_707 = arith.constant 0 : index
        %get3A_708 = tpu.vector_load %arg20[%get3A_706, %get3A_707] {strides = array<i32>} : memref<128x32xf32, #tpu.memory_space<vmem>>, vector<1x16xf32>,
        %get3A_709 = vector.shape_cast %get3A_708 : vector<1x16xf32> to vector<16xf32>
        %mul3A_710 = vector.broadcast %squeeze3A_701 : f32 to vector<16xf32>
        %mul3A_711 = arith.mulf %get3A_709, %mul3A_710 : vector<16xf32>
        %swap3A_712 = arith.index_cast %add3A_705 : i32 to index
        %swap3A_713 = arith.constant 0 : index
        %swap3A_714 = tpu.vector_load %arg20[%swap3A_712, %swap3A_713] {strides = array<i32>} : memref<128x32xf32, #tpu.memory_space<vmem>>, vector<1x16xf32>,
        %swap3A_715 = vector.shape_cast %swap3A_714 : vector<1x16xf32> to vector<16xf32>
        %swap3A_716 = vector.shape_cast %mul3A_711 : vector<16xf32> to vector<1x16xf32>
        tpu.vector_store %arg20[%swap3A_712, %swap3A_713], %swap3A_716 {strides = array<i32>} : memref<128x32xf32, #tpu.memory_space<vmem>>, vector<1x16xf32>,
        %get3A_717 = arith.index_cast %add3A_705 : i32 to index
        %get3A_718 = arith.constant 16 : index
        %get3A_719 = tpu.vector_load %arg20[%get3A_717, %get3A_718] {strides = array<i32>} : memref<128x32xf32, #tpu.memory_space<vmem>>, vector<1x16xf32>,
        %get3A_720 = vector.shape_cast %get3A_719 : vector<1x16xf32> to vector<16xf32>
        %mul3A_721 = vector.broadcast %squeeze3A_701 : f32 to vector<16xf32>
        %mul3A_722 = arith.mulf %get3A_720, %mul3A_721 : vector<16xf32>
        %swap3A_723 = arith.index_cast %add3A_705 : i32 to index
        %swap3A_724 = arith.constant 16 : index
        %swap3A_725 = tpu.vector_load %arg20[%swap3A_723, %swap3A_724] {strides = array<i32>} : memref<128x32xf32, #tpu.memory_space<vmem>>, vector<1x16xf32>,
        %swap3A_726 = vector.shape_cast %swap3A_725 : vector<1x16xf32> to vector<16xf32>
        %swap3A_727 = vector.shape_cast %mul3A_722 : vector<16xf32> to vector<1x16xf32>
        tpu.vector_store %arg20[%swap3A_723, %swap3A_724], %swap3A_727 {strides = array<i32>} : memref<128x32xf32, #tpu.memory_space<vmem>>, vector<1x16xf32>,
        %slice3A_728 = vector.extract_strided_slice %get3A_589 {offsets = [5], sizes = [1], strides = [1]} : vector<16xf32> to vector<1xf32>
        %squeeze3A_729 = vector.extract %slice3A_728[0] : f32 from vector<1xf32>
        %mul3A_730 = arith.constant 16 : i32
        %mul3A_731 = arith.muli %scan3A_583, %mul3A_730 : i32
        %add3A_732 = arith.constant 5 : i32
        %add3A_733 = arith.addi %mul3A_731, %add3A_732 : i32
        %get3A_734 = arith.index_cast %add3A_733 : i32 to index
        %get3A_735 = arith.constant 0 : index
        %get3A_736 = tpu.vector_load %arg20[%get3A_734, %get3A_735] {strides = array<i32>} : memref<128x32xf32, #tpu.memory_space<vmem>>, vector<1x16xf32>,
        %get3A_737 = vector.shape_cast %get3A_736 : vector<1x16xf32> to vector<16xf32>
        %mul3A_738 = vector.broadcast %squeeze3A_729 : f32 to vector<16xf32>
        %mul3A_739 = arith.mulf %get3A_737, %mul3A_738 : vector<16xf32>
        %swap3A_740 = arith.index_cast %add3A_733 : i32 to index
        %swap3A_741 = arith.constant 0 : index
        %swap3A_742 = tpu.vector_load %arg20[%swap3A_740, %swap3A_741] {strides = array<i32>} : memref<128x32xf32, #tpu.memory_space<vmem>>, vector<1x16xf32>,
        %swap3A_743 = vector.shape_cast %swap3A_742 : vector<1x16xf32> to vector<16xf32>
        %swap3A_744 = vector.shape_cast %mul3A_739 : vector<16xf32> to vector<1x16xf32>
        tpu.vector_store %arg20[%swap3A_740, %swap3A_741], %swap3A_744 {strides = array<i32>} : memref<128x32xf32, #tpu.memory_space<vmem>>, vector<1x16xf32>,
        %get3A_745 = arith.index_cast %add3A_733 : i32 to index
        %get3A_746 = arith.constant 16 : index
        %get3A_747 = tpu.vector_load %arg20[%get3A_745, %get3A_746] {strides = array<i32>} : memref<128x32xf32, #tpu.memory_space<vmem>>, vector<1x16xf32>,
        %get3A_748 = vector.shape_cast %get3A_747 : vector<1x16xf32> to vector<16xf32>
        %mul3A_749 = vector.broadcast %squeeze3A_729 : f32 to vector<16xf32>
        %mul3A_750 = arith.mulf %get3A_748, %mul3A_749 : vector<16xf32>
        %swap3A_751 = arith.index_cast %add3A_733 : i32 to index
        %swap3A_752 = arith.constant 16 : index
        %swap3A_753 = tpu.vector_load %arg20[%swap3A_751, %swap3A_752] {strides = array<i32>} : memref<128x32xf32, #tpu.memory_space<vmem>>, vector<1x16xf32>,
        %swap3A_754 = vector.shape_cast %swap3A_753 : vector<1x16xf32> to vector<16xf32>
        %swap3A_755 = vector.shape_cast %mul3A_750 : vector<16xf32> to vector<1x16xf32>
        tpu.vector_store %arg20[%swap3A_751, %swap3A_752], %swap3A_755 {strides = array<i32>} : memref<128x32xf32, #tpu.memory_space<vmem>>, vector<1x16xf32>,
        %slice3A_756 = vector.extract_strided_slice %get3A_589 {offsets = [6], sizes = [1], strides = [1]} : vector<16xf32> to vector<1xf32>
        %squeeze3A_757 = vector.extract %slice3A_756[0] : f32 from vector<1xf32>
        %mul3A_758 = arith.constant 16 : i32
        %mul3A_759 = arith.muli %scan3A_583, %mul3A_758 : i32
        %add3A_760 = arith.constant 6 : i32
        %add3A_761 = arith.addi %mul3A_759, %add3A_760 : i32
        %get3A_762 = arith.index_cast %add3A_761 : i32 to index
        %get3A_763 = arith.constant 0 : index
        %get3A_764 = tpu.vector_load %arg20[%get3A_762, %get3A_763] {strides = array<i32>} : memref<128x32xf32, #tpu.memory_space<vmem>>, vector<1x16xf32>,
        %get3A_765 = vector.shape_cast %get3A_764 : vector<1x16xf32> to vector<16xf32>
        %mul3A_766 = vector.broadcast %squeeze3A_757 : f32 to vector<16xf32>
        %mul3A_767 = arith.mulf %get3A_765, %mul3A_766 : vector<16xf32>
        %swap3A_768 = arith.index_cast %add3A_761 : i32 to index
        %swap3A_769 = arith.constant 0 : index
        %swap3A_770 = tpu.vector_load %arg20[%swap3A_768, %swap3A_769] {strides = array<i32>} : memref<128x32xf32, #tpu.memory_space<vmem>>, vector<1x16xf32>,
        %swap3A_771 = vector.shape_cast %swap3A_770 : vector<1x16xf32> to vector<16xf32>
        %swap3A_772 = vector.shape_cast %mul3A_767 : vector<16xf32> to vector<1x16xf32>
        tpu.vector_store %arg20[%swap3A_768, %swap3A_769], %swap3A_772 {strides = array<i32>} : memref<128x32xf32, #tpu.memory_space<vmem>>, vector<1x16xf32>,
        %get3A_773 = arith.index_cast %add3A_761 : i32 to index
        %get3A_774 = arith.constant 16 : index
        %get3A_775 = tpu.vector_load %arg20[%get3A_773, %get3A_774] {strides = array<i32>} : memref<128x32xf32, #tpu.memory_space<vmem>>, vector<1x16xf32>,
        %get3A_776 = vector.shape_cast %get3A_775 : vector<1x16xf32> to vector<16xf32>
        %mul3A_777 = vector.broadcast %squeeze3A_757 : f32 to vector<16xf32>
        %mul3A_778 = arith.mulf %get3A_776, %mul3A_777 : vector<16xf32>
        %swap3A_779 = arith.index_cast %add3A_761 : i32 to index
        %swap3A_780 = arith.constant 16 : index
        %swap3A_781 = tpu.vector_load %arg20[%swap3A_779, %swap3A_780] {strides = array<i32>} : memref<128x32xf32, #tpu.memory_space<vmem>>, vector<1x16xf32>,
        %swap3A_782 = vector.shape_cast %swap3A_781 : vector<1x16xf32> to vector<16xf32>
        %swap3A_783 = vector.shape_cast %mul3A_778 : vector<16xf32> to vector<1x16xf32>
        tpu.vector_store %arg20[%swap3A_779, %swap3A_780], %swap3A_783 {strides = array<i32>} : memref<128x32xf32, #tpu.memory_space<vmem>>, vector<1x16xf32>,
        %slice3A_784 = vector.extract_strided_slice %get3A_589 {offsets = [7], sizes = [1], strides = [1]} : vector<16xf32> to vector<1xf32>
        %squeeze3A_785 = vector.extract %slice3A_784[0] : f32 from vector<1xf32>
        %mul3A_786 = arith.constant 16 : i32
        %mul3A_787 = arith.muli %scan3A_583, %mul3A_786 : i32
        %add3A_788 = arith.constant 7 : i32
        %add3A_789 = arith.addi %mul3A_787, %add3A_788 : i32
        %get3A_790 = arith.index_cast %add3A_789 : i32 to index
        %get3A_791 = arith.constant 0 : index
        %get3A_792 = tpu.vector_load %arg20[%get3A_790, %get3A_791] {strides = array<i32>} : memref<128x32xf32, #tpu.memory_space<vmem>>, vector<1x16xf32>,
        %get3A_793 = vector.shape_cast %get3A_792 : vector<1x16xf32> to vector<16xf32>
        %mul3A_794 = vector.broadcast %squeeze3A_785 : f32 to vector<16xf32>
        %mul3A_795 = arith.mulf %get3A_793, %mul3A_794 : vector<16xf32>
        %swap3A_796 = arith.index_cast %add3A_789 : i32 to index
        %swap3A_797 = arith.constant 0 : index
        %swap3A_798 = tpu.vector_load %arg20[%swap3A_796, %swap3A_797] {strides = array<i32>} : memref<128x32xf32, #tpu.memory_space<vmem>>, vector<1x16xf32>,
        %swap3A_799 = vector.shape_cast %swap3A_798 : vector<1x16xf32> to vector<16xf32>
        %swap3A_800 = vector.shape_cast %mul3A_795 : vector<16xf32> to vector<1x16xf32>
        tpu.vector_store %arg20[%swap3A_796, %swap3A_797], %swap3A_800 {strides = array<i32>} : memref<128x32xf32, #tpu.memory_space<vmem>>, vector<1x16xf32>,
        %get3A_801 = arith.index_cast %add3A_789 : i32 to index
        %get3A_802 = arith.constant 16 : index
        %get3A_803 = tpu.vector_load %arg20[%get3A_801, %get3A_802] {strides = array<i32>} : memref<128x32xf32, #tpu.memory_space<vmem>>, vector<1x16xf32>,
        %get3A_804 = vector.shape_cast %get3A_803 : vector<1x16xf32> to vector<16xf32>
        %mul3A_805 = vector.broadcast %squeeze3A_785 : f32 to vector<16xf32>
        %mul3A_806 = arith.mulf %get3A_804, %mul3A_805 : vector<16xf32>
        %swap3A_807 = arith.index_cast %add3A_789 : i32 to index
        %swap3A_808 = arith.constant 16 : index
        %swap3A_809 = tpu.vector_load %arg20[%swap3A_807, %swap3A_808] {strides = array<i32>} : memref<128x32xf32, #tpu.memory_space<vmem>>, vector<1x16xf32>,
        %swap3A_810 = vector.shape_cast %swap3A_809 : vector<1x16xf32> to vector<16xf32>
        %swap3A_811 = vector.shape_cast %mul3A_806 : vector<16xf32> to vector<1x16xf32>
        tpu.vector_store %arg20[%swap3A_807, %swap3A_808], %swap3A_811 {strides = array<i32>} : memref<128x32xf32, #tpu.memory_space<vmem>>, vector<1x16xf32>,
        %slice3A_812 = vector.extract_strided_slice %get3A_589 {offsets = [8], sizes = [1], strides = [1]} : vector<16xf32> to vector<1xf32>
        %squeeze3A_813 = vector.extract %slice3A_812[0] : f32 from vector<1xf32>
        %mul3A_814 = arith.constant 16 : i32
        %mul3A_815 = arith.muli %scan3A_583, %mul3A_814 : i32
        %add3A_816 = arith.constant 8 : i32
        %add3A_817 = arith.addi %mul3A_815, %add3A_816 : i32
        %get3A_818 = arith.index_cast %add3A_817 : i32 to index
        %get3A_819 = arith.constant 0 : index
        %get3A_820 = tpu.vector_load %arg20[%get3A_818, %get3A_819] {strides = array<i32>} : memref<128x32xf32, #tpu.memory_space<vmem>>, vector<1x16xf32>,
        %get3A_821 = vector.shape_cast %get3A_820 : vector<1x16xf32> to vector<16xf32>
        %mul3A_822 = vector.broadcast %squeeze3A_813 : f32 to vector<16xf32>
        %mul3A_823 = arith.mulf %get3A_821, %mul3A_822 : vector<16xf32>
        %swap3A_824 = arith.index_cast %add3A_817 : i32 to index
        %swap3A_825 = arith.constant 0 : index
        %swap3A_826 = tpu.vector_load %arg20[%swap3A_824, %swap3A_825] {strides = array<i32>} : memref<128x32xf32, #tpu.memory_space<vmem>>, vector<1x16xf32>,
        %swap3A_827 = vector.shape_cast %swap3A_826 : vector<1x16xf32> to vector<16xf32>
        %swap3A_828 = vector.shape_cast %mul3A_823 : vector<16xf32> to vector<1x16xf32>
        tpu.vector_store %arg20[%swap3A_824, %swap3A_825], %swap3A_828 {strides = array<i32>} : memref<128x32xf32, #tpu.memory_space<vmem>>, vector<1x16xf32>,
        %get3A_829 = arith.index_cast %add3A_817 : i32 to index
        %get3A_830 = arith.constant 16 : index
        %get3A_831 = tpu.vector_load %arg20[%get3A_829, %get3A_830] {strides = array<i32>} : memref<128x32xf32, #tpu.memory_space<vmem>>, vector<1x16xf32>,
        %get3A_832 = vector.shape_cast %get3A_831 : vector<1x16xf32> to vector<16xf32>
        %mul3A_833 = vector.broadcast %squeeze3A_813 : f32 to vector<16xf32>
        %mul3A_834 = arith.mulf %get3A_832, %mul3A_833 : vector<16xf32>
        %swap3A_835 = arith.index_cast %add3A_817 : i32 to index
        %swap3A_836 = arith.constant 16 : index
        %swap3A_837 = tpu.vector_load %arg20[%swap3A_835, %swap3A_836] {strides = array<i32>} : memref<128x32xf32, #tpu.memory_space<vmem>>, vector<1x16xf32>,
        %swap3A_838 = vector.shape_cast %swap3A_837 : vector<1x16xf32> to vector<16xf32>
        %swap3A_839 = vector.shape_cast %mul3A_834 : vector<16xf32> to vector<1x16xf32>
        tpu.vector_store %arg20[%swap3A_835, %swap3A_836], %swap3A_839 {strides = array<i32>} : memref<128x32xf32, #tpu.memory_space<vmem>>, vector<1x16xf32>,
        %slice3A_840 = vector.extract_strided_slice %get3A_589 {offsets = [9], sizes = [1], strides = [1]} : vector<16xf32> to vector<1xf32>
        %squeeze3A_841 = vector.extract %slice3A_840[0] : f32 from vector<1xf32>
        %mul3A_842 = arith.constant 16 : i32
        %mul3A_843 = arith.muli %scan3A_583, %mul3A_842 : i32
        %add3A_844 = arith.constant 9 : i32
        %add3A_845 = arith.addi %mul3A_843, %add3A_844 : i32
        %get3A_846 = arith.index_cast %add3A_845 : i32 to index
        %get3A_847 = arith.constant 0 : index
        %get3A_848 = tpu.vector_load %arg20[%get3A_846, %get3A_847] {strides = array<i32>} : memref<128x32xf32, #tpu.memory_space<vmem>>, vector<1x16xf32>,
        %get3A_849 = vector.shape_cast %get3A_848 : vector<1x16xf32> to vector<16xf32>
        %mul3A_850 = vector.broadcast %squeeze3A_841 : f32 to vector<16xf32>
        %mul3A_851 = arith.mulf %get3A_849, %mul3A_850 : vector<16xf32>
        %swap3A_852 = arith.index_cast %add3A_845 : i32 to index
        %swap3A_853 = arith.constant 0 : index
        %swap3A_854 = tpu.vector_load %arg20[%swap3A_852, %swap3A_853] {strides = array<i32>} : memref<128x32xf32, #tpu.memory_space<vmem>>, vector<1x16xf32>,
        %swap3A_855 = vector.shape_cast %swap3A_854 : vector<1x16xf32> to vector<16xf32>
        %swap3A_856 = vector.shape_cast %mul3A_851 : vector<16xf32> to vector<1x16xf32>
        tpu.vector_store %arg20[%swap3A_852, %swap3A_853], %swap3A_856 {strides = array<i32>} : memref<128x32xf32, #tpu.memory_space<vmem>>, vector<1x16xf32>,
        %get3A_857 = arith.index_cast %add3A_845 : i32 to index
        %get3A_858 = arith.constant 16 : index
        %get3A_859 = tpu.vector_load %arg20[%get3A_857, %get3A_858] {strides = array<i32>} : memref<128x32xf32, #tpu.memory_space<vmem>>, vector<1x16xf32>,
        %get3A_860 = vector.shape_cast %get3A_859 : vector<1x16xf32> to vector<16xf32>
        %mul3A_861 = vector.broadcast %squeeze3A_841 : f32 to vector<16xf32>
        %mul3A_862 = arith.mulf %get3A_860, %mul3A_861 : vector<16xf32>
        %swap3A_863 = arith.index_cast %add3A_845 : i32 to index
        %swap3A_864 = arith.constant 16 : index
        %swap3A_865 = tpu.vector_load %arg20[%swap3A_863, %swap3A_864] {strides = array<i32>} : memref<128x32xf32, #tpu.memory_space<vmem>>, vector<1x16xf32>,
        %swap3A_866 = vector.shape_cast %swap3A_865 : vector<1x16xf32> to vector<16xf32>
        %swap3A_867 = vector.shape_cast %mul3A_862 : vector<16xf32> to vector<1x16xf32>
        tpu.vector_store %arg20[%swap3A_863, %swap3A_864], %swap3A_867 {strides = array<i32>} : memref<128x32xf32, #tpu.memory_space<vmem>>, vector<1x16xf32>,
        %slice3A_868 = vector.extract_strided_slice %get3A_589 {offsets = [10], sizes = [1], strides = [1]} : vector<16xf32> to vector<1xf32>
        %squeeze3A_869 = vector.extract %slice3A_868[0] : f32 from vector<1xf32>
        %mul3A_870 = arith.constant 16 : i32
        %mul3A_871 = arith.muli %scan3A_583, %mul3A_870 : i32
        %add3A_872 = arith.constant 10 : i32
        %add3A_873 = arith.addi %mul3A_871, %add3A_872 : i32
        %get3A_874 = arith.index_cast %add3A_873 : i32 to index
        %get3A_875 = arith.constant 0 : index
        %get3A_876 = tpu.vector_load %arg20[%get3A_874, %get3A_875] {strides = array<i32>} : memref<128x32xf32, #tpu.memory_space<vmem>>, vector<1x16xf32>,
        %get3A_877 = vector.shape_cast %get3A_876 : vector<1x16xf32> to vector<16xf32>
        %mul3A_878 = vector.broadcast %squeeze3A_869 : f32 to vector<16xf32>
        %mul3A_879 = arith.mulf %get3A_877, %mul3A_878 : vector<16xf32>
        %swap3A_880 = arith.index_cast %add3A_873 : i32 to index
        %swap3A_881 = arith.constant 0 : index
        %swap3A_882 = tpu.vector_load %arg20[%swap3A_880, %swap3A_881] {strides = array<i32>} : memref<128x32xf32, #tpu.memory_space<vmem>>, vector<1x16xf32>,
        %swap3A_883 = vector.shape_cast %swap3A_882 : vector<1x16xf32> to vector<16xf32>
        %swap3A_884 = vector.shape_cast %mul3A_879 : vector<16xf32> to vector<1x16xf32>
        tpu.vector_store %arg20[%swap3A_880, %swap3A_881], %swap3A_884 {strides = array<i32>} : memref<128x32xf32, #tpu.memory_space<vmem>>, vector<1x16xf32>,
        %get3A_885 = arith.index_cast %add3A_873 : i32 to index
        %get3A_886 = arith.constant 16 : index
        %get3A_887 = tpu.vector_load %arg20[%get3A_885, %get3A_886] {strides = array<i32>} : memref<128x32xf32, #tpu.memory_space<vmem>>, vector<1x16xf32>,
        %get3A_888 = vector.shape_cast %get3A_887 : vector<1x16xf32> to vector<16xf32>
        %mul3A_889 = vector.broadcast %squeeze3A_869 : f32 to vector<16xf32>
        %mul3A_890 = arith.mulf %get3A_888, %mul3A_889 : vector<16xf32>
        %swap3A_891 = arith.index_cast %add3A_873 : i32 to index
        %swap3A_892 = arith.constant 16 : index
        %swap3A_893 = tpu.vector_load %arg20[%swap3A_891, %swap3A_892] {strides = array<i32>} : memref<128x32xf32, #tpu.memory_space<vmem>>, vector<1x16xf32>,
        %swap3A_894 = vector.shape_cast %swap3A_893 : vector<1x16xf32> to vector<16xf32>
        %swap3A_895 = vector.shape_cast %mul3A_890 : vector<16xf32> to vector<1x16xf32>
        tpu.vector_store %arg20[%swap3A_891, %swap3A_892], %swap3A_895 {strides = array<i32>} : memref<128x32xf32, #tpu.memory_space<vmem>>, vector<1x16xf32>,
        %slice3A_896 = vector.extract_strided_slice %get3A_589 {offsets = [11], sizes = [1], strides = [1]} : vector<16xf32> to vector<1xf32>
        %squeeze3A_897 = vector.extract %slice3A_896[0] : f32 from vector<1xf32>
        %mul3A_898 = arith.constant 16 : i32
        %mul3A_899 = arith.muli %scan3A_583, %mul3A_898 : i32
        %add3A_900 = arith.constant 11 : i32
        %add3A_901 = arith.addi %mul3A_899, %add3A_900 : i32
        %get3A_902 = arith.index_cast %add3A_901 : i32 to index
        %get3A_903 = arith.constant 0 : index
        %get3A_904 = tpu.vector_load %arg20[%get3A_902, %get3A_903] {strides = array<i32>} : memref<128x32xf32, #tpu.memory_space<vmem>>, vector<1x16xf32>,
        %get3A_905 = vector.shape_cast %get3A_904 : vector<1x16xf32> to vector<16xf32>
        %mul3A_906 = vector.broadcast %squeeze3A_897 : f32 to vector<16xf32>
        %mul3A_907 = arith.mulf %get3A_905, %mul3A_906 : vector<16xf32>
        %swap3A_908 = arith.index_cast %add3A_901 : i32 to index
        %swap3A_909 = arith.constant 0 : index
        %swap3A_910 = tpu.vector_load %arg20[%swap3A_908, %swap3A_909] {strides = array<i32>} : memref<128x32xf32, #tpu.memory_space<vmem>>, vector<1x16xf32>,
        %swap3A_911 = vector.shape_cast %swap3A_910 : vector<1x16xf32> to vector<16xf32>
        %swap3A_912 = vector.shape_cast %mul3A_907 : vector<16xf32> to vector<1x16xf32>
        tpu.vector_store %arg20[%swap3A_908, %swap3A_909], %swap3A_912 {strides = array<i32>} : memref<128x32xf32, #tpu.memory_space<vmem>>, vector<1x16xf32>,
        %get3A_913 = arith.index_cast %add3A_901 : i32 to index
        %get3A_914 = arith.constant 16 : index
        %get3A_915 = tpu.vector_load %arg20[%get3A_913, %get3A_914] {strides = array<i32>} : memref<128x32xf32, #tpu.memory_space<vmem>>, vector<1x16xf32>,
        %get3A_916 = vector.shape_cast %get3A_915 : vector<1x16xf32> to vector<16xf32>
        %mul3A_917 = vector.broadcast %squeeze3A_897 : f32 to vector<16xf32>
        %mul3A_918 = arith.mulf %get3A_916, %mul3A_917 : vector<16xf32>
        %swap3A_919 = arith.index_cast %add3A_901 : i32 to index
        %swap3A_920 = arith.constant 16 : index
        %swap3A_921 = tpu.vector_load %arg20[%swap3A_919, %swap3A_920] {strides = array<i32>} : memref<128x32xf32, #tpu.memory_space<vmem>>, vector<1x16xf32>,
        %swap3A_922 = vector.shape_cast %swap3A_921 : vector<1x16xf32> to vector<16xf32>
        %swap3A_923 = vector.shape_cast %mul3A_918 : vector<16xf32> to vector<1x16xf32>
        tpu.vector_store %arg20[%swap3A_919, %swap3A_920], %swap3A_923 {strides = array<i32>} : memref<128x32xf32, #tpu.memory_space<vmem>>, vector<1x16xf32>,
        %slice3A_924 = vector.extract_strided_slice %get3A_589 {offsets = [12], sizes = [1], strides = [1]} : vector<16xf32> to vector<1xf32>
        %squeeze3A_925 = vector.extract %slice3A_924[0] : f32 from vector<1xf32>
        %mul3A_926 = arith.constant 16 : i32
        %mul3A_927 = arith.muli %scan3A_583, %mul3A_926 : i32
        %add3A_928 = arith.constant 12 : i32
        %add3A_929 = arith.addi %mul3A_927, %add3A_928 : i32
        %get3A_930 = arith.index_cast %add3A_929 : i32 to index
        %get3A_931 = arith.constant 0 : index
        %get3A_932 = tpu.vector_load %arg20[%get3A_930, %get3A_931] {strides = array<i32>} : memref<128x32xf32, #tpu.memory_space<vmem>>, vector<1x16xf32>,
        %get3A_933 = vector.shape_cast %get3A_932 : vector<1x16xf32> to vector<16xf32>
        %mul3A_934 = vector.broadcast %squeeze3A_925 : f32 to vector<16xf32>
        %mul3A_935 = arith.mulf %get3A_933, %mul3A_934 : vector<16xf32>
        %swap3A_936 = arith.index_cast %add3A_929 : i32 to index
        %swap3A_937 = arith.constant 0 : index
        %swap3A_938 = tpu.vector_load %arg20[%swap3A_936, %swap3A_937] {strides = array<i32>} : memref<128x32xf32, #tpu.memory_space<vmem>>, vector<1x16xf32>,
        %swap3A_939 = vector.shape_cast %swap3A_938 : vector<1x16xf32> to vector<16xf32>
        %swap3A_940 = vector.shape_cast %mul3A_935 : vector<16xf32> to vector<1x16xf32>
        tpu.vector_store %arg20[%swap3A_936, %swap3A_937], %swap3A_940 {strides = array<i32>} : memref<128x32xf32, #tpu.memory_space<vmem>>, vector<1x16xf32>,
        %get3A_941 = arith.index_cast %add3A_929 : i32 to index
        %get3A_942 = arith.constant 16 : index
        %get3A_943 = tpu.vector_load %arg20[%get3A_941, %get3A_942] {strides = array<i32>} : memref<128x32xf32, #tpu.memory_space<vmem>>, vector<1x16xf32>,
        %get3A_944 = vector.shape_cast %get3A_943 : vector<1x16xf32> to vector<16xf32>
        %mul3A_945 = vector.broadcast %squeeze3A_925 : f32 to vector<16xf32>
        %mul3A_946 = arith.mulf %get3A_944, %mul3A_945 : vector<16xf32>
        %swap3A_947 = arith.index_cast %add3A_929 : i32 to index
        %swap3A_948 = arith.constant 16 : index
        %swap3A_949 = tpu.vector_load %arg20[%swap3A_947, %swap3A_948] {strides = array<i32>} : memref<128x32xf32, #tpu.memory_space<vmem>>, vector<1x16xf32>,
        %swap3A_950 = vector.shape_cast %swap3A_949 : vector<1x16xf32> to vector<16xf32>
        %swap3A_951 = vector.shape_cast %mul3A_946 : vector<16xf32> to vector<1x16xf32>
        tpu.vector_store %arg20[%swap3A_947, %swap3A_948], %swap3A_951 {strides = array<i32>} : memref<128x32xf32, #tpu.memory_space<vmem>>, vector<1x16xf32>,
        %slice3A_952 = vector.extract_strided_slice %get3A_589 {offsets = [13], sizes = [1], strides = [1]} : vector<16xf32> to vector<1xf32>
        %squeeze3A_953 = vector.extract %slice3A_952[0] : f32 from vector<1xf32>
        %mul3A_954 = arith.constant 16 : i32
        %mul3A_955 = arith.muli %scan3A_583, %mul3A_954 : i32
        %add3A_956 = arith.constant 13 : i32
        %add3A_957 = arith.addi %mul3A_955, %add3A_956 : i32
        %get3A_958 = arith.index_cast %add3A_957 : i32 to index
        %get3A_959 = arith.constant 0 : index
        %get3A_960 = tpu.vector_load %arg20[%get3A_958, %get3A_959] {strides = array<i32>} : memref<128x32xf32, #tpu.memory_space<vmem>>, vector<1x16xf32>,
        %get3A_961 = vector.shape_cast %get3A_960 : vector<1x16xf32> to vector<16xf32>
        %mul3A_962 = vector.broadcast %squeeze3A_953 : f32 to vector<16xf32>
        %mul3A_963 = arith.mulf %get3A_961, %mul3A_962 : vector<16xf32>
        %swap3A_964 = arith.index_cast %add3A_957 : i32 to index
        %swap3A_965 = arith.constant 0 : index
        %swap3A_966 = tpu.vector_load %arg20[%swap3A_964, %swap3A_965] {strides = array<i32>} : memref<128x32xf32, #tpu.memory_space<vmem>>, vector<1x16xf32>,
        %swap3A_967 = vector.shape_cast %swap3A_966 : vector<1x16xf32> to vector<16xf32>
        %swap3A_968 = vector.shape_cast %mul3A_963 : vector<16xf32> to vector<1x16xf32>
        tpu.vector_store %arg20[%swap3A_964, %swap3A_965], %swap3A_968 {strides = array<i32>} : memref<128x32xf32, #tpu.memory_space<vmem>>, vector<1x16xf32>,
        %get3A_969 = arith.index_cast %add3A_957 : i32 to index
        %get3A_970 = arith.constant 16 : index
        %get3A_971 = tpu.vector_load %arg20[%get3A_969, %get3A_970] {strides = array<i32>} : memref<128x32xf32, #tpu.memory_space<vmem>>, vector<1x16xf32>,
        %get3A_972 = vector.shape_cast %get3A_971 : vector<1x16xf32> to vector<16xf32>
        %mul3A_973 = vector.broadcast %squeeze3A_953 : f32 to vector<16xf32>
        %mul3A_974 = arith.mulf %get3A_972, %mul3A_973 : vector<16xf32>
        %swap3A_975 = arith.index_cast %add3A_957 : i32 to index
        %swap3A_976 = arith.constant 16 : index
        %swap3A_977 = tpu.vector_load %arg20[%swap3A_975, %swap3A_976] {strides = array<i32>} : memref<128x32xf32, #tpu.memory_space<vmem>>, vector<1x16xf32>,
        %swap3A_978 = vector.shape_cast %swap3A_977 : vector<1x16xf32> to vector<16xf32>
        %swap3A_979 = vector.shape_cast %mul3A_974 : vector<16xf32> to vector<1x16xf32>
        tpu.vector_store %arg20[%swap3A_975, %swap3A_976], %swap3A_979 {strides = array<i32>} : memref<128x32xf32, #tpu.memory_space<vmem>>, vector<1x16xf32>,
        %slice3A_980 = vector.extract_strided_slice %get3A_589 {offsets = [14], sizes = [1], strides = [1]} : vector<16xf32> to vector<1xf32>
        %squeeze3A_981 = vector.extract %slice3A_980[0] : f32 from vector<1xf32>
        %mul3A_982 = arith.constant 16 : i32
        %mul3A_983 = arith.muli %scan3A_583, %mul3A_982 : i32
        %add3A_984 = arith.constant 14 : i32
        %add3A_985 = arith.addi %mul3A_983, %add3A_984 : i32
        %get3A_986 = arith.index_cast %add3A_985 : i32 to index
        %get3A_987 = arith.constant 0 : index
        %get3A_988 = tpu.vector_load %arg20[%get3A_986, %get3A_987] {strides = array<i32>} : memref<128x32xf32, #tpu.memory_space<vmem>>, vector<1x16xf32>,
        %get3A_989 = vector.shape_cast %get3A_988 : vector<1x16xf32> to vector<16xf32>
        %mul3A_990 = vector.broadcast %squeeze3A_981 : f32 to vector<16xf32>
        %mul3A_991 = arith.mulf %get3A_989, %mul3A_990 : vector<16xf32>
        %swap3A_992 = arith.index_cast %add3A_985 : i32 to index
        %swap3A_993 = arith.constant 0 : index
        %swap3A_994 = tpu.vector_load %arg20[%swap3A_992, %swap3A_993] {strides = array<i32>} : memref<128x32xf32, #tpu.memory_space<vmem>>, vector<1x16xf32>,
        %swap3A_995 = vector.shape_cast %swap3A_994 : vector<1x16xf32> to vector<16xf32>
        %swap3A_996 = vector.shape_cast %mul3A_991 : vector<16xf32> to vector<1x16xf32>
        tpu.vector_store %arg20[%swap3A_992, %swap3A_993], %swap3A_996 {strides = array<i32>} : memref<128x32xf32, #tpu.memory_space<vmem>>, vector<1x16xf32>,
        %get3A_997 = arith.index_cast %add3A_985 : i32 to index
        %get3A_998 = arith.constant 16 : index
        %get3A_999 = tpu.vector_load %arg20[%get3A_997, %get3A_998] {strides = array<i32>} : memref<128x32xf32, #tpu.memory_space<vmem>>, vector<1x16xf32>,
        %get3A_1000 = vector.shape_cast %get3A_999 : vector<1x16xf32> to vector<16xf32>
        %mul3A_1001 = vector.broadcast %squeeze3A_981 : f32 to vector<16xf32>
        %mul3A_1002 = arith.mulf %get3A_1000, %mul3A_1001 : vector<16xf32>
        %swap3A_1003 = arith.index_cast %add3A_985 : i32 to index
        %swap3A_1004 = arith.constant 16 : index
        %swap3A_1005 = tpu.vector_load %arg20[%swap3A_1003, %swap3A_1004] {strides = array<i32>} : memref<128x32xf32, #tpu.memory_space<vmem>>, vector<1x16xf32>,
        %swap3A_1006 = vector.shape_cast %swap3A_1005 : vector<1x16xf32> to vector<16xf32>
        %swap3A_1007 = vector.shape_cast %mul3A_1002 : vector<16xf32> to vector<1x16xf32>
        tpu.vector_store %arg20[%swap3A_1003, %swap3A_1004], %swap3A_1007 {strides = array<i32>} : memref<128x32xf32, #tpu.memory_space<vmem>>, vector<1x16xf32>,
        %slice3A_1008 = vector.extract_strided_slice %get3A_589 {offsets = [15], sizes = [1], strides = [1]} : vector<16xf32> to vector<1xf32>
        %squeeze3A_1009 = vector.extract %slice3A_1008[0] : f32 from vector<1xf32>
        %mul3A_1010 = arith.constant 16 : i32
        %mul3A_1011 = arith.muli %scan3A_583, %mul3A_1010 : i32
        %add3A_1012 = arith.constant 15 : i32
        %add3A_1013 = arith.addi %mul3A_1011, %add3A_1012 : i32
        %get3A_1014 = arith.index_cast %add3A_1013 : i32 to index
        %get3A_1015 = arith.constant 0 : index
        %get3A_1016 = tpu.vector_load %arg20[%get3A_1014, %get3A_1015] {strides = array<i32>} : memref<128x32xf32, #tpu.memory_space<vmem>>, vector<1x16xf32>,
        %get3A_1017 = vector.shape_cast %get3A_1016 : vector<1x16xf32> to vector<16xf32>
        %mul3A_1018 = vector.broadcast %squeeze3A_1009 : f32 to vector<16xf32>
        %mul3A_1019 = arith.mulf %get3A_1017, %mul3A_1018 : vector<16xf32>
        %swap3A_1020 = arith.index_cast %add3A_1013 : i32 to index
        %swap3A_1021 = arith.constant 0 : index
        %swap3A_1022 = tpu.vector_load %arg20[%swap3A_1020, %swap3A_1021] {strides = array<i32>} : memref<128x32xf32, #tpu.memory_space<vmem>>, vector<1x16xf32>,
        %swap3A_1023 = vector.shape_cast %swap3A_1022 : vector<1x16xf32> to vector<16xf32>
        %swap3A_1024 = vector.shape_cast %mul3A_1019 : vector<16xf32> to vector<1x16xf32>
        tpu.vector_store %arg20[%swap3A_1020, %swap3A_1021], %swap3A_1024 {strides = array<i32>} : memref<128x32xf32, #tpu.memory_space<vmem>>, vector<1x16xf32>,
        %get3A_1025 = arith.index_cast %add3A_1013 : i32 to index
        %get3A_1026 = arith.constant 16 : index
        %get3A_1027 = tpu.vector_load %arg20[%get3A_1025, %get3A_1026] {strides = array<i32>} : memref<128x32xf32, #tpu.memory_space<vmem>>, vector<1x16xf32>,
        %get3A_1028 = vector.shape_cast %get3A_1027 : vector<1x16xf32> to vector<16xf32>
        %mul3A_1029 = vector.broadcast %squeeze3A_1009 : f32 to vector<16xf32>
        %mul3A_1030 = arith.mulf %get3A_1028, %mul3A_1029 : vector<16xf32>
        %swap3A_1031 = arith.index_cast %add3A_1013 : i32 to index
        %swap3A_1032 = arith.constant 16 : index
        %swap3A_1033 = tpu.vector_load %arg20[%swap3A_1031, %swap3A_1032] {strides = array<i32>} : memref<128x32xf32, #tpu.memory_space<vmem>>, vector<1x16xf32>,
        %swap3A_1034 = vector.shape_cast %swap3A_1033 : vector<1x16xf32> to vector<16xf32>
        %swap3A_1035 = vector.shape_cast %mul3A_1030 : vector<16xf32> to vector<1x16xf32>
        tpu.vector_store %arg20[%swap3A_1031, %swap3A_1032], %swap3A_1035 {strides = array<i32>} : memref<128x32xf32, #tpu.memory_space<vmem>>, vector<1x16xf32>,
        %scan3A_1036 = arith.constant 0 : i32
        scf.yield %scan3A_1036 : i32
      }
      %scan3A_560 = arith.constant 8 : i32
      %dma_start3A_561 = arith.constant 0 : i32
      %dma_start3A_562 = arith.constant 0 : i32
      %dma_start3A_563 = tpu.memref_slice %arg25[%dma_start3A_561, %dma_start3A_562] : memref<10240x32xf32, #tpu.memory_space<vmem_shared>> -> memref<10240x32xf32, #tpu.memory_space<vmem_shared>>
      tpu.enqueue_indirect_dma source(%arg20 : memref<128x32xf32, #tpu.memory_space<vmem>>) target(%dma_start3A_563 : memref<10240x32xf32, #tpu.memory_space<vmem_shared>>) offsets(%arg18 : memref<128xi32, #tpu.memory_space<vmem>>) semaphore(%arg30 : memref<!tpu.dma_semaphore, #tpu.memory_space<semaphore_mem>>) {add = true}
      %convert_element_type3A_564 = arith.extui %lt3A_294 : i1 to i32
      %cond3A_565 = arith.constant 0 : i32
      %cond3A_566 = arith.cmpi ne, %convert_element_type3A_564, %cond3A_565 : i32
      scf.if %cond3A_566 {
        %add3A_583 = arith.constant 3 : i32
        %add3A_584 = arith.addi %mul3A_291, %add3A_583 : i32
        %mul3A_585 = arith.constant 128 : i32
        %mul3A_586 = arith.muli %add3A_584, %mul3A_585 : i32
        %add3A_587 = arith.addi %mul3A_2, %mul3A_586 : i32
        %dma_start3A_588 = tpu.memref_slice %arg2[%add3A_587] : memref<327680xi32, #tpu.memory_space<hbm>> -> memref<128xi32, #tpu.memory_space<hbm>>
        %dma_start3A_589 = tpu.memref_slice %arg2[%add3A_587] : memref<327680xi32, #tpu.memory_space<hbm>> -> memref<128xi32, #tpu.memory_space<hbm>>
        tpu.enqueue_dma source(%dma_start3A_589 : memref<128xi32, #tpu.memory_space<hbm>>) target(%arg11 : memref<128xi32, #tpu.memory_space<vmem>>) target_semaphore(%arg27 : memref<!tpu.dma_semaphore, #tpu.memory_space<semaphore_mem>>)
        %dma_start3A_590 = tpu.memref_slice %arg3[%add3A_587] : memref<327680xi32, #tpu.memory_space<hbm>> -> memref<128xi32, #tpu.memory_space<hbm>>
        %dma_start3A_591 = tpu.memref_slice %arg3[%add3A_587] : memref<327680xi32, #tpu.memory_space<hbm>> -> memref<128xi32, #tpu.memory_space<hbm>>
        tpu.enqueue_dma source(%dma_start3A_591 : memref<128xi32, #tpu.memory_space<hbm>>) target(%arg12 : memref<128xi32, #tpu.memory_space<vmem>>) target_semaphore(%arg27 : memref<!tpu.dma_semaphore, #tpu.memory_space<semaphore_mem>>)
        %dma_start3A_592 = tpu.memref_slice %arg4[%add3A_587] : memref<327680xi32, #tpu.memory_space<hbm>> -> memref<128xi32, #tpu.memory_space<hbm>>
        %dma_start3A_593 = tpu.memref_slice %arg4[%add3A_587] : memref<327680xi32, #tpu.memory_space<hbm>> -> memref<128xi32, #tpu.memory_space<hbm>>
        tpu.enqueue_dma source(%dma_start3A_593 : memref<128xi32, #tpu.memory_space<hbm>>) target(%arg13 : memref<128xi32, #tpu.memory_space<vmem>>) target_semaphore(%arg27 : memref<!tpu.dma_semaphore, #tpu.memory_space<semaphore_mem>>)
        %dma_wait3A_594 = arith.constant 0 : i32
        %dma_wait3A_595 = tpu.memref_slice %arg2[%dma_wait3A_594] : memref<327680xi32, #tpu.memory_space<hbm>> -> memref<128xi32, #tpu.memory_space<hbm>>
        %dma_wait3A_596 = arith.constant 0 : i32
        %dma_wait3A_597 = tpu.memref_slice %arg2[%dma_wait3A_596] : memref<327680xi32, #tpu.memory_space<hbm>> -> memref<128xi32, #tpu.memory_space<hbm>>
        tpu.wait_dma2 semaphore(%arg26 : memref<!tpu.dma_semaphore, #tpu.memory_space<semaphore_mem>>) src(%dma_wait3A_597 : memref<128xi32, #tpu.memory_space<hbm>>) dst(%arg8 : memref<128xi32, #tpu.memory_space<vmem>>)
        %dma_wait3A_598 = arith.constant 0 : i32
        %dma_wait3A_599 = tpu.memref_slice %arg3[%dma_wait3A_598] : memref<327680xi32, #tpu.memory_space<hbm>> -> memref<128xi32, #tpu.memory_space<hbm>>
        %dma_wait3A_600 = arith.constant 0 : i32
        %dma_wait3A_601 = tpu.memref_slice %arg3[%dma_wait3A_600] : memref<327680xi32, #tpu.memory_space<hbm>> -> memref<128xi32, #tpu.memory_space<hbm>>
        tpu.wait_dma2 semaphore(%arg26 : memref<!tpu.dma_semaphore, #tpu.memory_space<semaphore_mem>>) src(%dma_wait3A_601 : memref<128xi32, #tpu.memory_space<hbm>>) dst(%arg9 : memref<128xi32, #tpu.memory_space<vmem>>)
        %dma_wait3A_602 = arith.constant 0 : i32
        %dma_wait3A_603 = tpu.memref_slice %arg4[%dma_wait3A_602] : memref<327680xi32, #tpu.memory_space<hbm>> -> memref<128xi32, #tpu.memory_space<hbm>>
        %dma_wait3A_604 = arith.constant 0 : i32
        %dma_wait3A_605 = tpu.memref_slice %arg4[%dma_wait3A_604] : memref<327680xi32, #tpu.memory_space<hbm>> -> memref<128xi32, #tpu.memory_space<hbm>>
        tpu.wait_dma2 semaphore(%arg26 : memref<!tpu.dma_semaphore, #tpu.memory_space<semaphore_mem>>) src(%dma_wait3A_605 : memref<128xi32, #tpu.memory_space<hbm>>) dst(%arg10 : memref<128xi32, #tpu.memory_space<vmem>>)
        %dma_wait3A_606 = arith.constant 0 : i32
        %dma_wait3A_607 = arith.constant 0 : i32
        %dma_wait3A_608 = tpu.memref_slice %arg25[%dma_wait3A_606, %dma_wait3A_607] : memref<10240x32xf32, #tpu.memory_space<vmem_shared>> -> memref<10240x32xf32, #tpu.memory_space<vmem_shared>>
        tpu.wait_indirect_dma semaphore(%arg30 : memref<!tpu.dma_semaphore, #tpu.memory_space<semaphore_mem>>) src(%arg20 : memref<128x32xf32, #tpu.memory_space<vmem>>) dst(%dma_wait3A_608 : memref<10240x32xf32, #tpu.memory_space<vmem_shared>>)
        %get3A_609 = arith.constant 0 : index
        %get3A_610 = tpu.vector_load %arg10[%get3A_609] {strides = array<i32>} : memref<128xi32, #tpu.memory_space<vmem>>, vector<16xi32>,
        %get3A_611 = vector.shape_cast %get3A_610 : vector<16xi32> to vector<16xi32>
        %get3A_612 = arith.constant 0 : index
        %get3A_613 = tpu.vector_load %arg9[%get3A_612] {strides = array<i32>} : memref<128xi32, #tpu.memory_space<vmem>>, vector<16xi32>,
        %get3A_614 = vector.shape_cast %get3A_613 : vector<16xi32> to vector<16xi32>
        %get3A_615 = arith.constant 0 : index
        %get3A_616 = tpu.vector_load %arg8[%get3A_615] {strides = array<i32>} : memref<128xi32, #tpu.memory_space<vmem>>, vector<16xi32>,
        %get3A_617 = vector.shape_cast %get3A_616 : vector<16xi32> to vector<16xi32>
        %mul3A_618 = arith.constant 8 : i32
        %mul3A_619 = vector.broadcast %mul3A_618 : i32 to vector<16xi32>
        %mul3A_620 = arith.muli %get3A_617, %mul3A_619 : vector<16xi32>
        %add3A_621 = arith.addi %mul3A_620, %get3A_611 : vector<16xi32>
        %swap3A_622 = arith.constant 0 : index
        %swap3A_623 = tpu.vector_load %arg14[%swap3A_622] {strides = array<i32>} : memref<128xi32, #tpu.memory_space<vmem>>, vector<16xi32>,
        %swap3A_624 = vector.shape_cast %swap3A_623 : vector<16xi32> to vector<16xi32>
        %swap3A_625 = vector.shape_cast %add3A_621 : vector<16xi32> to vector<16xi32>
        tpu.vector_store %arg14[%swap3A_622], %swap3A_625 {strides = array<i32>} : memref<128xi32, #tpu.memory_space<vmem>>, vector<16xi32>,
        %mul3A_626 = arith.constant 8 : i32
        %mul3A_627 = vector.broadcast %mul3A_626 : i32 to vector<16xi32>
        %mul3A_628 = arith.muli %get3A_614, %mul3A_627 : vector<16xi32>
        %add3A_629 = arith.addi %mul3A_628, %get3A_611 : vector<16xi32>
        %swap3A_630 = arith.constant 0 : index
        %swap3A_631 = tpu.vector_load %arg15[%swap3A_630] {strides = array<i32>} : memref<128xi32, #tpu.memory_space<vmem>>, vector<16xi32>,
        %swap3A_632 = vector.shape_cast %swap3A_631 : vector<16xi32> to vector<16xi32>
        %swap3A_633 = vector.shape_cast %add3A_629 : vector<16xi32> to vector<16xi32>
        tpu.vector_store %arg15[%swap3A_630], %swap3A_633 {strides = array<i32>} : memref<128xi32, #tpu.memory_space<vmem>>, vector<16xi32>,
        %swap3A_634 = arith.constant 0 : index
        %swap3A_635 = tpu.vector_load %arg18[%swap3A_634] {strides = array<i32>} : memref<128xi32, #tpu.memory_space<vmem>>, vector<16xi32>,
        %swap3A_636 = vector.shape_cast %swap3A_635 : vector<16xi32> to vector<16xi32>
        %swap3A_637 = vector.shape_cast %get3A_614 : vector<16xi32> to vector<16xi32>
        tpu.vector_store %arg18[%swap3A_634], %swap3A_637 {strides = array<i32>} : memref<128xi32, #tpu.memory_space<vmem>>, vector<16xi32>,
        %get3A_638 = arith.constant 16 : index
        %get3A_639 = tpu.vector_load %arg10[%get3A_638] {strides = array<i32>} : memref<128xi32, #tpu.memory_space<vmem>>, vector<16xi32>,
        %get3A_640 = vector.shape_cast %get3A_639 : vector<16xi32> to vector<16xi32>
        %get3A_641 = arith.constant 16 : index
        %get3A_642 = tpu.vector_load %arg9[%get3A_641] {strides = array<i32>} : memref<128xi32, #tpu.memory_space<vmem>>, vector<16xi32>,
        %get3A_643 = vector.shape_cast %get3A_642 : vector<16xi32> to vector<16xi32>
        %get3A_644 = arith.constant 16 : index
        %get3A_645 = tpu.vector_load %arg8[%get3A_644] {strides = array<i32>} : memref<128xi32, #tpu.memory_space<vmem>>, vector<16xi32>,
        %get3A_646 = vector.shape_cast %get3A_645 : vector<16xi32> to vector<16xi32>
        %mul3A_647 = arith.constant 8 : i32
        %mul3A_648 = vector.broadcast %mul3A_647 : i32 to vector<16xi32>
        %mul3A_649 = arith.muli %get3A_646, %mul3A_648 : vector<16xi32>
        %add3A_650 = arith.addi %mul3A_649, %get3A_640 : vector<16xi32>
        %swap3A_651 = arith.constant 16 : index
        %swap3A_652 = tpu.vector_load %arg14[%swap3A_651] {strides = array<i32>} : memref<128xi32, #tpu.memory_space<vmem>>, vector<16xi32>,
        %swap3A_653 = vector.shape_cast %swap3A_652 : vector<16xi32> to vector<16xi32>
        %swap3A_654 = vector.shape_cast %add3A_650 : vector<16xi32> to vector<16xi32>
        tpu.vector_store %arg14[%swap3A_651], %swap3A_654 {strides = array<i32>} : memref<128xi32, #tpu.memory_space<vmem>>, vector<16xi32>,
        %mul3A_655 = arith.constant 8 : i32
        %mul3A_656 = vector.broadcast %mul3A_655 : i32 to vector<16xi32>
        %mul3A_657 = arith.muli %get3A_643, %mul3A_656 : vector<16xi32>
        %add3A_658 = arith.addi %mul3A_657, %get3A_640 : vector<16xi32>
        %swap3A_659 = arith.constant 16 : index
        %swap3A_660 = tpu.vector_load %arg15[%swap3A_659] {strides = array<i32>} : memref<128xi32, #tpu.memory_space<vmem>>, vector<16xi32>,
        %swap3A_661 = vector.shape_cast %swap3A_660 : vector<16xi32> to vector<16xi32>
        %swap3A_662 = vector.shape_cast %add3A_658 : vector<16xi32> to vector<16xi32>
        tpu.vector_store %arg15[%swap3A_659], %swap3A_662 {strides = array<i32>} : memref<128xi32, #tpu.memory_space<vmem>>, vector<16xi32>,
        %swap3A_663 = arith.constant 16 : index
        %swap3A_664 = tpu.vector_load %arg18[%swap3A_663] {strides = array<i32>} : memref<128xi32, #tpu.memory_space<vmem>>, vector<16xi32>,
        %swap3A_665 = vector.shape_cast %swap3A_664 : vector<16xi32> to vector<16xi32>
        %swap3A_666 = vector.shape_cast %get3A_643 : vector<16xi32> to vector<16xi32>
        tpu.vector_store %arg18[%swap3A_663], %swap3A_666 {strides = array<i32>} : memref<128xi32, #tpu.memory_space<vmem>>, vector<16xi32>,
        %get3A_667 = arith.constant 32 : index
        %get3A_668 = tpu.vector_load %arg10[%get3A_667] {strides = array<i32>} : memref<128xi32, #tpu.memory_space<vmem>>, vector<16xi32>,
        %get3A_669 = vector.shape_cast %get3A_668 : vector<16xi32> to vector<16xi32>
        %get3A_670 = arith.constant 32 : index
        %get3A_671 = tpu.vector_load %arg9[%get3A_670] {strides = array<i32>} : memref<128xi32, #tpu.memory_space<vmem>>, vector<16xi32>,
        %get3A_672 = vector.shape_cast %get3A_671 : vector<16xi32> to vector<16xi32>
        %get3A_673 = arith.constant 32 : index
        %get3A_674 = tpu.vector_load %arg8[%get3A_673] {strides = array<i32>} : memref<128xi32, #tpu.memory_space<vmem>>, vector<16xi32>,
        %get3A_675 = vector.shape_cast %get3A_674 : vector<16xi32> to vector<16xi32>
        %mul3A_676 = arith.constant 8 : i32
        %mul3A_677 = vector.broadcast %mul3A_676 : i32 to vector<16xi32>
        %mul3A_678 = arith.muli %get3A_675, %mul3A_677 : vector<16xi32>
        %add3A_679 = arith.addi %mul3A_678, %get3A_669 : vector<16xi32>
        %swap3A_680 = arith.constant 32 : index
        %swap3A_681 = tpu.vector_load %arg14[%swap3A_680] {strides = array<i32>} : memref<128xi32, #tpu.memory_space<vmem>>, vector<16xi32>,
        %swap3A_682 = vector.shape_cast %swap3A_681 : vector<16xi32> to vector<16xi32>
        %swap3A_683 = vector.shape_cast %add3A_679 : vector<16xi32> to vector<16xi32>
        tpu.vector_store %arg14[%swap3A_680], %swap3A_683 {strides = array<i32>} : memref<128xi32, #tpu.memory_space<vmem>>, vector<16xi32>,
        %mul3A_684 = arith.constant 8 : i32
        %mul3A_685 = vector.broadcast %mul3A_684 : i32 to vector<16xi32>
        %mul3A_686 = arith.muli %get3A_672, %mul3A_685 : vector<16xi32>
        %add3A_687 = arith.addi %mul3A_686, %get3A_669 : vector<16xi32>
        %swap3A_688 = arith.constant 32 : index
        %swap3A_689 = tpu.vector_load %arg15[%swap3A_688] {strides = array<i32>} : memref<128xi32, #tpu.memory_space<vmem>>, vector<16xi32>,
        %swap3A_690 = vector.shape_cast %swap3A_689 : vector<16xi32> to vector<16xi32>
        %swap3A_691 = vector.shape_cast %add3A_687 : vector<16xi32> to vector<16xi32>
        tpu.vector_store %arg15[%swap3A_688], %swap3A_691 {strides = array<i32>} : memref<128xi32, #tpu.memory_space<vmem>>, vector<16xi32>,
        %swap3A_692 = arith.constant 32 : index
        %swap3A_693 = tpu.vector_load %arg18[%swap3A_692] {strides = array<i32>} : memref<128xi32, #tpu.memory_space<vmem>>, vector<16xi32>,
        %swap3A_694 = vector.shape_cast %swap3A_693 : vector<16xi32> to vector<16xi32>
        %swap3A_695 = vector.shape_cast %get3A_672 : vector<16xi32> to vector<16xi32>
        tpu.vector_store %arg18[%swap3A_692], %swap3A_695 {strides = array<i32>} : memref<128xi32, #tpu.memory_space<vmem>>, vector<16xi32>,
        %get3A_696 = arith.constant 48 : index
        %get3A_697 = tpu.vector_load %arg10[%get3A_696] {strides = array<i32>} : memref<128xi32, #tpu.memory_space<vmem>>, vector<16xi32>,
        %get3A_698 = vector.shape_cast %get3A_697 : vector<16xi32> to vector<16xi32>
        %get3A_699 = arith.constant 48 : index
        %get3A_700 = tpu.vector_load %arg9[%get3A_699] {strides = array<i32>} : memref<128xi32, #tpu.memory_space<vmem>>, vector<16xi32>,
        %get3A_701 = vector.shape_cast %get3A_700 : vector<16xi32> to vector<16xi32>
        %get3A_702 = arith.constant 48 : index
        %get3A_703 = tpu.vector_load %arg8[%get3A_702] {strides = array<i32>} : memref<128xi32, #tpu.memory_space<vmem>>, vector<16xi32>,
        %get3A_704 = vector.shape_cast %get3A_703 : vector<16xi32> to vector<16xi32>
        %mul3A_705 = arith.constant 8 : i32
        %mul3A_706 = vector.broadcast %mul3A_705 : i32 to vector<16xi32>
        %mul3A_707 = arith.muli %get3A_704, %mul3A_706 : vector<16xi32>
        %add3A_708 = arith.addi %mul3A_707, %get3A_698 : vector<16xi32>
        %swap3A_709 = arith.constant 48 : index
        %swap3A_710 = tpu.vector_load %arg14[%swap3A_709] {strides = array<i32>} : memref<128xi32, #tpu.memory_space<vmem>>, vector<16xi32>,
        %swap3A_711 = vector.shape_cast %swap3A_710 : vector<16xi32> to vector<16xi32>
        %swap3A_712 = vector.shape_cast %add3A_708 : vector<16xi32> to vector<16xi32>
        tpu.vector_store %arg14[%swap3A_709], %swap3A_712 {strides = array<i32>} : memref<128xi32, #tpu.memory_space<vmem>>, vector<16xi32>,
        %mul3A_713 = arith.constant 8 : i32
        %mul3A_714 = vector.broadcast %mul3A_713 : i32 to vector<16xi32>
        %mul3A_715 = arith.muli %get3A_701, %mul3A_714 : vector<16xi32>
        %add3A_716 = arith.addi %mul3A_715, %get3A_698 : vector<16xi32>
        %swap3A_717 = arith.constant 48 : index
        %swap3A_718 = tpu.vector_load %arg15[%swap3A_717] {strides = array<i32>} : memref<128xi32, #tpu.memory_space<vmem>>, vector<16xi32>,
        %swap3A_719 = vector.shape_cast %swap3A_718 : vector<16xi32> to vector<16xi32>
        %swap3A_720 = vector.shape_cast %add3A_716 : vector<16xi32> to vector<16xi32>
        tpu.vector_store %arg15[%swap3A_717], %swap3A_720 {strides = array<i32>} : memref<128xi32, #tpu.memory_space<vmem>>, vector<16xi32>,
        %swap3A_721 = arith.constant 48 : index
        %swap3A_722 = tpu.vector_load %arg18[%swap3A_721] {strides = array<i32>} : memref<128xi32, #tpu.memory_space<vmem>>, vector<16xi32>,
        %swap3A_723 = vector.shape_cast %swap3A_722 : vector<16xi32> to vector<16xi32>
        %swap3A_724 = vector.shape_cast %get3A_701 : vector<16xi32> to vector<16xi32>
        tpu.vector_store %arg18[%swap3A_721], %swap3A_724 {strides = array<i32>} : memref<128xi32, #tpu.memory_space<vmem>>, vector<16xi32>,
        %get3A_725 = arith.constant 64 : index
        %get3A_726 = tpu.vector_load %arg10[%get3A_725] {strides = array<i32>} : memref<128xi32, #tpu.memory_space<vmem>>, vector<16xi32>,
        %get3A_727 = vector.shape_cast %get3A_726 : vector<16xi32> to vector<16xi32>
        %get3A_728 = arith.constant 64 : index
        %get3A_729 = tpu.vector_load %arg9[%get3A_728] {strides = array<i32>} : memref<128xi32, #tpu.memory_space<vmem>>, vector<16xi32>,
        %get3A_730 = vector.shape_cast %get3A_729 : vector<16xi32> to vector<16xi32>
        %get3A_731 = arith.constant 64 : index
        %get3A_732 = tpu.vector_load %arg8[%get3A_731] {strides = array<i32>} : memref<128xi32, #tpu.memory_space<vmem>>, vector<16xi32>,
        %get3A_733 = vector.shape_cast %get3A_732 : vector<16xi32> to vector<16xi32>
        %mul3A_734 = arith.constant 8 : i32
        %mul3A_735 = vector.broadcast %mul3A_734 : i32 to vector<16xi32>
        %mul3A_736 = arith.muli %get3A_733, %mul3A_735 : vector<16xi32>
        %add3A_737 = arith.addi %mul3A_736, %get3A_727 : vector<16xi32>
        %swap3A_738 = arith.constant 64 : index
        %swap3A_739 = tpu.vector_load %arg14[%swap3A_738] {strides = array<i32>} : memref<128xi32, #tpu.memory_space<vmem>>, vector<16xi32>,
        %swap3A_740 = vector.shape_cast %swap3A_739 : vector<16xi32> to vector<16xi32>
        %swap3A_741 = vector.shape_cast %add3A_737 : vector<16xi32> to vector<16xi32>
        tpu.vector_store %arg14[%swap3A_738], %swap3A_741 {strides = array<i32>} : memref<128xi32, #tpu.memory_space<vmem>>, vector<16xi32>,
        %mul3A_742 = arith.constant 8 : i32
        %mul3A_743 = vector.broadcast %mul3A_742 : i32 to vector<16xi32>
        %mul3A_744 = arith.muli %get3A_730, %mul3A_743 : vector<16xi32>
        %add3A_745 = arith.addi %mul3A_744, %get3A_727 : vector<16xi32>
        %swap3A_746 = arith.constant 64 : index
        %swap3A_747 = tpu.vector_load %arg15[%swap3A_746] {strides = array<i32>} : memref<128xi32, #tpu.memory_space<vmem>>, vector<16xi32>,
        %swap3A_748 = vector.shape_cast %swap3A_747 : vector<16xi32> to vector<16xi32>
        %swap3A_749 = vector.shape_cast %add3A_745 : vector<16xi32> to vector<16xi32>
        tpu.vector_store %arg15[%swap3A_746], %swap3A_749 {strides = array<i32>} : memref<128xi32, #tpu.memory_space<vmem>>, vector<16xi32>,
        %swap3A_750 = arith.constant 64 : index
        %swap3A_751 = tpu.vector_load %arg18[%swap3A_750] {strides = array<i32>} : memref<128xi32, #tpu.memory_space<vmem>>, vector<16xi32>,
        %swap3A_752 = vector.shape_cast %swap3A_751 : vector<16xi32> to vector<16xi32>
        %swap3A_753 = vector.shape_cast %get3A_730 : vector<16xi32> to vector<16xi32>
        tpu.vector_store %arg18[%swap3A_750], %swap3A_753 {strides = array<i32>} : memref<128xi32, #tpu.memory_space<vmem>>, vector<16xi32>,
        %get3A_754 = arith.constant 80 : index
        %get3A_755 = tpu.vector_load %arg10[%get3A_754] {strides = array<i32>} : memref<128xi32, #tpu.memory_space<vmem>>, vector<16xi32>,
        %get3A_756 = vector.shape_cast %get3A_755 : vector<16xi32> to vector<16xi32>
        %get3A_757 = arith.constant 80 : index
        %get3A_758 = tpu.vector_load %arg9[%get3A_757] {strides = array<i32>} : memref<128xi32, #tpu.memory_space<vmem>>, vector<16xi32>,
        %get3A_759 = vector.shape_cast %get3A_758 : vector<16xi32> to vector<16xi32>
        %get3A_760 = arith.constant 80 : index
        %get3A_761 = tpu.vector_load %arg8[%get3A_760] {strides = array<i32>} : memref<128xi32, #tpu.memory_space<vmem>>, vector<16xi32>,
        %get3A_762 = vector.shape_cast %get3A_761 : vector<16xi32> to vector<16xi32>
        %mul3A_763 = arith.constant 8 : i32
        %mul3A_764 = vector.broadcast %mul3A_763 : i32 to vector<16xi32>
        %mul3A_765 = arith.muli %get3A_762, %mul3A_764 : vector<16xi32>
        %add3A_766 = arith.addi %mul3A_765, %get3A_756 : vector<16xi32>
        %swap3A_767 = arith.constant 80 : index
        %swap3A_768 = tpu.vector_load %arg14[%swap3A_767] {strides = array<i32>} : memref<128xi32, #tpu.memory_space<vmem>>, vector<16xi32>,
        %swap3A_769 = vector.shape_cast %swap3A_768 : vector<16xi32> to vector<16xi32>
        %swap3A_770 = vector.shape_cast %add3A_766 : vector<16xi32> to vector<16xi32>
        tpu.vector_store %arg14[%swap3A_767], %swap3A_770 {strides = array<i32>} : memref<128xi32, #tpu.memory_space<vmem>>, vector<16xi32>,
        %mul3A_771 = arith.constant 8 : i32
        %mul3A_772 = vector.broadcast %mul3A_771 : i32 to vector<16xi32>
        %mul3A_773 = arith.muli %get3A_759, %mul3A_772 : vector<16xi32>
        %add3A_774 = arith.addi %mul3A_773, %get3A_756 : vector<16xi32>
        %swap3A_775 = arith.constant 80 : index
        %swap3A_776 = tpu.vector_load %arg15[%swap3A_775] {strides = array<i32>} : memref<128xi32, #tpu.memory_space<vmem>>, vector<16xi32>,
        %swap3A_777 = vector.shape_cast %swap3A_776 : vector<16xi32> to vector<16xi32>
        %swap3A_778 = vector.shape_cast %add3A_774 : vector<16xi32> to vector<16xi32>
        tpu.vector_store %arg15[%swap3A_775], %swap3A_778 {strides = array<i32>} : memref<128xi32, #tpu.memory_space<vmem>>, vector<16xi32>,
        %swap3A_779 = arith.constant 80 : index
        %swap3A_780 = tpu.vector_load %arg18[%swap3A_779] {strides = array<i32>} : memref<128xi32, #tpu.memory_space<vmem>>, vector<16xi32>,
        %swap3A_781 = vector.shape_cast %swap3A_780 : vector<16xi32> to vector<16xi32>
        %swap3A_782 = vector.shape_cast %get3A_759 : vector<16xi32> to vector<16xi32>
        tpu.vector_store %arg18[%swap3A_779], %swap3A_782 {strides = array<i32>} : memref<128xi32, #tpu.memory_space<vmem>>, vector<16xi32>,
        %get3A_783 = arith.constant 96 : index
        %get3A_784 = tpu.vector_load %arg10[%get3A_783] {strides = array<i32>} : memref<128xi32, #tpu.memory_space<vmem>>, vector<16xi32>,
        %get3A_785 = vector.shape_cast %get3A_784 : vector<16xi32> to vector<16xi32>
        %get3A_786 = arith.constant 96 : index
        %get3A_787 = tpu.vector_load %arg9[%get3A_786] {strides = array<i32>} : memref<128xi32, #tpu.memory_space<vmem>>, vector<16xi32>,
        %get3A_788 = vector.shape_cast %get3A_787 : vector<16xi32> to vector<16xi32>
        %get3A_789 = arith.constant 96 : index
        %get3A_790 = tpu.vector_load %arg8[%get3A_789] {strides = array<i32>} : memref<128xi32, #tpu.memory_space<vmem>>, vector<16xi32>,
        %get3A_791 = vector.shape_cast %get3A_790 : vector<16xi32> to vector<16xi32>
        %mul3A_792 = arith.constant 8 : i32
        %mul3A_793 = vector.broadcast %mul3A_792 : i32 to vector<16xi32>
        %mul3A_794 = arith.muli %get3A_791, %mul3A_793 : vector<16xi32>
        %add3A_795 = arith.addi %mul3A_794, %get3A_785 : vector<16xi32>
        %swap3A_796 = arith.constant 96 : index
        %swap3A_797 = tpu.vector_load %arg14[%swap3A_796] {strides = array<i32>} : memref<128xi32, #tpu.memory_space<vmem>>, vector<16xi32>,
        %swap3A_798 = vector.shape_cast %swap3A_797 : vector<16xi32> to vector<16xi32>
        %swap3A_799 = vector.shape_cast %add3A_795 : vector<16xi32> to vector<16xi32>
        tpu.vector_store %arg14[%swap3A_796], %swap3A_799 {strides = array<i32>} : memref<128xi32, #tpu.memory_space<vmem>>, vector<16xi32>,
        %mul3A_800 = arith.constant 8 : i32
        %mul3A_801 = vector.broadcast %mul3A_800 : i32 to vector<16xi32>
        %mul3A_802 = arith.muli %get3A_788, %mul3A_801 : vector<16xi32>
        %add3A_803 = arith.addi %mul3A_802, %get3A_785 : vector<16xi32>
        %swap3A_804 = arith.constant 96 : index
        %swap3A_805 = tpu.vector_load %arg15[%swap3A_804] {strides = array<i32>} : memref<128xi32, #tpu.memory_space<vmem>>, vector<16xi32>,
        %swap3A_806 = vector.shape_cast %swap3A_805 : vector<16xi32> to vector<16xi32>
        %swap3A_807 = vector.shape_cast %add3A_803 : vector<16xi32> to vector<16xi32>
        tpu.vector_store %arg15[%swap3A_804], %swap3A_807 {strides = array<i32>} : memref<128xi32, #tpu.memory_space<vmem>>, vector<16xi32>,
        %swap3A_808 = arith.constant 96 : index
        %swap3A_809 = tpu.vector_load %arg18[%swap3A_808] {strides = array<i32>} : memref<128xi32, #tpu.memory_space<vmem>>, vector<16xi32>,
        %swap3A_810 = vector.shape_cast %swap3A_809 : vector<16xi32> to vector<16xi32>
        %swap3A_811 = vector.shape_cast %get3A_788 : vector<16xi32> to vector<16xi32>
        tpu.vector_store %arg18[%swap3A_808], %swap3A_811 {strides = array<i32>} : memref<128xi32, #tpu.memory_space<vmem>>, vector<16xi32>,
        %get3A_812 = arith.constant 112 : index
        %get3A_813 = tpu.vector_load %arg10[%get3A_812] {strides = array<i32>} : memref<128xi32, #tpu.memory_space<vmem>>, vector<16xi32>,
        %get3A_814 = vector.shape_cast %get3A_813 : vector<16xi32> to vector<16xi32>
        %get3A_815 = arith.constant 112 : index
        %get3A_816 = tpu.vector_load %arg9[%get3A_815] {strides = array<i32>} : memref<128xi32, #tpu.memory_space<vmem>>, vector<16xi32>,
        %get3A_817 = vector.shape_cast %get3A_816 : vector<16xi32> to vector<16xi32>
        %get3A_818 = arith.constant 112 : index
        %get3A_819 = tpu.vector_load %arg8[%get3A_818] {strides = array<i32>} : memref<128xi32, #tpu.memory_space<vmem>>, vector<16xi32>,
        %get3A_820 = vector.shape_cast %get3A_819 : vector<16xi32> to vector<16xi32>
        %mul3A_821 = arith.constant 8 : i32
        %mul3A_822 = vector.broadcast %mul3A_821 : i32 to vector<16xi32>
        %mul3A_823 = arith.muli %get3A_820, %mul3A_822 : vector<16xi32>
        %add3A_824 = arith.addi %mul3A_823, %get3A_814 : vector<16xi32>
        %swap3A_825 = arith.constant 112 : index
        %swap3A_826 = tpu.vector_load %arg14[%swap3A_825] {strides = array<i32>} : memref<128xi32, #tpu.memory_space<vmem>>, vector<16xi32>,
        %swap3A_827 = vector.shape_cast %swap3A_826 : vector<16xi32> to vector<16xi32>
        %swap3A_828 = vector.shape_cast %add3A_824 : vector<16xi32> to vector<16xi32>
        tpu.vector_store %arg14[%swap3A_825], %swap3A_828 {strides = array<i32>} : memref<128xi32, #tpu.memory_space<vmem>>, vector<16xi32>,
        %mul3A_829 = arith.constant 8 : i32
        %mul3A_830 = vector.broadcast %mul3A_829 : i32 to vector<16xi32>
        %mul3A_831 = arith.muli %get3A_817, %mul3A_830 : vector<16xi32>
        %add3A_832 = arith.addi %mul3A_831, %get3A_814 : vector<16xi32>
        %swap3A_833 = arith.constant 112 : index
        %swap3A_834 = tpu.vector_load %arg15[%swap3A_833] {strides = array<i32>} : memref<128xi32, #tpu.memory_space<vmem>>, vector<16xi32>,
        %swap3A_835 = vector.shape_cast %swap3A_834 : vector<16xi32> to vector<16xi32>
        %swap3A_836 = vector.shape_cast %add3A_832 : vector<16xi32> to vector<16xi32>
        tpu.vector_store %arg15[%swap3A_833], %swap3A_836 {strides = array<i32>} : memref<128xi32, #tpu.memory_space<vmem>>, vector<16xi32>,
        %swap3A_837 = arith.constant 112 : index
        %swap3A_838 = tpu.vector_load %arg18[%swap3A_837] {strides = array<i32>} : memref<128xi32, #tpu.memory_space<vmem>>, vector<16xi32>,
        %swap3A_839 = vector.shape_cast %swap3A_838 : vector<16xi32> to vector<16xi32>
        %swap3A_840 = vector.shape_cast %get3A_817 : vector<16xi32> to vector<16xi32>
        tpu.vector_store %arg18[%swap3A_837], %swap3A_840 {strides = array<i32>} : memref<128xi32, #tpu.memory_space<vmem>>, vector<16xi32>,
        %dma_start3A_841 = arith.constant 0 : i32
        %dma_start3A_842 = arith.constant 0 : i32
        %dma_start3A_843 = tpu.memref_slice %arg5[%dma_start3A_841, %dma_start3A_842] : memref<80000x32xf32, #tpu.memory_space<hbm>> -> memref<80000x32xf32, #tpu.memory_space<hbm>>
        tpu.enqueue_indirect_dma source(%dma_start3A_843 : memref<80000x32xf32, #tpu.memory_space<hbm>>) target(%arg20 : memref<128x32xf32, #tpu.memory_space<vmem>>) offsets(%arg14 : memref<128xi32, #tpu.memory_space<vmem>>) semaphore(%arg28 : memref<!tpu.dma_semaphore, #tpu.memory_space<semaphore_mem>>)
        %dma_start3A_844 = arith.constant 0 : i32
        %dma_start3A_845 = tpu.memref_slice %arg6[%dma_start3A_844] : memref<80128xf32, #tpu.memory_space<hbm>> -> memref<80128xf32, #tpu.memory_space<hbm>>
        tpu.enqueue_indirect_dma source(%dma_start3A_845 : memref<80128xf32, #tpu.memory_space<hbm>>) target(%arg22 : memref<128xf32, #tpu.memory_space<vmem>>) offsets(%arg15 : memref<128xi32, #tpu.memory_space<vmem>>) semaphore(%arg28 : memref<!tpu.dma_semaphore, #tpu.memory_space<semaphore_mem>>)
      } else {
      }
      %dma_wait3A_567 = arith.constant 0 : i32
      %dma_wait3A_568 = arith.constant 0 : i32
      %dma_wait3A_569 = tpu.memref_slice %arg5[%dma_wait3A_567, %dma_wait3A_568] : memref<80000x32xf32, #tpu.memory_space<hbm>> -> memref<80000x32xf32, #tpu.memory_space<hbm>>
      tpu.wait_indirect_dma semaphore(%arg29 : memref<!tpu.dma_semaphore, #tpu.memory_space<semaphore_mem>>) src(%dma_wait3A_569 : memref<80000x32xf32, #tpu.memory_space<hbm>>) dst(%arg21 : memref<128x32xf32, #tpu.memory_space<vmem>>)
      %dma_wait3A_570 = arith.constant 0 : i32
      %dma_wait3A_571 = tpu.memref_slice %arg6[%dma_wait3A_570] : memref<80128xf32, #tpu.memory_space<hbm>> -> memref<80128xf32, #tpu.memory_space<hbm>>
      tpu.wait_indirect_dma semaphore(%arg29 : memref<!tpu.dma_semaphore, #tpu.memory_space<semaphore_mem>>) src(%dma_wait3A_571 : memref<80128xf32, #tpu.memory_space<hbm>>) dst(%arg23 : memref<128xf32, #tpu.memory_space<vmem>>)
      %scan3A_572 = arith.constant 0 : i32
      %scan3A_573 = arith.constant 0 : i32
      %scan3A_574 = arith.constant 8 : i32
      %scan3A_575 = arith.addi %scan3A_573, %scan3A_574 : i32
      %scan3A_576 = arith.constant 1 : i32
      %scan3A_577 = scf.for %scan3A_583 = %scan3A_573 to %scan3A_575 step %scan3A_576 iter_args(%scan3A_584 = %scan3A_572) -> (i32)  : i32 {
        %mul3A_585 = arith.constant 16 : i32
        %mul3A_586 = arith.muli %scan3A_583, %mul3A_585 : i32
        %get3A_587 = arith.index_cast %mul3A_586 : i32 to index
        %get3A_588 = tpu.vector_load %arg23[%get3A_587] {strides = array<i32>} : memref<128xf32, #tpu.memory_space<vmem>>, vector<16xf32>,
        %get3A_589 = vector.shape_cast %get3A_588 : vector<16xf32> to vector<16xf32>
        %slice3A = vector.extract_strided_slice %get3A_589 {offsets = [0], sizes = [1], strides = [1]} : vector<16xf32> to vector<1xf32>
        %squeeze3A = vector.extract %slice3A[0] : f32 from vector<1xf32>
        %mul3A_590 = arith.constant 16 : i32
        %mul3A_591 = arith.muli %scan3A_583, %mul3A_590 : i32
        %add3A_592 = arith.constant 0 : i32
        %add3A_593 = arith.addi %mul3A_591, %add3A_592 : i32
        %get3A_594 = arith.index_cast %add3A_593 : i32 to index
        %get3A_595 = arith.constant 0 : index
        %get3A_596 = tpu.vector_load %arg21[%get3A_594, %get3A_595] {strides = array<i32>} : memref<128x32xf32, #tpu.memory_space<vmem>>, vector<1x16xf32>,
        %get3A_597 = vector.shape_cast %get3A_596 : vector<1x16xf32> to vector<16xf32>
        %mul3A_598 = vector.broadcast %squeeze3A : f32 to vector<16xf32>
        %mul3A_599 = arith.mulf %get3A_597, %mul3A_598 : vector<16xf32>
        %swap3A_600 = arith.index_cast %add3A_593 : i32 to index
        %swap3A_601 = arith.constant 0 : index
        %swap3A_602 = tpu.vector_load %arg21[%swap3A_600, %swap3A_601] {strides = array<i32>} : memref<128x32xf32, #tpu.memory_space<vmem>>, vector<1x16xf32>,
        %swap3A_603 = vector.shape_cast %swap3A_602 : vector<1x16xf32> to vector<16xf32>
        %swap3A_604 = vector.shape_cast %mul3A_599 : vector<16xf32> to vector<1x16xf32>
        tpu.vector_store %arg21[%swap3A_600, %swap3A_601], %swap3A_604 {strides = array<i32>} : memref<128x32xf32, #tpu.memory_space<vmem>>, vector<1x16xf32>,
        %get3A_605 = arith.index_cast %add3A_593 : i32 to index
        %get3A_606 = arith.constant 16 : index
        %get3A_607 = tpu.vector_load %arg21[%get3A_605, %get3A_606] {strides = array<i32>} : memref<128x32xf32, #tpu.memory_space<vmem>>, vector<1x16xf32>,
        %get3A_608 = vector.shape_cast %get3A_607 : vector<1x16xf32> to vector<16xf32>
        %mul3A_609 = vector.broadcast %squeeze3A : f32 to vector<16xf32>
        %mul3A_610 = arith.mulf %get3A_608, %mul3A_609 : vector<16xf32>
        %swap3A_611 = arith.index_cast %add3A_593 : i32 to index
        %swap3A_612 = arith.constant 16 : index
        %swap3A_613 = tpu.vector_load %arg21[%swap3A_611, %swap3A_612] {strides = array<i32>} : memref<128x32xf32, #tpu.memory_space<vmem>>, vector<1x16xf32>,
        %swap3A_614 = vector.shape_cast %swap3A_613 : vector<1x16xf32> to vector<16xf32>
        %swap3A_615 = vector.shape_cast %mul3A_610 : vector<16xf32> to vector<1x16xf32>
        tpu.vector_store %arg21[%swap3A_611, %swap3A_612], %swap3A_615 {strides = array<i32>} : memref<128x32xf32, #tpu.memory_space<vmem>>, vector<1x16xf32>,
        %slice3A_616 = vector.extract_strided_slice %get3A_589 {offsets = [1], sizes = [1], strides = [1]} : vector<16xf32> to vector<1xf32>
        %squeeze3A_617 = vector.extract %slice3A_616[0] : f32 from vector<1xf32>
        %mul3A_618 = arith.constant 16 : i32
        %mul3A_619 = arith.muli %scan3A_583, %mul3A_618 : i32
        %add3A_620 = arith.constant 1 : i32
        %add3A_621 = arith.addi %mul3A_619, %add3A_620 : i32
        %get3A_622 = arith.index_cast %add3A_621 : i32 to index
        %get3A_623 = arith.constant 0 : index
        %get3A_624 = tpu.vector_load %arg21[%get3A_622, %get3A_623] {strides = array<i32>} : memref<128x32xf32, #tpu.memory_space<vmem>>, vector<1x16xf32>,
        %get3A_625 = vector.shape_cast %get3A_624 : vector<1x16xf32> to vector<16xf32>
        %mul3A_626 = vector.broadcast %squeeze3A_617 : f32 to vector<16xf32>
        %mul3A_627 = arith.mulf %get3A_625, %mul3A_626 : vector<16xf32>
        %swap3A_628 = arith.index_cast %add3A_621 : i32 to index
        %swap3A_629 = arith.constant 0 : index
        %swap3A_630 = tpu.vector_load %arg21[%swap3A_628, %swap3A_629] {strides = array<i32>} : memref<128x32xf32, #tpu.memory_space<vmem>>, vector<1x16xf32>,
        %swap3A_631 = vector.shape_cast %swap3A_630 : vector<1x16xf32> to vector<16xf32>
        %swap3A_632 = vector.shape_cast %mul3A_627 : vector<16xf32> to vector<1x16xf32>
        tpu.vector_store %arg21[%swap3A_628, %swap3A_629], %swap3A_632 {strides = array<i32>} : memref<128x32xf32, #tpu.memory_space<vmem>>, vector<1x16xf32>,
        %get3A_633 = arith.index_cast %add3A_621 : i32 to index
        %get3A_634 = arith.constant 16 : index
        %get3A_635 = tpu.vector_load %arg21[%get3A_633, %get3A_634] {strides = array<i32>} : memref<128x32xf32, #tpu.memory_space<vmem>>, vector<1x16xf32>,
        %get3A_636 = vector.shape_cast %get3A_635 : vector<1x16xf32> to vector<16xf32>
        %mul3A_637 = vector.broadcast %squeeze3A_617 : f32 to vector<16xf32>
        %mul3A_638 = arith.mulf %get3A_636, %mul3A_637 : vector<16xf32>
        %swap3A_639 = arith.index_cast %add3A_621 : i32 to index
        %swap3A_640 = arith.constant 16 : index
        %swap3A_641 = tpu.vector_load %arg21[%swap3A_639, %swap3A_640] {strides = array<i32>} : memref<128x32xf32, #tpu.memory_space<vmem>>, vector<1x16xf32>,
        %swap3A_642 = vector.shape_cast %swap3A_641 : vector<1x16xf32> to vector<16xf32>
        %swap3A_643 = vector.shape_cast %mul3A_638 : vector<16xf32> to vector<1x16xf32>
        tpu.vector_store %arg21[%swap3A_639, %swap3A_640], %swap3A_643 {strides = array<i32>} : memref<128x32xf32, #tpu.memory_space<vmem>>, vector<1x16xf32>,
        %slice3A_644 = vector.extract_strided_slice %get3A_589 {offsets = [2], sizes = [1], strides = [1]} : vector<16xf32> to vector<1xf32>
        %squeeze3A_645 = vector.extract %slice3A_644[0] : f32 from vector<1xf32>
        %mul3A_646 = arith.constant 16 : i32
        %mul3A_647 = arith.muli %scan3A_583, %mul3A_646 : i32
        %add3A_648 = arith.constant 2 : i32
        %add3A_649 = arith.addi %mul3A_647, %add3A_648 : i32
        %get3A_650 = arith.index_cast %add3A_649 : i32 to index
        %get3A_651 = arith.constant 0 : index
        %get3A_652 = tpu.vector_load %arg21[%get3A_650, %get3A_651] {strides = array<i32>} : memref<128x32xf32, #tpu.memory_space<vmem>>, vector<1x16xf32>,
        %get3A_653 = vector.shape_cast %get3A_652 : vector<1x16xf32> to vector<16xf32>
        %mul3A_654 = vector.broadcast %squeeze3A_645 : f32 to vector<16xf32>
        %mul3A_655 = arith.mulf %get3A_653, %mul3A_654 : vector<16xf32>
        %swap3A_656 = arith.index_cast %add3A_649 : i32 to index
        %swap3A_657 = arith.constant 0 : index
        %swap3A_658 = tpu.vector_load %arg21[%swap3A_656, %swap3A_657] {strides = array<i32>} : memref<128x32xf32, #tpu.memory_space<vmem>>, vector<1x16xf32>,
        %swap3A_659 = vector.shape_cast %swap3A_658 : vector<1x16xf32> to vector<16xf32>
        %swap3A_660 = vector.shape_cast %mul3A_655 : vector<16xf32> to vector<1x16xf32>
        tpu.vector_store %arg21[%swap3A_656, %swap3A_657], %swap3A_660 {strides = array<i32>} : memref<128x32xf32, #tpu.memory_space<vmem>>, vector<1x16xf32>,
        %get3A_661 = arith.index_cast %add3A_649 : i32 to index
        %get3A_662 = arith.constant 16 : index
        %get3A_663 = tpu.vector_load %arg21[%get3A_661, %get3A_662] {strides = array<i32>} : memref<128x32xf32, #tpu.memory_space<vmem>>, vector<1x16xf32>,
        %get3A_664 = vector.shape_cast %get3A_663 : vector<1x16xf32> to vector<16xf32>
        %mul3A_665 = vector.broadcast %squeeze3A_645 : f32 to vector<16xf32>
        %mul3A_666 = arith.mulf %get3A_664, %mul3A_665 : vector<16xf32>
        %swap3A_667 = arith.index_cast %add3A_649 : i32 to index
        %swap3A_668 = arith.constant 16 : index
        %swap3A_669 = tpu.vector_load %arg21[%swap3A_667, %swap3A_668] {strides = array<i32>} : memref<128x32xf32, #tpu.memory_space<vmem>>, vector<1x16xf32>,
        %swap3A_670 = vector.shape_cast %swap3A_669 : vector<1x16xf32> to vector<16xf32>
        %swap3A_671 = vector.shape_cast %mul3A_666 : vector<16xf32> to vector<1x16xf32>
        tpu.vector_store %arg21[%swap3A_667, %swap3A_668], %swap3A_671 {strides = array<i32>} : memref<128x32xf32, #tpu.memory_space<vmem>>, vector<1x16xf32>,
        %slice3A_672 = vector.extract_strided_slice %get3A_589 {offsets = [3], sizes = [1], strides = [1]} : vector<16xf32> to vector<1xf32>
        %squeeze3A_673 = vector.extract %slice3A_672[0] : f32 from vector<1xf32>
        %mul3A_674 = arith.constant 16 : i32
        %mul3A_675 = arith.muli %scan3A_583, %mul3A_674 : i32
        %add3A_676 = arith.constant 3 : i32
        %add3A_677 = arith.addi %mul3A_675, %add3A_676 : i32
        %get3A_678 = arith.index_cast %add3A_677 : i32 to index
        %get3A_679 = arith.constant 0 : index
        %get3A_680 = tpu.vector_load %arg21[%get3A_678, %get3A_679] {strides = array<i32>} : memref<128x32xf32, #tpu.memory_space<vmem>>, vector<1x16xf32>,
        %get3A_681 = vector.shape_cast %get3A_680 : vector<1x16xf32> to vector<16xf32>
        %mul3A_682 = vector.broadcast %squeeze3A_673 : f32 to vector<16xf32>
        %mul3A_683 = arith.mulf %get3A_681, %mul3A_682 : vector<16xf32>
        %swap3A_684 = arith.index_cast %add3A_677 : i32 to index
        %swap3A_685 = arith.constant 0 : index
        %swap3A_686 = tpu.vector_load %arg21[%swap3A_684, %swap3A_685] {strides = array<i32>} : memref<128x32xf32, #tpu.memory_space<vmem>>, vector<1x16xf32>,
        %swap3A_687 = vector.shape_cast %swap3A_686 : vector<1x16xf32> to vector<16xf32>
        %swap3A_688 = vector.shape_cast %mul3A_683 : vector<16xf32> to vector<1x16xf32>
        tpu.vector_store %arg21[%swap3A_684, %swap3A_685], %swap3A_688 {strides = array<i32>} : memref<128x32xf32, #tpu.memory_space<vmem>>, vector<1x16xf32>,
        %get3A_689 = arith.index_cast %add3A_677 : i32 to index
        %get3A_690 = arith.constant 16 : index
        %get3A_691 = tpu.vector_load %arg21[%get3A_689, %get3A_690] {strides = array<i32>} : memref<128x32xf32, #tpu.memory_space<vmem>>, vector<1x16xf32>,
        %get3A_692 = vector.shape_cast %get3A_691 : vector<1x16xf32> to vector<16xf32>
        %mul3A_693 = vector.broadcast %squeeze3A_673 : f32 to vector<16xf32>
        %mul3A_694 = arith.mulf %get3A_692, %mul3A_693 : vector<16xf32>
        %swap3A_695 = arith.index_cast %add3A_677 : i32 to index
        %swap3A_696 = arith.constant 16 : index
        %swap3A_697 = tpu.vector_load %arg21[%swap3A_695, %swap3A_696] {strides = array<i32>} : memref<128x32xf32, #tpu.memory_space<vmem>>, vector<1x16xf32>,
        %swap3A_698 = vector.shape_cast %swap3A_697 : vector<1x16xf32> to vector<16xf32>
        %swap3A_699 = vector.shape_cast %mul3A_694 : vector<16xf32> to vector<1x16xf32>
        tpu.vector_store %arg21[%swap3A_695, %swap3A_696], %swap3A_699 {strides = array<i32>} : memref<128x32xf32, #tpu.memory_space<vmem>>, vector<1x16xf32>,
        %slice3A_700 = vector.extract_strided_slice %get3A_589 {offsets = [4], sizes = [1], strides = [1]} : vector<16xf32> to vector<1xf32>
        %squeeze3A_701 = vector.extract %slice3A_700[0] : f32 from vector<1xf32>
        %mul3A_702 = arith.constant 16 : i32
        %mul3A_703 = arith.muli %scan3A_583, %mul3A_702 : i32
        %add3A_704 = arith.constant 4 : i32
        %add3A_705 = arith.addi %mul3A_703, %add3A_704 : i32
        %get3A_706 = arith.index_cast %add3A_705 : i32 to index
        %get3A_707 = arith.constant 0 : index
        %get3A_708 = tpu.vector_load %arg21[%get3A_706, %get3A_707] {strides = array<i32>} : memref<128x32xf32, #tpu.memory_space<vmem>>, vector<1x16xf32>,
        %get3A_709 = vector.shape_cast %get3A_708 : vector<1x16xf32> to vector<16xf32>
        %mul3A_710 = vector.broadcast %squeeze3A_701 : f32 to vector<16xf32>
        %mul3A_711 = arith.mulf %get3A_709, %mul3A_710 : vector<16xf32>
        %swap3A_712 = arith.index_cast %add3A_705 : i32 to index
        %swap3A_713 = arith.constant 0 : index
        %swap3A_714 = tpu.vector_load %arg21[%swap3A_712, %swap3A_713] {strides = array<i32>} : memref<128x32xf32, #tpu.memory_space<vmem>>, vector<1x16xf32>,
        %swap3A_715 = vector.shape_cast %swap3A_714 : vector<1x16xf32> to vector<16xf32>
        %swap3A_716 = vector.shape_cast %mul3A_711 : vector<16xf32> to vector<1x16xf32>
        tpu.vector_store %arg21[%swap3A_712, %swap3A_713], %swap3A_716 {strides = array<i32>} : memref<128x32xf32, #tpu.memory_space<vmem>>, vector<1x16xf32>,
        %get3A_717 = arith.index_cast %add3A_705 : i32 to index
        %get3A_718 = arith.constant 16 : index
        %get3A_719 = tpu.vector_load %arg21[%get3A_717, %get3A_718] {strides = array<i32>} : memref<128x32xf32, #tpu.memory_space<vmem>>, vector<1x16xf32>,
        %get3A_720 = vector.shape_cast %get3A_719 : vector<1x16xf32> to vector<16xf32>
        %mul3A_721 = vector.broadcast %squeeze3A_701 : f32 to vector<16xf32>
        %mul3A_722 = arith.mulf %get3A_720, %mul3A_721 : vector<16xf32>
        %swap3A_723 = arith.index_cast %add3A_705 : i32 to index
        %swap3A_724 = arith.constant 16 : index
        %swap3A_725 = tpu.vector_load %arg21[%swap3A_723, %swap3A_724] {strides = array<i32>} : memref<128x32xf32, #tpu.memory_space<vmem>>, vector<1x16xf32>,
        %swap3A_726 = vector.shape_cast %swap3A_725 : vector<1x16xf32> to vector<16xf32>
        %swap3A_727 = vector.shape_cast %mul3A_722 : vector<16xf32> to vector<1x16xf32>
        tpu.vector_store %arg21[%swap3A_723, %swap3A_724], %swap3A_727 {strides = array<i32>} : memref<128x32xf32, #tpu.memory_space<vmem>>, vector<1x16xf32>,
        %slice3A_728 = vector.extract_strided_slice %get3A_589 {offsets = [5], sizes = [1], strides = [1]} : vector<16xf32> to vector<1xf32>
        %squeeze3A_729 = vector.extract %slice3A_728[0] : f32 from vector<1xf32>
        %mul3A_730 = arith.constant 16 : i32
        %mul3A_731 = arith.muli %scan3A_583, %mul3A_730 : i32
        %add3A_732 = arith.constant 5 : i32
        %add3A_733 = arith.addi %mul3A_731, %add3A_732 : i32
        %get3A_734 = arith.index_cast %add3A_733 : i32 to index
        %get3A_735 = arith.constant 0 : index
        %get3A_736 = tpu.vector_load %arg21[%get3A_734, %get3A_735] {strides = array<i32>} : memref<128x32xf32, #tpu.memory_space<vmem>>, vector<1x16xf32>,
        %get3A_737 = vector.shape_cast %get3A_736 : vector<1x16xf32> to vector<16xf32>
        %mul3A_738 = vector.broadcast %squeeze3A_729 : f32 to vector<16xf32>
        %mul3A_739 = arith.mulf %get3A_737, %mul3A_738 : vector<16xf32>
        %swap3A_740 = arith.index_cast %add3A_733 : i32 to index
        %swap3A_741 = arith.constant 0 : index
        %swap3A_742 = tpu.vector_load %arg21[%swap3A_740, %swap3A_741] {strides = array<i32>} : memref<128x32xf32, #tpu.memory_space<vmem>>, vector<1x16xf32>,
        %swap3A_743 = vector.shape_cast %swap3A_742 : vector<1x16xf32> to vector<16xf32>
        %swap3A_744 = vector.shape_cast %mul3A_739 : vector<16xf32> to vector<1x16xf32>
        tpu.vector_store %arg21[%swap3A_740, %swap3A_741], %swap3A_744 {strides = array<i32>} : memref<128x32xf32, #tpu.memory_space<vmem>>, vector<1x16xf32>,
        %get3A_745 = arith.index_cast %add3A_733 : i32 to index
        %get3A_746 = arith.constant 16 : index
        %get3A_747 = tpu.vector_load %arg21[%get3A_745, %get3A_746] {strides = array<i32>} : memref<128x32xf32, #tpu.memory_space<vmem>>, vector<1x16xf32>,
        %get3A_748 = vector.shape_cast %get3A_747 : vector<1x16xf32> to vector<16xf32>
        %mul3A_749 = vector.broadcast %squeeze3A_729 : f32 to vector<16xf32>
        %mul3A_750 = arith.mulf %get3A_748, %mul3A_749 : vector<16xf32>
        %swap3A_751 = arith.index_cast %add3A_733 : i32 to index
        %swap3A_752 = arith.constant 16 : index
        %swap3A_753 = tpu.vector_load %arg21[%swap3A_751, %swap3A_752] {strides = array<i32>} : memref<128x32xf32, #tpu.memory_space<vmem>>, vector<1x16xf32>,
        %swap3A_754 = vector.shape_cast %swap3A_753 : vector<1x16xf32> to vector<16xf32>
        %swap3A_755 = vector.shape_cast %mul3A_750 : vector<16xf32> to vector<1x16xf32>
        tpu.vector_store %arg21[%swap3A_751, %swap3A_752], %swap3A_755 {strides = array<i32>} : memref<128x32xf32, #tpu.memory_space<vmem>>, vector<1x16xf32>,
        %slice3A_756 = vector.extract_strided_slice %get3A_589 {offsets = [6], sizes = [1], strides = [1]} : vector<16xf32> to vector<1xf32>
        %squeeze3A_757 = vector.extract %slice3A_756[0] : f32 from vector<1xf32>
        %mul3A_758 = arith.constant 16 : i32
        %mul3A_759 = arith.muli %scan3A_583, %mul3A_758 : i32
        %add3A_760 = arith.constant 6 : i32
        %add3A_761 = arith.addi %mul3A_759, %add3A_760 : i32
        %get3A_762 = arith.index_cast %add3A_761 : i32 to index
        %get3A_763 = arith.constant 0 : index
        %get3A_764 = tpu.vector_load %arg21[%get3A_762, %get3A_763] {strides = array<i32>} : memref<128x32xf32, #tpu.memory_space<vmem>>, vector<1x16xf32>,
        %get3A_765 = vector.shape_cast %get3A_764 : vector<1x16xf32> to vector<16xf32>
        %mul3A_766 = vector.broadcast %squeeze3A_757 : f32 to vector<16xf32>
        %mul3A_767 = arith.mulf %get3A_765, %mul3A_766 : vector<16xf32>
        %swap3A_768 = arith.index_cast %add3A_761 : i32 to index
        %swap3A_769 = arith.constant 0 : index
        %swap3A_770 = tpu.vector_load %arg21[%swap3A_768, %swap3A_769] {strides = array<i32>} : memref<128x32xf32, #tpu.memory_space<vmem>>, vector<1x16xf32>,
        %swap3A_771 = vector.shape_cast %swap3A_770 : vector<1x16xf32> to vector<16xf32>
        %swap3A_772 = vector.shape_cast %mul3A_767 : vector<16xf32> to vector<1x16xf32>
        tpu.vector_store %arg21[%swap3A_768, %swap3A_769], %swap3A_772 {strides = array<i32>} : memref<128x32xf32, #tpu.memory_space<vmem>>, vector<1x16xf32>,
        %get3A_773 = arith.index_cast %add3A_761 : i32 to index
        %get3A_774 = arith.constant 16 : index
        %get3A_775 = tpu.vector_load %arg21[%get3A_773, %get3A_774] {strides = array<i32>} : memref<128x32xf32, #tpu.memory_space<vmem>>, vector<1x16xf32>,
        %get3A_776 = vector.shape_cast %get3A_775 : vector<1x16xf32> to vector<16xf32>
        %mul3A_777 = vector.broadcast %squeeze3A_757 : f32 to vector<16xf32>
        %mul3A_778 = arith.mulf %get3A_776, %mul3A_777 : vector<16xf32>
        %swap3A_779 = arith.index_cast %add3A_761 : i32 to index
        %swap3A_780 = arith.constant 16 : index
        %swap3A_781 = tpu.vector_load %arg21[%swap3A_779, %swap3A_780] {strides = array<i32>} : memref<128x32xf32, #tpu.memory_space<vmem>>, vector<1x16xf32>,
        %swap3A_782 = vector.shape_cast %swap3A_781 : vector<1x16xf32> to vector<16xf32>
        %swap3A_783 = vector.shape_cast %mul3A_778 : vector<16xf32> to vector<1x16xf32>
        tpu.vector_store %arg21[%swap3A_779, %swap3A_780], %swap3A_783 {strides = array<i32>} : memref<128x32xf32, #tpu.memory_space<vmem>>, vector<1x16xf32>,
        %slice3A_784 = vector.extract_strided_slice %get3A_589 {offsets = [7], sizes = [1], strides = [1]} : vector<16xf32> to vector<1xf32>
        %squeeze3A_785 = vector.extract %slice3A_784[0] : f32 from vector<1xf32>
        %mul3A_786 = arith.constant 16 : i32
        %mul3A_787 = arith.muli %scan3A_583, %mul3A_786 : i32
        %add3A_788 = arith.constant 7 : i32
        %add3A_789 = arith.addi %mul3A_787, %add3A_788 : i32
        %get3A_790 = arith.index_cast %add3A_789 : i32 to index
        %get3A_791 = arith.constant 0 : index
        %get3A_792 = tpu.vector_load %arg21[%get3A_790, %get3A_791] {strides = array<i32>} : memref<128x32xf32, #tpu.memory_space<vmem>>, vector<1x16xf32>,
        %get3A_793 = vector.shape_cast %get3A_792 : vector<1x16xf32> to vector<16xf32>
        %mul3A_794 = vector.broadcast %squeeze3A_785 : f32 to vector<16xf32>
        %mul3A_795 = arith.mulf %get3A_793, %mul3A_794 : vector<16xf32>
        %swap3A_796 = arith.index_cast %add3A_789 : i32 to index
        %swap3A_797 = arith.constant 0 : index
        %swap3A_798 = tpu.vector_load %arg21[%swap3A_796, %swap3A_797] {strides = array<i32>} : memref<128x32xf32, #tpu.memory_space<vmem>>, vector<1x16xf32>,
        %swap3A_799 = vector.shape_cast %swap3A_798 : vector<1x16xf32> to vector<16xf32>
        %swap3A_800 = vector.shape_cast %mul3A_795 : vector<16xf32> to vector<1x16xf32>
        tpu.vector_store %arg21[%swap3A_796, %swap3A_797], %swap3A_800 {strides = array<i32>} : memref<128x32xf32, #tpu.memory_space<vmem>>, vector<1x16xf32>,
        %get3A_801 = arith.index_cast %add3A_789 : i32 to index
        %get3A_802 = arith.constant 16 : index
        %get3A_803 = tpu.vector_load %arg21[%get3A_801, %get3A_802] {strides = array<i32>} : memref<128x32xf32, #tpu.memory_space<vmem>>, vector<1x16xf32>,
        %get3A_804 = vector.shape_cast %get3A_803 : vector<1x16xf32> to vector<16xf32>
        %mul3A_805 = vector.broadcast %squeeze3A_785 : f32 to vector<16xf32>
        %mul3A_806 = arith.mulf %get3A_804, %mul3A_805 : vector<16xf32>
        %swap3A_807 = arith.index_cast %add3A_789 : i32 to index
        %swap3A_808 = arith.constant 16 : index
        %swap3A_809 = tpu.vector_load %arg21[%swap3A_807, %swap3A_808] {strides = array<i32>} : memref<128x32xf32, #tpu.memory_space<vmem>>, vector<1x16xf32>,
        %swap3A_810 = vector.shape_cast %swap3A_809 : vector<1x16xf32> to vector<16xf32>
        %swap3A_811 = vector.shape_cast %mul3A_806 : vector<16xf32> to vector<1x16xf32>
        tpu.vector_store %arg21[%swap3A_807, %swap3A_808], %swap3A_811 {strides = array<i32>} : memref<128x32xf32, #tpu.memory_space<vmem>>, vector<1x16xf32>,
        %slice3A_812 = vector.extract_strided_slice %get3A_589 {offsets = [8], sizes = [1], strides = [1]} : vector<16xf32> to vector<1xf32>
        %squeeze3A_813 = vector.extract %slice3A_812[0] : f32 from vector<1xf32>
        %mul3A_814 = arith.constant 16 : i32
        %mul3A_815 = arith.muli %scan3A_583, %mul3A_814 : i32
        %add3A_816 = arith.constant 8 : i32
        %add3A_817 = arith.addi %mul3A_815, %add3A_816 : i32
        %get3A_818 = arith.index_cast %add3A_817 : i32 to index
        %get3A_819 = arith.constant 0 : index
        %get3A_820 = tpu.vector_load %arg21[%get3A_818, %get3A_819] {strides = array<i32>} : memref<128x32xf32, #tpu.memory_space<vmem>>, vector<1x16xf32>,
        %get3A_821 = vector.shape_cast %get3A_820 : vector<1x16xf32> to vector<16xf32>
        %mul3A_822 = vector.broadcast %squeeze3A_813 : f32 to vector<16xf32>
        %mul3A_823 = arith.mulf %get3A_821, %mul3A_822 : vector<16xf32>
        %swap3A_824 = arith.index_cast %add3A_817 : i32 to index
        %swap3A_825 = arith.constant 0 : index
        %swap3A_826 = tpu.vector_load %arg21[%swap3A_824, %swap3A_825] {strides = array<i32>} : memref<128x32xf32, #tpu.memory_space<vmem>>, vector<1x16xf32>,
        %swap3A_827 = vector.shape_cast %swap3A_826 : vector<1x16xf32> to vector<16xf32>
        %swap3A_828 = vector.shape_cast %mul3A_823 : vector<16xf32> to vector<1x16xf32>
        tpu.vector_store %arg21[%swap3A_824, %swap3A_825], %swap3A_828 {strides = array<i32>} : memref<128x32xf32, #tpu.memory_space<vmem>>, vector<1x16xf32>,
        %get3A_829 = arith.index_cast %add3A_817 : i32 to index
        %get3A_830 = arith.constant 16 : index
        %get3A_831 = tpu.vector_load %arg21[%get3A_829, %get3A_830] {strides = array<i32>} : memref<128x32xf32, #tpu.memory_space<vmem>>, vector<1x16xf32>,
        %get3A_832 = vector.shape_cast %get3A_831 : vector<1x16xf32> to vector<16xf32>
        %mul3A_833 = vector.broadcast %squeeze3A_813 : f32 to vector<16xf32>
        %mul3A_834 = arith.mulf %get3A_832, %mul3A_833 : vector<16xf32>
        %swap3A_835 = arith.index_cast %add3A_817 : i32 to index
        %swap3A_836 = arith.constant 16 : index
        %swap3A_837 = tpu.vector_load %arg21[%swap3A_835, %swap3A_836] {strides = array<i32>} : memref<128x32xf32, #tpu.memory_space<vmem>>, vector<1x16xf32>,
        %swap3A_838 = vector.shape_cast %swap3A_837 : vector<1x16xf32> to vector<16xf32>
        %swap3A_839 = vector.shape_cast %mul3A_834 : vector<16xf32> to vector<1x16xf32>
        tpu.vector_store %arg21[%swap3A_835, %swap3A_836], %swap3A_839 {strides = array<i32>} : memref<128x32xf32, #tpu.memory_space<vmem>>, vector<1x16xf32>,
        %slice3A_840 = vector.extract_strided_slice %get3A_589 {offsets = [9], sizes = [1], strides = [1]} : vector<16xf32> to vector<1xf32>
        %squeeze3A_841 = vector.extract %slice3A_840[0] : f32 from vector<1xf32>
        %mul3A_842 = arith.constant 16 : i32
        %mul3A_843 = arith.muli %scan3A_583, %mul3A_842 : i32
        %add3A_844 = arith.constant 9 : i32
        %add3A_845 = arith.addi %mul3A_843, %add3A_844 : i32
        %get3A_846 = arith.index_cast %add3A_845 : i32 to index
        %get3A_847 = arith.constant 0 : index
        %get3A_848 = tpu.vector_load %arg21[%get3A_846, %get3A_847] {strides = array<i32>} : memref<128x32xf32, #tpu.memory_space<vmem>>, vector<1x16xf32>,
        %get3A_849 = vector.shape_cast %get3A_848 : vector<1x16xf32> to vector<16xf32>
        %mul3A_850 = vector.broadcast %squeeze3A_841 : f32 to vector<16xf32>
        %mul3A_851 = arith.mulf %get3A_849, %mul3A_850 : vector<16xf32>
        %swap3A_852 = arith.index_cast %add3A_845 : i32 to index
        %swap3A_853 = arith.constant 0 : index
        %swap3A_854 = tpu.vector_load %arg21[%swap3A_852, %swap3A_853] {strides = array<i32>} : memref<128x32xf32, #tpu.memory_space<vmem>>, vector<1x16xf32>,
        %swap3A_855 = vector.shape_cast %swap3A_854 : vector<1x16xf32> to vector<16xf32>
        %swap3A_856 = vector.shape_cast %mul3A_851 : vector<16xf32> to vector<1x16xf32>
        tpu.vector_store %arg21[%swap3A_852, %swap3A_853], %swap3A_856 {strides = array<i32>} : memref<128x32xf32, #tpu.memory_space<vmem>>, vector<1x16xf32>,
        %get3A_857 = arith.index_cast %add3A_845 : i32 to index
        %get3A_858 = arith.constant 16 : index
        %get3A_859 = tpu.vector_load %arg21[%get3A_857, %get3A_858] {strides = array<i32>} : memref<128x32xf32, #tpu.memory_space<vmem>>, vector<1x16xf32>,
        %get3A_860 = vector.shape_cast %get3A_859 : vector<1x16xf32> to vector<16xf32>
        %mul3A_861 = vector.broadcast %squeeze3A_841 : f32 to vector<16xf32>
        %mul3A_862 = arith.mulf %get3A_860, %mul3A_861 : vector<16xf32>
        %swap3A_863 = arith.index_cast %add3A_845 : i32 to index
        %swap3A_864 = arith.constant 16 : index
        %swap3A_865 = tpu.vector_load %arg21[%swap3A_863, %swap3A_864] {strides = array<i32>} : memref<128x32xf32, #tpu.memory_space<vmem>>, vector<1x16xf32>,
        %swap3A_866 = vector.shape_cast %swap3A_865 : vector<1x16xf32> to vector<16xf32>
        %swap3A_867 = vector.shape_cast %mul3A_862 : vector<16xf32> to vector<1x16xf32>
        tpu.vector_store %arg21[%swap3A_863, %swap3A_864], %swap3A_867 {strides = array<i32>} : memref<128x32xf32, #tpu.memory_space<vmem>>, vector<1x16xf32>,
        %slice3A_868 = vector.extract_strided_slice %get3A_589 {offsets = [10], sizes = [1], strides = [1]} : vector<16xf32> to vector<1xf32>
        %squeeze3A_869 = vector.extract %slice3A_868[0] : f32 from vector<1xf32>
        %mul3A_870 = arith.constant 16 : i32
        %mul3A_871 = arith.muli %scan3A_583, %mul3A_870 : i32
        %add3A_872 = arith.constant 10 : i32
        %add3A_873 = arith.addi %mul3A_871, %add3A_872 : i32
        %get3A_874 = arith.index_cast %add3A_873 : i32 to index
        %get3A_875 = arith.constant 0 : index
        %get3A_876 = tpu.vector_load %arg21[%get3A_874, %get3A_875] {strides = array<i32>} : memref<128x32xf32, #tpu.memory_space<vmem>>, vector<1x16xf32>,
        %get3A_877 = vector.shape_cast %get3A_876 : vector<1x16xf32> to vector<16xf32>
        %mul3A_878 = vector.broadcast %squeeze3A_869 : f32 to vector<16xf32>
        %mul3A_879 = arith.mulf %get3A_877, %mul3A_878 : vector<16xf32>
        %swap3A_880 = arith.index_cast %add3A_873 : i32 to index
        %swap3A_881 = arith.constant 0 : index
        %swap3A_882 = tpu.vector_load %arg21[%swap3A_880, %swap3A_881] {strides = array<i32>} : memref<128x32xf32, #tpu.memory_space<vmem>>, vector<1x16xf32>,
        %swap3A_883 = vector.shape_cast %swap3A_882 : vector<1x16xf32> to vector<16xf32>
        %swap3A_884 = vector.shape_cast %mul3A_879 : vector<16xf32> to vector<1x16xf32>
        tpu.vector_store %arg21[%swap3A_880, %swap3A_881], %swap3A_884 {strides = array<i32>} : memref<128x32xf32, #tpu.memory_space<vmem>>, vector<1x16xf32>,
        %get3A_885 = arith.index_cast %add3A_873 : i32 to index
        %get3A_886 = arith.constant 16 : index
        %get3A_887 = tpu.vector_load %arg21[%get3A_885, %get3A_886] {strides = array<i32>} : memref<128x32xf32, #tpu.memory_space<vmem>>, vector<1x16xf32>,
        %get3A_888 = vector.shape_cast %get3A_887 : vector<1x16xf32> to vector<16xf32>
        %mul3A_889 = vector.broadcast %squeeze3A_869 : f32 to vector<16xf32>
        %mul3A_890 = arith.mulf %get3A_888, %mul3A_889 : vector<16xf32>
        %swap3A_891 = arith.index_cast %add3A_873 : i32 to index
        %swap3A_892 = arith.constant 16 : index
        %swap3A_893 = tpu.vector_load %arg21[%swap3A_891, %swap3A_892] {strides = array<i32>} : memref<128x32xf32, #tpu.memory_space<vmem>>, vector<1x16xf32>,
        %swap3A_894 = vector.shape_cast %swap3A_893 : vector<1x16xf32> to vector<16xf32>
        %swap3A_895 = vector.shape_cast %mul3A_890 : vector<16xf32> to vector<1x16xf32>
        tpu.vector_store %arg21[%swap3A_891, %swap3A_892], %swap3A_895 {strides = array<i32>} : memref<128x32xf32, #tpu.memory_space<vmem>>, vector<1x16xf32>,
        %slice3A_896 = vector.extract_strided_slice %get3A_589 {offsets = [11], sizes = [1], strides = [1]} : vector<16xf32> to vector<1xf32>
        %squeeze3A_897 = vector.extract %slice3A_896[0] : f32 from vector<1xf32>
        %mul3A_898 = arith.constant 16 : i32
        %mul3A_899 = arith.muli %scan3A_583, %mul3A_898 : i32
        %add3A_900 = arith.constant 11 : i32
        %add3A_901 = arith.addi %mul3A_899, %add3A_900 : i32
        %get3A_902 = arith.index_cast %add3A_901 : i32 to index
        %get3A_903 = arith.constant 0 : index
        %get3A_904 = tpu.vector_load %arg21[%get3A_902, %get3A_903] {strides = array<i32>} : memref<128x32xf32, #tpu.memory_space<vmem>>, vector<1x16xf32>,
        %get3A_905 = vector.shape_cast %get3A_904 : vector<1x16xf32> to vector<16xf32>
        %mul3A_906 = vector.broadcast %squeeze3A_897 : f32 to vector<16xf32>
        %mul3A_907 = arith.mulf %get3A_905, %mul3A_906 : vector<16xf32>
        %swap3A_908 = arith.index_cast %add3A_901 : i32 to index
        %swap3A_909 = arith.constant 0 : index
        %swap3A_910 = tpu.vector_load %arg21[%swap3A_908, %swap3A_909] {strides = array<i32>} : memref<128x32xf32, #tpu.memory_space<vmem>>, vector<1x16xf32>,
        %swap3A_911 = vector.shape_cast %swap3A_910 : vector<1x16xf32> to vector<16xf32>
        %swap3A_912 = vector.shape_cast %mul3A_907 : vector<16xf32> to vector<1x16xf32>
        tpu.vector_store %arg21[%swap3A_908, %swap3A_909], %swap3A_912 {strides = array<i32>} : memref<128x32xf32, #tpu.memory_space<vmem>>, vector<1x16xf32>,
        %get3A_913 = arith.index_cast %add3A_901 : i32 to index
        %get3A_914 = arith.constant 16 : index
        %get3A_915 = tpu.vector_load %arg21[%get3A_913, %get3A_914] {strides = array<i32>} : memref<128x32xf32, #tpu.memory_space<vmem>>, vector<1x16xf32>,
        %get3A_916 = vector.shape_cast %get3A_915 : vector<1x16xf32> to vector<16xf32>
        %mul3A_917 = vector.broadcast %squeeze3A_897 : f32 to vector<16xf32>
        %mul3A_918 = arith.mulf %get3A_916, %mul3A_917 : vector<16xf32>
        %swap3A_919 = arith.index_cast %add3A_901 : i32 to index
        %swap3A_920 = arith.constant 16 : index
        %swap3A_921 = tpu.vector_load %arg21[%swap3A_919, %swap3A_920] {strides = array<i32>} : memref<128x32xf32, #tpu.memory_space<vmem>>, vector<1x16xf32>,
        %swap3A_922 = vector.shape_cast %swap3A_921 : vector<1x16xf32> to vector<16xf32>
        %swap3A_923 = vector.shape_cast %mul3A_918 : vector<16xf32> to vector<1x16xf32>
        tpu.vector_store %arg21[%swap3A_919, %swap3A_920], %swap3A_923 {strides = array<i32>} : memref<128x32xf32, #tpu.memory_space<vmem>>, vector<1x16xf32>,
        %slice3A_924 = vector.extract_strided_slice %get3A_589 {offsets = [12], sizes = [1], strides = [1]} : vector<16xf32> to vector<1xf32>
        %squeeze3A_925 = vector.extract %slice3A_924[0] : f32 from vector<1xf32>
        %mul3A_926 = arith.constant 16 : i32
        %mul3A_927 = arith.muli %scan3A_583, %mul3A_926 : i32
        %add3A_928 = arith.constant 12 : i32
        %add3A_929 = arith.addi %mul3A_927, %add3A_928 : i32
        %get3A_930 = arith.index_cast %add3A_929 : i32 to index
        %get3A_931 = arith.constant 0 : index
        %get3A_932 = tpu.vector_load %arg21[%get3A_930, %get3A_931] {strides = array<i32>} : memref<128x32xf32, #tpu.memory_space<vmem>>, vector<1x16xf32>,
        %get3A_933 = vector.shape_cast %get3A_932 : vector<1x16xf32> to vector<16xf32>
        %mul3A_934 = vector.broadcast %squeeze3A_925 : f32 to vector<16xf32>
        %mul3A_935 = arith.mulf %get3A_933, %mul3A_934 : vector<16xf32>
        %swap3A_936 = arith.index_cast %add3A_929 : i32 to index
        %swap3A_937 = arith.constant 0 : index
        %swap3A_938 = tpu.vector_load %arg21[%swap3A_936, %swap3A_937] {strides = array<i32>} : memref<128x32xf32, #tpu.memory_space<vmem>>, vector<1x16xf32>,
        %swap3A_939 = vector.shape_cast %swap3A_938 : vector<1x16xf32> to vector<16xf32>
        %swap3A_940 = vector.shape_cast %mul3A_935 : vector<16xf32> to vector<1x16xf32>
        tpu.vector_store %arg21[%swap3A_936, %swap3A_937], %swap3A_940 {strides = array<i32>} : memref<128x32xf32, #tpu.memory_space<vmem>>, vector<1x16xf32>,
        %get3A_941 = arith.index_cast %add3A_929 : i32 to index
        %get3A_942 = arith.constant 16 : index
        %get3A_943 = tpu.vector_load %arg21[%get3A_941, %get3A_942] {strides = array<i32>} : memref<128x32xf32, #tpu.memory_space<vmem>>, vector<1x16xf32>,
        %get3A_944 = vector.shape_cast %get3A_943 : vector<1x16xf32> to vector<16xf32>
        %mul3A_945 = vector.broadcast %squeeze3A_925 : f32 to vector<16xf32>
        %mul3A_946 = arith.mulf %get3A_944, %mul3A_945 : vector<16xf32>
        %swap3A_947 = arith.index_cast %add3A_929 : i32 to index
        %swap3A_948 = arith.constant 16 : index
        %swap3A_949 = tpu.vector_load %arg21[%swap3A_947, %swap3A_948] {strides = array<i32>} : memref<128x32xf32, #tpu.memory_space<vmem>>, vector<1x16xf32>,
        %swap3A_950 = vector.shape_cast %swap3A_949 : vector<1x16xf32> to vector<16xf32>
        %swap3A_951 = vector.shape_cast %mul3A_946 : vector<16xf32> to vector<1x16xf32>
        tpu.vector_store %arg21[%swap3A_947, %swap3A_948], %swap3A_951 {strides = array<i32>} : memref<128x32xf32, #tpu.memory_space<vmem>>, vector<1x16xf32>,
        %slice3A_952 = vector.extract_strided_slice %get3A_589 {offsets = [13], sizes = [1], strides = [1]} : vector<16xf32> to vector<1xf32>
        %squeeze3A_953 = vector.extract %slice3A_952[0] : f32 from vector<1xf32>
        %mul3A_954 = arith.constant 16 : i32
        %mul3A_955 = arith.muli %scan3A_583, %mul3A_954 : i32
        %add3A_956 = arith.constant 13 : i32
        %add3A_957 = arith.addi %mul3A_955, %add3A_956 : i32
        %get3A_958 = arith.index_cast %add3A_957 : i32 to index
        %get3A_959 = arith.constant 0 : index
        %get3A_960 = tpu.vector_load %arg21[%get3A_958, %get3A_959] {strides = array<i32>} : memref<128x32xf32, #tpu.memory_space<vmem>>, vector<1x16xf32>,
        %get3A_961 = vector.shape_cast %get3A_960 : vector<1x16xf32> to vector<16xf32>
        %mul3A_962 = vector.broadcast %squeeze3A_953 : f32 to vector<16xf32>
        %mul3A_963 = arith.mulf %get3A_961, %mul3A_962 : vector<16xf32>
        %swap3A_964 = arith.index_cast %add3A_957 : i32 to index
        %swap3A_965 = arith.constant 0 : index
        %swap3A_966 = tpu.vector_load %arg21[%swap3A_964, %swap3A_965] {strides = array<i32>} : memref<128x32xf32, #tpu.memory_space<vmem>>, vector<1x16xf32>,
        %swap3A_967 = vector.shape_cast %swap3A_966 : vector<1x16xf32> to vector<16xf32>
        %swap3A_968 = vector.shape_cast %mul3A_963 : vector<16xf32> to vector<1x16xf32>
        tpu.vector_store %arg21[%swap3A_964, %swap3A_965], %swap3A_968 {strides = array<i32>} : memref<128x32xf32, #tpu.memory_space<vmem>>, vector<1x16xf32>,
        %get3A_969 = arith.index_cast %add3A_957 : i32 to index
        %get3A_970 = arith.constant 16 : index
        %get3A_971 = tpu.vector_load %arg21[%get3A_969, %get3A_970] {strides = array<i32>} : memref<128x32xf32, #tpu.memory_space<vmem>>, vector<1x16xf32>,
        %get3A_972 = vector.shape_cast %get3A_971 : vector<1x16xf32> to vector<16xf32>
        %mul3A_973 = vector.broadcast %squeeze3A_953 : f32 to vector<16xf32>
        %mul3A_974 = arith.mulf %get3A_972, %mul3A_973 : vector<16xf32>
        %swap3A_975 = arith.index_cast %add3A_957 : i32 to index
        %swap3A_976 = arith.constant 16 : index
        %swap3A_977 = tpu.vector_load %arg21[%swap3A_975, %swap3A_976] {strides = array<i32>} : memref<128x32xf32, #tpu.memory_space<vmem>>, vector<1x16xf32>,
        %swap3A_978 = vector.shape_cast %swap3A_977 : vector<1x16xf32> to vector<16xf32>
        %swap3A_979 = vector.shape_cast %mul3A_974 : vector<16xf32> to vector<1x16xf32>
        tpu.vector_store %arg21[%swap3A_975, %swap3A_976], %swap3A_979 {strides = array<i32>} : memref<128x32xf32, #tpu.memory_space<vmem>>, vector<1x16xf32>,
        %slice3A_980 = vector.extract_strided_slice %get3A_589 {offsets = [14], sizes = [1], strides = [1]} : vector<16xf32> to vector<1xf32>
        %squeeze3A_981 = vector.extract %slice3A_980[0] : f32 from vector<1xf32>
        %mul3A_982 = arith.constant 16 : i32
        %mul3A_983 = arith.muli %scan3A_583, %mul3A_982 : i32
        %add3A_984 = arith.constant 14 : i32
        %add3A_985 = arith.addi %mul3A_983, %add3A_984 : i32
        %get3A_986 = arith.index_cast %add3A_985 : i32 to index
        %get3A_987 = arith.constant 0 : index
        %get3A_988 = tpu.vector_load %arg21[%get3A_986, %get3A_987] {strides = array<i32>} : memref<128x32xf32, #tpu.memory_space<vmem>>, vector<1x16xf32>,
        %get3A_989 = vector.shape_cast %get3A_988 : vector<1x16xf32> to vector<16xf32>
        %mul3A_990 = vector.broadcast %squeeze3A_981 : f32 to vector<16xf32>
        %mul3A_991 = arith.mulf %get3A_989, %mul3A_990 : vector<16xf32>
        %swap3A_992 = arith.index_cast %add3A_985 : i32 to index
        %swap3A_993 = arith.constant 0 : index
        %swap3A_994 = tpu.vector_load %arg21[%swap3A_992, %swap3A_993] {strides = array<i32>} : memref<128x32xf32, #tpu.memory_space<vmem>>, vector<1x16xf32>,
        %swap3A_995 = vector.shape_cast %swap3A_994 : vector<1x16xf32> to vector<16xf32>
        %swap3A_996 = vector.shape_cast %mul3A_991 : vector<16xf32> to vector<1x16xf32>
        tpu.vector_store %arg21[%swap3A_992, %swap3A_993], %swap3A_996 {strides = array<i32>} : memref<128x32xf32, #tpu.memory_space<vmem>>, vector<1x16xf32>,
        %get3A_997 = arith.index_cast %add3A_985 : i32 to index
        %get3A_998 = arith.constant 16 : index
        %get3A_999 = tpu.vector_load %arg21[%get3A_997, %get3A_998] {strides = array<i32>} : memref<128x32xf32, #tpu.memory_space<vmem>>, vector<1x16xf32>,
        %get3A_1000 = vector.shape_cast %get3A_999 : vector<1x16xf32> to vector<16xf32>
        %mul3A_1001 = vector.broadcast %squeeze3A_981 : f32 to vector<16xf32>
        %mul3A_1002 = arith.mulf %get3A_1000, %mul3A_1001 : vector<16xf32>
        %swap3A_1003 = arith.index_cast %add3A_985 : i32 to index
        %swap3A_1004 = arith.constant 16 : index
        %swap3A_1005 = tpu.vector_load %arg21[%swap3A_1003, %swap3A_1004] {strides = array<i32>} : memref<128x32xf32, #tpu.memory_space<vmem>>, vector<1x16xf32>,
        %swap3A_1006 = vector.shape_cast %swap3A_1005 : vector<1x16xf32> to vector<16xf32>
        %swap3A_1007 = vector.shape_cast %mul3A_1002 : vector<16xf32> to vector<1x16xf32>
        tpu.vector_store %arg21[%swap3A_1003, %swap3A_1004], %swap3A_1007 {strides = array<i32>} : memref<128x32xf32, #tpu.memory_space<vmem>>, vector<1x16xf32>,
        %slice3A_1008 = vector.extract_strided_slice %get3A_589 {offsets = [15], sizes = [1], strides = [1]} : vector<16xf32> to vector<1xf32>
        %squeeze3A_1009 = vector.extract %slice3A_1008[0] : f32 from vector<1xf32>
        %mul3A_1010 = arith.constant 16 : i32
        %mul3A_1011 = arith.muli %scan3A_583, %mul3A_1010 : i32
        %add3A_1012 = arith.constant 15 : i32
        %add3A_1013 = arith.addi %mul3A_1011, %add3A_1012 : i32
        %get3A_1014 = arith.index_cast %add3A_1013 : i32 to index
        %get3A_1015 = arith.constant 0 : index
        %get3A_1016 = tpu.vector_load %arg21[%get3A_1014, %get3A_1015] {strides = array<i32>} : memref<128x32xf32, #tpu.memory_space<vmem>>, vector<1x16xf32>,
        %get3A_1017 = vector.shape_cast %get3A_1016 : vector<1x16xf32> to vector<16xf32>
        %mul3A_1018 = vector.broadcast %squeeze3A_1009 : f32 to vector<16xf32>
        %mul3A_1019 = arith.mulf %get3A_1017, %mul3A_1018 : vector<16xf32>
        %swap3A_1020 = arith.index_cast %add3A_1013 : i32 to index
        %swap3A_1021 = arith.constant 0 : index
        %swap3A_1022 = tpu.vector_load %arg21[%swap3A_1020, %swap3A_1021] {strides = array<i32>} : memref<128x32xf32, #tpu.memory_space<vmem>>, vector<1x16xf32>,
        %swap3A_1023 = vector.shape_cast %swap3A_1022 : vector<1x16xf32> to vector<16xf32>
        %swap3A_1024 = vector.shape_cast %mul3A_1019 : vector<16xf32> to vector<1x16xf32>
        tpu.vector_store %arg21[%swap3A_1020, %swap3A_1021], %swap3A_1024 {strides = array<i32>} : memref<128x32xf32, #tpu.memory_space<vmem>>, vector<1x16xf32>,
        %get3A_1025 = arith.index_cast %add3A_1013 : i32 to index
        %get3A_1026 = arith.constant 16 : index
        %get3A_1027 = tpu.vector_load %arg21[%get3A_1025, %get3A_1026] {strides = array<i32>} : memref<128x32xf32, #tpu.memory_space<vmem>>, vector<1x16xf32>,
        %get3A_1028 = vector.shape_cast %get3A_1027 : vector<1x16xf32> to vector<16xf32>
        %mul3A_1029 = vector.broadcast %squeeze3A_1009 : f32 to vector<16xf32>
        %mul3A_1030 = arith.mulf %get3A_1028, %mul3A_1029 : vector<16xf32>
        %swap3A_1031 = arith.index_cast %add3A_1013 : i32 to index
        %swap3A_1032 = arith.constant 16 : index
        %swap3A_1033 = tpu.vector_load %arg21[%swap3A_1031, %swap3A_1032] {strides = array<i32>} : memref<128x32xf32, #tpu.memory_space<vmem>>, vector<1x16xf32>,
        %swap3A_1034 = vector.shape_cast %swap3A_1033 : vector<1x16xf32> to vector<16xf32>
        %swap3A_1035 = vector.shape_cast %mul3A_1030 : vector<16xf32> to vector<1x16xf32>
        tpu.vector_store %arg21[%swap3A_1031, %swap3A_1032], %swap3A_1035 {strides = array<i32>} : memref<128x32xf32, #tpu.memory_space<vmem>>, vector<1x16xf32>,
        %scan3A_1036 = arith.constant 0 : i32
        scf.yield %scan3A_1036 : i32
      }
      %scan3A_578 = arith.constant 8 : i32
      %dma_start3A_579 = arith.constant 0 : i32
      %dma_start3A_580 = arith.constant 0 : i32
      %dma_start3A_581 = tpu.memref_slice %arg25[%dma_start3A_579, %dma_start3A_580] : memref<10240x32xf32, #tpu.memory_space<vmem_shared>> -> memref<10240x32xf32, #tpu.memory_space<vmem_shared>>
      tpu.enqueue_indirect_dma source(%arg21 : memref<128x32xf32, #tpu.memory_space<vmem>>) target(%dma_start3A_581 : memref<10240x32xf32, #tpu.memory_space<vmem_shared>>) offsets(%arg19 : memref<128xi32, #tpu.memory_space<vmem>>) semaphore(%arg31 : memref<!tpu.dma_semaphore, #tpu.memory_space<semaphore_mem>>) {add = true}
      %scan3A_582 = arith.constant 0 : i32
      scf.yield %scan3A_582 : i32
    }
    %scan3A_278 = arith.constant 40 : i32
    %dma_wait3A_279 = arith.constant 0 : i32
    %dma_wait3A_280 = arith.constant 0 : i32
    %dma_wait3A_281 = tpu.memref_slice %arg25[%dma_wait3A_279, %dma_wait3A_280] : memref<10240x32xf32, #tpu.memory_space<vmem_shared>> -> memref<10240x32xf32, #tpu.memory_space<vmem_shared>>
    tpu.wait_indirect_dma semaphore(%arg30 : memref<!tpu.dma_semaphore, #tpu.memory_space<semaphore_mem>>) src(%arg20 : memref<128x32xf32, #tpu.memory_space<vmem>>) dst(%dma_wait3A_281 : memref<10240x32xf32, #tpu.memory_space<vmem_shared>>)
    %dma_wait3A_282 = arith.constant 0 : i32
    %dma_wait3A_283 = arith.constant 0 : i32
    %dma_wait3A_284 = tpu.memref_slice %arg25[%dma_wait3A_282, %dma_wait3A_283] : memref<10240x32xf32, #tpu.memory_space<vmem_shared>> -> memref<10240x32xf32, #tpu.memory_space<vmem_shared>>
    tpu.wait_indirect_dma semaphore(%arg31 : memref<!tpu.dma_semaphore, #tpu.memory_space<semaphore_mem>>) src(%arg21 : memref<128x32xf32, #tpu.memory_space<vmem>>) dst(%dma_wait3A_284 : memref<10240x32xf32, #tpu.memory_space<vmem_shared>>)
    %barrier3A_285 = arith.constant 0 : index
    tpu.barrier barrier_id(%barrier3A_285)
    %mul3A_286 = arith.constant 640 : i32
    %mul3A_287 = arith.muli %arg1, %mul3A_286 : i32
    "tpu.region"() ({
      %run_scoped3A = tpu.sem_alloc : memref<!tpu.dma_semaphore, #tpu.memory_space<semaphore_mem>>
      %dma_start3A_288 = arith.constant 0 : i32
      %dma_start3A_289 = tpu.memref_slice %arg25[%mul3A_287, %dma_start3A_288] : memref<10240x32xf32, #tpu.memory_space<vmem_shared>> -> memref<640x32xf32, #tpu.memory_space<vmem_shared>>
      %dma_start3A_290 = arith.constant 0 : i32
      %dma_start3A_291 = tpu.memref_slice %arg25[%mul3A_287, %dma_start3A_290] : memref<10240x32xf32, #tpu.memory_space<vmem_shared>> -> memref<640x32xf32, #tpu.memory_space<vmem_shared>>
      tpu.enqueue_dma source(%dma_start3A_291 : memref<640x32xf32, #tpu.memory_space<vmem_shared>>) target(%arg24 : memref<640x32xf32, #tpu.memory_space<vmem>>) target_semaphore(%run_scoped3A : memref<!tpu.dma_semaphore, #tpu.memory_space<semaphore_mem>>)
      %dma_wait3A_292 = arith.constant 0 : i32
      %dma_wait3A_293 = tpu.memref_slice %arg25[%mul3A_287, %dma_wait3A_292] : memref<10240x32xf32, #tpu.memory_space<vmem_shared>> -> memref<640x32xf32, #tpu.memory_space<vmem_shared>>
      %dma_wait3A_294 = arith.constant 0 : i32
      %dma_wait3A_295 = tpu.memref_slice %arg25[%mul3A_287, %dma_wait3A_294] : memref<10240x32xf32, #tpu.memory_space<vmem_shared>> -> memref<640x32xf32, #tpu.memory_space<vmem_shared>>
      tpu.wait_dma2 semaphore(%run_scoped3A : memref<!tpu.dma_semaphore, #tpu.memory_space<semaphore_mem>>) src(%dma_wait3A_295 : memref<640x32xf32, #tpu.memory_space<vmem_shared>>) dst(%arg24 : memref<640x32xf32, #tpu.memory_space<vmem>>)
      tpu.yield
    }) : () -> ()
    "tpu.region"() ({
      %run_scoped3A = tpu.sem_alloc : memref<!tpu.dma_semaphore, #tpu.memory_space<semaphore_mem>>
      %dma_start3A_288 = arith.constant 0 : i32
      %dma_start3A_289 = arith.constant 0 : i32
      %dma_start3A_290 = tpu.memref_slice %arg7[%arg0, %arg1, %dma_start3A_288, %dma_start3A_289] : memref<2x16x640x32xf32, #tpu.memory_space<hbm>> -> memref<1x1x640x32xf32, #tpu.memory_space<hbm>>
      %dma_start3A_291 = tpu.memref_squeeze %dma_start3A_290 : memref<1x1x640x32xf32, #tpu.memory_space<hbm>> -> memref<640x32xf32, #tpu.memory_space<hbm>>
      %dma_start3A_292 = arith.constant 0 : i32
      %dma_start3A_293 = arith.constant 0 : i32
      %dma_start3A_294 = tpu.memref_slice %arg7[%arg0, %arg1, %dma_start3A_292, %dma_start3A_293] : memref<2x16x640x32xf32, #tpu.memory_space<hbm>> -> memref<1x1x640x32xf32, #tpu.memory_space<hbm>>
      %dma_start3A_295 = tpu.memref_squeeze %dma_start3A_294 : memref<1x1x640x32xf32, #tpu.memory_space<hbm>> -> memref<640x32xf32, #tpu.memory_space<hbm>>
      tpu.enqueue_dma source(%arg24 : memref<640x32xf32, #tpu.memory_space<vmem>>) target(%dma_start3A_295 : memref<640x32xf32, #tpu.memory_space<hbm>>) target_semaphore(%run_scoped3A : memref<!tpu.dma_semaphore, #tpu.memory_space<semaphore_mem>>)
      %dma_wait3A_296 = arith.constant 0 : i32
      %dma_wait3A_297 = arith.constant 0 : i32
      %dma_wait3A_298 = tpu.memref_slice %arg7[%arg0, %arg1, %dma_wait3A_296, %dma_wait3A_297] : memref<2x16x640x32xf32, #tpu.memory_space<hbm>> -> memref<1x1x640x32xf32, #tpu.memory_space<hbm>>
      %dma_wait3A_299 = tpu.memref_squeeze %dma_wait3A_298 : memref<1x1x640x32xf32, #tpu.memory_space<hbm>> -> memref<640x32xf32, #tpu.memory_space<hbm>>
      %dma_wait3A_300 = arith.constant 0 : i32
      %dma_wait3A_301 = arith.constant 0 : i32
      %dma_wait3A_302 = tpu.memref_slice %arg7[%arg0, %arg1, %dma_wait3A_300, %dma_wait3A_301] : memref<2x16x640x32xf32, #tpu.memory_space<hbm>> -> memref<1x1x640x32xf32, #tpu.memory_space<hbm>>
      %dma_wait3A_303 = tpu.memref_squeeze %dma_wait3A_302 : memref<1x1x640x32xf32, #tpu.memory_space<hbm>> -> memref<640x32xf32, #tpu.memory_space<hbm>>
      tpu.wait_dma2 semaphore(%run_scoped3A : memref<!tpu.dma_semaphore, #tpu.memory_space<semaphore_mem>>) src(%arg24 : memref<640x32xf32, #tpu.memory_space<vmem>>) dst(%dma_wait3A_303 : memref<640x32xf32, #tpu.memory_space<hbm>>)
      tpu.yield
    }) : () -> ()
    return
  }
}

module attributes {stable_mosaic.version = 14 : i64} {
  func.func @_dense1_tc(%arg0: i32, %arg1: memref<1000x128xf32, #tpu.memory_space<vmem>>, %arg2: memref<128x256xf32, #tpu.memory_space<vmem>>, %arg3: memref<128x32xf32, #tpu.memory_space<vmem>>, %arg4: memref<1x32xf32, #tpu.memory_space<vmem>>, %arg5: memref<1000x256xf32, #tpu.memory_space<vmem>>, %arg6: memref<1000x32xf32, #tpu.memory_space<vmem>>) attributes {dimension_semantics = [#tpu.dimension_semantics<arbitrary>], iteration_bounds = array<i64: 10>, scalar_prefetch = 0 : i64, scratch_operands = 0 : i64, tpu.core_type = #tpu.core_type<tc>, window_params = [{transform_indices = @transform_0, window_bounds = array<i64: 1000, 128>}, {pipeline_mode = #tpu.pipeline_mode<synchronous>, transform_indices = @transform_1, window_bounds = array<i64: 128, 256>}, {pipeline_mode = #tpu.pipeline_mode<synchronous>, transform_indices = @transform_2, window_bounds = array<i64: 128, 32>}, {pipeline_mode = #tpu.pipeline_mode<synchronous>, transform_indices = @transform_3, window_bounds = array<i64: 1, 32>}, {transform_indices = @transform_4, window_bounds = array<i64: 1000, 256>}, {transform_indices = @transform_5, window_bounds = array<i64: 1000, 32>}]} {
    %get3A = arith.constant 0 : index
    %get3A_0 = arith.constant 0 : index
    %get3A_1 = vector.load %arg1[%get3A, %get3A_0] : memref<1000x128xf32, #tpu.memory_space<vmem>>, vector<1000x128xf32>
    %get3A_2 = arith.constant 0 : index
    %get3A_3 = arith.constant 0 : index
    %get3A_4 = vector.load %arg2[%get3A_2, %get3A_3] : memref<128x256xf32, #tpu.memory_space<vmem>>, vector<128x256xf32>
    %dot_general3A = arith.constant dense<0.000000e+00> : vector<1000x256xf32>
    %dot_general3A_5 = tpu.matmul %get3A_1, %get3A_4, %dot_general3A {dimension_numbers = #tpu.dot_dimension_numbers<[1], [0], [0], [1], [0, 0, 1, 1], [], []>, precision = #tpu.contract_precision<fp32>, transpose_lhs_hint = false} : vector<1000x128xf32>, vector<128x256xf32>, vector<1000x256xf32> -> vector<1000x256xf32>
    %swap3A = arith.constant 0 : index
    %swap3A_6 = arith.constant 0 : index
    %swap3A_7 = vector.load %arg5[%swap3A, %swap3A_6] : memref<1000x256xf32, #tpu.memory_space<vmem>>, vector<1000x256xf32>
    tpu.vector_store %arg5[%swap3A, %swap3A_6], %dot_general3A_5 {strides = array<i32>} : memref<1000x256xf32, #tpu.memory_space<vmem>>, vector<1000x256xf32>,
    %get3A_8 = arith.constant 0 : index
    %get3A_9 = arith.constant 0 : index
    %get3A_10 = vector.load %arg3[%get3A_8, %get3A_9] : memref<128x32xf32, #tpu.memory_space<vmem>>, vector<128x32xf32>
    %dot_general3A_11 = arith.constant dense<0.000000e+00> : vector<1000x32xf32>
    %dot_general3A_12 = tpu.matmul %get3A_1, %get3A_10, %dot_general3A_11 {dimension_numbers = #tpu.dot_dimension_numbers<[1], [0], [0], [1], [0, 0, 1, 1], [], []>, precision = #tpu.contract_precision<fp32>, transpose_lhs_hint = false} : vector<1000x128xf32>, vector<128x32xf32>, vector<1000x32xf32> -> vector<1000x32xf32>
    %get3A_13 = arith.constant 0 : index
    %get3A_14 = arith.constant 0 : index
    %get3A_15 = vector.load %arg4[%get3A_13, %get3A_14] : memref<1x32xf32, #tpu.memory_space<vmem>>, vector<1x32xf32>
    %add3A = vector.broadcast %get3A_15 : vector<1x32xf32> to vector<1000x32xf32>
    %add3A_16 = arith.addf %dot_general3A_12, %add3A : vector<1000x32xf32>
    %swap3A_17 = arith.constant 0 : index
    %swap3A_18 = arith.constant 0 : index
    %swap3A_19 = vector.load %arg6[%swap3A_17, %swap3A_18] : memref<1000x32xf32, #tpu.memory_space<vmem>>, vector<1000x32xf32>
    tpu.vector_store %arg6[%swap3A_17, %swap3A_18], %add3A_16 {strides = array<i32>} : memref<1000x32xf32, #tpu.memory_space<vmem>>, vector<1000x32xf32>,
    return
  }
  func.func @transform_0(%arg0: i32) -> (i32, i32) {
    %c0_i32 = arith.constant 0 : i32
    %c0_i32_0 = arith.constant 0 : i32
    return %arg0, %c0_i32 : i32, i32
  }
  func.func @transform_1(%arg0: i32) -> (i32, i32) {
    %c0_i32 = arith.constant 0 : i32
    %c0_i32_0 = arith.constant 0 : i32
    %c0_i32_1 = arith.constant 0 : i32
    return %c0_i32, %c0_i32_0 : i32, i32
  }
  func.func @transform_2(%arg0: i32) -> (i32, i32) {
    %c0_i32 = arith.constant 0 : i32
    %c0_i32_0 = arith.constant 0 : i32
    %c0_i32_1 = arith.constant 0 : i32
    return %c0_i32, %c0_i32_0 : i32, i32
  }
  func.func @transform_3(%arg0: i32) -> (i32, i32) {
    %c0_i32 = arith.constant 0 : i32
    %c0_i32_0 = arith.constant 0 : i32
    %c0_i32_1 = arith.constant 0 : i32
    return %c0_i32, %c0_i32_0 : i32, i32
  }
  func.func @transform_4(%arg0: i32) -> (i32, i32) {
    %c0_i32 = arith.constant 0 : i32
    %c0_i32_0 = arith.constant 0 : i32
    return %arg0, %c0_i32 : i32, i32
  }
  func.func @transform_5(%arg0: i32) -> (i32, i32) {
    %c0_i32 = arith.constant 0 : i32
    %c0_i32_0 = arith.constant 0 : i32
    return %arg0, %c0_i32 : i32, i32
  }
}

module attributes {stable_mosaic.version = 14 : i64} {
  func.func @_norm_tc(%arg0: memref<2x80128xf32, #tpu.memory_space<vmem>>, %arg1: memref<1x80128xf32, #tpu.memory_space<vmem>>) attributes {dimension_semantics = [], scalar_prefetch = 0 : i64, scratch_operands = 0 : i64, tpu.core_type = #tpu.core_type<tc>} {
    %get3A = arith.constant 0 : index
    %get3A_0 = arith.constant 0 : index
    %get3A_1 = vector.load %arg0[%get3A, %get3A_0] : memref<2x80128xf32, #tpu.memory_space<vmem>>, vector<1x80128xf32>
    %get3A_2 = arith.constant 1 : index
    %get3A_3 = arith.constant 0 : index
    %get3A_4 = vector.load %arg0[%get3A_2, %get3A_3] : memref<2x80128xf32, #tpu.memory_space<vmem>>, vector<1x80128xf32>
    %add3A = arith.addf %get3A_1, %get3A_4 : vector<1x80128xf32>
    %gt3A = arith.constant 0.000000e+00 : f32
    %gt3A_5 = vector.broadcast %gt3A : f32 to vector<1x80128xf32>
    %gt3A_6 = arith.cmpf ogt, %add3A, %gt3A_5 : vector<1x80128xf32>
    %max3A = arith.constant 1.000000e+00 : f32
    %max3A_7 = vector.broadcast %max3A : f32 to vector<1x80128xf32>
    %max3A_8 = arith.maximumf %add3A, %max3A_7 : vector<1x80128xf32>
    %div3A = arith.constant 1.000000e+00 : f32
    %div3A_9 = vector.broadcast %div3A : f32 to vector<1x80128xf32>
    %div3A_10 = arith.divf %div3A_9, %max3A_8 : vector<1x80128xf32>
    %jit3A = arith.constant 0.000000e+00 : f32
    %broadcast_in_dim3A = vector.broadcast %jit3A : f32 to vector<1x80128xf32>
    %select_n3A = arith.select %gt3A_6, %div3A_10, %broadcast_in_dim3A : vector<1x80128xi1>, vector<1x80128xf32>
    %swap3A = arith.constant 0 : index
    %swap3A_11 = arith.constant 0 : index
    %swap3A_12 = vector.load %arg1[%swap3A, %swap3A_11] : memref<1x80128xf32, #tpu.memory_space<vmem>>, vector<1x80128xf32>
    tpu.vector_store %arg1[%swap3A, %swap3A_11], %select_n3A {strides = array<i32>} : memref<1x80128xf32, #tpu.memory_space<vmem>>, vector<1x80128xf32>,
    return
  }
}

module attributes {stable_mosaic.version = 14 : i64} {
  func.func @_dense2_tc(%arg0: i32, %arg1: memref<1000x32xf32, #tpu.memory_space<vmem>>, %arg2: memref<2x1000x32xf32, #tpu.memory_space<vmem>>, %arg3: memref<32x128xf32, #tpu.memory_space<vmem>>, %arg4: memref<32x16xf32, #tpu.memory_space<vmem>>, %arg5: memref<1x16xf32, #tpu.memory_space<vmem>>, %arg6: memref<1000x128xf32, #tpu.memory_space<vmem>>, %arg7: memref<1000x16xf32, #tpu.memory_space<vmem>>) attributes {dimension_semantics = [#tpu.dimension_semantics<arbitrary>], iteration_bounds = array<i64: 10>, scalar_prefetch = 0 : i64, scratch_operands = 0 : i64, tpu.core_type = #tpu.core_type<tc>, window_params = [{transform_indices = @transform_0, window_bounds = array<i64: 1000, 32>}, {transform_indices = @transform_1, window_bounds = array<i64: 2, 1000, 32>}, {pipeline_mode = #tpu.pipeline_mode<synchronous>, transform_indices = @transform_2, window_bounds = array<i64: 32, 128>}, {pipeline_mode = #tpu.pipeline_mode<synchronous>, transform_indices = @transform_3, window_bounds = array<i64: 32, 16>}, {pipeline_mode = #tpu.pipeline_mode<synchronous>, transform_indices = @transform_4, window_bounds = array<i64: 1, 16>}, {transform_indices = @transform_5, window_bounds = array<i64: 1000, 128>}, {transform_indices = @transform_6, window_bounds = array<i64: 1000, 16>}]} {
    %get3A = arith.constant 0 : index
    %get3A_0 = arith.constant 0 : index
    %get3A_1 = vector.load %arg1[%get3A, %get3A_0] : memref<1000x32xf32, #tpu.memory_space<vmem>>, vector<1000x32xf32>
    %get3A_2 = arith.constant 0 : index
    %get3A_3 = arith.constant 0 : index
    %get3A_4 = arith.constant 0 : index
    %get3A_5 = vector.load %arg2[%get3A_2, %get3A_3, %get3A_4] : memref<2x1000x32xf32, #tpu.memory_space<vmem>>, vector<1x1000x32xf32>
    %get3A_6 = vector.shape_cast %get3A_5 : vector<1x1000x32xf32> to vector<1000x32xf32>
    %add3A = arith.addf %get3A_1, %get3A_6 : vector<1000x32xf32>
    %get3A_7 = arith.constant 1 : index
    %get3A_8 = arith.constant 0 : index
    %get3A_9 = arith.constant 0 : index
    %get3A_10 = vector.load %arg2[%get3A_7, %get3A_8, %get3A_9] : memref<2x1000x32xf32, #tpu.memory_space<vmem>>, vector<1x1000x32xf32>
    %get3A_11 = vector.shape_cast %get3A_10 : vector<1x1000x32xf32> to vector<1000x32xf32>
    %add3A_12 = arith.addf %add3A, %get3A_11 : vector<1000x32xf32>
    %max3A = arith.constant 0.000000e+00 : f32
    %max3A_13 = vector.broadcast %max3A : f32 to vector<1000x32xf32>
    %max3A_14 = arith.maximumf %add3A_12, %max3A_13 : vector<1000x32xf32>
    %get3A_15 = arith.constant 0 : index
    %get3A_16 = arith.constant 0 : index
    %get3A_17 = vector.load %arg3[%get3A_15, %get3A_16] : memref<32x128xf32, #tpu.memory_space<vmem>>, vector<32x128xf32>
    %dot_general3A = arith.constant dense<0.000000e+00> : vector<1000x128xf32>
    %dot_general3A_18 = tpu.matmul %max3A_14, %get3A_17, %dot_general3A {dimension_numbers = #tpu.dot_dimension_numbers<[1], [0], [0], [1], [0, 0, 1, 1], [], []>, precision = #tpu.contract_precision<fp32>, transpose_lhs_hint = false} : vector<1000x32xf32>, vector<32x128xf32>, vector<1000x128xf32> -> vector<1000x128xf32>
    %swap3A = arith.constant 0 : index
    %swap3A_19 = arith.constant 0 : index
    %swap3A_20 = vector.load %arg6[%swap3A, %swap3A_19] : memref<1000x128xf32, #tpu.memory_space<vmem>>, vector<1000x128xf32>
    tpu.vector_store %arg6[%swap3A, %swap3A_19], %dot_general3A_18 {strides = array<i32>} : memref<1000x128xf32, #tpu.memory_space<vmem>>, vector<1000x128xf32>,
    %get3A_21 = arith.constant 0 : index
    %get3A_22 = arith.constant 0 : index
    %get3A_23 = vector.load %arg4[%get3A_21, %get3A_22] : memref<32x16xf32, #tpu.memory_space<vmem>>, vector<32x16xf32>
    %dot_general3A_24 = arith.constant dense<0.000000e+00> : vector<1000x16xf32>
    %dot_general3A_25 = tpu.matmul %max3A_14, %get3A_23, %dot_general3A_24 {dimension_numbers = #tpu.dot_dimension_numbers<[1], [0], [0], [1], [0, 0, 1, 1], [], []>, precision = #tpu.contract_precision<fp32>, transpose_lhs_hint = false} : vector<1000x32xf32>, vector<32x16xf32>, vector<1000x16xf32> -> vector<1000x16xf32>
    %get3A_26 = arith.constant 0 : index
    %get3A_27 = arith.constant 0 : index
    %get3A_28 = vector.load %arg5[%get3A_26, %get3A_27] : memref<1x16xf32, #tpu.memory_space<vmem>>, vector<1x16xf32>
    %add3A_29 = vector.broadcast %get3A_28 : vector<1x16xf32> to vector<1000x16xf32>
    %add3A_30 = arith.addf %dot_general3A_25, %add3A_29 : vector<1000x16xf32>
    %swap3A_31 = arith.constant 0 : index
    %swap3A_32 = arith.constant 0 : index
    %swap3A_33 = vector.load %arg7[%swap3A_31, %swap3A_32] : memref<1000x16xf32, #tpu.memory_space<vmem>>, vector<1000x16xf32>
    tpu.vector_store %arg7[%swap3A_31, %swap3A_32], %add3A_30 {strides = array<i32>} : memref<1000x16xf32, #tpu.memory_space<vmem>>, vector<1000x16xf32>,
    return
  }
  func.func @transform_0(%arg0: i32) -> (i32, i32) {
    %c0_i32 = arith.constant 0 : i32
    %c0_i32_0 = arith.constant 0 : i32
    return %arg0, %c0_i32 : i32, i32
  }
  func.func @transform_1(%arg0: i32) -> (i32, i32, i32) {
    %c0_i32 = arith.constant 0 : i32
    %c0_i32_0 = arith.constant 0 : i32
    %c0_i32_1 = arith.constant 0 : i32
    return %c0_i32, %arg0, %c0_i32_0 : i32, i32, i32
  }
  func.func @transform_2(%arg0: i32) -> (i32, i32) {
    %c0_i32 = arith.constant 0 : i32
    %c0_i32_0 = arith.constant 0 : i32
    %c0_i32_1 = arith.constant 0 : i32
    return %c0_i32, %c0_i32_0 : i32, i32
  }
  func.func @transform_3(%arg0: i32) -> (i32, i32) {
    %c0_i32 = arith.constant 0 : i32
    %c0_i32_0 = arith.constant 0 : i32
    %c0_i32_1 = arith.constant 0 : i32
    return %c0_i32, %c0_i32_0 : i32, i32
  }
  func.func @transform_4(%arg0: i32) -> (i32, i32) {
    %c0_i32 = arith.constant 0 : i32
    %c0_i32_0 = arith.constant 0 : i32
    %c0_i32_1 = arith.constant 0 : i32
    return %c0_i32, %c0_i32_0 : i32, i32
  }
  func.func @transform_5(%arg0: i32) -> (i32, i32) {
    %c0_i32 = arith.constant 0 : i32
    %c0_i32_0 = arith.constant 0 : i32
    return %arg0, %c0_i32 : i32, i32
  }
  func.func @transform_6(%arg0: i32) -> (i32, i32) {
    %c0_i32 = arith.constant 0 : i32
    %c0_i32_0 = arith.constant 0 : i32
    return %arg0, %c0_i32 : i32, i32
  }
}

module attributes {stable_mosaic.version = 14 : i64} {
  func.func @_finale_tc(%arg0: i32, %arg1: memref<1000x16xf32, #tpu.memory_space<vmem>>, %arg2: memref<2x1000x16xf32, #tpu.memory_space<vmem>>, %arg3: memref<1000x1xi32, #tpu.memory_space<vmem>>, %arg4: memref<64x16xf32, #tpu.memory_space<vmem>>, %arg5: memref<16x128xf32, #tpu.memory_space<vmem>>) attributes {dimension_semantics = [#tpu.dimension_semantics<arbitrary>], iteration_bounds = array<i64: 10>, scalar_prefetch = 0 : i64, scratch_operands = 1 : i64, tpu.core_type = #tpu.core_type<tc>, window_params = [{transform_indices = @transform_0, window_bounds = array<i64: 1000, 16>}, {transform_indices = @transform_1, window_bounds = array<i64: 2, 1000, 16>}, {transform_indices = @transform_2, window_bounds = array<i64: 1000, 1>}, {pipeline_mode = #tpu.pipeline_mode<synchronous>, transform_indices = @transform_3, window_bounds = array<i64: 64, 16>}]} {
    %get3A = arith.constant 0 : index
    %get3A_0 = arith.constant 0 : index
    %get3A_1 = vector.load %arg1[%get3A, %get3A_0] : memref<1000x16xf32, #tpu.memory_space<vmem>>, vector<1000x16xf32>
    %get3A_2 = arith.constant 0 : index
    %get3A_3 = arith.constant 0 : index
    %get3A_4 = arith.constant 0 : index
    %get3A_5 = vector.load %arg2[%get3A_2, %get3A_3, %get3A_4] : memref<2x1000x16xf32, #tpu.memory_space<vmem>>, vector<1x1000x16xf32>
    %get3A_6 = vector.shape_cast %get3A_5 : vector<1x1000x16xf32> to vector<1000x16xf32>
    %add3A = arith.addf %get3A_1, %get3A_6 : vector<1000x16xf32>
    %get3A_7 = arith.constant 1 : index
    %get3A_8 = arith.constant 0 : index
    %get3A_9 = arith.constant 0 : index
    %get3A_10 = vector.load %arg2[%get3A_7, %get3A_8, %get3A_9] : memref<2x1000x16xf32, #tpu.memory_space<vmem>>, vector<1x1000x16xf32>
    %get3A_11 = vector.shape_cast %get3A_10 : vector<1x1000x16xf32> to vector<1000x16xf32>
    %add3A_12 = arith.addf %add3A, %get3A_11 : vector<1000x16xf32>
    %max3A = arith.constant 0.000000e+00 : f32
    %max3A_13 = vector.broadcast %max3A : f32 to vector<1000x16xf32>
    %max3A_14 = arith.maximumf %add3A_12, %max3A_13 : vector<1000x16xf32>
    %iota3A = tpu.iota {dimensions = array<i32: 1>} : vector<1000x128xi32>
    %get3A_15 = arith.constant 0 : index
    %get3A_16 = arith.constant 0 : index
    %get3A_17 = vector.load %arg3[%get3A_15, %get3A_16] : memref<1000x1xi32, #tpu.memory_space<vmem>>, vector<1000x1xi32>
    %eq3A = vector.broadcast %get3A_17 : vector<1000x1xi32> to vector<1000x128xi32>
    %eq3A_18 = arith.cmpi eq, %eq3A, %iota3A : vector<1000x128xi32>
    %eq3A_19 = arith.constant 0 : i32
    %eq3A_20 = arith.cmpi eq, %arg0, %eq3A_19 : i32
    %convert_element_type3A = arith.extui %eq3A_20 : i1 to i32
    %cond3A = arith.constant 0 : i32
    %cond3A_21 = arith.cmpi ne, %convert_element_type3A, %cond3A : i32
    scf.if %cond3A_21 {
      %broadcast_in_dim3A_172 = arith.constant 0.000000e+00 : f32
      %broadcast_in_dim3A_173 = vector.broadcast %broadcast_in_dim3A_172 : f32 to vector<16x128xf32>
      %swap3A_174 = arith.constant 0 : index
      %swap3A_175 = arith.constant 0 : index
      %swap3A_176 = vector.load %arg5[%swap3A_174, %swap3A_175] : memref<16x128xf32, #tpu.memory_space<vmem>>, vector<16x128xf32>
      tpu.vector_store %arg5[%swap3A_174, %swap3A_175], %broadcast_in_dim3A_173 {strides = array<i32>} : memref<16x128xf32, #tpu.memory_space<vmem>>, vector<16x128xf32>,
    } else {
    }
    %slice3A = vector.extract_strided_slice %max3A_14 {offsets = [0, 0], sizes = [1000, 1], strides = [1, 1]} : vector<1000x16xf32> to vector<1000x1xf32>
    %jit3A = arith.constant 0.000000e+00 : f32
    %broadcast_in_dim3A = vector.shape_cast %slice3A : vector<1000x1xf32> to vector<1000x1xf32>
    %broadcast_in_dim3A_22 = vector.broadcast %broadcast_in_dim3A : vector<1000x1xf32> to vector<1000x128xf32>
    %broadcast_in_dim3A_23 = vector.broadcast %jit3A : f32 to vector<1000x128xf32>
    %select_n3A = arith.select %eq3A_18, %broadcast_in_dim3A_22, %broadcast_in_dim3A_23 : vector<1000x128xi1>, vector<1000x128xf32>
    %reduce_max3A = arith.constant dense<0xFF800000> : vector<128xf32>
    %reduce_max3A_24 = vector.multi_reduction <maximumf>, %select_n3A, %reduce_max3A [0] : vector<1000x128xf32> to vector<128xf32>
    %broadcast_in_dim3A_25 = vector.shape_cast %reduce_max3A_24 : vector<128xf32> to vector<1x128xf32>
    %slice3A_26 = vector.extract_strided_slice %max3A_14 {offsets = [0, 1], sizes = [1000, 1], strides = [1, 1]} : vector<1000x16xf32> to vector<1000x1xf32>
    %jit3A_27 = arith.constant 0.000000e+00 : f32
    %broadcast_in_dim3A_28 = vector.shape_cast %slice3A_26 : vector<1000x1xf32> to vector<1000x1xf32>
    %broadcast_in_dim3A_29 = vector.broadcast %broadcast_in_dim3A_28 : vector<1000x1xf32> to vector<1000x128xf32>
    %broadcast_in_dim3A_30 = vector.broadcast %jit3A_27 : f32 to vector<1000x128xf32>
    %select_n3A_31 = arith.select %eq3A_18, %broadcast_in_dim3A_29, %broadcast_in_dim3A_30 : vector<1000x128xi1>, vector<1000x128xf32>
    %reduce_max3A_32 = arith.constant dense<0xFF800000> : vector<128xf32>
    %reduce_max3A_33 = vector.multi_reduction <maximumf>, %select_n3A_31, %reduce_max3A_32 [0] : vector<1000x128xf32> to vector<128xf32>
    %broadcast_in_dim3A_34 = vector.shape_cast %reduce_max3A_33 : vector<128xf32> to vector<1x128xf32>
    %slice3A_35 = vector.extract_strided_slice %max3A_14 {offsets = [0, 2], sizes = [1000, 1], strides = [1, 1]} : vector<1000x16xf32> to vector<1000x1xf32>
    %jit3A_36 = arith.constant 0.000000e+00 : f32
    %broadcast_in_dim3A_37 = vector.shape_cast %slice3A_35 : vector<1000x1xf32> to vector<1000x1xf32>
    %broadcast_in_dim3A_38 = vector.broadcast %broadcast_in_dim3A_37 : vector<1000x1xf32> to vector<1000x128xf32>
    %broadcast_in_dim3A_39 = vector.broadcast %jit3A_36 : f32 to vector<1000x128xf32>
    %select_n3A_40 = arith.select %eq3A_18, %broadcast_in_dim3A_38, %broadcast_in_dim3A_39 : vector<1000x128xi1>, vector<1000x128xf32>
    %reduce_max3A_41 = arith.constant dense<0xFF800000> : vector<128xf32>
    %reduce_max3A_42 = vector.multi_reduction <maximumf>, %select_n3A_40, %reduce_max3A_41 [0] : vector<1000x128xf32> to vector<128xf32>
    %broadcast_in_dim3A_43 = vector.shape_cast %reduce_max3A_42 : vector<128xf32> to vector<1x128xf32>
    %slice3A_44 = vector.extract_strided_slice %max3A_14 {offsets = [0, 3], sizes = [1000, 1], strides = [1, 1]} : vector<1000x16xf32> to vector<1000x1xf32>
    %jit3A_45 = arith.constant 0.000000e+00 : f32
    %broadcast_in_dim3A_46 = vector.shape_cast %slice3A_44 : vector<1000x1xf32> to vector<1000x1xf32>
    %broadcast_in_dim3A_47 = vector.broadcast %broadcast_in_dim3A_46 : vector<1000x1xf32> to vector<1000x128xf32>
    %broadcast_in_dim3A_48 = vector.broadcast %jit3A_45 : f32 to vector<1000x128xf32>
    %select_n3A_49 = arith.select %eq3A_18, %broadcast_in_dim3A_47, %broadcast_in_dim3A_48 : vector<1000x128xi1>, vector<1000x128xf32>
    %reduce_max3A_50 = arith.constant dense<0xFF800000> : vector<128xf32>
    %reduce_max3A_51 = vector.multi_reduction <maximumf>, %select_n3A_49, %reduce_max3A_50 [0] : vector<1000x128xf32> to vector<128xf32>
    %broadcast_in_dim3A_52 = vector.shape_cast %reduce_max3A_51 : vector<128xf32> to vector<1x128xf32>
    %slice3A_53 = vector.extract_strided_slice %max3A_14 {offsets = [0, 4], sizes = [1000, 1], strides = [1, 1]} : vector<1000x16xf32> to vector<1000x1xf32>
    %jit3A_54 = arith.constant 0.000000e+00 : f32
    %broadcast_in_dim3A_55 = vector.shape_cast %slice3A_53 : vector<1000x1xf32> to vector<1000x1xf32>
    %broadcast_in_dim3A_56 = vector.broadcast %broadcast_in_dim3A_55 : vector<1000x1xf32> to vector<1000x128xf32>
    %broadcast_in_dim3A_57 = vector.broadcast %jit3A_54 : f32 to vector<1000x128xf32>
    %select_n3A_58 = arith.select %eq3A_18, %broadcast_in_dim3A_56, %broadcast_in_dim3A_57 : vector<1000x128xi1>, vector<1000x128xf32>
    %reduce_max3A_59 = arith.constant dense<0xFF800000> : vector<128xf32>
    %reduce_max3A_60 = vector.multi_reduction <maximumf>, %select_n3A_58, %reduce_max3A_59 [0] : vector<1000x128xf32> to vector<128xf32>
    %broadcast_in_dim3A_61 = vector.shape_cast %reduce_max3A_60 : vector<128xf32> to vector<1x128xf32>
    %slice3A_62 = vector.extract_strided_slice %max3A_14 {offsets = [0, 5], sizes = [1000, 1], strides = [1, 1]} : vector<1000x16xf32> to vector<1000x1xf32>
    %jit3A_63 = arith.constant 0.000000e+00 : f32
    %broadcast_in_dim3A_64 = vector.shape_cast %slice3A_62 : vector<1000x1xf32> to vector<1000x1xf32>
    %broadcast_in_dim3A_65 = vector.broadcast %broadcast_in_dim3A_64 : vector<1000x1xf32> to vector<1000x128xf32>
    %broadcast_in_dim3A_66 = vector.broadcast %jit3A_63 : f32 to vector<1000x128xf32>
    %select_n3A_67 = arith.select %eq3A_18, %broadcast_in_dim3A_65, %broadcast_in_dim3A_66 : vector<1000x128xi1>, vector<1000x128xf32>
    %reduce_max3A_68 = arith.constant dense<0xFF800000> : vector<128xf32>
    %reduce_max3A_69 = vector.multi_reduction <maximumf>, %select_n3A_67, %reduce_max3A_68 [0] : vector<1000x128xf32> to vector<128xf32>
    %broadcast_in_dim3A_70 = vector.shape_cast %reduce_max3A_69 : vector<128xf32> to vector<1x128xf32>
    %slice3A_71 = vector.extract_strided_slice %max3A_14 {offsets = [0, 6], sizes = [1000, 1], strides = [1, 1]} : vector<1000x16xf32> to vector<1000x1xf32>
    %jit3A_72 = arith.constant 0.000000e+00 : f32
    %broadcast_in_dim3A_73 = vector.shape_cast %slice3A_71 : vector<1000x1xf32> to vector<1000x1xf32>
    %broadcast_in_dim3A_74 = vector.broadcast %broadcast_in_dim3A_73 : vector<1000x1xf32> to vector<1000x128xf32>
    %broadcast_in_dim3A_75 = vector.broadcast %jit3A_72 : f32 to vector<1000x128xf32>
    %select_n3A_76 = arith.select %eq3A_18, %broadcast_in_dim3A_74, %broadcast_in_dim3A_75 : vector<1000x128xi1>, vector<1000x128xf32>
    %reduce_max3A_77 = arith.constant dense<0xFF800000> : vector<128xf32>
    %reduce_max3A_78 = vector.multi_reduction <maximumf>, %select_n3A_76, %reduce_max3A_77 [0] : vector<1000x128xf32> to vector<128xf32>
    %broadcast_in_dim3A_79 = vector.shape_cast %reduce_max3A_78 : vector<128xf32> to vector<1x128xf32>
    %slice3A_80 = vector.extract_strided_slice %max3A_14 {offsets = [0, 7], sizes = [1000, 1], strides = [1, 1]} : vector<1000x16xf32> to vector<1000x1xf32>
    %jit3A_81 = arith.constant 0.000000e+00 : f32
    %broadcast_in_dim3A_82 = vector.shape_cast %slice3A_80 : vector<1000x1xf32> to vector<1000x1xf32>
    %broadcast_in_dim3A_83 = vector.broadcast %broadcast_in_dim3A_82 : vector<1000x1xf32> to vector<1000x128xf32>
    %broadcast_in_dim3A_84 = vector.broadcast %jit3A_81 : f32 to vector<1000x128xf32>
    %select_n3A_85 = arith.select %eq3A_18, %broadcast_in_dim3A_83, %broadcast_in_dim3A_84 : vector<1000x128xi1>, vector<1000x128xf32>
    %reduce_max3A_86 = arith.constant dense<0xFF800000> : vector<128xf32>
    %reduce_max3A_87 = vector.multi_reduction <maximumf>, %select_n3A_85, %reduce_max3A_86 [0] : vector<1000x128xf32> to vector<128xf32>
    %broadcast_in_dim3A_88 = vector.shape_cast %reduce_max3A_87 : vector<128xf32> to vector<1x128xf32>
    %slice3A_89 = vector.extract_strided_slice %max3A_14 {offsets = [0, 8], sizes = [1000, 1], strides = [1, 1]} : vector<1000x16xf32> to vector<1000x1xf32>
    %jit3A_90 = arith.constant 0.000000e+00 : f32
    %broadcast_in_dim3A_91 = vector.shape_cast %slice3A_89 : vector<1000x1xf32> to vector<1000x1xf32>
    %broadcast_in_dim3A_92 = vector.broadcast %broadcast_in_dim3A_91 : vector<1000x1xf32> to vector<1000x128xf32>
    %broadcast_in_dim3A_93 = vector.broadcast %jit3A_90 : f32 to vector<1000x128xf32>
    %select_n3A_94 = arith.select %eq3A_18, %broadcast_in_dim3A_92, %broadcast_in_dim3A_93 : vector<1000x128xi1>, vector<1000x128xf32>
    %reduce_max3A_95 = arith.constant dense<0xFF800000> : vector<128xf32>
    %reduce_max3A_96 = vector.multi_reduction <maximumf>, %select_n3A_94, %reduce_max3A_95 [0] : vector<1000x128xf32> to vector<128xf32>
    %broadcast_in_dim3A_97 = vector.shape_cast %reduce_max3A_96 : vector<128xf32> to vector<1x128xf32>
    %slice3A_98 = vector.extract_strided_slice %max3A_14 {offsets = [0, 9], sizes = [1000, 1], strides = [1, 1]} : vector<1000x16xf32> to vector<1000x1xf32>
    %jit3A_99 = arith.constant 0.000000e+00 : f32
    %broadcast_in_dim3A_100 = vector.shape_cast %slice3A_98 : vector<1000x1xf32> to vector<1000x1xf32>
    %broadcast_in_dim3A_101 = vector.broadcast %broadcast_in_dim3A_100 : vector<1000x1xf32> to vector<1000x128xf32>
    %broadcast_in_dim3A_102 = vector.broadcast %jit3A_99 : f32 to vector<1000x128xf32>
    %select_n3A_103 = arith.select %eq3A_18, %broadcast_in_dim3A_101, %broadcast_in_dim3A_102 : vector<1000x128xi1>, vector<1000x128xf32>
    %reduce_max3A_104 = arith.constant dense<0xFF800000> : vector<128xf32>
    %reduce_max3A_105 = vector.multi_reduction <maximumf>, %select_n3A_103, %reduce_max3A_104 [0] : vector<1000x128xf32> to vector<128xf32>
    %broadcast_in_dim3A_106 = vector.shape_cast %reduce_max3A_105 : vector<128xf32> to vector<1x128xf32>
    %slice3A_107 = vector.extract_strided_slice %max3A_14 {offsets = [0, 10], sizes = [1000, 1], strides = [1, 1]} : vector<1000x16xf32> to vector<1000x1xf32>
    %jit3A_108 = arith.constant 0.000000e+00 : f32
    %broadcast_in_dim3A_109 = vector.shape_cast %slice3A_107 : vector<1000x1xf32> to vector<1000x1xf32>
    %broadcast_in_dim3A_110 = vector.broadcast %broadcast_in_dim3A_109 : vector<1000x1xf32> to vector<1000x128xf32>
    %broadcast_in_dim3A_111 = vector.broadcast %jit3A_108 : f32 to vector<1000x128xf32>
    %select_n3A_112 = arith.select %eq3A_18, %broadcast_in_dim3A_110, %broadcast_in_dim3A_111 : vector<1000x128xi1>, vector<1000x128xf32>
    %reduce_max3A_113 = arith.constant dense<0xFF800000> : vector<128xf32>
    %reduce_max3A_114 = vector.multi_reduction <maximumf>, %select_n3A_112, %reduce_max3A_113 [0] : vector<1000x128xf32> to vector<128xf32>
    %broadcast_in_dim3A_115 = vector.shape_cast %reduce_max3A_114 : vector<128xf32> to vector<1x128xf32>
    %slice3A_116 = vector.extract_strided_slice %max3A_14 {offsets = [0, 11], sizes = [1000, 1], strides = [1, 1]} : vector<1000x16xf32> to vector<1000x1xf32>
    %jit3A_117 = arith.constant 0.000000e+00 : f32
    %broadcast_in_dim3A_118 = vector.shape_cast %slice3A_116 : vector<1000x1xf32> to vector<1000x1xf32>
    %broadcast_in_dim3A_119 = vector.broadcast %broadcast_in_dim3A_118 : vector<1000x1xf32> to vector<1000x128xf32>
    %broadcast_in_dim3A_120 = vector.broadcast %jit3A_117 : f32 to vector<1000x128xf32>
    %select_n3A_121 = arith.select %eq3A_18, %broadcast_in_dim3A_119, %broadcast_in_dim3A_120 : vector<1000x128xi1>, vector<1000x128xf32>
    %reduce_max3A_122 = arith.constant dense<0xFF800000> : vector<128xf32>
    %reduce_max3A_123 = vector.multi_reduction <maximumf>, %select_n3A_121, %reduce_max3A_122 [0] : vector<1000x128xf32> to vector<128xf32>
    %broadcast_in_dim3A_124 = vector.shape_cast %reduce_max3A_123 : vector<128xf32> to vector<1x128xf32>
    %slice3A_125 = vector.extract_strided_slice %max3A_14 {offsets = [0, 12], sizes = [1000, 1], strides = [1, 1]} : vector<1000x16xf32> to vector<1000x1xf32>
    %jit3A_126 = arith.constant 0.000000e+00 : f32
    %broadcast_in_dim3A_127 = vector.shape_cast %slice3A_125 : vector<1000x1xf32> to vector<1000x1xf32>
    %broadcast_in_dim3A_128 = vector.broadcast %broadcast_in_dim3A_127 : vector<1000x1xf32> to vector<1000x128xf32>
    %broadcast_in_dim3A_129 = vector.broadcast %jit3A_126 : f32 to vector<1000x128xf32>
    %select_n3A_130 = arith.select %eq3A_18, %broadcast_in_dim3A_128, %broadcast_in_dim3A_129 : vector<1000x128xi1>, vector<1000x128xf32>
    %reduce_max3A_131 = arith.constant dense<0xFF800000> : vector<128xf32>
    %reduce_max3A_132 = vector.multi_reduction <maximumf>, %select_n3A_130, %reduce_max3A_131 [0] : vector<1000x128xf32> to vector<128xf32>
    %broadcast_in_dim3A_133 = vector.shape_cast %reduce_max3A_132 : vector<128xf32> to vector<1x128xf32>
    %slice3A_134 = vector.extract_strided_slice %max3A_14 {offsets = [0, 13], sizes = [1000, 1], strides = [1, 1]} : vector<1000x16xf32> to vector<1000x1xf32>
    %jit3A_135 = arith.constant 0.000000e+00 : f32
    %broadcast_in_dim3A_136 = vector.shape_cast %slice3A_134 : vector<1000x1xf32> to vector<1000x1xf32>
    %broadcast_in_dim3A_137 = vector.broadcast %broadcast_in_dim3A_136 : vector<1000x1xf32> to vector<1000x128xf32>
    %broadcast_in_dim3A_138 = vector.broadcast %jit3A_135 : f32 to vector<1000x128xf32>
    %select_n3A_139 = arith.select %eq3A_18, %broadcast_in_dim3A_137, %broadcast_in_dim3A_138 : vector<1000x128xi1>, vector<1000x128xf32>
    %reduce_max3A_140 = arith.constant dense<0xFF800000> : vector<128xf32>
    %reduce_max3A_141 = vector.multi_reduction <maximumf>, %select_n3A_139, %reduce_max3A_140 [0] : vector<1000x128xf32> to vector<128xf32>
    %broadcast_in_dim3A_142 = vector.shape_cast %reduce_max3A_141 : vector<128xf32> to vector<1x128xf32>
    %slice3A_143 = vector.extract_strided_slice %max3A_14 {offsets = [0, 14], sizes = [1000, 1], strides = [1, 1]} : vector<1000x16xf32> to vector<1000x1xf32>
    %jit3A_144 = arith.constant 0.000000e+00 : f32
    %broadcast_in_dim3A_145 = vector.shape_cast %slice3A_143 : vector<1000x1xf32> to vector<1000x1xf32>
    %broadcast_in_dim3A_146 = vector.broadcast %broadcast_in_dim3A_145 : vector<1000x1xf32> to vector<1000x128xf32>
    %broadcast_in_dim3A_147 = vector.broadcast %jit3A_144 : f32 to vector<1000x128xf32>
    %select_n3A_148 = arith.select %eq3A_18, %broadcast_in_dim3A_146, %broadcast_in_dim3A_147 : vector<1000x128xi1>, vector<1000x128xf32>
    %reduce_max3A_149 = arith.constant dense<0xFF800000> : vector<128xf32>
    %reduce_max3A_150 = vector.multi_reduction <maximumf>, %select_n3A_148, %reduce_max3A_149 [0] : vector<1000x128xf32> to vector<128xf32>
    %broadcast_in_dim3A_151 = vector.shape_cast %reduce_max3A_150 : vector<128xf32> to vector<1x128xf32>
    %slice3A_152 = vector.extract_strided_slice %max3A_14 {offsets = [0, 15], sizes = [1000, 1], strides = [1, 1]} : vector<1000x16xf32> to vector<1000x1xf32>
    %jit3A_153 = arith.constant 0.000000e+00 : f32
    %broadcast_in_dim3A_154 = vector.shape_cast %slice3A_152 : vector<1000x1xf32> to vector<1000x1xf32>
    %broadcast_in_dim3A_155 = vector.broadcast %broadcast_in_dim3A_154 : vector<1000x1xf32> to vector<1000x128xf32>
    %broadcast_in_dim3A_156 = vector.broadcast %jit3A_153 : f32 to vector<1000x128xf32>
    %select_n3A_157 = arith.select %eq3A_18, %broadcast_in_dim3A_155, %broadcast_in_dim3A_156 : vector<1000x128xi1>, vector<1000x128xf32>
    %reduce_max3A_158 = arith.constant dense<0xFF800000> : vector<128xf32>
    %reduce_max3A_159 = vector.multi_reduction <maximumf>, %select_n3A_157, %reduce_max3A_158 [0] : vector<1000x128xf32> to vector<128xf32>
    %broadcast_in_dim3A_160 = vector.shape_cast %reduce_max3A_159 : vector<128xf32> to vector<1x128xf32>
    %get3A_161 = arith.constant 0 : index
    %get3A_162 = arith.constant 0 : index
    %get3A_163 = vector.load %arg5[%get3A_161, %get3A_162] : memref<16x128xf32, #tpu.memory_space<vmem>>, vector<16x128xf32>
    %concatenate3A = tpu.concatenate %broadcast_in_dim3A_25, %broadcast_in_dim3A_34, %broadcast_in_dim3A_43, %broadcast_in_dim3A_52, %broadcast_in_dim3A_61, %broadcast_in_dim3A_70, %broadcast_in_dim3A_79, %broadcast_in_dim3A_88, %broadcast_in_dim3A_97, %broadcast_in_dim3A_106, %broadcast_in_dim3A_115, %broadcast_in_dim3A_124, %broadcast_in_dim3A_133, %broadcast_in_dim3A_142, %broadcast_in_dim3A_151, %broadcast_in_dim3A_160 in 0 : vector<1x128xf32>, vector<1x128xf32>, vector<1x128xf32>, vector<1x128xf32>, vector<1x128xf32>, vector<1x128xf32>, vector<1x128xf32>, vector<1x128xf32>, vector<1x128xf32>, vector<1x128xf32>, vector<1x128xf32>, vector<1x128xf32>, vector<1x128xf32>, vector<1x128xf32>, vector<1x128xf32>, vector<1x128xf32> -> vector<16x128xf32>
    %max3A_164 = arith.maximumf %get3A_163, %concatenate3A : vector<16x128xf32>
    %swap3A = arith.constant 0 : index
    %swap3A_165 = arith.constant 0 : index
    %swap3A_166 = vector.load %arg5[%swap3A, %swap3A_165] : memref<16x128xf32, #tpu.memory_space<vmem>>, vector<16x128xf32>
    tpu.vector_store %arg5[%swap3A, %swap3A_165], %max3A_164 {strides = array<i32>} : memref<16x128xf32, #tpu.memory_space<vmem>>, vector<16x128xf32>,
    %eq3A_167 = arith.constant 9 : i32
    %eq3A_168 = arith.cmpi eq, %arg0, %eq3A_167 : i32
    %convert_element_type3A_169 = arith.extui %eq3A_168 : i1 to i32
    %cond3A_170 = arith.constant 0 : i32
    %cond3A_171 = arith.cmpi ne, %convert_element_type3A_169, %cond3A_170 : i32
    scf.if %cond3A_171 {
      %get3A_172 = arith.constant 0 : index
      %get3A_173 = arith.constant 0 : index
      %get3A_174 = vector.load %arg5[%get3A_172, %get3A_173] : memref<16x128xf32, #tpu.memory_space<vmem>>, vector<16x64xf32>
      %transpose3A = tpu.transpose %get3A_174, [1, 0] : vector<16x64xf32> -> vector<64x16xf32>
      %swap3A_175 = arith.constant 0 : index
      %swap3A_176 = arith.constant 0 : index
      %swap3A_177 = vector.load %arg4[%swap3A_175, %swap3A_176] : memref<64x16xf32, #tpu.memory_space<vmem>>, vector<64x16xf32>
      tpu.vector_store %arg4[%swap3A_175, %swap3A_176], %transpose3A {strides = array<i32>} : memref<64x16xf32, #tpu.memory_space<vmem>>, vector<64x16xf32>,
    } else {
    }
    return
  }
  func.func @transform_0(%arg0: i32) -> (i32, i32) {
    %c0_i32 = arith.constant 0 : i32
    %c0_i32_0 = arith.constant 0 : i32
    return %arg0, %c0_i32 : i32, i32
  }
  func.func @transform_1(%arg0: i32) -> (i32, i32, i32) {
    %c0_i32 = arith.constant 0 : i32
    %c0_i32_0 = arith.constant 0 : i32
    %c0_i32_1 = arith.constant 0 : i32
    return %c0_i32, %arg0, %c0_i32_0 : i32, i32, i32
  }
  func.func @transform_2(%arg0: i32) -> (i32, i32) {
    %c0_i32 = arith.constant 0 : i32
    %c0_i32_0 = arith.constant 0 : i32
    return %arg0, %c0_i32 : i32, i32
  }
  func.func @transform_3(%arg0: i32) -> (i32, i32) {
    %c0_i32 = arith.constant 0 : i32
    %c0_i32_0 = arith.constant 0 : i32
    %c0_i32_1 = arith.constant 0 : i32
    return %c0_i32, %c0_i32_0 : i32, i32
  }
}

</mosaic_0001>

<sc_bundles>
// kernel: kernel.12.cloned.1.call-start
scs
__scs_entry_jumppad:
0x0: {  	(pc) =	sbr.rel $0x88, $3  }
0x1: {  	(tag) =	ssettag $0x0;
	lr =	simm.s32 $0x1  }
0x2: {  	[smem:$0x3F95] =	sst lr;
	_ =	strace $0xD0000000  }
0x3: {  	_ = 	snop  }
0x4: {  	_ = 	snop  }
0x5: {  	_ = 	snop  }
0x6: {  	_ = 	snop  }
0x7: {  	_ = 	snop  }
__scs_overlays_trampoline_lowered:
0x8: {  	[smem:$0x3FA4] =	sst s0  }
0x9: {  	[smem:$0x3FA5] =	sst s1  }
0xa: {  	[smem:$0x3FA6] =	sst s2  }
0xb: {  	[smem:$0x3FA7] =	sst s3  }
0xc: {  	[smem:$0x3FA8] =	sst s4  }
0xd: {  	[smem:$0x3FA9] =	sst s5  }
0xe: {  	[smem:$0x3FAA] =	sst s6  }
0xf: {  	[smem:$0x3FAB] =	sst s7  }
0x10: {  	[smem:$0x3FAC] =	sst s8  }
0x11: {  	[smem:$0x3FAD] =	sst s9;
	s0 =	simm.s32 @!p0 $0x0  }
0x12: {  	s1 =	sld [smem:$0x3F93];
	s0 =	simm.s32 @p0 $0x1  }
0x13: {  	[smem:$0x3FAE] =	sst s0;
	s0 =	simm.s32 @!p1 $0x0  }
0x14: {  	s2 =	sld [smem:$0x3F92];
	s0 =	simm.s32 @p1 $0x1  }
0x15: {  	[smem:$0x3FAF] =	sst s0;
	s0 =	simm.s32 @!p2 $0x0  }
0x16: {  	s3 =	sld [smem:$0x3FDB];
	s0 =	simm.s32 @p2 $0x1  }
0x17: {  	s4 =	simm.s32 $0x1BF5;
	[smem:$0x3FB1] =	sst s0  }
0x18: {  	s0 =	sld [smem:$0x3F94];
	_ =	swait.ge [sflag:s4], $0x0  }
0x19: {  	s7 =	sld [smem:$0x3F95]  }
0x1a: {  	s8 =	sadd.s32 $0xFFFFE003, lr  }
0x1b: {  	s9 =	sadd.s32 $0xFFFFFEF7, lr;
	s5 =	simm.s32 $0xFFFFFFFF;
	p2 =	slt.u32 s8, $0xFFFFF086  }
0x1c: {  	p1 =	slt.u32 s9, $0xF7A;
	s5 =	simm.s32 @!p2 $0x0  }
0x1d: {  	s5 =	simm.s32 @p1 $0x1;
	p0 =	seq.s32 s7, s2  }
0x1e: {  	s7 =	smul.u32 @!p0 $0xF7A, s2;
	p2 =	seq.s32 @!p0 s5, $0x0  }
0x1f: {  	s9 =	smul.u32 $0xF7A, s1;
	s8 =	simm.s32 @!p0 $0x1BF5;
	p2 =	por !p2, p0  }
0x20: {  	[sflag:s8] =	ssyncset.s32 @!p0 $0xFFFFF086;
	s6 =	sadd.s32 @!p0 s3, s7;
	s7 =	simm.s32 @!p0 $0x108  }
0x21: {  	s3 =	sadd.s32 s3, s9;
	s6 =	sadd.s32 @!p0 $0x88, s6;
	s7 =	simm.s32 @p2 $0x1082  }
0x22: {  	[simem:s7], [sflag:s8] =	dma.local @!p0 [hbm:s6], $0xF7A  }
0x23: {  	s9 =	sor.u32 $0xD0000000, s2;
	s6 =	simm.s32 $0x108;
	_ =	swait.ge @!p0 [sflag:s8], $0x0  }
0x24: {  	s3 =	sadd.s32 $0x88, s3;
	s6 =	simm.s32 @!p1 $0x1082;
	[sflag:s4] =	ssyncset.s32 $0xFFFFF086  }
0x25: {  	[simem:s6], [sflag:s4] =	dma.local [hbm:s3], $0xF7A  }
0x26: {  	[smem:$0x3F95] =	sst s1;
	(tag) =	ssettag s2;
	_ =	strace s9  }
0x27: {  	s1 =	sld [smem:$0x3FA5]  }
0x28: {  	s2 =	sld [smem:$0x3FA6]  }
0x29: {  	s4 =	sld [smem:$0x3FA8]  }
0x2a: {  	p0 =	seq.s32 s5, $0x0;
	s5 =	sld [smem:$0x3FA9]  }
0x2b: {  	s6 =	sld [smem:$0x3FAA]  }
0x2c: {  	s7 =	sld [smem:$0x3FAB]  }
0x2d: {  	s3 =	simm.s32 $0x108;
	s8 =	sld [smem:$0x3FAC]  }
0x2e: {  	s3 =	simm.s32 @!p0 $0x1082;
	s9 =	sld [smem:$0x3FAD]  }
0x2f: {  	lr =	sadd.s32 s0, s3;
	s0 =	sld [smem:$0x3FA4]  }
0x30: {  	s3 =	sld [smem:$0x3FA7]  }
0x31: {  	[smem:$0x3FB0] =	sst s10  }
0x32: {  	s10 =	sld [smem:$0x3FAE];
	_ =	sdelay $0x3  }
0x33: {  	p0 =	seq.s32 s10, $0x1;
	s10 =	sld [smem:$0x3FB0];
	_ =	sdelay $0x3  }
0x34: {  	[smem:$0x3FB0] =	sst s10  }
0x35: {  	s10 =	sld [smem:$0x3FAF];
	_ =	sdelay $0x3  }
0x36: {  	p1 =	seq.s32 s10, $0x1;
	s10 =	sld [smem:$0x3FB0];
	_ =	sdelay $0x3  }
0x37: {  	[smem:$0x3FB0] =	sst s10  }
0x38: {  	s10 =	sld [smem:$0x3FB1]  }
0x39: {  	_ = 	snop;
	(pc) =	sbr.ind lr, $3  }
0x3a: {  	_ = 	snop  }
0x3b: {  	_ = 	snop  }
0x3c: {  	p2 =	seq.s32 s10, $0x1;
	s10 =	sld [smem:$0x3FB0]  }
0x3d: {  	_ =	shalt  }
0x3e: {  	_ =	shalt  }
0x3f: {  	_ =	shalt  }
0x40: {  	_ =	shalt  }
0x41: {  	_ =	shalt  }
0x42: {  	_ =	shalt  }
0x43: {  	_ =	shalt  }
0x44: {  	_ =	shalt  }
0x45: {  	_ =	shalt  }
0x46: {  	_ =	shalt  }
0x47: {  	_ =	shalt  }
0x48: {  	_ =	shalt  }
0x49: {  	_ =	shalt  }
0x4a: {  	_ =	shalt  }
0x4b: {  	_ =	shalt  }
0x4c: {  	_ =	shalt  }
0x4d: {  	_ =	shalt  }
0x4e: {  	_ =	shalt  }
0x4f: {  	_ =	shalt  }
0x50: {  	_ =	shalt  }
0x51: {  	_ =	shalt  }
0x52: {  	_ =	shalt  }
0x53: {  	_ =	shalt  }
0x54: {  	_ =	shalt  }
0x55: {  	_ =	shalt  }
0x56: {  	_ =	shalt  }
0x57: {  	_ =	shalt  }
0x58: {  	_ =	shalt  }
0x59: {  	_ =	shalt  }
0x5a: {  	_ =	shalt  }
0x5b: {  	_ =	shalt  }
0x5c: {  	_ =	shalt  }
0x5d: {  	_ =	shalt  }
0x5e: {  	_ =	shalt  }
0x5f: {  	_ =	shalt  }
0x60: {  	_ =	shalt  }
0x61: {  	_ =	shalt  }
0x62: {  	_ =	shalt  }
0x63: {  	_ =	shalt  }
0x64: {  	_ =	shalt  }
0x65: {  	_ =	shalt  }
0x66: {  	_ =	shalt  }
0x67: {  	_ =	shalt  }
0x68: {  	_ =	shalt  }
0x69: {  	_ =	shalt  }
0x6a: {  	_ =	shalt  }
0x6b: {  	_ =	shalt  }
0x6c: {  	_ =	shalt  }
0x6d: {  	_ =	shalt  }
0x6e: {  	_ =	shalt  }
0x6f: {  	_ =	shalt  }
0x70: {  	_ =	shalt  }
0x71: {  	_ =	shalt  }
0x72: {  	_ =	shalt  }
0x73: {  	_ =	shalt  }
0x74: {  	_ =	shalt  }
0x75: {  	_ =	shalt  }
0x76: {  	_ =	shalt  }
0x77: {  	_ =	shalt  }
0x78: {  	_ =	shalt  }
0x79: {  	_ =	shalt  }
0x7a: {  	_ =	shalt  }
0x7b: {  	_ =	shalt  }
0x7c: {  	_ =	shalt  }
0x7d: {  	_ =	shalt  }
0x7e: {  	_ =	shalt  }
0x7f: {  	_ =	shalt  }
0x80: {  	_ =	shalt  }
0x81: {  	_ =	shalt  }
0x82: {  	_ =	shalt  }
0x83: {  	_ =	shalt  }
0x84: {  	_ =	shalt  }
0x85: {  	_ =	shalt  }
0x86: {  	_ =	shalt  }
0x87: {  	_ =	shalt  }
.Lfunc_end0:
.L_simem_size_0:
called_computation.1_lowered:
.L_overlay_start_0:
0x88: {  	s2 =	sld [smem:$0x3FD9]  }
0x89: {  	s3 =	sld [smem:$0x3FFE];
	_ =	sdelay $0x1  }
0x8a: {  	s1 =	srdreg.scid  }
0x8b: {  	s0 =	sand.u32 $0x1, s1  }
0x8c: {  	s16 =	sshll.u32 s0, $0xA;
	s2 =	sadd.s32 s3, s2  }
0x8d: {  	s2 =	sadd.s32 s2, s16  }
0x8e: {  	[smem:$0x3FBC] =	sst s2  }
0x8f: {  	_ = 	snop  }
0x90: {  	(tm) =	ssettm $0x1  }
0x91: {  	s17 =	sld [smem:$0x3FFB];
	_ =	sdelay $0x3  }
0x92: {  	_ =	strace s17  }
0x93: {  	s2 =	sld [smem:$0x3FFC];
	_ =	sdelay $0x3  }
0x94: {  	_ =	strace s2  }
0x95: {  	s2 =	sld [smem:$0x3FFD];
	_ =	sdelay $0x3  }
0x96: {  	_ =	strace s2  }
0x97: {  	_ =	strace $0x8FFFFFFF  }
0x98: {  	s18 =	sld [smem:$0x3FDB];
	_ =	sdelay $0x1  }
0x99: {  	s19 =	simm.s32 $_scs_section_size  }
0x9a: {  	s4 =	simm.s32 $_size__tile_overlayer_lowered;
	s5 =	simm.s32 $_tile_overlayer_lowered  }
0x9b: {  	s22 =	simm.s32 $0x1BFF;
	s21 =	sshll.u32 s5, $0x1;
	s2 =	sadd.s32 s19, s18  }
0x9c: {  	s6 =	simm.s32 $0x0;
	s20 =	sshll.u32 s4, $0x1;
	s4 =	sadd.s32 s21, s2  }
0x9d: {  	[timem:s6], [sflag:s22] =	dma.local [hbm:s4], s20  }
0x9e: {  	_ =	swait.ge [sflag:s22], s20  }
0x9f: {  	s3 =	ssub.s32 $0x0, s20;
	[sflag:s22] =	ssyncset.done $0x0  }
0xa0: {  	[sflag:s22] =	ssyncadd.s32 s3;
	_ =	sdelay $0x1  }
0xa1: {  	s23 =	simm.s32 $0x1B8B  }
0xa2: {  	_ =	swait.ge [sflag:s23], $0x1  }
0xa3: {  	[sflag:s23] =	ssyncset.done $0x0  }
0xa4: {  	s25 =	simm.s32 $0x1B8E;
	s24 =	sld [smem:$0x3FFE];
	[sflag:s23] =	ssyncadd.s32 $0xFFFFFFFF  }
0xa5: {  	s26 =	simm.s32 $execute0_lowered;
	[smem:$0x3FD2] =	sst s25  }
0xa6: {  	s4 =	sshll.u32 s26, $0x1;
	_ =	strace $0x80000049;
	[dreg:$0x1] =	wrdreg $0xFFFFFFFF  }
0xa7: {  	s28 =	simm.s32 $_size_execute0_lowered;
	s2 =	sadd.s32 s2, s4;
	[dreg:$0x0] =	wrdreg $0x0  }
0xa8: {  	s4 =	sshll.u32 s28, $0x1;
	[dreg:$0x2] =	wrdreg s2  }
0xa9: {  	[dreg:$0x3] =	wrdreg s4  }
0xaa: {  	[dreg:$0x4] =	wrdreg $0xC0  }
0xab: {  	_ =	task [dreg:s6], $0x5FFFF  }
0xac: {  	[dreg:$0x1] =	wrdreg $0xFFFFFFFF  }
0xad: {  	[dreg:$0x0] =	wrdreg $0x60  }
0xae: {  	[dreg:$0x2] =	wrdreg s24  }
0xaf: {  	[dreg:$0x3] =	wrdreg $0x77000  }
0xb0: {  	[dreg:$0x4] =	wrdreg $0x9  }
0xb1: {  	_ =	task.clear_ibuf [dreg:s6], $0x5FFFF;
	_ =	strace $0x90000049  }
0xb2: {  	s29 =	simm.s32 $0x9;
	_ =	strace $0x8000004B  }
0xb3: {  	_ =	swait.ge [sflag:s29], $0x1  }
0xb4: {  	[sflag:s29] =	ssyncadd.s32 $0xFFFFFFFF  }
0xb5: {  	_ =	strace $0x9000004B  }
0xb6: {  	_ =	sfence  }
0xb7: {  	s30 =	sld [smem:$0x0];
	_ =	sdelay $0x2  }
0xb8: {  	s31 =	sshll.u32 s1, $0xD;
	s1 =	sshrl.u32 s1, $0x2  }
0xb9: {  	s3 =	sand.u32 $0x4000, s31;
	s1 =	sadd.s32 s1, s30  }
0xba: {  	s0 =	sor.u32 s3, s0;
	s1 =	sshll.u32 s1, $0x11  }
0xbb: {  	s0 =	sor.u32 s1, s0  }
0xbc: {  	s0 =	sadd.s32 $0x8F2B, s0  }
0xbd: {  	[sflag:s0] =	ssyncadd.remote.s32 $0x1  }
0xbe: {  	_ =	sfence.sel $0xFFFF  }
0xbf: {  	[dreg:$0x0] =	wrdreg $0xFFFFFFFF;
	(pc) =	sbr.abs _section_cstart, $3  }
0xc0: {  	[dreg:$0x1] =	wrdreg $0xFFFFFFFF  }
0xc1: {  	_ =	task.clear_ibuf [dreg:s6], $0x2FFFF;
	_ =	strace $0x9FFFFFFF  }
0xc2: {  	(tm) =	ssettm $0x7FFFFFFF  }
0xc3: {  	_ =	shalt  }
tec
execute0_lowered:
.L_overlay_start_1:
0x0: {  	(tag) =	ssettag $0x1  }
0x1: {  	s0 =	rddreg [dreg:$0x0]  }
0x2: {  	s1 =	rddreg [dreg:$0x1];
	s2 =	simm.s32 $0x0  }
0x3: {  	s3 =	srdreg.scid;
	s11 =	stileid.u32;
	s28 =	simm.s32 $0x1  }
0x4: {  	s29 =	simm.s32 $0x300;
	s30 =	simm.s32 $0x600;
	s31 =	simm.s32 $0x380  }
0x5: {  	s13 =	simm.s32 $0x2680;
	s14 =	simm.s32 $0x3;
	[smem:$0x7FF] =	sst s2  }
0x6: {  	s3 =	sand.u32 $0x1, s3;
	s4 =	sadd.s32 $0x1A800, s0;
	s9 =	smul.u32 $0x5000, s11  }
0x7: {  	s7 =	sshll.u32 s11, $0x1;
	s5 =	sadd.s32 $0xB800, s0;
	s11 =	smul.u32 $0x14000, s11  }
0x8: {  	s6 =	sadd.s32 $0x1800, s0;
	_ =	strace $0x8000004A;
	s8 =	smul.u32 $0x50000, s3  }
0x9: {  	s10 =	sor.u32 s3, s7;
	s7 =	sadd.s32 $0x24800, s0;
	s3 =	ssub.s32 $0x2, s3  }
0xa: {  	s15 =	smul.u32 $0x2800, s10;
	s18 =	sshrl.u32 s3, $0x1;
	s19 =	sshrl.u32 s11, $0x2  }
0xb: {  	s8 =	sadd.s32 s9, s8;
	s3 =	ssub.s32 s3, s18;
	s24 =	sadd.s32 s19, s1  }
0xc: {  	s18 =	simm.s32 $0x4;
	s19 =	simm.s32 $0x580;
	s17 =	sshrl.u32 s8, $0x3  }
0xd: {  	s8 =	sadd.s32 $0x15800, s0;
	s20 =	sshrl.u32 s15, $0x3;
	s16 =	sor.u32 $0x100, s15  }
0xe: {  	s26 =	smax.u32 s3, $0x1;
	s3 =	simm.s32 $0x2;
	[dreg:$0x3] =	wrdreg s24  }
0xf: {  	s0 =	sadd.s32 s17, s0;
	s21 =	sadd.s32 s4, s20;
	[dreg:$0xb] =	wrdreg s26  }
0x10: {  	s22 =	sor.u32 $0x10, s20;
	s12 =	sadd.s32 s5, s20;
	[dreg:$0x4] =	wrdreg s21  }
0x11: {  	s11 =	sadd.s32 s6, s20;
	s17 =	sor.u32 $0x180, s15;
	[dreg:$0x5] =	wrdreg s12  }
0x12: {  	s15 =	simm.s32 $0x500;
	[dreg:$0x6] =	wrdreg s11;
	s23 =	sadd.s32 s4, s22  }
0x13: {  	s20 =	simm.s32 $0x5;
	s25 =	sadd.s32 s5, s22;
	[dreg:$0x7] =	wrdreg s23  }
0x14: {  	s10 =	sadd.s32 s6, s22;
	s0 =	sadd.s32 $0x72A00, s0;
	[dreg:$0x8] =	wrdreg s25  }
0x15: {  	s22 =	simm.s32 $0x80;
	s11 =	simm.s32 $0x1600;
	[dreg:$0x9] =	wrdreg s10  }
0x16: {  	s12 =	simm.s32 $0x480;
	[dreg:$0xa] =	wrdreg s0;
	s25 =	simm.s32 $0x2700  }
0x17: {  	v0 =	vimm.f32 $0.0e+00;
	s0 =	simm.s32 $0x2600;
	s10 =	simm.s32 $0x400;
	s23 =	simm.s32 $0x0  }
.LBB2_1:
0x18: {  	[dreg:$0xc] =	wrdreg s23;
	s9 =	simm.s32 $0x80;
	s21 =	simm.s32 $0x0  }
.LBB2_2:
0x19: {  	p0 =	sne.s32 s9, $0x13F80;
	[tilespmem:s21+$0x2700] =	vst v0;
	s23 =	smov.u32 s9;
	s9 =	sadd.s32 $0x80, s9  }
.Ltmp0:
0x1a: {  	[tilespmem:s21+$0x2710] =	vst v0;
	(pc) =	sbr.rel @p0 .LBB2_2-.Ltmp0, $2  }
0x1b: {  	_ =	sdelay $0x2  }
0x1c: {  	s21 =	sshra.s32 s23, $0x2  }
0x1d: {  	[tilespmem:s21+$0x2700] =	vst v0  }
0x1e: {  	[tilespmem:s21+$0x2710] =	vst v0;
	s9 =	simm.s32 $0x7  }
0x1f: {  	[spmem:s24] =	stream.linear.scatter [tilespmem:s25], [sflag:$0x7], $0x5000, $0x38;
	[tilespmem:$0xC700] =	vst v63  }
0x20: {  	_ =	swait.ge [sflag:s9], $0x5000  }
0x21: {  	[sflag:s9] =	ssyncset.done $0x0  }
0x22: {  	[sflag:s9] =	ssyncadd.s32 $0xFFFFB000  }
0x23: {  	[bflag:$0x0] =	sbarrier.arrive $0xFFFF  }
0x24: {  	s21 =	simm.s32 $0x0;
	s26 =	rddreg [dreg:$0x4]  }
0x25: {  	[tilespmem:s21], [sflag:$0x1] =	stream.linear.gather [hbm4b:s26+s21], $0x80, $0x38;
	[tilespmem:$0xC700] =	vst v63  }
0x26: {  	s23 =	rddreg [dreg:$0x5]  }
0x27: {  	[tilespmem:s22], [sflag:$0x1] =	stream.linear.gather [hbm4b:s23+s21], $0x80, $0x38;
	[tilespmem:$0xC700] =	vst v63  }
0x28: {  	s24 =	rddreg [dreg:$0x6];
	s23 =	simm.s32 $0x100  }
0x29: {  	[tilespmem:s23], [sflag:$0x1] =	stream.linear.gather [hbm4b:s24+s21], $0x80, $0x38;
	[tilespmem:$0xC700] =	vst v63  }
0x2a: {  	s25 =	rddreg [dreg:$0x7];
	s26 =	simm.s32 $0x180  }
0x2b: {  	[tilespmem:s26], [sflag:$0x2] =	stream.linear.gather [hbm4b:s25+s21], $0x80, $0x38;
	[tilespmem:$0xC700] =	vst v63  }
0x2c: {  	s23 =	rddreg [dreg:$0x8];
	s24 =	simm.s32 $0x200  }
0x2d: {  	[tilespmem:s24], [sflag:$0x2] =	stream.linear.gather [hbm4b:s23+s21], $0x80, $0x38;
	[tilespmem:$0xC700] =	vst v63  }
0x2e: {  	s25 =	rddreg [dreg:$0x9];
	s26 =	simm.s32 $0x280  }
0x2f: {  	[tilespmem:s26], [sflag:$0x2] =	stream.linear.gather [hbm4b:s25+s21], $0x80, $0x38;
	[tilespmem:$0xC700] =	vst v63  }
0x30: {  	_ =	swait.ge [sflag:s28], $0x80  }
0x31: {  	[sflag:s28] =	ssyncset.done $0x0  }
0x32: {  	[sflag:s28] =	ssyncadd.s32 $0xFFFFFF80  }
0x33: {  	_ =	swait.ge [sflag:s28], $0x80  }
0x34: {  	[sflag:s28] =	ssyncset.done $0x0  }
0x35: {  	[sflag:s28] =	ssyncadd.s32 $0xFFFFFF80  }
0x36: {  	_ =	swait.ge [sflag:s28], $0x80  }
0x37: {  	[sflag:s28] =	ssyncset.done $0x0  }
0x38: {  	[sflag:s28] =	ssyncadd.s32 $0xFFFFFF80  }
0x39: {  	v1 =	vld [tilespmem:$0x100]  }
0x3a: {  	v2 =	vld [tilespmem:$0x0]  }
0x3b: {  	v3 =	vld [tilespmem:$0x80]  }
0x3c: {  	v4 =	vld [tilespmem:$0x110]  }
0x3d: {  	v5 =	vld [tilespmem:$0x10]  }
0x3e: {  	v6 =	vld [tilespmem:$0x90]  }
0x3f: {  	v7 =	vld [tilespmem:$0x120]  }
0x40: {  	v9 =	vld [tilespmem:$0x20];
	v2 =	vshll.u32 v2, $0x3  }
0x41: {  	v55 =	vld [tilespmem:$0xC0];
	v8 =	vshll.u32 v3, $0x3;
	[tilespmem:$0x500] =	vst v3;
	v2 =	vadd.s32 v1, v2  }
0x42: {  	v1 =	vadd.s32 v1, v8;
	[tilespmem:$0x300] =	vst v2;
	v2 =	vld [tilespmem:$0xA0]  }
0x43: {  	v50 =	vld [tilespmem:$0x130];
	[tilespmem:$0x380] =	vst v1;
	v1 =	vshll.u32 v5, $0x3  }
0x44: {  	v51 =	vld [tilespmem:$0x30];
	v3 =	vshll.u32 v6, $0x3;
	[tilespmem:$0x510] =	vst v6;
	v1 =	vadd.s32 v4, v1  }
0x45: {  	[tilespmem:$0x310] =	vst v1;
	v1 =	vadd.s32 v4, v3;
	v3 =	vld [tilespmem:$0xB0]  }
0x46: {  	v52 =	vld [tilespmem:$0x140];
	[tilespmem:$0x390] =	vst v1;
	v1 =	vshll.u32 v9, $0x3  }
0x47: {  	v54 =	vld [tilespmem:$0x40];
	[tilespmem:$0x540] =	vst v55;
	v1 =	vadd.s32 v7, v1;
	v53 =	vshll.u32 v2, $0x3  }
0x48: {  	v56 =	vld [tilespmem:$0x150];
	[tilespmem:$0x320] =	vst v1;
	v1 =	vadd.s32 v7, v53  }
0x49: {  	v57 =	vld [tilespmem:$0x50];
	[tilespmem:$0x3A0] =	vst v1;
	v1 =	vshll.u32 v51, $0x3  }
0x4a: {  	v63 =	vld [tilespmem:$0xF0];
	[tilespmem:$0x520] =	vst v2;
	v2 =	vshll.u32 v3, $0x3;
	v1 =	vadd.s32 v50, v1  }
0x4b: {  	[tilespmem:$0x330] =	vst v1;
	v1 =	vadd.s32 v50, v2;
	v2 =	vld [tilespmem:$0xD0]  }
0x4c: {  	v58 =	vld [tilespmem:$0x160];
	[tilespmem:$0x3B0] =	vst v1;
	v1 =	vshll.u32 v54, $0x3  }
0x4d: {  	v59 =	vld [tilespmem:$0x60];
	[tilespmem:$0x530] =	vst v3;
	v3 =	vshll.u32 v55, $0x3;
	v1 =	vadd.s32 v52, v1  }
0x4e: {  	[tilespmem:$0x340] =	vst v1;
	v1 =	vadd.s32 v52, v3;
	v3 =	vld [tilespmem:$0xE0]  }
0x4f: {  	[tilespmem:$0x3C0] =	vst v1;
	v1 =	vshll.u32 v57, $0x3  }
0x50: {  	v62 =	vld [tilespmem:$0x70];
	[tilespmem:$0x570] =	vst v63;
	v1 =	vadd.s32 v56, v1;
	v61 =	vshll.u32 v2, $0x3  }
0x51: {  	v60 =	vld [tilespmem:$0x170];
	[tilespmem:$0x350] =	vst v1;
	v1 =	vadd.s32 v56, v61  }
0x52: {  	[tilespmem:$0x3D0] =	vst v1;
	v1 =	vshll.u32 v59, $0x3  }
0x53: {  	[tilespmem:$0x550] =	vst v2;
	v1 =	vadd.s32 v58, v1;
	v2 =	vshll.u32 v3, $0x3  }
0x54: {  	[tilespmem:$0x360] =	vst v1;
	v1 =	vadd.s32 v58, v2  }
0x55: {  	[tilespmem:$0x3E0] =	vst v1;
	v1 =	vshll.u32 v62, $0x3  }
0x56: {  	[tilespmem:$0x560] =	vst v3;
	v2 =	vshll.u32 v63, $0x3;
	v1 =	vadd.s32 v60, v1  }
0x57: {  	[tilespmem:$0x370] =	vst v1;
	v1 =	vadd.s32 v60, v2  }
0x58: {  	[tilespmem:$0x3F0] =	vst v1  }
0x59: {  	[tilespmem:s30], [sflag:$0x3] =	stream.indirect.gather [hbm4b:s7+s22], $0x20, s29, s22, $0xb8;
	[tilespmem:$0xC700] =	vst v63  }
0x5a: {  	_ = 	snop  }
0x5b: {  	[tilespmem:s0], [sflag:$0x3] =	stream.indirect.gather [hbm4b:s8+s22], $0x1, s31, s22, $0xb8;
	[tilespmem:$0xC700] =	vst v63  }
.LBB2_4:
0x5c: {  	p0 =	seq.s32 s21, $0x0  }
0x5d: {  	s23 =	simm.s32 @!p0 $0x6  }
0x5e: {  	p1 =	seq.s32 @!p0 s21, $0x27;
	_ =	swait.ge @!p0 [sflag:s23], $0x1000  }
0x5f: {  	s9 =	sshll.u32 s21, $0x8;
	p1 =	por p0, !p1;
	[sflag:s23] =	ssyncset.done @!p0 $0x0  }
0x60: {  	[sflag:s23] =	ssyncadd.s32 @!p0 $0xFFFFF000;
	s23 =	sadd.s32 @p1 s9, s16  }
0x61: {  	s23 =	sshrl.u32 @p1 s23, $0x3  }
0x62: {  	s24 =	sadd.s32 @p1 s4, s23  }
0x63: {  	[tilespmem:s2], [sflag:$0x1] =	stream.linear.gather @p1 [hbm4b:s24+s2], $0x80, $0x38;
	[tilespmem:$0xC700] =	vst v63  }
0x64: {  	s24 =	sadd.s32 @p1 s5, s23  }
0x65: {  	[tilespmem:s22], [sflag:$0x1] =	stream.linear.gather @p1 [hbm4b:s24+s2], $0x80, $0x38;
	[tilespmem:$0xC700] =	vst v63  }
0x66: {  	s23 =	sadd.s32 @p1 s6, s23;
	s24 =	simm.s32 @p1 $0x100  }
0x67: {  	[tilespmem:s24], [sflag:$0x1] =	stream.linear.gather @p1 [hbm4b:s23+s2], $0x80, $0x38;
	[tilespmem:$0xC700] =	vst v63  }
0x68: {  	_ =	swait.ge [sflag:s3], $0x80  }
0x69: {  	[sflag:s3] =	ssyncset.done $0x0  }
0x6a: {  	[sflag:s3] =	ssyncadd.s32 $0xFFFFFF80  }
0x6b: {  	_ =	swait.ge [sflag:s3], $0x80  }
0x6c: {  	[sflag:s3] =	ssyncset.done $0x0  }
0x6d: {  	[sflag:s3] =	ssyncadd.s32 $0xFFFFFF80  }
0x6e: {  	_ =	swait.ge [sflag:s3], $0x80  }
0x6f: {  	[sflag:s3] =	ssyncset.done $0x0  }
0x70: {  	[sflag:s3] =	ssyncadd.s32 $0xFFFFFF80  }
0x71: {  	v1 =	vld [tilespmem:$0x280]  }
0x72: {  	v2 =	vld [tilespmem:$0x180]  }
0x73: {  	v3 =	vld [tilespmem:$0x200]  }
0x74: {  	v4 =	vld [tilespmem:$0x290]  }
0x75: {  	v5 =	vld [tilespmem:$0x190]  }
0x76: {  	v6 =	vld [tilespmem:$0x210]  }
0x77: {  	v2 =	vshll.u32 v2, $0x3  }
0x78: {  	v9 =	vld [tilespmem:$0x1A0];
	v8 =	vshll.u32 v3, $0x3;
	v2 =	vadd.s32 v1, v2  }
0x79: {  	v7 =	vld [tilespmem:$0x2A0];
	v1 =	vadd.s32 v1, v8;
	[tilespmem:$0x400] =	vst v2  }
0x7a: {  	v2 =	vld [tilespmem:$0x220];
	[tilespmem:$0x480] =	vst v1;
	v1 =	vshll.u32 v5, $0x3  }
0x7b: {  	[tilespmem:$0x580] =	vst v3;
	v3 =	vshll.u32 v6, $0x3;
	v8 =	vld [tilespmem:$0x1B0];
	v1 =	vadd.s32 v4, v1  }
0x7c: {  	v5 =	vld [tilespmem:$0x2B0];
	[tilespmem:$0x410] =	vst v1;
	v1 =	vadd.s32 v4, v3  }
0x7d: {  	v3 =	vld [tilespmem:$0x230];
	[tilespmem:$0x490] =	vst v1;
	v1 =	vshll.u32 v9, $0x3  }
0x7e: {  	[tilespmem:$0x590] =	vst v6;
	v4 =	vld [tilespmem:$0x2C0];
	v1 =	vadd.s32 v7, v1  }
0x7f: {  	v9 =	vld [tilespmem:$0x1C0];
	v6 =	vshll.u32 v2, $0x3;
	[tilespmem:$0x420] =	vst v1  }
0x80: {  	[tilespmem:$0x5A0] =	vst v2;
	v1 =	vadd.s32 v7, v6;
	v6 =	vld [tilespmem:$0x240]  }
0x81: {  	v7 =	vld [tilespmem:$0x2D0];
	[tilespmem:$0x4A0] =	vst v1;
	v1 =	vshll.u32 v8, $0x3  }
0x82: {  	v2 =	vshll.u32 v3, $0x3;
	v8 =	vld [tilespmem:$0x1D0];
	[tilespmem:$0x5B0] =	vst v3;
	v1 =	vadd.s32 v5, v1  }
0x83: {  	[tilespmem:$0x430] =	vst v1;
	v1 =	vadd.s32 v5, v2;
	v2 =	vld [tilespmem:$0x250]  }
0x84: {  	v5 =	vld [tilespmem:$0x2E0];
	[tilespmem:$0x4B0] =	vst v1;
	v1 =	vshll.u32 v9, $0x3  }
0x85: {  	v9 =	vld [tilespmem:$0x1E0];
	v1 =	vadd.s32 v4, v1;
	v3 =	vshll.u32 v6, $0x3;
	[tilespmem:$0x5C0] =	vst v6  }
0x86: {  	[tilespmem:$0x440] =	vst v1;
	v1 =	vadd.s32 v4, v3;
	v3 =	vld [tilespmem:$0x260]  }
0x87: {  	v4 =	vld [tilespmem:$0x2F0];
	[tilespmem:$0x4C0] =	vst v1;
	v1 =	vshll.u32 v8, $0x3  }
0x88: {  	v8 =	vld [tilespmem:$0x1F0];
	v1 =	vadd.s32 v7, v1;
	v6 =	vshll.u32 v2, $0x3;
	[tilespmem:$0x5D0] =	vst v2  }
0x89: {  	[tilespmem:$0x450] =	vst v1;
	v1 =	vadd.s32 v7, v6;
	v6 =	vld [tilespmem:$0x270]  }
0x8a: {  	[tilespmem:$0x4D0] =	vst v1;
	v1 =	vshll.u32 v9, $0x3  }
0x8b: {  	v1 =	vadd.s32 v5, v1;
	v2 =	vshll.u32 v3, $0x3;
	[tilespmem:$0x5E0] =	vst v3  }
0x8c: {  	[tilespmem:$0x460] =	vst v1;
	v1 =	vadd.s32 v5, v2  }
0x8d: {  	[tilespmem:$0x4E0] =	vst v1;
	v1 =	vshll.u32 v8, $0x3  }
0x8e: {  	v1 =	vadd.s32 v4, v1;
	v2 =	vshll.u32 v6, $0x3;
	[tilespmem:$0x5F0] =	vst v6  }
0x8f: {  	[tilespmem:$0x470] =	vst v1;
	v1 =	vadd.s32 v4, v2  }
0x90: {  	[tilespmem:$0x4F0] =	vst v1  }
0x91: {  	[tilespmem:s11], [sflag:$0x4] =	stream.indirect.gather [hbm4b:s7+s22], $0x20, s10, s22, $0xb8;
	[tilespmem:$0xC700] =	vst v63  }
0x92: {  	_ = 	snop  }
0x93: {  	[tilespmem:s13], [sflag:$0x4] =	stream.indirect.gather [hbm4b:s8+s22], $0x1, s12, s22, $0xb8;
	[tilespmem:$0xC700] =	vst v63  }
0x94: {  	_ =	swait.ge [sflag:s14], $0x1000  }
0x95: {  	[sflag:s14] =	ssyncset.done $0x0  }
0x96: {  	[sflag:s14] =	ssyncadd.s32 $0xFFFFF000  }
0x97: {  	_ =	swait.ge [sflag:s14], $0x80  }
0x98: {  	[sflag:s14] =	ssyncset.done $0x0  }
0x99: {  	s23 =	simm.s32 $0x700;
	[sflag:s14] =	ssyncadd.s32 $0xFFFFFF80  }
0x9a: {  	v6 =	vld [tilespmem:s23+$0xFFFFFFA0]  }
0x9b: {  	v4 =	vld [tilespmem:s23+$0xFFFFFFF0]  }
0x9c: {  	v1 =	vld [tilespmem:s23+$0xFFFFFF60]  }
0x9d: {  	v7 =	vld [tilespmem:s23+$0xFFFFFFD0]  }
0x9e: {  	v8 =	vld [tilespmem:s23+$0x80]  }
0x9f: {  	v11 =	vld [tilespmem:s23+$0xFFFFFF10]  }
0xa0: {  	v15 =	vld [tilespmem:s23+$0xE0]  }
0xa1: {  	v10 =	vld [tilespmem:s23+$0xFFFFFF40]  }
0xa2: {  	s26 =	simm.s32 $0x0;
	v2 =	vld [tilespmem:s23+$0xFFFFFF90]  }
0xa3: {  	v3 =	vld [tilespmem:s26+$0x2600]  }
0xa4: {  	v9 =	vld [tilespmem:s23+$0xFFFFFFC0]  }
0xa5: {  	v12 =	vld [tilespmem:s23+$0xFFFFFF00]  }
0xa6: {  	v13 =	vld [tilespmem:s23+$0xD0]  }
0xa7: {  	v22 =	vld [tilespmem:s23+$0xC0]  }
0xa8: {  	v20 =	vld [tilespmem:s23+$0x90];
	v18 =	vbroadcast v3, $0x0;
	v5 =	vbroadcast v3, $0xF  }
0xa9: {  	v21 =	vld [tilespmem:s23+$0xFFFFFF50];
	v19 =	vbroadcast v3, $0x2;
	v17 =	vbroadcast v3, $0xE  }
0xaa: {  	v16 =	vld [tilespmem:s23+$0xB0];
	v14 =	vbroadcast v3, $0xC;
	v24 =	vmul.f32 v18, v12  }
0xab: {  	s25 =	simm.s32 $0x700;
	s24 =	simm.s32 $0x40;
	v12 =	vbroadcast v3, $0xD;
	v23 =	vmul.f32 v10, v19;
	v10 =	vld [tilespmem:s23+$0x60]  }
.LBB2_5:
0xac: {  	p0 =	sne.s32 s24, $0x1C0  }
0xad: {  	[tilespmem:s23+$0xFFFFFF00] =	vst v24;
	v24 =	vld [tilespmem:s23+$0xFFFFFFB0];
	v22 =	vmul.f32 v22, v17;
	v15 =	vmul.f32 v15, v5;
	s25 =	sadd.s32 $0x200, s25;
	s26 =	smov.u32 s24;
	s24 =	sadd.s32 $0x40, s24  }
0xae: {  	[tilespmem:s23+$0xFFFFFF40] =	vst v23;
	v23 =	vbroadcast v3, $0xA;
	v20 =	vmul.f32 v20, v14;
	v25 =	vld [tilespmem:s23+$0xA0]  }
0xaf: {  	v11 =	vmul.f32 v11, v18;
	v18 =	vmul.f32 v21, v19;
	v19 =	vld [tilespmem:s23+$0x70];
	[tilespmem:s23+$0xE0] =	vst v15  }
0xb0: {  	v15 =	vbroadcast v3, $0x5;
	v21 =	vld [tilespmem:s23+$0xFFFFFFE0];
	v16 =	vmul.f32 v16, v12;
	[tilespmem:s23+$0xC0] =	vst v22  }
0xb1: {  	v13 =	vmul.f32 v13, v17;
	[tilespmem:s23+$0xFFFFFF10] =	vst v11;
	v11 =	vbroadcast v3, $0x6;
	v22 =	vld [tilespmem:s23+$0x40]  }
0xb2: {  	v26 =	vbroadcast v3, $0xB;
	v6 =	vmul.f32 v6, v15;
	v17 =	vld [tilespmem:s23+$0xFFFFFF20];
	[tilespmem:s23+$0x90] =	vst v20  }
0xb3: {  	v20 =	vbroadcast v3, $0x9;
	[tilespmem:s23+$0xFFFFFF50] =	vst v18;
	v18 =	vld [tilespmem:s23+$0x20];
	v12 =	vmul.f32 v25, v12  }
0xb4: {  	v15 =	vmul.f32 v24, v15;
	v24 =	vld [tilespmem:s23+$0x50];
	v19 =	vmul.f32 v19, v26;
	[tilespmem:s23+$0xD0] =	vst v13  }
0xb5: {  	v8 =	vmul.f32 v8, v14;
	v13 =	vbroadcast v3, $0x7;
	v25 =	vld [tilespmem:s23+$0x30];
	[tilespmem:s23+$0xA0] =	vst v12  }
0xb6: {  	v9 =	vmul.f32 v9, v11;
	v12 =	vbroadcast v3, $0x3;
	v14 =	vld [tilespmem:s23+$0x0];
	[tilespmem:s23+$0x70] =	vst v19  }
0xb7: {  	v10 =	vmul.f32 v10, v26;
	v7 =	vmul.f32 v7, v11;
	v11 =	vld [tilespmem:s23+$0x10];
	[tilespmem:s23+$0x80] =	vst v8  }
0xb8: {  	v19 =	vbroadcast v3, $0x8;
	v22 =	vmul.f32 v22, v23;
	v8 =	vld [tilespmem:s23+$0xFFFFFF30];
	[tilespmem:s23+$0xB0] =	vst v16  }
0xb9: {  	v16 =	vbroadcast v3, $0x1;
	v26 =	vld [tilespmem:s23+$0xFFFFFF70];
	[tilespmem:s23+$0xFFFFFFD0] =	vst v7;
	v23 =	vmul.f32 v24, v23  }
0xba: {  	v4 =	vmul.f32 v4, v13;
	v7 =	vmul.f32 v21, v13;
	[tilespmem:s23+$0xFFFFFFC0] =	vst v9;
	v9 =	vld [tilespmem:s23+$0xF0]  }
0xbb: {  	v21 =	vmul.f32 v25, v20;
	v13 =	vld [tilespmem:s23+$0xFFFFFF80];
	[tilespmem:s23+$0xFFFFFFA0] =	vst v6;
	v14 =	vmul.f32 v14, v19  }
0xbc: {  	v6 =	vld [tilespmem:s25+$0xFFFFFFA0];
	[tilespmem:s23+$0xFFFFFFF0] =	vst v4;
	v19 =	vmul.f32 v11, v19;
	v11 =	vmul.f32 v18, v20  }
0xbd: {  	v4 =	vmul.f32 v17, v16;
	v16 =	vmul.f32 v8, v16;
	[tilespmem:s23+$0x60] =	vst v10  }
0xbe: {  	v1 =	vmul.f32 v1, v12;
	v8 =	vmul.f32 v26, v12;
	[tilespmem:s23+$0xFFFFFFB0] =	vst v15  }
0xbf: {  	v3 =	vbroadcast v3, $0x4;
	[tilespmem:s23+$0xFFFFFF20] =	vst v4;
	v4 =	vmul.f32 v9, v5  }
0xc0: {  	[tilespmem:s23+$0xFFFFFF60] =	vst v1  }
0xc1: {  	v5 =	vmul.f32 v13, v3;
	v1 =	vmul.f32 v2, v3;
	[tilespmem:s23+$0x40] =	vst v22  }
0xc2: {  	[tilespmem:s23+$0xFFFFFFE0] =	vst v7  }
0xc3: {  	[tilespmem:s23+$0xF0] =	vst v4  }
0xc4: {  	[tilespmem:s23+$0xFFFFFF90] =	vst v1  }
0xc5: {  	v4 =	vld [tilespmem:s25+$0xFFFFFFF0];
	[tilespmem:s23+$0xFFFFFF70] =	vst v8  }
0xc6: {  	v1 =	vld [tilespmem:s25+$0xFFFFFF60];
	[tilespmem:s23+$0x20] =	vst v11  }
0xc7: {  	v7 =	vld [tilespmem:s25+$0xFFFFFFD0];
	[tilespmem:s23+$0x30] =	vst v21  }
0xc8: {  	v8 =	vld [tilespmem:s25+$0x80];
	[tilespmem:s23+$0xFFFFFF80] =	vst v5  }
0xc9: {  	v11 =	vld [tilespmem:s25+$0xFFFFFF10];
	[tilespmem:s23+$0x50] =	vst v23  }
0xca: {  	v15 =	vld [tilespmem:s25+$0xE0];
	[tilespmem:s23+$0x0] =	vst v14  }
0xcb: {  	v10 =	vld [tilespmem:s25+$0xFFFFFF40];
	[tilespmem:s23+$0xFFFFFF30] =	vst v16  }
0xcc: {  	s26 =	sshra.s32 s26, $0x2;
	v2 =	vld [tilespmem:s25+$0xFFFFFF90];
	[tilespmem:s23+$0x10] =	vst v19;
	s23 =	smov.u32 s25  }
0xcd: {  	v3 =	vld [tilespmem:s26+$0x2600]  }
0xce: {  	v9 =	vld [tilespmem:s25+$0xFFFFFFC0]  }
0xcf: {  	v12 =	vld [tilespmem:s25+$0xFFFFFF00]  }
0xd0: {  	v13 =	vld [tilespmem:s25+$0xD0]  }
.Ltmp1:
0xd1: {  	v22 =	vld [tilespmem:s25+$0xC0];
	(pc) =	sbr.rel @p0 .LBB2_5-.Ltmp1, $4  }
0xd2: {  	v18 =	vbroadcast v3, $0x0;
	v20 =	vld [tilespmem:s25+$0x90];
	v5 =	vbroadcast v3, $0xF  }
0xd3: {  	v19 =	vbroadcast v3, $0x2;
	v17 =	vbroadcast v3, $0xE;
	v21 =	vld [tilespmem:s25+$0xFFFFFF50]  }
0xd4: {  	v24 =	vmul.f32 v18, v12;
	v12 =	vbroadcast v3, $0xD;
	v16 =	vld [tilespmem:s25+$0xB0]  }
0xd5: {  	v14 =	vbroadcast v3, $0xC;
	v23 =	vmul.f32 v10, v19;
	v10 =	vld [tilespmem:s25+$0x60]  }
0xd6: {  	[tilespmem:s23+$0xFFFFFF00] =	vst v24;
	v15 =	vmul.f32 v15, v5  }
0xd7: {  	v22 =	vmul.f32 v22, v17;
	[tilespmem:s23+$0xFFFFFF40] =	vst v23  }
0xd8: {  	v11 =	vmul.f32 v11, v18;
	[tilespmem:s23+$0xE0] =	vst v15  }
0xd9: {  	v35 =	vmul.f32 v13, v17;
	[tilespmem:s23+$0xC0] =	vst v22  }
0xda: {  	v33 =	vmul.f32 v20, v14;
	[tilespmem:s23+$0xFFFFFF10] =	vst v11  }
0xdb: {  	v41 =	vbroadcast v3, $0x6;
	v8 =	vmul.f32 v8, v14;
	[tilespmem:s23+$0xD0] =	vst v35  }
0xdc: {  	v19 =	vmul.f32 v21, v19;
	[tilespmem:s23+$0x90] =	vst v33  }
0xdd: {  	v45 =	vbroadcast v3, $0x5;
	v7 =	vmul.f32 v7, v41;
	[tilespmem:s23+$0x80] =	vst v8  }
0xde: {  	v47 =	vbroadcast v3, $0x7;
	v9 =	vmul.f32 v9, v41;
	[tilespmem:s23+$0xFFFFFF50] =	vst v19  }
0xdf: {  	v54 =	vbroadcast v3, $0x3;
	v6 =	vmul.f32 v6, v45;
	[tilespmem:s23+$0xFFFFFFD0] =	vst v7  }
0xe0: {  	v31 =	vld [tilespmem:s23+$0xA0];
	v59 =	vbroadcast v3, $0x4;
	v4 =	vmul.f32 v4, v47;
	[tilespmem:s23+$0xFFFFFFC0] =	vst v9  }
0xe1: {  	v32 =	vld [tilespmem:s23+$0x70];
	v1 =	vmul.f32 v1, v54;
	[tilespmem:s23+$0xFFFFFFA0] =	vst v6  }
0xe2: {  	v34 =	vld [tilespmem:s23+$0xFFFFFFB0];
	v37 =	vbroadcast v3, $0xB;
	v2 =	vmul.f32 v2, v59;
	[tilespmem:s23+$0xFFFFFFF0] =	vst v4  }
0xe3: {  	v36 =	vld [tilespmem:s23+$0xFFFFFF20];
	v43 =	vmul.f32 v16, v12;
	[tilespmem:s23+$0xFFFFFF60] =	vst v1  }
0xe4: {  	v40 =	vld [tilespmem:s23+$0x40];
	v10 =	vmul.f32 v10, v37;
	[tilespmem:s23+$0xFFFFFF90] =	vst v2  }
0xe5: {  	v38 =	vld [tilespmem:s23+$0xFFFFFFE0];
	v39 =	vmul.f32 v31, v12;
	[tilespmem:s23+$0xB0] =	vst v43  }
0xe6: {  	v52 =	vbroadcast v3, $0x1;
	v55 =	vld [tilespmem:s23+$0xF0];
	v18 =	vmul.f32 v32, v37;
	[tilespmem:s23+$0x60] =	vst v10  }
0xe7: {  	v49 =	vld [tilespmem:s23+$0xFFFFFF70];
	v56 =	vbroadcast v3, $0xA;
	v53 =	vmul.f32 v34, v45;
	[tilespmem:s23+$0xA0] =	vst v39  }
0xe8: {  	v46 =	vld [tilespmem:s23+$0x30];
	v13 =	vmul.f32 v36, v52;
	[tilespmem:s23+$0x70] =	vst v18  }
0xe9: {  	v50 =	vld [tilespmem:s23+$0xFFFFFF80];
	v58 =	vmul.f32 v40, v56;
	[tilespmem:s23+$0xFFFFFFB0] =	vst v53  }
0xea: {  	v44 =	vld [tilespmem:s23+$0x20];
	v8 =	vmul.f32 v38, v47;
	[tilespmem:s23+$0xFFFFFF20] =	vst v13  }
0xeb: {  	v57 =	vld [tilespmem:s23+$0xFFFFFF30];
	v60 =	vbroadcast v3, $0x9;
	v1 =	vmul.f32 v55, v5;
	[tilespmem:s23+$0x40] =	vst v58  }
0xec: {  	v42 =	vld [tilespmem:s23+$0x50];
	v61 =	vmul.f32 v49, v54;
	[tilespmem:s23+$0xFFFFFFE0] =	vst v8  }
0xed: {  	v48 =	vld [tilespmem:s23+$0x0];
	v2 =	vmul.f32 v46, v60;
	[tilespmem:s23+$0xF0] =	vst v1  }
0xee: {  	v51 =	vld [tilespmem:s23+$0x10];
	v62 =	vmul.f32 v50, v59;
	[tilespmem:s23+$0xFFFFFF70] =	vst v61  }
0xef: {  	v1 =	vmul.f32 v44, v60;
	[tilespmem:s23+$0x30] =	vst v2  }
0xf0: {  	v3 =	vbroadcast v3, $0x8;
	v63 =	vmul.f32 v57, v52;
	[tilespmem:s23+$0xFFFFFF80] =	vst v62  }
0xf1: {  	p0 =	seq.s32 s21, $0x27;
	[tilespmem:s23+$0x20] =	vst v1;
	v1 =	vmul.f32 v42, v56  }
.Ltmp2:
0xf2: {  	v2 =	vmul.f32 v48, v3;
	[tilespmem:s23+$0xFFFFFF30] =	vst v63;
	(pc) =	sbr.rel @p0 .LBB2_8-.Ltmp2, $4  }
0xf3: {  	[tilespmem:s23+$0x50] =	vst v1;
	v1 =	vmul.f32 v51, v3  }
0xf4: {  	[tilespmem:s23+$0x0] =	vst v2  }
0xf5: {  	[tilespmem:s23+$0x10] =	vst v1  }
0xf6: {  	[spmem:s1] =	stream.indirect.scatter.add.f32 [tilespmem:s30], [sflag:$0x5], $0x20, s15, s22, $0xb8;
	[tilespmem:$0xC700] =	vst v63  }
0xf7: {  	s9 =	sadd.s32 s9, s17  }
0xf8: {  	s9 =	sshrl.u32 s9, $0x3  }
0xf9: {  	s24 =	simm.s32 $0x180;
	s23 =	sadd.s32 s4, s9  }
0xfa: {  	[tilespmem:s24], [sflag:$0x2] =	stream.linear.gather [hbm4b:s23+s2], $0x80, $0x38;
	[tilespmem:$0xC700] =	vst v63  }
0xfb: {  	s25 =	simm.s32 $0x200;
	s24 =	sadd.s32 s5, s9  }
0xfc: {  	[tilespmem:s25], [sflag:$0x2] =	stream.linear.gather [hbm4b:s24+s2], $0x80, $0x38;
	[tilespmem:$0xC700] =	vst v63  }
0xfd: {  	s26 =	simm.s32 $0x280;
	s9 =	sadd.s32 s6, s9  }
0xfe: {  	[tilespmem:s26], [sflag:$0x2] =	stream.linear.gather [hbm4b:s9+s2], $0x80, $0x38;
	[tilespmem:$0xC700] =	vst v63  }
0xff: {  	_ =	swait.ge [sflag:s28], $0x80  }
0x100: {  	[sflag:s28] =	ssyncset.done $0x0  }
0x101: {  	[sflag:s28] =	ssyncadd.s32 $0xFFFFFF80  }
0x102: {  	_ =	swait.ge [sflag:s28], $0x80  }
0x103: {  	[sflag:s28] =	ssyncset.done $0x0  }
0x104: {  	[sflag:s28] =	ssyncadd.s32 $0xFFFFFF80  }
0x105: {  	_ =	swait.ge [sflag:s28], $0x80  }
0x106: {  	[sflag:s28] =	ssyncset.done $0x0  }
0x107: {  	[sflag:s28] =	ssyncadd.s32 $0xFFFFFF80  }
0x108: {  	_ =	swait.ge [sflag:s20], $0x1000  }
0x109: {  	[sflag:s20] =	ssyncset.done $0x0  }
0x10a: {  	[sflag:s20] =	ssyncadd.s32 $0xFFFFF000  }
0x10b: {  	v1 =	vld [tilespmem:$0x100]  }
0x10c: {  	v2 =	vld [tilespmem:$0x0]  }
0x10d: {  	v3 =	vld [tilespmem:$0x80]  }
0x10e: {  	v4 =	vld [tilespmem:$0x110]  }
0x10f: {  	v5 =	vld [tilespmem:$0x10]  }
0x110: {  	v6 =	vld [tilespmem:$0x90]  }
0x111: {  	v7 =	vld [tilespmem:$0x120]  }
0x112: {  	v9 =	vld [tilespmem:$0x20];
	v2 =	vshll.u32 v2, $0x3  }
0x113: {  	v55 =	vld [tilespmem:$0xC0];
	v8 =	vshll.u32 v3, $0x3;
	[tilespmem:$0x500] =	vst v3;
	v2 =	vadd.s32 v1, v2  }
0x114: {  	v1 =	vadd.s32 v1, v8;
	[tilespmem:$0x300] =	vst v2;
	v2 =	vld [tilespmem:$0xA0]  }
0x115: {  	v50 =	vld [tilespmem:$0x130];
	[tilespmem:$0x380] =	vst v1;
	v1 =	vshll.u32 v5, $0x3  }
0x116: {  	v51 =	vld [tilespmem:$0x30];
	v3 =	vshll.u32 v6, $0x3;
	[tilespmem:$0x510] =	vst v6;
	v1 =	vadd.s32 v4, v1  }
0x117: {  	[tilespmem:$0x310] =	vst v1;
	v1 =	vadd.s32 v4, v3;
	v3 =	vld [tilespmem:$0xB0]  }
0x118: {  	v52 =	vld [tilespmem:$0x140];
	[tilespmem:$0x390] =	vst v1;
	v1 =	vshll.u32 v9, $0x3  }
0x119: {  	v54 =	vld [tilespmem:$0x40];
	[tilespmem:$0x540] =	vst v55;
	v1 =	vadd.s32 v7, v1;
	v53 =	vshll.u32 v2, $0x3  }
0x11a: {  	v56 =	vld [tilespmem:$0x150];
	[tilespmem:$0x320] =	vst v1;
	v1 =	vadd.s32 v7, v53  }
0x11b: {  	v57 =	vld [tilespmem:$0x50];
	[tilespmem:$0x3A0] =	vst v1;
	v1 =	vshll.u32 v51, $0x3  }
0x11c: {  	v63 =	vld [tilespmem:$0xF0];
	[tilespmem:$0x520] =	vst v2;
	v2 =	vshll.u32 v3, $0x3;
	v1 =	vadd.s32 v50, v1  }
0x11d: {  	[tilespmem:$0x330] =	vst v1;
	v1 =	vadd.s32 v50, v2;
	v2 =	vld [tilespmem:$0xD0]  }
0x11e: {  	v58 =	vld [tilespmem:$0x160];
	[tilespmem:$0x3B0] =	vst v1;
	v1 =	vshll.u32 v54, $0x3  }
0x11f: {  	v59 =	vld [tilespmem:$0x60];
	[tilespmem:$0x530] =	vst v3;
	v3 =	vshll.u32 v55, $0x3;
	v1 =	vadd.s32 v52, v1  }
0x120: {  	[tilespmem:$0x340] =	vst v1;
	v1 =	vadd.s32 v52, v3;
	v3 =	vld [tilespmem:$0xE0]  }
0x121: {  	[tilespmem:$0x3C0] =	vst v1;
	v1 =	vshll.u32 v57, $0x3  }
0x122: {  	v62 =	vld [tilespmem:$0x70];
	[tilespmem:$0x570] =	vst v63;
	v1 =	vadd.s32 v56, v1;
	v61 =	vshll.u32 v2, $0x3  }
0x123: {  	v60 =	vld [tilespmem:$0x170];
	[tilespmem:$0x350] =	vst v1;
	v1 =	vadd.s32 v56, v61  }
0x124: {  	[tilespmem:$0x3D0] =	vst v1;
	v1 =	vshll.u32 v59, $0x3  }
0x125: {  	[tilespmem:$0x550] =	vst v2;
	v1 =	vadd.s32 v58, v1;
	v2 =	vshll.u32 v3, $0x3  }
0x126: {  	[tilespmem:$0x360] =	vst v1;
	v1 =	vadd.s32 v58, v2  }
0x127: {  	[tilespmem:$0x3E0] =	vst v1;
	v1 =	vshll.u32 v62, $0x3  }
0x128: {  	[tilespmem:$0x560] =	vst v3;
	v2 =	vshll.u32 v63, $0x3;
	v1 =	vadd.s32 v60, v1  }
0x129: {  	[tilespmem:$0x370] =	vst v1;
	v1 =	vadd.s32 v60, v2  }
0x12a: {  	[tilespmem:$0x3F0] =	vst v1  }
0x12b: {  	[tilespmem:s30], [sflag:$0x3] =	stream.indirect.gather [hbm4b:s7+s22], $0x20, s29, s22, $0xb8;
	[tilespmem:$0xC700] =	vst v63  }
0x12c: {  	_ = 	snop  }
0x12d: {  	[tilespmem:s0], [sflag:$0x3] =	stream.indirect.gather [hbm4b:s8+s22], $0x1, s31, s22, $0xb8;
	[tilespmem:$0xC700] =	vst v63  }
.LBB2_8:
0x12e: {  	_ =	swait.ge [sflag:s18], $0x1000  }
0x12f: {  	[sflag:s18] =	ssyncset.done $0x0  }
0x130: {  	[sflag:s18] =	ssyncadd.s32 $0xFFFFF000  }
0x131: {  	_ =	swait.ge [sflag:s18], $0x80  }
0x132: {  	[sflag:s18] =	ssyncset.done $0x0  }
0x133: {  	s9 =	simm.s32 $0x1700;
	[sflag:s18] =	ssyncadd.s32 $0xFFFFFF80  }
0x134: {  	v6 =	vld [tilespmem:s9+$0xFFFFFFA0]  }
0x135: {  	v4 =	vld [tilespmem:s9+$0xFFFFFFF0]  }
0x136: {  	v1 =	vld [tilespmem:s9+$0xFFFFFF60]  }
0x137: {  	v7 =	vld [tilespmem:s9+$0xFFFFFFD0]  }
0x138: {  	v8 =	vld [tilespmem:s9+$0x80]  }
0x139: {  	v11 =	vld [tilespmem:s9+$0xFFFFFF10]  }
0x13a: {  	v15 =	vld [tilespmem:s9+$0xE0]  }
0x13b: {  	v10 =	vld [tilespmem:s9+$0xFFFFFF40]  }
0x13c: {  	s23 =	simm.s32 $0x0;
	v2 =	vld [tilespmem:s9+$0xFFFFFF90]  }
0x13d: {  	v3 =	vld [tilespmem:s23+$0x2680]  }
0x13e: {  	v9 =	vld [tilespmem:s9+$0xFFFFFFC0]  }
0x13f: {  	v12 =	vld [tilespmem:s9+$0xFFFFFF00]  }
0x140: {  	v13 =	vld [tilespmem:s9+$0xD0]  }
0x141: {  	v22 =	vld [tilespmem:s9+$0xC0]  }
0x142: {  	v20 =	vld [tilespmem:s9+$0x90];
	v18 =	vbroadcast v3, $0x0;
	v5 =	vbroadcast v3, $0xF  }
0x143: {  	v21 =	vld [tilespmem:s9+$0xFFFFFF50];
	v19 =	vbroadcast v3, $0x2;
	v17 =	vbroadcast v3, $0xE  }
0x144: {  	v16 =	vld [tilespmem:s9+$0xB0];
	v14 =	vbroadcast v3, $0xC;
	v24 =	vmul.f32 v18, v12  }
0x145: {  	s24 =	simm.s32 $0x1700;
	s23 =	simm.s32 $0x40;
	v12 =	vbroadcast v3, $0xD;
	v23 =	vmul.f32 v10, v19;
	v10 =	vld [tilespmem:s9+$0x60]  }
.LBB2_9:
0x146: {  	p0 =	sne.s32 s23, $0x1C0  }
0x147: {  	[tilespmem:s9+$0xFFFFFF00] =	vst v24;
	v24 =	vld [tilespmem:s9+$0xFFFFFFB0];
	v22 =	vmul.f32 v22, v17;
	v15 =	vmul.f32 v15, v5;
	s24 =	sadd.s32 $0x200, s24;
	s25 =	smov.u32 s23;
	s23 =	sadd.s32 $0x40, s23  }
0x148: {  	[tilespmem:s9+$0xFFFFFF40] =	vst v23;
	v23 =	vbroadcast v3, $0xA;
	v20 =	vmul.f32 v20, v14;
	v25 =	vld [tilespmem:s9+$0xA0]  }
0x149: {  	v11 =	vmul.f32 v11, v18;
	v18 =	vmul.f32 v21, v19;
	v19 =	vld [tilespmem:s9+$0x70];
	[tilespmem:s9+$0xE0] =	vst v15  }
0x14a: {  	v15 =	vbroadcast v3, $0x5;
	v21 =	vld [tilespmem:s9+$0xFFFFFFE0];
	v16 =	vmul.f32 v16, v12;
	[tilespmem:s9+$0xC0] =	vst v22  }
0x14b: {  	v13 =	vmul.f32 v13, v17;
	[tilespmem:s9+$0xFFFFFF10] =	vst v11;
	v11 =	vbroadcast v3, $0x6;
	v22 =	vld [tilespmem:s9+$0x40]  }
0x14c: {  	v26 =	vbroadcast v3, $0xB;
	v6 =	vmul.f32 v6, v15;
	v17 =	vld [tilespmem:s9+$0xFFFFFF20];
	[tilespmem:s9+$0x90] =	vst v20  }
0x14d: {  	v20 =	vbroadcast v3, $0x9;
	[tilespmem:s9+$0xFFFFFF50] =	vst v18;
	v18 =	vld [tilespmem:s9+$0x20];
	v12 =	vmul.f32 v25, v12  }
0x14e: {  	v15 =	vmul.f32 v24, v15;
	v24 =	vld [tilespmem:s9+$0x50];
	v19 =	vmul.f32 v19, v26;
	[tilespmem:s9+$0xD0] =	vst v13  }
0x14f: {  	v8 =	vmul.f32 v8, v14;
	v13 =	vbroadcast v3, $0x7;
	v25 =	vld [tilespmem:s9+$0x30];
	[tilespmem:s9+$0xA0] =	vst v12  }
0x150: {  	v9 =	vmul.f32 v9, v11;
	v12 =	vbroadcast v3, $0x3;
	v14 =	vld [tilespmem:s9+$0x0];
	[tilespmem:s9+$0x70] =	vst v19  }
0x151: {  	v10 =	vmul.f32 v10, v26;
	v7 =	vmul.f32 v7, v11;
	v11 =	vld [tilespmem:s9+$0x10];
	[tilespmem:s9+$0x80] =	vst v8  }
0x152: {  	v19 =	vbroadcast v3, $0x8;
	v22 =	vmul.f32 v22, v23;
	v8 =	vld [tilespmem:s9+$0xFFFFFF30];
	[tilespmem:s9+$0xB0] =	vst v16  }
0x153: {  	v16 =	vbroadcast v3, $0x1;
	v26 =	vld [tilespmem:s9+$0xFFFFFF70];
	[tilespmem:s9+$0xFFFFFFD0] =	vst v7;
	v23 =	vmul.f32 v24, v23  }
0x154: {  	v4 =	vmul.f32 v4, v13;
	v7 =	vmul.f32 v21, v13;
	[tilespmem:s9+$0xFFFFFFC0] =	vst v9;
	v9 =	vld [tilespmem:s9+$0xF0]  }
0x155: {  	v21 =	vmul.f32 v25, v20;
	v13 =	vld [tilespmem:s9+$0xFFFFFF80];
	[tilespmem:s9+$0xFFFFFFA0] =	vst v6;
	v14 =	vmul.f32 v14, v19  }
0x156: {  	v6 =	vld [tilespmem:s24+$0xFFFFFFA0];
	[tilespmem:s9+$0xFFFFFFF0] =	vst v4;
	v19 =	vmul.f32 v11, v19;
	v11 =	vmul.f32 v18, v20  }
0x157: {  	v4 =	vmul.f32 v17, v16;
	v16 =	vmul.f32 v8, v16;
	[tilespmem:s9+$0x60] =	vst v10  }
0x158: {  	v1 =	vmul.f32 v1, v12;
	v8 =	vmul.f32 v26, v12;
	[tilespmem:s9+$0xFFFFFFB0] =	vst v15  }
0x159: {  	v3 =	vbroadcast v3, $0x4;
	[tilespmem:s9+$0xFFFFFF20] =	vst v4;
	v4 =	vmul.f32 v9, v5  }
0x15a: {  	[tilespmem:s9+$0xFFFFFF60] =	vst v1  }
0x15b: {  	v5 =	vmul.f32 v13, v3;
	v1 =	vmul.f32 v2, v3;
	[tilespmem:s9+$0x40] =	vst v22  }
0x15c: {  	[tilespmem:s9+$0xFFFFFFE0] =	vst v7  }
0x15d: {  	[tilespmem:s9+$0xF0] =	vst v4  }
0x15e: {  	[tilespmem:s9+$0xFFFFFF90] =	vst v1  }
0x15f: {  	v4 =	vld [tilespmem:s24+$0xFFFFFFF0];
	[tilespmem:s9+$0xFFFFFF70] =	vst v8  }
0x160: {  	v1 =	vld [tilespmem:s24+$0xFFFFFF60];
	[tilespmem:s9+$0x20] =	vst v11  }
0x161: {  	v7 =	vld [tilespmem:s24+$0xFFFFFFD0];
	[tilespmem:s9+$0x30] =	vst v21  }
0x162: {  	v8 =	vld [tilespmem:s24+$0x80];
	[tilespmem:s9+$0xFFFFFF80] =	vst v5  }
0x163: {  	v11 =	vld [tilespmem:s24+$0xFFFFFF10];
	[tilespmem:s9+$0x50] =	vst v23  }
0x164: {  	v15 =	vld [tilespmem:s24+$0xE0];
	[tilespmem:s9+$0x0] =	vst v14  }
0x165: {  	v10 =	vld [tilespmem:s24+$0xFFFFFF40];
	[tilespmem:s9+$0xFFFFFF30] =	vst v16  }
0x166: {  	s25 =	sshra.s32 s25, $0x2;
	v2 =	vld [tilespmem:s24+$0xFFFFFF90];
	[tilespmem:s9+$0x10] =	vst v19;
	s9 =	smov.u32 s24  }
0x167: {  	v3 =	vld [tilespmem:s25+$0x2680]  }
0x168: {  	v9 =	vld [tilespmem:s24+$0xFFFFFFC0]  }
0x169: {  	v12 =	vld [tilespmem:s24+$0xFFFFFF00]  }
0x16a: {  	v13 =	vld [tilespmem:s24+$0xD0]  }
.Ltmp3:
0x16b: {  	v22 =	vld [tilespmem:s24+$0xC0];
	(pc) =	sbr.rel @p0 .LBB2_9-.Ltmp3, $4  }
0x16c: {  	v18 =	vbroadcast v3, $0x0;
	v20 =	vld [tilespmem:s24+$0x90];
	v5 =	vbroadcast v3, $0xF  }
0x16d: {  	v19 =	vbroadcast v3, $0x2;
	v17 =	vbroadcast v3, $0xE;
	v21 =	vld [tilespmem:s24+$0xFFFFFF50]  }
0x16e: {  	v24 =	vmul.f32 v18, v12;
	v12 =	vbroadcast v3, $0xD;
	v16 =	vld [tilespmem:s24+$0xB0]  }
0x16f: {  	v14 =	vbroadcast v3, $0xC;
	v23 =	vmul.f32 v10, v19;
	v10 =	vld [tilespmem:s24+$0x60]  }
0x170: {  	[tilespmem:s9+$0xFFFFFF00] =	vst v24;
	v15 =	vmul.f32 v15, v5  }
0x171: {  	v22 =	vmul.f32 v22, v17;
	[tilespmem:s9+$0xFFFFFF40] =	vst v23  }
0x172: {  	v11 =	vmul.f32 v11, v18;
	[tilespmem:s9+$0xE0] =	vst v15  }
0x173: {  	v35 =	vmul.f32 v13, v17;
	[tilespmem:s9+$0xC0] =	vst v22  }
0x174: {  	v33 =	vmul.f32 v20, v14;
	[tilespmem:s9+$0xFFFFFF10] =	vst v11  }
0x175: {  	v41 =	vbroadcast v3, $0x6;
	v8 =	vmul.f32 v8, v14;
	[tilespmem:s9+$0xD0] =	vst v35  }
0x176: {  	v19 =	vmul.f32 v21, v19;
	[tilespmem:s9+$0x90] =	vst v33  }
0x177: {  	v45 =	vbroadcast v3, $0x5;
	v7 =	vmul.f32 v7, v41;
	[tilespmem:s9+$0x80] =	vst v8  }
0x178: {  	v47 =	vbroadcast v3, $0x7;
	v9 =	vmul.f32 v9, v41;
	[tilespmem:s9+$0xFFFFFF50] =	vst v19  }
0x179: {  	v54 =	vbroadcast v3, $0x3;
	v6 =	vmul.f32 v6, v45;
	[tilespmem:s9+$0xFFFFFFD0] =	vst v7  }
0x17a: {  	v31 =	vld [tilespmem:s9+$0xA0];
	v59 =	vbroadcast v3, $0x4;
	v4 =	vmul.f32 v4, v47;
	[tilespmem:s9+$0xFFFFFFC0] =	vst v9  }
0x17b: {  	v32 =	vld [tilespmem:s9+$0x70];
	v1 =	vmul.f32 v1, v54;
	[tilespmem:s9+$0xFFFFFFA0] =	vst v6  }
0x17c: {  	v34 =	vld [tilespmem:s9+$0xFFFFFFB0];
	v37 =	vbroadcast v3, $0xB;
	v2 =	vmul.f32 v2, v59;
	[tilespmem:s9+$0xFFFFFFF0] =	vst v4  }
0x17d: {  	v36 =	vld [tilespmem:s9+$0xFFFFFF20];
	v43 =	vmul.f32 v16, v12;
	[tilespmem:s9+$0xFFFFFF60] =	vst v1  }
0x17e: {  	v40 =	vld [tilespmem:s9+$0x40];
	v10 =	vmul.f32 v10, v37;
	[tilespmem:s9+$0xFFFFFF90] =	vst v2  }
0x17f: {  	v38 =	vld [tilespmem:s9+$0xFFFFFFE0];
	v39 =	vmul.f32 v31, v12;
	[tilespmem:s9+$0xB0] =	vst v43  }
0x180: {  	v52 =	vbroadcast v3, $0x1;
	v55 =	vld [tilespmem:s9+$0xF0];
	v18 =	vmul.f32 v32, v37;
	[tilespmem:s9+$0x60] =	vst v10  }
0x181: {  	v49 =	vld [tilespmem:s9+$0xFFFFFF70];
	v56 =	vbroadcast v3, $0xA;
	v53 =	vmul.f32 v34, v45;
	[tilespmem:s9+$0xA0] =	vst v39  }
0x182: {  	v46 =	vld [tilespmem:s9+$0x30];
	v13 =	vmul.f32 v36, v52;
	[tilespmem:s9+$0x70] =	vst v18  }
0x183: {  	v50 =	vld [tilespmem:s9+$0xFFFFFF80];
	v58 =	vmul.f32 v40, v56;
	[tilespmem:s9+$0xFFFFFFB0] =	vst v53  }
0x184: {  	v44 =	vld [tilespmem:s9+$0x20];
	v8 =	vmul.f32 v38, v47;
	[tilespmem:s9+$0xFFFFFF20] =	vst v13  }
0x185: {  	v57 =	vld [tilespmem:s9+$0xFFFFFF30];
	v60 =	vbroadcast v3, $0x9;
	v1 =	vmul.f32 v55, v5;
	[tilespmem:s9+$0x40] =	vst v58  }
0x186: {  	v42 =	vld [tilespmem:s9+$0x50];
	v61 =	vmul.f32 v49, v54;
	[tilespmem:s9+$0xFFFFFFE0] =	vst v8  }
0x187: {  	v48 =	vld [tilespmem:s9+$0x0];
	v2 =	vmul.f32 v46, v60;
	[tilespmem:s9+$0xF0] =	vst v1  }
0x188: {  	v51 =	vld [tilespmem:s9+$0x10];
	v62 =	vmul.f32 v50, v59;
	[tilespmem:s9+$0xFFFFFF70] =	vst v61  }
0x189: {  	v1 =	vmul.f32 v44, v60;
	[tilespmem:s9+$0x30] =	vst v2  }
0x18a: {  	v3 =	vbroadcast v3, $0x8;
	s21 =	sadd.s32 $0x1, s21;
	v63 =	vmul.f32 v57, v52;
	[tilespmem:s9+$0xFFFFFF80] =	vst v62  }
0x18b: {  	p0 =	sne.s32 s21, $0x28;
	[tilespmem:s9+$0x20] =	vst v1;
	v1 =	vmul.f32 v42, v56  }
.Ltmp4:
0x18c: {  	v2 =	vmul.f32 v48, v3;
	[tilespmem:s9+$0xFFFFFF30] =	vst v63;
	(pc) =	sbr.rel @p0 .LBB2_4-.Ltmp4, $4  }
0x18d: {  	[tilespmem:s9+$0x50] =	vst v1;
	v1 =	vmul.f32 v51, v3  }
0x18e: {  	[tilespmem:s9+$0x0] =	vst v2  }
0x18f: {  	[tilespmem:s9+$0x10] =	vst v1  }
0x190: {  	[spmem:s1] =	stream.indirect.scatter.add.f32 [tilespmem:s11], [sflag:$0x6], $0x20, s19, s22, $0xb8;
	[tilespmem:$0xC700] =	vst v63  }
0x191: {  	_ =	swait.ge [sflag:s20], $0x1000  }
0x192: {  	[sflag:s20] =	ssyncset.done $0x0  }
0x193: {  	s9 =	simm.s32 $0x6;
	[sflag:s20] =	ssyncadd.s32 $0xFFFFF000  }
0x194: {  	_ =	swait.ge [sflag:s9], $0x1000  }
0x195: {  	[sflag:s9] =	ssyncset.done $0x0  }
0x196: {  	[sflag:s9] =	ssyncadd.s32 $0xFFFFF000  }
0x197: {  	[bflag:$0x0] =	sbarrier.arrive $0xFFFF  }
0x198: {  	s25 =	simm.s32 $0x2700;
	s21 =	simm.s32 $0x7;
	s24 =	rddreg [dreg:$0x3]  }
0x199: {  	[tilespmem:s25], [sflag:$0x7] =	stream.linear.gather [spmem:s24], $0x5000, $0x38;
	[tilespmem:$0xC700] =	vst v63  }
0x19a: {  	_ =	swait.ge [sflag:s21], $0x5000  }
0x19b: {  	[sflag:s21] =	ssyncset.done $0x0  }
0x19c: {  	s23 =	rddreg [dreg:$0xa];
	[sflag:s21] =	ssyncadd.s32 $0xFFFFB000  }
0x19d: {  	[hbm4b:s23+s2] =	stream.linear.scatter [tilespmem:s25], [sflag:$0x7], $0x5000, $0x38;
	[tilespmem:$0xC700] =	vst v63  }
0x19e: {  	_ =	swait.ge [sflag:s21], $0x5000  }
0x19f: {  	s23 =	rddreg [dreg:$0xc]  }
0x1a0: {  	s26 =	rddreg [dreg:$0xb];
	s23 =	sadd.s32 $0x1, s23  }
0x1a1: {  	p0 =	sne.s32 s23, s26  }
.Ltmp5:
0x1a2: {  	_ = 	snop;
	(pc) =	sbr.rel @p0 .LBB2_1-.Ltmp5, $3  }
0x1a3: {  	_ =	sdelay $0x1  }
0x1a4: {  	[sflag:s21] =	ssyncset.done $0x0  }
0x1a5: {  	[sflag:s21] =	ssyncadd.s32 $0xFFFFB000  }
0x1a6: {  	_ =	sfence.sel $0x180000  }
0x1a7: {  	[bflag:$0x0] =	sbarrier.arrive $0xFFFF  }
0x1a8: {  	_ =	strace $0x9000004A  }
0x1a9: {  	s0 =	stileid.u32;
	[bflag:$0x2] =	sbarrier.arrive $0xFFFF  }
0x1aa: {  	p0 =	sne.s32 s0, $0x0;
	s0 =	rddreg [dreg:$0x2]  }
0x1ab: {  	s0 =	sadd.s32 @!p0 $0x100000, s0  }
0x1ac: {  	[sflag:s0] =	ssyncadd.tile.s32 @!p0 $0x1;
	_ =	shalt  }
.Lfunc_end2:
_tile_overlayer_lowered:
.L_overlay_start_2:
0x1ad: {  	(tag) =	ssettag $0x2  }
0x1ae: {  	s0 =	rddreg [dreg:$0x0];
	s2 =	stileid.u32  }
0x1af: {  	s1 =	rddreg [dreg:$0x1];
	p0 =	sne.s32 s2, $0x0  }
0x1b0: {  	s3 =	rddreg [dreg:$0x2];
	[bflag:$0x3] =	sbarrier.arrive $0xFFFF;
	s2 =	simm.s32 @!p0 $0x1C07  }
0x1b1: {  	[timem:s3], [sflag:s2] =	dma.local @!p0 [hbm:s0], s1  }
0x1b2: {  	s0 =	simm.s32 @!p0 $0x7  }
0x1b3: {  	_ =	swait.ge @!p0 [sflag:s0], s1  }
0x1b4: {  	s1 =	ssub.s32 @!p0 $0x0, s1;
	[sflag:s0] =	ssyncset.done @!p0 $0x0  }
0x1b5: {  	[sflag:s0] =	ssyncadd.s32 @!p0 s1  }
0x1b6: {  	[bflag:$0x3] =	sbarrier.arrive $0xFFFF  }
0x1b7: {  	_ =	shalt  }

// kernel: kernel.15.cloned.1.call-start
scs
__scs_entry_jumppad:
0x0: {  	(pc) =	sbr.rel $0x88, $3  }
0x1: {  	(tag) =	ssettag $0x0;
	lr =	simm.s32 $0x1  }
0x2: {  	[smem:$0x3F95] =	sst lr;
	_ =	strace $0xD0000000  }
0x3: {  	_ = 	snop  }
0x4: {  	_ = 	snop  }
0x5: {  	_ = 	snop  }
0x6: {  	_ = 	snop  }
0x7: {  	_ = 	snop  }
__scs_overlays_trampoline_lowered:
0x8: {  	[smem:$0x3FA4] =	sst s0  }
0x9: {  	[smem:$0x3FA5] =	sst s1  }
0xa: {  	[smem:$0x3FA6] =	sst s2  }
0xb: {  	[smem:$0x3FA7] =	sst s3  }
0xc: {  	[smem:$0x3FA8] =	sst s4  }
0xd: {  	[smem:$0x3FA9] =	sst s5  }
0xe: {  	[smem:$0x3FAA] =	sst s6  }
0xf: {  	[smem:$0x3FAB] =	sst s7  }
0x10: {  	[smem:$0x3FAC] =	sst s8  }
0x11: {  	[smem:$0x3FAD] =	sst s9;
	s0 =	simm.s32 @!p0 $0x0  }
0x12: {  	s1 =	sld [smem:$0x3F93];
	s0 =	simm.s32 @p0 $0x1  }
0x13: {  	[smem:$0x3FAE] =	sst s0;
	s0 =	simm.s32 @!p1 $0x0  }
0x14: {  	s2 =	sld [smem:$0x3F92];
	s0 =	simm.s32 @p1 $0x1  }
0x15: {  	[smem:$0x3FAF] =	sst s0;
	s0 =	simm.s32 @!p2 $0x0  }
0x16: {  	s3 =	sld [smem:$0x3FDB];
	s0 =	simm.s32 @p2 $0x1  }
0x17: {  	s4 =	simm.s32 $0x1BF5;
	[smem:$0x3FB1] =	sst s0  }
0x18: {  	s0 =	sld [smem:$0x3F94];
	_ =	swait.ge [sflag:s4], $0x0  }
0x19: {  	s7 =	sld [smem:$0x3F95]  }
0x1a: {  	s8 =	sadd.s32 $0xFFFFE003, lr  }
0x1b: {  	s9 =	sadd.s32 $0xFFFFFEF7, lr;
	s5 =	simm.s32 $0xFFFFFFFF;
	p2 =	slt.u32 s8, $0xFFFFF086  }
0x1c: {  	p1 =	slt.u32 s9, $0xF7A;
	s5 =	simm.s32 @!p2 $0x0  }
0x1d: {  	s5 =	simm.s32 @p1 $0x1;
	p0 =	seq.s32 s7, s2  }
0x1e: {  	s7 =	smul.u32 @!p0 $0xF7A, s2;
	p2 =	seq.s32 @!p0 s5, $0x0  }
0x1f: {  	s9 =	smul.u32 $0xF7A, s1;
	s8 =	simm.s32 @!p0 $0x1BF5;
	p2 =	por !p2, p0  }
0x20: {  	[sflag:s8] =	ssyncset.s32 @!p0 $0xFFFFF086;
	s6 =	sadd.s32 @!p0 s3, s7;
	s7 =	simm.s32 @!p0 $0x108  }
0x21: {  	s3 =	sadd.s32 s3, s9;
	s6 =	sadd.s32 @!p0 $0x88, s6;
	s7 =	simm.s32 @p2 $0x1082  }
0x22: {  	[simem:s7], [sflag:s8] =	dma.local @!p0 [hbm:s6], $0xF7A  }
0x23: {  	s9 =	sor.u32 $0xD0000000, s2;
	s6 =	simm.s32 $0x108;
	_ =	swait.ge @!p0 [sflag:s8], $0x0  }
0x24: {  	s3 =	sadd.s32 $0x88, s3;
	s6 =	simm.s32 @!p1 $0x1082;
	[sflag:s4] =	ssyncset.s32 $0xFFFFF086  }
0x25: {  	[simem:s6], [sflag:s4] =	dma.local [hbm:s3], $0xF7A  }
0x26: {  	[smem:$0x3F95] =	sst s1;
	(tag) =	ssettag s2;
	_ =	strace s9  }
0x27: {  	s1 =	sld [smem:$0x3FA5]  }
0x28: {  	s2 =	sld [smem:$0x3FA6]  }
0x29: {  	s4 =	sld [smem:$0x3FA8]  }
0x2a: {  	p0 =	seq.s32 s5, $0x0;
	s5 =	sld [smem:$0x3FA9]  }
0x2b: {  	s6 =	sld [smem:$0x3FAA]  }
0x2c: {  	s7 =	sld [smem:$0x3FAB]  }
0x2d: {  	s3 =	simm.s32 $0x108;
	s8 =	sld [smem:$0x3FAC]  }
0x2e: {  	s3 =	simm.s32 @!p0 $0x1082;
	s9 =	sld [smem:$0x3FAD]  }
0x2f: {  	lr =	sadd.s32 s0, s3;
	s0 =	sld [smem:$0x3FA4]  }
0x30: {  	s3 =	sld [smem:$0x3FA7]  }
0x31: {  	[smem:$0x3FB0] =	sst s10  }
0x32: {  	s10 =	sld [smem:$0x3FAE];
	_ =	sdelay $0x3  }
0x33: {  	p0 =	seq.s32 s10, $0x1;
	s10 =	sld [smem:$0x3FB0];
	_ =	sdelay $0x3  }
0x34: {  	[smem:$0x3FB0] =	sst s10  }
0x35: {  	s10 =	sld [smem:$0x3FAF];
	_ =	sdelay $0x3  }
0x36: {  	p1 =	seq.s32 s10, $0x1;
	s10 =	sld [smem:$0x3FB0];
	_ =	sdelay $0x3  }
0x37: {  	[smem:$0x3FB0] =	sst s10  }
0x38: {  	s10 =	sld [smem:$0x3FB1]  }
0x39: {  	_ = 	snop;
	(pc) =	sbr.ind lr, $3  }
0x3a: {  	_ = 	snop  }
0x3b: {  	_ = 	snop  }
0x3c: {  	p2 =	seq.s32 s10, $0x1;
	s10 =	sld [smem:$0x3FB0]  }
0x3d: {  	_ =	shalt  }
0x3e: {  	_ =	shalt  }
0x3f: {  	_ =	shalt  }
0x40: {  	_ =	shalt  }
0x41: {  	_ =	shalt  }
0x42: {  	_ =	shalt  }
0x43: {  	_ =	shalt  }
0x44: {  	_ =	shalt  }
0x45: {  	_ =	shalt  }
0x46: {  	_ =	shalt  }
0x47: {  	_ =	shalt  }
0x48: {  	_ =	shalt  }
0x49: {  	_ =	shalt  }
0x4a: {  	_ =	shalt  }
0x4b: {  	_ =	shalt  }
0x4c: {  	_ =	shalt  }
0x4d: {  	_ =	shalt  }
0x4e: {  	_ =	shalt  }
0x4f: {  	_ =	shalt  }
0x50: {  	_ =	shalt  }
0x51: {  	_ =	shalt  }
0x52: {  	_ =	shalt  }
0x53: {  	_ =	shalt  }
0x54: {  	_ =	shalt  }
0x55: {  	_ =	shalt  }
0x56: {  	_ =	shalt  }
0x57: {  	_ =	shalt  }
0x58: {  	_ =	shalt  }
0x59: {  	_ =	shalt  }
0x5a: {  	_ =	shalt  }
0x5b: {  	_ =	shalt  }
0x5c: {  	_ =	shalt  }
0x5d: {  	_ =	shalt  }
0x5e: {  	_ =	shalt  }
0x5f: {  	_ =	shalt  }
0x60: {  	_ =	shalt  }
0x61: {  	_ =	shalt  }
0x62: {  	_ =	shalt  }
0x63: {  	_ =	shalt  }
0x64: {  	_ =	shalt  }
0x65: {  	_ =	shalt  }
0x66: {  	_ =	shalt  }
0x67: {  	_ =	shalt  }
0x68: {  	_ =	shalt  }
0x69: {  	_ =	shalt  }
0x6a: {  	_ =	shalt  }
0x6b: {  	_ =	shalt  }
0x6c: {  	_ =	shalt  }
0x6d: {  	_ =	shalt  }
0x6e: {  	_ =	shalt  }
0x6f: {  	_ =	shalt  }
0x70: {  	_ =	shalt  }
0x71: {  	_ =	shalt  }
0x72: {  	_ =	shalt  }
0x73: {  	_ =	shalt  }
0x74: {  	_ =	shalt  }
0x75: {  	_ =	shalt  }
0x76: {  	_ =	shalt  }
0x77: {  	_ =	shalt  }
0x78: {  	_ =	shalt  }
0x79: {  	_ =	shalt  }
0x7a: {  	_ =	shalt  }
0x7b: {  	_ =	shalt  }
0x7c: {  	_ =	shalt  }
0x7d: {  	_ =	shalt  }
0x7e: {  	_ =	shalt  }
0x7f: {  	_ =	shalt  }
0x80: {  	_ =	shalt  }
0x81: {  	_ =	shalt  }
0x82: {  	_ =	shalt  }
0x83: {  	_ =	shalt  }
0x84: {  	_ =	shalt  }
0x85: {  	_ =	shalt  }
0x86: {  	_ =	shalt  }
0x87: {  	_ =	shalt  }
.Lfunc_end0:
.L_simem_size_0:
called_computation.2_lowered:
.L_overlay_start_0:
0x88: {  	s2 =	sld [smem:$0x3FD9]  }
0x89: {  	s3 =	sld [smem:$0x3FFE];
	_ =	sdelay $0x1  }
0x8a: {  	s1 =	srdreg.scid  }
0x8b: {  	s0 =	sand.u32 $0x1, s1  }
0x8c: {  	s16 =	sshll.u32 s0, $0xA;
	s2 =	sadd.s32 s3, s2  }
0x8d: {  	s2 =	sadd.s32 s2, s16  }
0x8e: {  	[smem:$0x3FBC] =	sst s2  }
0x8f: {  	_ = 	snop  }
0x90: {  	(tm) =	ssettm $0x1  }
0x91: {  	s17 =	sld [smem:$0x3FFB];
	_ =	sdelay $0x3  }
0x92: {  	_ =	strace s17  }
0x93: {  	s2 =	sld [smem:$0x3FFC];
	_ =	sdelay $0x3  }
0x94: {  	_ =	strace s2  }
0x95: {  	s2 =	sld [smem:$0x3FFD];
	_ =	sdelay $0x3  }
0x96: {  	_ =	strace s2  }
0x97: {  	_ =	strace $0x8FFFFFFF  }
0x98: {  	s18 =	sld [smem:$0x3FDB];
	_ =	sdelay $0x1  }
0x99: {  	s19 =	simm.s32 $_scs_section_size  }
0x9a: {  	s4 =	simm.s32 $_size__tile_overlayer_lowered;
	s5 =	simm.s32 $_tile_overlayer_lowered  }
0x9b: {  	s22 =	simm.s32 $0x1BFF;
	s21 =	sshll.u32 s5, $0x1;
	s2 =	sadd.s32 s19, s18  }
0x9c: {  	s6 =	simm.s32 $0x0;
	s20 =	sshll.u32 s4, $0x1;
	s4 =	sadd.s32 s21, s2  }
0x9d: {  	[timem:s6], [sflag:s22] =	dma.local [hbm:s4], s20  }
0x9e: {  	_ =	swait.ge [sflag:s22], s20  }
0x9f: {  	s3 =	ssub.s32 $0x0, s20;
	[sflag:s22] =	ssyncset.done $0x0  }
0xa0: {  	[sflag:s22] =	ssyncadd.s32 s3;
	_ =	sdelay $0x1  }
0xa1: {  	s23 =	simm.s32 $0x1B8B  }
0xa2: {  	_ =	swait.ge [sflag:s23], $0x1  }
0xa3: {  	[sflag:s23] =	ssyncset.done $0x0  }
0xa4: {  	s25 =	simm.s32 $0x1B8E;
	s24 =	sld [smem:$0x3FFE];
	[sflag:s23] =	ssyncadd.s32 $0xFFFFFFFF  }
0xa5: {  	s26 =	simm.s32 $execute0_lowered;
	[smem:$0x3FD2] =	sst s25  }
0xa6: {  	s4 =	sshll.u32 s26, $0x1;
	_ =	strace $0x8000004C;
	[dreg:$0x1] =	wrdreg $0xFFFFFFFF  }
0xa7: {  	s28 =	simm.s32 $_size_execute0_lowered;
	s2 =	sadd.s32 s2, s4;
	[dreg:$0x0] =	wrdreg $0x0  }
0xa8: {  	s4 =	sshll.u32 s28, $0x1;
	[dreg:$0x2] =	wrdreg s2  }
0xa9: {  	[dreg:$0x3] =	wrdreg s4  }
0xaa: {  	[dreg:$0x4] =	wrdreg $0xC0  }
0xab: {  	_ =	task [dreg:s6], $0x5FFFF  }
0xac: {  	[dreg:$0x1] =	wrdreg $0xFFFFFFFF  }
0xad: {  	[dreg:$0x0] =	wrdreg $0x60  }
0xae: {  	[dreg:$0x2] =	wrdreg s24  }
0xaf: {  	[dreg:$0x3] =	wrdreg $0x3F000  }
0xb0: {  	[dreg:$0x4] =	wrdreg $0x9  }
0xb1: {  	_ =	task.clear_ibuf [dreg:s6], $0x5FFFF;
	_ =	strace $0x9000004C  }
0xb2: {  	s29 =	simm.s32 $0x9;
	_ =	strace $0x8000004E  }
0xb3: {  	_ =	swait.ge [sflag:s29], $0x1  }
0xb4: {  	[sflag:s29] =	ssyncadd.s32 $0xFFFFFFFF  }
0xb5: {  	_ =	strace $0x9000004E  }
0xb6: {  	_ =	sfence  }
0xb7: {  	s30 =	sld [smem:$0x0];
	_ =	sdelay $0x2  }
0xb8: {  	s31 =	sshll.u32 s1, $0xD;
	s1 =	sshrl.u32 s1, $0x2  }
0xb9: {  	s3 =	sand.u32 $0x4000, s31;
	s1 =	sadd.s32 s1, s30  }
0xba: {  	s0 =	sor.u32 s3, s0;
	s1 =	sshll.u32 s1, $0x11  }
0xbb: {  	s0 =	sor.u32 s1, s0  }
0xbc: {  	s0 =	sadd.s32 $0x8F2B, s0  }
0xbd: {  	[sflag:s0] =	ssyncadd.remote.s32 $0x1  }
0xbe: {  	_ =	sfence.sel $0xFFFF  }
0xbf: {  	[dreg:$0x0] =	wrdreg $0xFFFFFFFF;
	(pc) =	sbr.abs _section_cstart, $3  }
0xc0: {  	[dreg:$0x1] =	wrdreg $0xFFFFFFFF  }
0xc1: {  	_ =	task.clear_ibuf [dreg:s6], $0x2FFFF;
	_ =	strace $0x9FFFFFFF  }
0xc2: {  	(tm) =	ssettm $0x7FFFFFFF  }
0xc3: {  	_ =	shalt  }
tec
execute0_lowered:
.L_overlay_start_1:
0x0: {  	(tag) =	ssettag $0x1  }
0x1: {  	s0 =	rddreg [dreg:$0x0]  }
0x2: {  	s1 =	rddreg [dreg:$0x1];
	s2 =	simm.s32 $0x0;
	s3 =	srdreg.scid  }
0x3: {  	s11 =	stileid.u32;
	s28 =	simm.s32 $0x1;
	s29 =	simm.s32 $0x300  }
0x4: {  	s30 =	simm.s32 $0x600;
	s31 =	simm.s32 $0x380;
	s13 =	simm.s32 $0x1680  }
0x5: {  	s14 =	simm.s32 $0x3;
	[smem:$0x7FF] =	sst s2;
	s3 =	sand.u32 $0x1, s3  }
0x6: {  	s4 =	sadd.s32 $0x1A800, s0;
	s9 =	smul.u32 $0x2800, s11;
	s7 =	sshll.u32 s11, $0x1  }
0x7: {  	s5 =	sadd.s32 $0xB800, s0;
	s6 =	sadd.s32 $0x1800, s0;
	s11 =	smul.u32 $0xA000, s11  }
0x8: {  	_ =	strace $0x8000004D;
	s8 =	smul.u32 $0x28000, s3;
	s10 =	sor.u32 s3, s7  }
0x9: {  	s7 =	sadd.s32 $0x24800, s0;
	s3 =	ssub.s32 $0x2, s3;
	s15 =	smul.u32 $0x2800, s10  }
0xa: {  	s18 =	sshrl.u32 s3, $0x1;
	s19 =	sshrl.u32 s11, $0x2;
	s8 =	sadd.s32 s9, s8  }
0xb: {  	s3 =	ssub.s32 s3, s18;
	s23 =	sadd.s32 s19, s1;
	s18 =	simm.s32 $0x4  }
0xc: {  	s19 =	simm.s32 $0x580;
	s17 =	sshrl.u32 s8, $0x3;
	s8 =	sadd.s32 $0x15800, s0  }
0xd: {  	s20 =	sshrl.u32 s15, $0x3;
	s16 =	sor.u32 $0x100, s15;
	s26 =	smax.u32 s3, $0x1  }
0xe: {  	s3 =	simm.s32 $0x2;
	[dreg:$0x3] =	wrdreg s23;
	s0 =	sadd.s32 s17, s0  }
0xf: {  	s21 =	sadd.s32 s4, s20;
	s22 =	sor.u32 $0x10, s20;
	[dreg:$0xb] =	wrdreg s26  }
0x10: {  	s12 =	sadd.s32 s5, s20;
	s11 =	sadd.s32 s6, s20;
	[dreg:$0x4] =	wrdreg s21  }
0x11: {  	s17 =	sor.u32 $0x180, s15;
	s15 =	simm.s32 $0x500;
	[dreg:$0x5] =	wrdreg s12  }
0x12: {  	s20 =	simm.s32 $0x5;
	[dreg:$0x6] =	wrdreg s11;
	s24 =	sadd.s32 s4, s22  }
0x13: {  	s25 =	sadd.s32 s5, s22;
	s10 =	sadd.s32 s6, s22;
	[dreg:$0x7] =	wrdreg s24  }
0x14: {  	s0 =	sadd.s32 $0x4BA00, s0;
	s22 =	simm.s32 $0x80;
	[dreg:$0x8] =	wrdreg s25  }
0x15: {  	s11 =	simm.s32 $0xE00;
	s12 =	simm.s32 $0x480;
	[dreg:$0x9] =	wrdreg s10  }
0x16: {  	s21 =	simm.s32 $0x0;
	[dreg:$0xa] =	wrdreg s0;
	s24 =	simm.s32 $0x1700  }
0x17: {  	v0 =	vimm.f32 $0.0e+00;
	s25 =	simm.s32 $0x7;
	s0 =	simm.s32 $0x1600;
	s10 =	simm.s32 $0x400  }
.LBB2_1:
0x18: {  	[dreg:$0xc] =	wrdreg s21;
	s9 =	simm.s32 $0x40;
	s21 =	simm.s32 $0x0  }
.LBB2_2:
0x19: {  	p0 =	sne.s32 s9, $0x9FC0;
	[tilespmem:s21+$0x1700] =	vst v0;
	s21 =	smov.u32 s9;
	s9 =	sadd.s32 $0x40, s9  }
.Ltmp0:
0x1a: {  	(pc) =	sbr.rel @p0 .LBB2_2-.Ltmp0, $2  }
0x1b: {  	_ =	sdelay $0x2  }
0x1c: {  	s21 =	sshra.s32 s21, $0x2  }
0x1d: {  	[tilespmem:s21+$0x1700] =	vst v0  }
0x1e: {  	[spmem:s23] =	stream.linear.scatter [tilespmem:s24], [sflag:$0x7], $0x2800, $0x38;
	[tilespmem:$0x6700] =	vst v63  }
0x1f: {  	_ =	swait.ge [sflag:s25], $0x2800  }
0x20: {  	[sflag:s25] =	ssyncset.done $0x0  }
0x21: {  	[sflag:s25] =	ssyncadd.s32 $0xFFFFD800  }
0x22: {  	[bflag:$0x0] =	sbarrier.arrive $0xFFFF  }
0x23: {  	s21 =	simm.s32 $0x0;
	s9 =	rddreg [dreg:$0x4]  }
0x24: {  	[tilespmem:s21], [sflag:$0x1] =	stream.linear.gather [hbm4b:s9+s21], $0x80, $0x38;
	[tilespmem:$0x6700] =	vst v63  }
0x25: {  	s26 =	rddreg [dreg:$0x5]  }
0x26: {  	[tilespmem:s22], [sflag:$0x1] =	stream.linear.gather [hbm4b:s26+s21], $0x80, $0x38;
	[tilespmem:$0x6700] =	vst v63  }
0x27: {  	s24 =	simm.s32 $0x100;
	s23 =	rddreg [dreg:$0x6]  }
0x28: {  	[tilespmem:s24], [sflag:$0x1] =	stream.linear.gather [hbm4b:s23+s21], $0x80, $0x38;
	[tilespmem:$0x6700] =	vst v63  }
0x29: {  	s25 =	rddreg [dreg:$0x7];
	s26 =	simm.s32 $0x180  }
0x2a: {  	[tilespmem:s26], [sflag:$0x2] =	stream.linear.gather [hbm4b:s25+s21], $0x80, $0x38;
	[tilespmem:$0x6700] =	vst v63  }
0x2b: {  	s23 =	rddreg [dreg:$0x8];
	s24 =	simm.s32 $0x200  }
0x2c: {  	[tilespmem:s24], [sflag:$0x2] =	stream.linear.gather [hbm4b:s23+s21], $0x80, $0x38;
	[tilespmem:$0x6700] =	vst v63  }
0x2d: {  	s25 =	rddreg [dreg:$0x9];
	s26 =	simm.s32 $0x280  }
0x2e: {  	[tilespmem:s26], [sflag:$0x2] =	stream.linear.gather [hbm4b:s25+s21], $0x80, $0x38;
	[tilespmem:$0x6700] =	vst v63  }
0x2f: {  	_ =	swait.ge [sflag:s28], $0x80  }
0x30: {  	[sflag:s28] =	ssyncset.done $0x0  }
0x31: {  	[sflag:s28] =	ssyncadd.s32 $0xFFFFFF80  }
0x32: {  	_ =	swait.ge [sflag:s28], $0x80  }
0x33: {  	[sflag:s28] =	ssyncset.done $0x0  }
0x34: {  	[sflag:s28] =	ssyncadd.s32 $0xFFFFFF80  }
0x35: {  	_ =	swait.ge [sflag:s28], $0x80  }
0x36: {  	[sflag:s28] =	ssyncset.done $0x0  }
0x37: {  	[sflag:s28] =	ssyncadd.s32 $0xFFFFFF80  }
0x38: {  	v1 =	vld [tilespmem:$0x100]  }
0x39: {  	v2 =	vld [tilespmem:$0x0]  }
0x3a: {  	v3 =	vld [tilespmem:$0x80]  }
0x3b: {  	v4 =	vld [tilespmem:$0x110]  }
0x3c: {  	v5 =	vld [tilespmem:$0x10]  }
0x3d: {  	v6 =	vld [tilespmem:$0x90]  }
0x3e: {  	v7 =	vld [tilespmem:$0x120]  }
0x3f: {  	v9 =	vld [tilespmem:$0x20];
	v2 =	vshll.u32 v2, $0x3  }
0x40: {  	v55 =	vld [tilespmem:$0xC0];
	v8 =	vshll.u32 v3, $0x3;
	[tilespmem:$0x500] =	vst v3;
	v2 =	vadd.s32 v1, v2  }
0x41: {  	v1 =	vadd.s32 v1, v8;
	[tilespmem:$0x300] =	vst v2;
	v2 =	vld [tilespmem:$0xA0]  }
0x42: {  	v50 =	vld [tilespmem:$0x130];
	[tilespmem:$0x380] =	vst v1;
	v1 =	vshll.u32 v5, $0x3  }
0x43: {  	v51 =	vld [tilespmem:$0x30];
	v3 =	vshll.u32 v6, $0x3;
	[tilespmem:$0x510] =	vst v6;
	v1 =	vadd.s32 v4, v1  }
0x44: {  	[tilespmem:$0x310] =	vst v1;
	v1 =	vadd.s32 v4, v3;
	v3 =	vld [tilespmem:$0xB0]  }
0x45: {  	v52 =	vld [tilespmem:$0x140];
	[tilespmem:$0x390] =	vst v1;
	v1 =	vshll.u32 v9, $0x3  }
0x46: {  	v54 =	vld [tilespmem:$0x40];
	[tilespmem:$0x540] =	vst v55;
	v1 =	vadd.s32 v7, v1;
	v53 =	vshll.u32 v2, $0x3  }
0x47: {  	v56 =	vld [tilespmem:$0x150];
	[tilespmem:$0x320] =	vst v1;
	v1 =	vadd.s32 v7, v53  }
0x48: {  	v57 =	vld [tilespmem:$0x50];
	[tilespmem:$0x3A0] =	vst v1;
	v1 =	vshll.u32 v51, $0x3  }
0x49: {  	v63 =	vld [tilespmem:$0xF0];
	[tilespmem:$0x520] =	vst v2;
	v2 =	vshll.u32 v3, $0x3;
	v1 =	vadd.s32 v50, v1  }
0x4a: {  	[tilespmem:$0x330] =	vst v1;
	v1 =	vadd.s32 v50, v2;
	v2 =	vld [tilespmem:$0xD0]  }
0x4b: {  	v58 =	vld [tilespmem:$0x160];
	[tilespmem:$0x3B0] =	vst v1;
	v1 =	vshll.u32 v54, $0x3  }
0x4c: {  	v59 =	vld [tilespmem:$0x60];
	[tilespmem:$0x530] =	vst v3;
	v3 =	vshll.u32 v55, $0x3;
	v1 =	vadd.s32 v52, v1  }
0x4d: {  	[tilespmem:$0x340] =	vst v1;
	v1 =	vadd.s32 v52, v3;
	v3 =	vld [tilespmem:$0xE0]  }
0x4e: {  	[tilespmem:$0x3C0] =	vst v1;
	v1 =	vshll.u32 v57, $0x3  }
0x4f: {  	v62 =	vld [tilespmem:$0x70];
	[tilespmem:$0x570] =	vst v63;
	v1 =	vadd.s32 v56, v1;
	v61 =	vshll.u32 v2, $0x3  }
0x50: {  	v60 =	vld [tilespmem:$0x170];
	[tilespmem:$0x350] =	vst v1;
	v1 =	vadd.s32 v56, v61  }
0x51: {  	[tilespmem:$0x3D0] =	vst v1;
	v1 =	vshll.u32 v59, $0x3  }
0x52: {  	[tilespmem:$0x550] =	vst v2;
	v1 =	vadd.s32 v58, v1;
	v2 =	vshll.u32 v3, $0x3  }
0x53: {  	[tilespmem:$0x360] =	vst v1;
	v1 =	vadd.s32 v58, v2  }
0x54: {  	[tilespmem:$0x3E0] =	vst v1;
	v1 =	vshll.u32 v62, $0x3  }
0x55: {  	[tilespmem:$0x560] =	vst v3;
	v2 =	vshll.u32 v63, $0x3;
	v1 =	vadd.s32 v60, v1  }
0x56: {  	[tilespmem:$0x370] =	vst v1;
	v1 =	vadd.s32 v60, v2  }
0x57: {  	[tilespmem:$0x3F0] =	vst v1  }
0x58: {  	[tilespmem:s30], [sflag:$0x3] =	stream.indirect.gather [hbm4b:s7+s22], $0x10, s29, s22, $0xb8;
	[tilespmem:$0x6700] =	vst v63  }
0x59: {  	_ = 	snop  }
0x5a: {  	[tilespmem:s0], [sflag:$0x3] =	stream.indirect.gather [hbm4b:s8+s22], $0x1, s31, s22, $0xb8;
	[tilespmem:$0x6700] =	vst v63  }
.LBB2_4:
0x5b: {  	p0 =	seq.s32 s21, $0x0  }
0x5c: {  	s23 =	simm.s32 @!p0 $0x6  }
0x5d: {  	p1 =	seq.s32 @!p0 s21, $0x27;
	_ =	swait.ge @!p0 [sflag:s23], $0x800  }
0x5e: {  	s9 =	sshll.u32 s21, $0x8;
	p1 =	por p0, !p1;
	[sflag:s23] =	ssyncset.done @!p0 $0x0  }
0x5f: {  	[sflag:s23] =	ssyncadd.s32 @!p0 $0xFFFFF800;
	s23 =	sadd.s32 @p1 s9, s16  }
0x60: {  	s23 =	sshrl.u32 @p1 s23, $0x3  }
0x61: {  	s24 =	sadd.s32 @p1 s4, s23  }
0x62: {  	[tilespmem:s2], [sflag:$0x1] =	stream.linear.gather @p1 [hbm4b:s24+s2], $0x80, $0x38;
	[tilespmem:$0x6700] =	vst v63  }
0x63: {  	s24 =	sadd.s32 @p1 s5, s23  }
0x64: {  	[tilespmem:s22], [sflag:$0x1] =	stream.linear.gather @p1 [hbm4b:s24+s2], $0x80, $0x38;
	[tilespmem:$0x6700] =	vst v63  }
0x65: {  	s23 =	sadd.s32 @p1 s6, s23;
	s24 =	simm.s32 @p1 $0x100  }
0x66: {  	[tilespmem:s24], [sflag:$0x1] =	stream.linear.gather @p1 [hbm4b:s23+s2], $0x80, $0x38;
	[tilespmem:$0x6700] =	vst v63  }
0x67: {  	_ =	swait.ge [sflag:s3], $0x80  }
0x68: {  	[sflag:s3] =	ssyncset.done $0x0  }
0x69: {  	[sflag:s3] =	ssyncadd.s32 $0xFFFFFF80  }
0x6a: {  	_ =	swait.ge [sflag:s3], $0x80  }
0x6b: {  	[sflag:s3] =	ssyncset.done $0x0  }
0x6c: {  	[sflag:s3] =	ssyncadd.s32 $0xFFFFFF80  }
0x6d: {  	_ =	swait.ge [sflag:s3], $0x80  }
0x6e: {  	[sflag:s3] =	ssyncset.done $0x0  }
0x6f: {  	[sflag:s3] =	ssyncadd.s32 $0xFFFFFF80  }
0x70: {  	v1 =	vld [tilespmem:$0x280]  }
0x71: {  	v2 =	vld [tilespmem:$0x180]  }
0x72: {  	v3 =	vld [tilespmem:$0x200]  }
0x73: {  	v4 =	vld [tilespmem:$0x290]  }
0x74: {  	v5 =	vld [tilespmem:$0x190]  }
0x75: {  	v6 =	vld [tilespmem:$0x210]  }
0x76: {  	v7 =	vld [tilespmem:$0x2A0]  }
0x77: {  	v9 =	vld [tilespmem:$0x1A0];
	v2 =	vshll.u32 v2, $0x3  }
0x78: {  	v55 =	vld [tilespmem:$0x240];
	v8 =	vshll.u32 v3, $0x3;
	[tilespmem:$0x580] =	vst v3;
	v2 =	vadd.s32 v1, v2  }
0x79: {  	v1 =	vadd.s32 v1, v8;
	[tilespmem:$0x400] =	vst v2;
	v2 =	vld [tilespmem:$0x220]  }
0x7a: {  	v50 =	vld [tilespmem:$0x2B0];
	[tilespmem:$0x480] =	vst v1;
	v1 =	vshll.u32 v5, $0x3  }
0x7b: {  	v51 =	vld [tilespmem:$0x1B0];
	v3 =	vshll.u32 v6, $0x3;
	[tilespmem:$0x590] =	vst v6;
	v1 =	vadd.s32 v4, v1  }
0x7c: {  	[tilespmem:$0x410] =	vst v1;
	v1 =	vadd.s32 v4, v3;
	v3 =	vld [tilespmem:$0x230]  }
0x7d: {  	v52 =	vld [tilespmem:$0x2C0];
	[tilespmem:$0x490] =	vst v1;
	v1 =	vshll.u32 v9, $0x3  }
0x7e: {  	v54 =	vld [tilespmem:$0x1C0];
	[tilespmem:$0x5C0] =	vst v55;
	v1 =	vadd.s32 v7, v1;
	v53 =	vshll.u32 v2, $0x3  }
0x7f: {  	v56 =	vld [tilespmem:$0x2D0];
	[tilespmem:$0x420] =	vst v1;
	v1 =	vadd.s32 v7, v53  }
0x80: {  	v57 =	vld [tilespmem:$0x1D0];
	[tilespmem:$0x4A0] =	vst v1;
	v1 =	vshll.u32 v51, $0x3  }
0x81: {  	v63 =	vld [tilespmem:$0x270];
	[tilespmem:$0x5A0] =	vst v2;
	v2 =	vshll.u32 v3, $0x3;
	v1 =	vadd.s32 v50, v1  }
0x82: {  	[tilespmem:$0x430] =	vst v1;
	v1 =	vadd.s32 v50, v2;
	v2 =	vld [tilespmem:$0x250]  }
0x83: {  	v58 =	vld [tilespmem:$0x2E0];
	[tilespmem:$0x4B0] =	vst v1;
	v1 =	vshll.u32 v54, $0x3  }
0x84: {  	v59 =	vld [tilespmem:$0x1E0];
	[tilespmem:$0x5B0] =	vst v3;
	v3 =	vshll.u32 v55, $0x3;
	v1 =	vadd.s32 v52, v1  }
0x85: {  	[tilespmem:$0x440] =	vst v1;
	v1 =	vadd.s32 v52, v3;
	v3 =	vld [tilespmem:$0x260]  }
0x86: {  	[tilespmem:$0x4C0] =	vst v1;
	v1 =	vshll.u32 v57, $0x3  }
0x87: {  	v62 =	vld [tilespmem:$0x1F0];
	[tilespmem:$0x5F0] =	vst v63;
	v1 =	vadd.s32 v56, v1;
	v61 =	vshll.u32 v2, $0x3  }
0x88: {  	v60 =	vld [tilespmem:$0x2F0];
	[tilespmem:$0x450] =	vst v1;
	v1 =	vadd.s32 v56, v61  }
0x89: {  	[tilespmem:$0x4D0] =	vst v1;
	v1 =	vshll.u32 v59, $0x3  }
0x8a: {  	[tilespmem:$0x5D0] =	vst v2;
	v1 =	vadd.s32 v58, v1;
	v2 =	vshll.u32 v3, $0x3  }
0x8b: {  	[tilespmem:$0x460] =	vst v1;
	v1 =	vadd.s32 v58, v2  }
0x8c: {  	[tilespmem:$0x4E0] =	vst v1;
	v1 =	vshll.u32 v62, $0x3  }
0x8d: {  	[tilespmem:$0x5E0] =	vst v3;
	v2 =	vshll.u32 v63, $0x3;
	v1 =	vadd.s32 v60, v1  }
0x8e: {  	[tilespmem:$0x470] =	vst v1;
	v1 =	vadd.s32 v60, v2  }
0x8f: {  	[tilespmem:$0x4F0] =	vst v1  }
0x90: {  	[tilespmem:s11], [sflag:$0x4] =	stream.indirect.gather [hbm4b:s7+s22], $0x10, s10, s22, $0xb8;
	[tilespmem:$0x6700] =	vst v63  }
0x91: {  	_ = 	snop  }
0x92: {  	[tilespmem:s13], [sflag:$0x4] =	stream.indirect.gather [hbm4b:s8+s22], $0x1, s12, s22, $0xb8;
	[tilespmem:$0x6700] =	vst v63  }
0x93: {  	_ =	swait.ge [sflag:s14], $0x800  }
0x94: {  	[sflag:s14] =	ssyncset.done $0x0  }
0x95: {  	[sflag:s14] =	ssyncadd.s32 $0xFFFFF800  }
0x96: {  	_ =	swait.ge [sflag:s14], $0x80  }
0x97: {  	[sflag:s14] =	ssyncset.done $0x0  }
0x98: {  	s23 =	simm.s32 $0x680;
	[sflag:s14] =	ssyncadd.s32 $0xFFFFFF80  }
0x99: {  	s26 =	simm.s32 $0x0;
	s25 =	simm.s32 $0x40;
	s24 =	simm.s32 $0x680;
	v1 =	vld [tilespmem:s23+$0xFFFFFFB0]  }
.LBB2_5:
0x9a: {  	p0 =	sne.s32 s25, $0x1C0;
	v2 =	vld [tilespmem:s26+$0x1600]  }
0x9b: {  	v3 =	vld [tilespmem:s23+$0xFFFFFF90]  }
0x9c: {  	v4 =	vld [tilespmem:s23+$0xFFFFFF80]  }
0x9d: {  	v5 =	vld [tilespmem:s23+$0xFFFFFFA0]  }
0x9e: {  	v6 =	vld [tilespmem:s23+$0xFFFFFFF0]  }
0x9f: {  	v7 =	vbroadcast v2, $0x0;
	v8 =	vbroadcast v2, $0x1;
	v9 =	vld [tilespmem:s23+$0xFFFFFFD0]  }
0xa0: {  	v10 =	vbroadcast v2, $0x2;
	v11 =	vbroadcast v2, $0x3;
	v12 =	vld [tilespmem:s23+$0xFFFFFFC0]  }
0xa1: {  	v4 =	vmul.f32 v7, v4;
	v3 =	vmul.f32 v3, v8;
	v7 =	vld [tilespmem:s23+$0xFFFFFFE0]  }
0xa2: {  	v1 =	vmul.f32 v1, v11;
	v5 =	vmul.f32 v5, v10;
	v8 =	vld [tilespmem:s23+$0x30]  }
0xa3: {  	v10 =	vbroadcast v2, $0x5;
	[tilespmem:s23+$0xFFFFFF80] =	vst v4;
	v4 =	vbroadcast v2, $0x4;
	v11 =	vld [tilespmem:s23+$0x10]  }
0xa4: {  	v13 =	vbroadcast v2, $0x7;
	[tilespmem:s23+$0xFFFFFF90] =	vst v3;
	v3 =	vbroadcast v2, $0x6;
	v14 =	vld [tilespmem:s23+$0x0]  }
0xa5: {  	[tilespmem:s23+$0xFFFFFFA0] =	vst v5;
	v4 =	vmul.f32 v12, v4;
	v5 =	vmul.f32 v9, v10;
	v9 =	vld [tilespmem:s23+$0x20]  }
0xa6: {  	[tilespmem:s23+$0xFFFFFFB0] =	vst v1;
	v1 =	vmul.f32 v7, v3;
	v3 =	vmul.f32 v6, v13;
	v6 =	vld [tilespmem:s23+$0x70]  }
0xa7: {  	v7 =	vbroadcast v2, $0x9;
	[tilespmem:s23+$0xFFFFFFC0] =	vst v4;
	v4 =	vbroadcast v2, $0x8;
	v10 =	vld [tilespmem:s23+$0x50]  }
0xa8: {  	v12 =	vbroadcast v2, $0xB;
	[tilespmem:s23+$0xFFFFFFD0] =	vst v5;
	v5 =	vbroadcast v2, $0xA;
	v13 =	vld [tilespmem:s23+$0x40]  }
0xa9: {  	[tilespmem:s23+$0xFFFFFFE0] =	vst v1;
	v1 =	vmul.f32 v14, v4;
	v4 =	vmul.f32 v11, v7;
	v7 =	vld [tilespmem:s23+$0x60]  }
0xaa: {  	[tilespmem:s23+$0xFFFFFFF0] =	vst v3;
	v3 =	vmul.f32 v9, v5;
	v5 =	vmul.f32 v8, v12  }
0xab: {  	v8 =	vbroadcast v2, $0xD;
	[tilespmem:s23+$0x0] =	vst v1;
	v1 =	vbroadcast v2, $0xC  }
0xac: {  	[tilespmem:s23+$0x10] =	vst v4;
	v4 =	vbroadcast v2, $0xE;
	v2 =	vbroadcast v2, $0xF  }
0xad: {  	[tilespmem:s23+$0x20] =	vst v3;
	v1 =	vmul.f32 v13, v1;
	v3 =	vmul.f32 v10, v8  }
.Ltmp1:
0xae: {  	[tilespmem:s23+$0x30] =	vst v5;
	v4 =	vmul.f32 v7, v4;
	v2 =	vmul.f32 v6, v2;
	(pc) =	sbr.rel @p0 .LBB2_5-.Ltmp1, $4  }
0xaf: {  	[tilespmem:s23+$0x40] =	vst v1  }
0xb0: {  	[tilespmem:s23+$0x50] =	vst v3  }
0xb1: {  	s23 =	sadd.s32 $0x100, s23;
	[tilespmem:s24+$0x60] =	vst v4  }
0xb2: {  	s26 =	sshra.s32 s25, $0x2;
	s25 =	sadd.s32 $0x40, s25;
	v1 =	vld [tilespmem:s23+$0xFFFFFFB0];
	[tilespmem:s24+$0x70] =	vst v2;
	s24 =	smov.u32 s23  }
0xb3: {  	v2 =	vld [tilespmem:s26+$0x1600];
	_ =	sdelay $0x1  }
0xb4: {  	v3 =	vld [tilespmem:s23+$0xFFFFFF80]  }
0xb5: {  	v4 =	vld [tilespmem:s23+$0xFFFFFF90]  }
0xb6: {  	v5 =	vld [tilespmem:s23+$0xFFFFFFA0]  }
0xb7: {  	v6 =	vbroadcast v2, $0x0  }
0xb8: {  	v9 =	vld [tilespmem:s23+$0xFFFFFFD0];
	v7 =	vbroadcast v2, $0x1  }
0xb9: {  	v8 =	vld [tilespmem:s23+$0xFFFFFFC0];
	v10 =	vbroadcast v2, $0x2;
	v3 =	vmul.f32 v6, v3  }
0xba: {  	v48 =	vld [tilespmem:s23+$0xFFFFFFE0];
	v47 =	vbroadcast v2, $0x3;
	v4 =	vmul.f32 v4, v7  }
0xbb: {  	v51 =	vld [tilespmem:s23+$0x10];
	v49 =	vbroadcast v2, $0x5;
	v5 =	vmul.f32 v5, v10;
	[tilespmem:s23+$0xFFFFFF80] =	vst v3  }
0xbc: {  	v11 =	vld [tilespmem:s23+$0xFFFFFFF0];
	v1 =	vmul.f32 v1, v47;
	v3 =	vbroadcast v2, $0x4;
	[tilespmem:s23+$0xFFFFFF90] =	vst v4  }
0xbd: {  	v50 =	vld [tilespmem:s23+$0x0];
	v12 =	vbroadcast v2, $0x6;
	v6 =	vmul.f32 v9, v49;
	[tilespmem:s23+$0xFFFFFFA0] =	vst v5  }
0xbe: {  	v56 =	vld [tilespmem:s23+$0x50];
	v54 =	vbroadcast v2, $0x9;
	[tilespmem:s23+$0xFFFFFFB0] =	vst v1;
	v3 =	vmul.f32 v8, v3  }
0xbf: {  	v53 =	vld [tilespmem:s23+$0x20];
	v52 =	vbroadcast v2, $0x7;
	v7 =	vmul.f32 v48, v12;
	[tilespmem:s23+$0xFFFFFFD0] =	vst v6  }
0xc0: {  	v59 =	vmul.f32 v51, v54;
	v1 =	vld [tilespmem:s23+$0x30];
	[tilespmem:s23+$0xFFFFFFC0] =	vst v3;
	v3 =	vbroadcast v2, $0x8  }
0xc1: {  	v55 =	vld [tilespmem:s23+$0x40];
	v62 =	vbroadcast v2, $0xD;
	v5 =	vmul.f32 v11, v52;
	[tilespmem:s23+$0xFFFFFFE0] =	vst v7  }
0xc2: {  	v60 =	vld [tilespmem:s23+$0x60];
	v57 =	vbroadcast v2, $0xA;
	[tilespmem:s23+$0x10] =	vst v59;
	v3 =	vmul.f32 v50, v3  }
0xc3: {  	v61 =	vld [tilespmem:s23+$0x70];
	v58 =	vbroadcast v2, $0xB;
	v4 =	vmul.f32 v56, v62;
	[tilespmem:s23+$0xFFFFFFF0] =	vst v5  }
0xc4: {  	v8 =	vmul.f32 v53, v57;
	[tilespmem:s23+$0x0] =	vst v3;
	v3 =	vbroadcast v2, $0xC  }
0xc5: {  	v63 =	vbroadcast v2, $0xE;
	[tilespmem:s23+$0x50] =	vst v4;
	v1 =	vmul.f32 v1, v58  }
0xc6: {  	p0 =	seq.s32 s21, $0x27;
	[tilespmem:s23+$0x20] =	vst v8;
	v2 =	vbroadcast v2, $0xF;
	v3 =	vmul.f32 v55, v3  }
.Ltmp2:
0xc7: {  	[tilespmem:s23+$0x30] =	vst v1;
	v1 =	vmul.f32 v60, v63;
	(pc) =	sbr.rel @p0 .LBB2_8-.Ltmp2, $4  }
0xc8: {  	v2 =	vmul.f32 v61, v2;
	[tilespmem:s23+$0x40] =	vst v3  }
0xc9: {  	[tilespmem:s24+$0x60] =	vst v1  }
0xca: {  	[tilespmem:s24+$0x70] =	vst v2  }
0xcb: {  	[spmem:s1] =	stream.indirect.scatter.add.f32 [tilespmem:s30], [sflag:$0x5], $0x10, s15, s22, $0xb8;
	[tilespmem:$0x6700] =	vst v63  }
0xcc: {  	s9 =	sadd.s32 s9, s17  }
0xcd: {  	s9 =	sshrl.u32 s9, $0x3  }
0xce: {  	s24 =	simm.s32 $0x180;
	s23 =	sadd.s32 s4, s9  }
0xcf: {  	[tilespmem:s24], [sflag:$0x2] =	stream.linear.gather [hbm4b:s23+s2], $0x80, $0x38;
	[tilespmem:$0x6700] =	vst v63  }
0xd0: {  	s25 =	simm.s32 $0x200;
	s24 =	sadd.s32 s5, s9  }
0xd1: {  	[tilespmem:s25], [sflag:$0x2] =	stream.linear.gather [hbm4b:s24+s2], $0x80, $0x38;
	[tilespmem:$0x6700] =	vst v63  }
0xd2: {  	s26 =	simm.s32 $0x280;
	s9 =	sadd.s32 s6, s9  }
0xd3: {  	[tilespmem:s26], [sflag:$0x2] =	stream.linear.gather [hbm4b:s9+s2], $0x80, $0x38;
	[tilespmem:$0x6700] =	vst v63  }
0xd4: {  	_ =	swait.ge [sflag:s28], $0x80  }
0xd5: {  	[sflag:s28] =	ssyncset.done $0x0  }
0xd6: {  	[sflag:s28] =	ssyncadd.s32 $0xFFFFFF80  }
0xd7: {  	_ =	swait.ge [sflag:s28], $0x80  }
0xd8: {  	[sflag:s28] =	ssyncset.done $0x0  }
0xd9: {  	[sflag:s28] =	ssyncadd.s32 $0xFFFFFF80  }
0xda: {  	_ =	swait.ge [sflag:s28], $0x80  }
0xdb: {  	[sflag:s28] =	ssyncset.done $0x0  }
0xdc: {  	[sflag:s28] =	ssyncadd.s32 $0xFFFFFF80  }
0xdd: {  	_ =	swait.ge [sflag:s20], $0x800  }
0xde: {  	[sflag:s20] =	ssyncset.done $0x0  }
0xdf: {  	[sflag:s20] =	ssyncadd.s32 $0xFFFFF800  }
0xe0: {  	v1 =	vld [tilespmem:$0x100]  }
0xe1: {  	v2 =	vld [tilespmem:$0x0]  }
0xe2: {  	v3 =	vld [tilespmem:$0x80]  }
0xe3: {  	v4 =	vld [tilespmem:$0x110]  }
0xe4: {  	v5 =	vld [tilespmem:$0x10]  }
0xe5: {  	v6 =	vld [tilespmem:$0x90]  }
0xe6: {  	v7 =	vld [tilespmem:$0x120]  }
0xe7: {  	v9 =	vld [tilespmem:$0x20];
	v2 =	vshll.u32 v2, $0x3  }
0xe8: {  	v55 =	vld [tilespmem:$0xC0];
	v8 =	vshll.u32 v3, $0x3;
	[tilespmem:$0x500] =	vst v3;
	v2 =	vadd.s32 v1, v2  }
0xe9: {  	v1 =	vadd.s32 v1, v8;
	[tilespmem:$0x300] =	vst v2;
	v2 =	vld [tilespmem:$0xA0]  }
0xea: {  	v50 =	vld [tilespmem:$0x130];
	[tilespmem:$0x380] =	vst v1;
	v1 =	vshll.u32 v5, $0x3  }
0xeb: {  	v51 =	vld [tilespmem:$0x30];
	v3 =	vshll.u32 v6, $0x3;
	[tilespmem:$0x510] =	vst v6;
	v1 =	vadd.s32 v4, v1  }
0xec: {  	[tilespmem:$0x310] =	vst v1;
	v1 =	vadd.s32 v4, v3;
	v3 =	vld [tilespmem:$0xB0]  }
0xed: {  	v52 =	vld [tilespmem:$0x140];
	[tilespmem:$0x390] =	vst v1;
	v1 =	vshll.u32 v9, $0x3  }
0xee: {  	v54 =	vld [tilespmem:$0x40];
	[tilespmem:$0x540] =	vst v55;
	v1 =	vadd.s32 v7, v1;
	v53 =	vshll.u32 v2, $0x3  }
0xef: {  	v56 =	vld [tilespmem:$0x150];
	[tilespmem:$0x320] =	vst v1;
	v1 =	vadd.s32 v7, v53  }
0xf0: {  	v57 =	vld [tilespmem:$0x50];
	[tilespmem:$0x3A0] =	vst v1;
	v1 =	vshll.u32 v51, $0x3  }
0xf1: {  	v63 =	vld [tilespmem:$0xF0];
	[tilespmem:$0x520] =	vst v2;
	v2 =	vshll.u32 v3, $0x3;
	v1 =	vadd.s32 v50, v1  }
0xf2: {  	[tilespmem:$0x330] =	vst v1;
	v1 =	vadd.s32 v50, v2;
	v2 =	vld [tilespmem:$0xD0]  }
0xf3: {  	v58 =	vld [tilespmem:$0x160];
	[tilespmem:$0x3B0] =	vst v1;
	v1 =	vshll.u32 v54, $0x3  }
0xf4: {  	v59 =	vld [tilespmem:$0x60];
	[tilespmem:$0x530] =	vst v3;
	v3 =	vshll.u32 v55, $0x3;
	v1 =	vadd.s32 v52, v1  }
0xf5: {  	[tilespmem:$0x340] =	vst v1;
	v1 =	vadd.s32 v52, v3;
	v3 =	vld [tilespmem:$0xE0]  }
0xf6: {  	[tilespmem:$0x3C0] =	vst v1;
	v1 =	vshll.u32 v57, $0x3  }
0xf7: {  	v62 =	vld [tilespmem:$0x70];
	[tilespmem:$0x570] =	vst v63;
	v1 =	vadd.s32 v56, v1;
	v61 =	vshll.u32 v2, $0x3  }
0xf8: {  	v60 =	vld [tilespmem:$0x170];
	[tilespmem:$0x350] =	vst v1;
	v1 =	vadd.s32 v56, v61  }
0xf9: {  	[tilespmem:$0x3D0] =	vst v1;
	v1 =	vshll.u32 v59, $0x3  }
0xfa: {  	[tilespmem:$0x550] =	vst v2;
	v1 =	vadd.s32 v58, v1;
	v2 =	vshll.u32 v3, $0x3  }
0xfb: {  	[tilespmem:$0x360] =	vst v1;
	v1 =	vadd.s32 v58, v2  }
0xfc: {  	[tilespmem:$0x3E0] =	vst v1;
	v1 =	vshll.u32 v62, $0x3  }
0xfd: {  	[tilespmem:$0x560] =	vst v3;
	v2 =	vshll.u32 v63, $0x3;
	v1 =	vadd.s32 v60, v1  }
0xfe: {  	[tilespmem:$0x370] =	vst v1;
	v1 =	vadd.s32 v60, v2  }
0xff: {  	[tilespmem:$0x3F0] =	vst v1  }
0x100: {  	[tilespmem:s30], [sflag:$0x3] =	stream.indirect.gather [hbm4b:s7+s22], $0x10, s29, s22, $0xb8;
	[tilespmem:$0x6700] =	vst v63  }
0x101: {  	_ = 	snop  }
0x102: {  	[tilespmem:s0], [sflag:$0x3] =	stream.indirect.gather [hbm4b:s8+s22], $0x1, s31, s22, $0xb8;
	[tilespmem:$0x6700] =	vst v63  }
.LBB2_8:
0x103: {  	_ =	swait.ge [sflag:s18], $0x800  }
0x104: {  	[sflag:s18] =	ssyncset.done $0x0  }
0x105: {  	[sflag:s18] =	ssyncadd.s32 $0xFFFFF800  }
0x106: {  	_ =	swait.ge [sflag:s18], $0x80  }
0x107: {  	[sflag:s18] =	ssyncset.done $0x0  }
0x108: {  	s9 =	simm.s32 $0xE80;
	[sflag:s18] =	ssyncadd.s32 $0xFFFFFF80  }
0x109: {  	s25 =	simm.s32 $0x0;
	s24 =	simm.s32 $0x40;
	s23 =	simm.s32 $0xE80;
	v1 =	vld [tilespmem:s9+$0xFFFFFFB0]  }
.LBB2_9:
0x10a: {  	p0 =	sne.s32 s24, $0x1C0;
	v2 =	vld [tilespmem:s25+$0x1680]  }
0x10b: {  	v3 =	vld [tilespmem:s9+$0xFFFFFF90]  }
0x10c: {  	v4 =	vld [tilespmem:s9+$0xFFFFFF80]  }
0x10d: {  	v5 =	vld [tilespmem:s9+$0xFFFFFFA0]  }
0x10e: {  	v6 =	vld [tilespmem:s9+$0xFFFFFFF0]  }
0x10f: {  	v7 =	vbroadcast v2, $0x0;
	v8 =	vbroadcast v2, $0x1;
	v9 =	vld [tilespmem:s9+$0xFFFFFFD0]  }
0x110: {  	v10 =	vbroadcast v2, $0x2;
	v11 =	vbroadcast v2, $0x3;
	v12 =	vld [tilespmem:s9+$0xFFFFFFC0]  }
0x111: {  	v4 =	vmul.f32 v7, v4;
	v3 =	vmul.f32 v3, v8;
	v7 =	vld [tilespmem:s9+$0xFFFFFFE0]  }
0x112: {  	v1 =	vmul.f32 v1, v11;
	v5 =	vmul.f32 v5, v10;
	v8 =	vld [tilespmem:s9+$0x30]  }
0x113: {  	v10 =	vbroadcast v2, $0x5;
	[tilespmem:s9+$0xFFFFFF80] =	vst v4;
	v4 =	vbroadcast v2, $0x4;
	v11 =	vld [tilespmem:s9+$0x10]  }
0x114: {  	v13 =	vbroadcast v2, $0x7;
	[tilespmem:s9+$0xFFFFFF90] =	vst v3;
	v3 =	vbroadcast v2, $0x6;
	v14 =	vld [tilespmem:s9+$0x0]  }
0x115: {  	[tilespmem:s9+$0xFFFFFFA0] =	vst v5;
	v4 =	vmul.f32 v12, v4;
	v5 =	vmul.f32 v9, v10;
	v9 =	vld [tilespmem:s9+$0x20]  }
0x116: {  	[tilespmem:s9+$0xFFFFFFB0] =	vst v1;
	v1 =	vmul.f32 v7, v3;
	v3 =	vmul.f32 v6, v13;
	v6 =	vld [tilespmem:s9+$0x70]  }
0x117: {  	v7 =	vbroadcast v2, $0x9;
	[tilespmem:s9+$0xFFFFFFC0] =	vst v4;
	v4 =	vbroadcast v2, $0x8;
	v10 =	vld [tilespmem:s9+$0x50]  }
0x118: {  	v12 =	vbroadcast v2, $0xB;
	[tilespmem:s9+$0xFFFFFFD0] =	vst v5;
	v5 =	vbroadcast v2, $0xA;
	v13 =	vld [tilespmem:s9+$0x40]  }
0x119: {  	[tilespmem:s9+$0xFFFFFFE0] =	vst v1;
	v1 =	vmul.f32 v14, v4;
	v4 =	vmul.f32 v11, v7;
	v7 =	vld [tilespmem:s9+$0x60]  }
0x11a: {  	[tilespmem:s9+$0xFFFFFFF0] =	vst v3;
	v3 =	vmul.f32 v9, v5;
	v5 =	vmul.f32 v8, v12  }
0x11b: {  	v8 =	vbroadcast v2, $0xD;
	[tilespmem:s9+$0x0] =	vst v1;
	v1 =	vbroadcast v2, $0xC  }
0x11c: {  	[tilespmem:s9+$0x10] =	vst v4;
	v4 =	vbroadcast v2, $0xE;
	v2 =	vbroadcast v2, $0xF  }
0x11d: {  	[tilespmem:s9+$0x20] =	vst v3;
	v1 =	vmul.f32 v13, v1;
	v3 =	vmul.f32 v10, v8  }
.Ltmp3:
0x11e: {  	[tilespmem:s9+$0x30] =	vst v5;
	v4 =	vmul.f32 v7, v4;
	v2 =	vmul.f32 v6, v2;
	(pc) =	sbr.rel @p0 .LBB2_9-.Ltmp3, $4  }
0x11f: {  	[tilespmem:s9+$0x40] =	vst v1  }
0x120: {  	[tilespmem:s9+$0x50] =	vst v3  }
0x121: {  	s9 =	sadd.s32 $0x100, s9;
	[tilespmem:s23+$0x60] =	vst v4  }
0x122: {  	s25 =	sshra.s32 s24, $0x2;
	s24 =	sadd.s32 $0x40, s24;
	v1 =	vld [tilespmem:s9+$0xFFFFFFB0];
	[tilespmem:s23+$0x70] =	vst v2;
	s23 =	smov.u32 s9  }
0x123: {  	v2 =	vld [tilespmem:s25+$0x1680];
	_ =	sdelay $0x1  }
0x124: {  	v3 =	vld [tilespmem:s9+$0xFFFFFF80]  }
0x125: {  	v4 =	vld [tilespmem:s9+$0xFFFFFF90]  }
0x126: {  	v5 =	vld [tilespmem:s9+$0xFFFFFFA0]  }
0x127: {  	v6 =	vbroadcast v2, $0x0  }
0x128: {  	v9 =	vld [tilespmem:s9+$0xFFFFFFD0];
	v7 =	vbroadcast v2, $0x1  }
0x129: {  	v8 =	vld [tilespmem:s9+$0xFFFFFFC0];
	v10 =	vbroadcast v2, $0x2;
	v3 =	vmul.f32 v6, v3  }
0x12a: {  	v48 =	vld [tilespmem:s9+$0xFFFFFFE0];
	v47 =	vbroadcast v2, $0x3;
	v4 =	vmul.f32 v4, v7  }
0x12b: {  	v51 =	vld [tilespmem:s9+$0x10];
	v49 =	vbroadcast v2, $0x5;
	v5 =	vmul.f32 v5, v10;
	[tilespmem:s9+$0xFFFFFF80] =	vst v3  }
0x12c: {  	v11 =	vld [tilespmem:s9+$0xFFFFFFF0];
	v1 =	vmul.f32 v1, v47;
	v3 =	vbroadcast v2, $0x4;
	[tilespmem:s9+$0xFFFFFF90] =	vst v4  }
0x12d: {  	v50 =	vld [tilespmem:s9+$0x0];
	v12 =	vbroadcast v2, $0x6;
	v6 =	vmul.f32 v9, v49;
	[tilespmem:s9+$0xFFFFFFA0] =	vst v5  }
0x12e: {  	v56 =	vld [tilespmem:s9+$0x50];
	v54 =	vbroadcast v2, $0x9;
	[tilespmem:s9+$0xFFFFFFB0] =	vst v1;
	v3 =	vmul.f32 v8, v3  }
0x12f: {  	v53 =	vld [tilespmem:s9+$0x20];
	v52 =	vbroadcast v2, $0x7;
	v7 =	vmul.f32 v48, v12;
	[tilespmem:s9+$0xFFFFFFD0] =	vst v6  }
0x130: {  	v59 =	vmul.f32 v51, v54;
	v1 =	vld [tilespmem:s9+$0x30];
	[tilespmem:s9+$0xFFFFFFC0] =	vst v3;
	v3 =	vbroadcast v2, $0x8  }
0x131: {  	v55 =	vld [tilespmem:s9+$0x40];
	v62 =	vbroadcast v2, $0xD;
	v5 =	vmul.f32 v11, v52;
	[tilespmem:s9+$0xFFFFFFE0] =	vst v7  }
0x132: {  	v60 =	vld [tilespmem:s9+$0x60];
	v57 =	vbroadcast v2, $0xA;
	[tilespmem:s9+$0x10] =	vst v59;
	v3 =	vmul.f32 v50, v3  }
0x133: {  	v61 =	vld [tilespmem:s9+$0x70];
	v58 =	vbroadcast v2, $0xB;
	v4 =	vmul.f32 v56, v62;
	[tilespmem:s9+$0xFFFFFFF0] =	vst v5  }
0x134: {  	v8 =	vmul.f32 v53, v57;
	[tilespmem:s9+$0x0] =	vst v3;
	v3 =	vbroadcast v2, $0xC  }
0x135: {  	s21 =	sadd.s32 $0x1, s21;
	v63 =	vbroadcast v2, $0xE;
	[tilespmem:s9+$0x50] =	vst v4;
	v1 =	vmul.f32 v1, v58  }
0x136: {  	p0 =	sne.s32 s21, $0x28;
	[tilespmem:s9+$0x20] =	vst v8;
	v2 =	vbroadcast v2, $0xF;
	v3 =	vmul.f32 v55, v3  }
.Ltmp4:
0x137: {  	[tilespmem:s9+$0x30] =	vst v1;
	v1 =	vmul.f32 v60, v63;
	(pc) =	sbr.rel @p0 .LBB2_4-.Ltmp4, $4  }
0x138: {  	v2 =	vmul.f32 v61, v2;
	[tilespmem:s9+$0x40] =	vst v3  }
0x139: {  	[tilespmem:s23+$0x60] =	vst v1  }
0x13a: {  	[tilespmem:s23+$0x70] =	vst v2  }
0x13b: {  	[spmem:s1] =	stream.indirect.scatter.add.f32 [tilespmem:s11], [sflag:$0x6], $0x10, s19, s22, $0xb8;
	[tilespmem:$0x6700] =	vst v63  }
0x13c: {  	_ =	swait.ge [sflag:s20], $0x800  }
0x13d: {  	[sflag:s20] =	ssyncset.done $0x0  }
0x13e: {  	s9 =	simm.s32 $0x6;
	[sflag:s20] =	ssyncadd.s32 $0xFFFFF800  }
0x13f: {  	_ =	swait.ge [sflag:s9], $0x800  }
0x140: {  	[sflag:s9] =	ssyncset.done $0x0  }
0x141: {  	[sflag:s9] =	ssyncadd.s32 $0xFFFFF800  }
0x142: {  	[bflag:$0x0] =	sbarrier.arrive $0xFFFF  }
0x143: {  	s24 =	simm.s32 $0x1700;
	s25 =	simm.s32 $0x7;
	s23 =	rddreg [dreg:$0x3]  }
0x144: {  	[tilespmem:s24], [sflag:$0x7] =	stream.linear.gather [spmem:s23], $0x2800, $0x38;
	[tilespmem:$0x6700] =	vst v63  }
0x145: {  	_ =	swait.ge [sflag:s25], $0x2800  }
0x146: {  	[sflag:s25] =	ssyncset.done $0x0  }
0x147: {  	s21 =	rddreg [dreg:$0xa];
	[sflag:s25] =	ssyncadd.s32 $0xFFFFD800  }
0x148: {  	[hbm4b:s21+s2] =	stream.linear.scatter [tilespmem:s24], [sflag:$0x7], $0x2800, $0x38;
	[tilespmem:$0x6700] =	vst v63  }
0x149: {  	_ =	swait.ge [sflag:s25], $0x2800  }
0x14a: {  	s21 =	rddreg [dreg:$0xc]  }
0x14b: {  	s26 =	rddreg [dreg:$0xb];
	s21 =	sadd.s32 $0x1, s21  }
0x14c: {  	p0 =	sne.s32 s21, s26  }
.Ltmp5:
0x14d: {  	_ = 	snop;
	(pc) =	sbr.rel @p0 .LBB2_1-.Ltmp5, $3  }
0x14e: {  	_ =	sdelay $0x1  }
0x14f: {  	[sflag:s25] =	ssyncset.done $0x0  }
0x150: {  	[sflag:s25] =	ssyncadd.s32 $0xFFFFD800  }
0x151: {  	_ =	sfence.sel $0x180000  }
0x152: {  	[bflag:$0x0] =	sbarrier.arrive $0xFFFF  }
0x153: {  	_ =	strace $0x9000004D  }
0x154: {  	s0 =	stileid.u32;
	[bflag:$0x2] =	sbarrier.arrive $0xFFFF  }
0x155: {  	p0 =	sne.s32 s0, $0x0;
	s0 =	rddreg [dreg:$0x2]  }
0x156: {  	s0 =	sadd.s32 @!p0 $0x100000, s0  }
0x157: {  	[sflag:s0] =	ssyncadd.tile.s32 @!p0 $0x1;
	_ =	shalt  }
.Lfunc_end2:
_tile_overlayer_lowered:
.L_overlay_start_2:
0x158: {  	(tag) =	ssettag $0x2  }
0x159: {  	s0 =	rddreg [dreg:$0x0];
	s2 =	stileid.u32  }
0x15a: {  	s1 =	rddreg [dreg:$0x1];
	p0 =	sne.s32 s2, $0x0  }
0x15b: {  	s3 =	rddreg [dreg:$0x2];
	[bflag:$0x3] =	sbarrier.arrive $0xFFFF;
	s2 =	simm.s32 @!p0 $0x1C07  }
0x15c: {  	[timem:s3], [sflag:s2] =	dma.local @!p0 [hbm:s0], s1  }
0x15d: {  	s0 =	simm.s32 @!p0 $0x7  }
0x15e: {  	_ =	swait.ge @!p0 [sflag:s0], s1  }
0x15f: {  	s1 =	ssub.s32 @!p0 $0x0, s1;
	[sflag:s0] =	ssyncset.done @!p0 $0x0  }
0x160: {  	[sflag:s0] =	ssyncadd.s32 @!p0 s1  }
0x161: {  	[bflag:$0x3] =	sbarrier.arrive $0xFFFF  }
0x162: {  	_ =	shalt  }

// kernel: kernel.9.cloned.1.call-start
scs
__scs_entry_jumppad:
0x0: {  	(pc) =	sbr.rel $0x88, $3  }
0x1: {  	(tag) =	ssettag $0x0;
	lr =	simm.s32 $0x1  }
0x2: {  	[smem:$0x3F95] =	sst lr;
	_ =	strace $0xD0000000  }
0x3: {  	_ = 	snop  }
0x4: {  	_ = 	snop  }
0x5: {  	_ = 	snop  }
0x6: {  	_ = 	snop  }
0x7: {  	_ = 	snop  }
__scs_overlays_trampoline_lowered:
0x8: {  	[smem:$0x3FA4] =	sst s0  }
0x9: {  	[smem:$0x3FA5] =	sst s1  }
0xa: {  	[smem:$0x3FA6] =	sst s2  }
0xb: {  	[smem:$0x3FA7] =	sst s3  }
0xc: {  	[smem:$0x3FA8] =	sst s4  }
0xd: {  	[smem:$0x3FA9] =	sst s5  }
0xe: {  	[smem:$0x3FAA] =	sst s6  }
0xf: {  	[smem:$0x3FAB] =	sst s7  }
0x10: {  	[smem:$0x3FAC] =	sst s8  }
0x11: {  	[smem:$0x3FAD] =	sst s9;
	s0 =	simm.s32 @!p0 $0x0  }
0x12: {  	s1 =	sld [smem:$0x3F93];
	s0 =	simm.s32 @p0 $0x1  }
0x13: {  	[smem:$0x3FAE] =	sst s0;
	s0 =	simm.s32 @!p1 $0x0  }
0x14: {  	s2 =	sld [smem:$0x3F92];
	s0 =	simm.s32 @p1 $0x1  }
0x15: {  	[smem:$0x3FAF] =	sst s0;
	s0 =	simm.s32 @!p2 $0x0  }
0x16: {  	s3 =	sld [smem:$0x3FDB];
	s0 =	simm.s32 @p2 $0x1  }
0x17: {  	s4 =	simm.s32 $0x1BF5;
	[smem:$0x3FB1] =	sst s0  }
0x18: {  	s0 =	sld [smem:$0x3F94];
	_ =	swait.ge [sflag:s4], $0x0  }
0x19: {  	s7 =	sld [smem:$0x3F95]  }
0x1a: {  	s8 =	sadd.s32 $0xFFFFE003, lr  }
0x1b: {  	s9 =	sadd.s32 $0xFFFFFEF7, lr;
	s5 =	simm.s32 $0xFFFFFFFF;
	p2 =	slt.u32 s8, $0xFFFFF086  }
0x1c: {  	p1 =	slt.u32 s9, $0xF7A;
	s5 =	simm.s32 @!p2 $0x0  }
0x1d: {  	s5 =	simm.s32 @p1 $0x1;
	p0 =	seq.s32 s7, s2  }
0x1e: {  	s7 =	smul.u32 @!p0 $0xF7A, s2;
	p2 =	seq.s32 @!p0 s5, $0x0  }
0x1f: {  	s9 =	smul.u32 $0xF7A, s1;
	s8 =	simm.s32 @!p0 $0x1BF5;
	p2 =	por !p2, p0  }
0x20: {  	[sflag:s8] =	ssyncset.s32 @!p0 $0xFFFFF086;
	s6 =	sadd.s32 @!p0 s3, s7;
	s7 =	simm.s32 @!p0 $0x108  }
0x21: {  	s3 =	sadd.s32 s3, s9;
	s6 =	sadd.s32 @!p0 $0x88, s6;
	s7 =	simm.s32 @p2 $0x1082  }
0x22: {  	[simem:s7], [sflag:s8] =	dma.local @!p0 [hbm:s6], $0xF7A  }
0x23: {  	s9 =	sor.u32 $0xD0000000, s2;
	s6 =	simm.s32 $0x108;
	_ =	swait.ge @!p0 [sflag:s8], $0x0  }
0x24: {  	s3 =	sadd.s32 $0x88, s3;
	s6 =	simm.s32 @!p1 $0x1082;
	[sflag:s4] =	ssyncset.s32 $0xFFFFF086  }
0x25: {  	[simem:s6], [sflag:s4] =	dma.local [hbm:s3], $0xF7A  }
0x26: {  	[smem:$0x3F95] =	sst s1;
	(tag) =	ssettag s2;
	_ =	strace s9  }
0x27: {  	s1 =	sld [smem:$0x3FA5]  }
0x28: {  	s2 =	sld [smem:$0x3FA6]  }
0x29: {  	s4 =	sld [smem:$0x3FA8]  }
0x2a: {  	p0 =	seq.s32 s5, $0x0;
	s5 =	sld [smem:$0x3FA9]  }
0x2b: {  	s6 =	sld [smem:$0x3FAA]  }
0x2c: {  	s7 =	sld [smem:$0x3FAB]  }
0x2d: {  	s3 =	simm.s32 $0x108;
	s8 =	sld [smem:$0x3FAC]  }
0x2e: {  	s3 =	simm.s32 @!p0 $0x1082;
	s9 =	sld [smem:$0x3FAD]  }
0x2f: {  	lr =	sadd.s32 s0, s3;
	s0 =	sld [smem:$0x3FA4]  }
0x30: {  	s3 =	sld [smem:$0x3FA7]  }
0x31: {  	[smem:$0x3FB0] =	sst s10  }
0x32: {  	s10 =	sld [smem:$0x3FAE];
	_ =	sdelay $0x3  }
0x33: {  	p0 =	seq.s32 s10, $0x1;
	s10 =	sld [smem:$0x3FB0];
	_ =	sdelay $0x3  }
0x34: {  	[smem:$0x3FB0] =	sst s10  }
0x35: {  	s10 =	sld [smem:$0x3FAF];
	_ =	sdelay $0x3  }
0x36: {  	p1 =	seq.s32 s10, $0x1;
	s10 =	sld [smem:$0x3FB0];
	_ =	sdelay $0x3  }
0x37: {  	[smem:$0x3FB0] =	sst s10  }
0x38: {  	s10 =	sld [smem:$0x3FB1]  }
0x39: {  	_ = 	snop;
	(pc) =	sbr.ind lr, $3  }
0x3a: {  	_ = 	snop  }
0x3b: {  	_ = 	snop  }
0x3c: {  	p2 =	seq.s32 s10, $0x1;
	s10 =	sld [smem:$0x3FB0]  }
0x3d: {  	_ =	shalt  }
0x3e: {  	_ =	shalt  }
0x3f: {  	_ =	shalt  }
0x40: {  	_ =	shalt  }
0x41: {  	_ =	shalt  }
0x42: {  	_ =	shalt  }
0x43: {  	_ =	shalt  }
0x44: {  	_ =	shalt  }
0x45: {  	_ =	shalt  }
0x46: {  	_ =	shalt  }
0x47: {  	_ =	shalt  }
0x48: {  	_ =	shalt  }
0x49: {  	_ =	shalt  }
0x4a: {  	_ =	shalt  }
0x4b: {  	_ =	shalt  }
0x4c: {  	_ =	shalt  }
0x4d: {  	_ =	shalt  }
0x4e: {  	_ =	shalt  }
0x4f: {  	_ =	shalt  }
0x50: {  	_ =	shalt  }
0x51: {  	_ =	shalt  }
0x52: {  	_ =	shalt  }
0x53: {  	_ =	shalt  }
0x54: {  	_ =	shalt  }
0x55: {  	_ =	shalt  }
0x56: {  	_ =	shalt  }
0x57: {  	_ =	shalt  }
0x58: {  	_ =	shalt  }
0x59: {  	_ =	shalt  }
0x5a: {  	_ =	shalt  }
0x5b: {  	_ =	shalt  }
0x5c: {  	_ =	shalt  }
0x5d: {  	_ =	shalt  }
0x5e: {  	_ =	shalt  }
0x5f: {  	_ =	shalt  }
0x60: {  	_ =	shalt  }
0x61: {  	_ =	shalt  }
0x62: {  	_ =	shalt  }
0x63: {  	_ =	shalt  }
0x64: {  	_ =	shalt  }
0x65: {  	_ =	shalt  }
0x66: {  	_ =	shalt  }
0x67: {  	_ =	shalt  }
0x68: {  	_ =	shalt  }
0x69: {  	_ =	shalt  }
0x6a: {  	_ =	shalt  }
0x6b: {  	_ =	shalt  }
0x6c: {  	_ =	shalt  }
0x6d: {  	_ =	shalt  }
0x6e: {  	_ =	shalt  }
0x6f: {  	_ =	shalt  }
0x70: {  	_ =	shalt  }
0x71: {  	_ =	shalt  }
0x72: {  	_ =	shalt  }
0x73: {  	_ =	shalt  }
0x74: {  	_ =	shalt  }
0x75: {  	_ =	shalt  }
0x76: {  	_ =	shalt  }
0x77: {  	_ =	shalt  }
0x78: {  	_ =	shalt  }
0x79: {  	_ =	shalt  }
0x7a: {  	_ =	shalt  }
0x7b: {  	_ =	shalt  }
0x7c: {  	_ =	shalt  }
0x7d: {  	_ =	shalt  }
0x7e: {  	_ =	shalt  }
0x7f: {  	_ =	shalt  }
0x80: {  	_ =	shalt  }
0x81: {  	_ =	shalt  }
0x82: {  	_ =	shalt  }
0x83: {  	_ =	shalt  }
0x84: {  	_ =	shalt  }
0x85: {  	_ =	shalt  }
0x86: {  	_ =	shalt  }
0x87: {  	_ =	shalt  }
.Lfunc_end0:
.L_simem_size_0:
called_computation_lowered:
.L_overlay_start_0:
0x88: {  	s2 =	sld [smem:$0x3FD9]  }
0x89: {  	s3 =	sld [smem:$0x3FFE];
	_ =	sdelay $0x1  }
0x8a: {  	s1 =	srdreg.scid  }
0x8b: {  	s0 =	sand.u32 $0x1, s1  }
0x8c: {  	s16 =	sshll.u32 s0, $0xA;
	s2 =	sadd.s32 s3, s2  }
0x8d: {  	s2 =	sadd.s32 s2, s16  }
0x8e: {  	[smem:$0x3FBC] =	sst s2  }
0x8f: {  	_ = 	snop  }
0x90: {  	(tm) =	ssettm $0x1  }
0x91: {  	s17 =	sld [smem:$0x3FFB];
	_ =	sdelay $0x3  }
0x92: {  	_ =	strace s17  }
0x93: {  	s2 =	sld [smem:$0x3FFC];
	_ =	sdelay $0x3  }
0x94: {  	_ =	strace s2  }
0x95: {  	s2 =	sld [smem:$0x3FFD];
	_ =	sdelay $0x3  }
0x96: {  	_ =	strace s2  }
0x97: {  	_ =	strace $0x8FFFFFFF  }
0x98: {  	s18 =	sld [smem:$0x3FDB];
	_ =	sdelay $0x1  }
0x99: {  	s19 =	simm.s32 $_scs_section_size  }
0x9a: {  	s4 =	simm.s32 $_size__tile_overlayer_lowered;
	s5 =	simm.s32 $_tile_overlayer_lowered  }
0x9b: {  	s22 =	simm.s32 $0x1BFF;
	s21 =	sshll.u32 s5, $0x1;
	s2 =	sadd.s32 s19, s18  }
0x9c: {  	s6 =	simm.s32 $0x0;
	s20 =	sshll.u32 s4, $0x1;
	s4 =	sadd.s32 s21, s2  }
0x9d: {  	[timem:s6], [sflag:s22] =	dma.local [hbm:s4], s20  }
0x9e: {  	_ =	swait.ge [sflag:s22], s20  }
0x9f: {  	s3 =	ssub.s32 $0x0, s20;
	[sflag:s22] =	ssyncset.done $0x0  }
0xa0: {  	[sflag:s22] =	ssyncadd.s32 s3;
	_ =	sdelay $0x1  }
0xa1: {  	s23 =	simm.s32 $0x1B8B  }
0xa2: {  	_ =	swait.ge [sflag:s23], $0x1  }
0xa3: {  	[sflag:s23] =	ssyncset.done $0x0  }
0xa4: {  	s25 =	simm.s32 $0x1B8E;
	s24 =	sld [smem:$0x3FFE];
	[sflag:s23] =	ssyncadd.s32 $0xFFFFFFFF  }
0xa5: {  	s26 =	simm.s32 $execute0_lowered;
	[smem:$0x3FD2] =	sst s25  }
0xa6: {  	s4 =	sshll.u32 s26, $0x1;
	_ =	strace $0x80000046;
	[dreg:$0x1] =	wrdreg $0xFFFFFFFF  }
0xa7: {  	s28 =	simm.s32 $_size_execute0_lowered;
	s2 =	sadd.s32 s2, s4;
	[dreg:$0x0] =	wrdreg $0x0  }
0xa8: {  	s4 =	sshll.u32 s28, $0x1;
	[dreg:$0x2] =	wrdreg s2  }
0xa9: {  	[dreg:$0x3] =	wrdreg s4  }
0xaa: {  	[dreg:$0x4] =	wrdreg $0xC0  }
0xab: {  	_ =	task [dreg:s6], $0x5FFFF  }
0xac: {  	[dreg:$0x1] =	wrdreg $0xFFFFFFFF  }
0xad: {  	[dreg:$0x0] =	wrdreg $0x60  }
0xae: {  	[dreg:$0x2] =	wrdreg s24  }
0xaf: {  	[dreg:$0x3] =	wrdreg $0x17100  }
0xb0: {  	[dreg:$0x4] =	wrdreg $0x9  }
0xb1: {  	_ =	task.clear_ibuf [dreg:s6], $0x5FFFF;
	_ =	strace $0x90000046  }
0xb2: {  	s29 =	simm.s32 $0x9;
	_ =	strace $0x80000048  }
0xb3: {  	_ =	swait.ge [sflag:s29], $0x1  }
0xb4: {  	[sflag:s29] =	ssyncadd.s32 $0xFFFFFFFF  }
0xb5: {  	_ =	strace $0x90000048  }
0xb6: {  	_ =	sfence  }
0xb7: {  	s30 =	sld [smem:$0x0];
	_ =	sdelay $0x2  }
0xb8: {  	s31 =	sshll.u32 s1, $0xD;
	s1 =	sshrl.u32 s1, $0x2  }
0xb9: {  	s3 =	sand.u32 $0x4000, s31;
	s1 =	sadd.s32 s1, s30  }
0xba: {  	s0 =	sor.u32 s3, s0;
	s1 =	sshll.u32 s1, $0x11  }
0xbb: {  	s0 =	sor.u32 s1, s0  }
0xbc: {  	s0 =	sadd.s32 $0x8F2B, s0  }
0xbd: {  	[sflag:s0] =	ssyncadd.remote.s32 $0x1  }
0xbe: {  	_ =	sfence.sel $0xFFFF  }
0xbf: {  	[dreg:$0x0] =	wrdreg $0xFFFFFFFF;
	(pc) =	sbr.abs _section_cstart, $3  }
0xc0: {  	[dreg:$0x1] =	wrdreg $0xFFFFFFFF  }
0xc1: {  	_ =	task.clear_ibuf [dreg:s6], $0x2FFFF;
	_ =	strace $0x9FFFFFFF  }
0xc2: {  	(tm) =	ssettm $0x7FFFFFFF  }
0xc3: {  	_ =	shalt  }
tec
execute0_lowered:
.L_overlay_start_1:
0x0: {  	(tag) =	ssettag $0x1  }
0x1: {  	s4 =	rddreg [dreg:$0x0]  }
0x2: {  	s2 =	rddreg [dreg:$0x1]  }
0x3: {  	s5 =	srdreg.scid;
	s1 =	stileid.u32  }
0x4: {  	s3 =	simm.s32 $0x0;
	s16 =	simm.s32 $0x5;
	s17 =	simm.s32 $0x80  }
0x5: {  	s18 =	simm.s32 $0x100;
	s19 =	simm.s32 $0x180;
	s20 =	simm.s32 $0x1  }
0x6: {  	s21 =	simm.s32 $0x200;
	s22 =	simm.s32 $0x300;
	s23 =	simm.s32 $0x2  }
0x7: {  	s28 =	simm.s32 $0x0;
	s5 =	sand.u32 $0x1, s5;
	s6 =	smul.u32 $0x1390, s1  }
0x8: {  	[smem:$0x7FF] =	sst s3;
	s14 =	sadd.s32 $0xB800, s4;
	s11 =	smul.u32 $0x5000, s1  }
0x9: {  	s8 =	sshll.u32 s1, $0x1;
	s13 =	sadd.s32 $0x1800, s4;
	s7 =	smul.u32 $0x13900, s5  }
0xa: {  	s8 =	sor.u32 s5, s8;
	s9 =	ssub.s32 $0x2, s5;
	s26 =	smul.u32 $0x2800, s5  }
0xb: {  	_ =	strace $0x80000047;
	s8 =	smul.u32 $0x2800, s8;
	s24 =	sshrl.u32 s9, $0x1  }
0xc: {  	s7 =	sadd.s32 s6, s7;
	s12 =	ssub.s32 s9, s24;
	s11 =	sadd.s32 s26, s11  }
0xd: {  	s24 =	simm.s32 $0x280;
	s26 =	simm.s32 $0x4;
	s7 =	sshrl.u32 s7, $0x3  }
0xe: {  	s25 =	sshrl.u32 s8, $0x3;
	s15 =	sor.u32 $0x180, s11;
	s31 =	sor.u32 $0x100, s11  }
0xf: {  	s10 =	sadd.s32 s7, s4;
	s4 =	sadd.s32 s6, s2;
	s5 =	sadd.s32 s14, s25  }
.Ltmp0:
0x10: {  	s29 =	sor.u32 $0x10, s25;
	s6 =	sadd.s32 s13, s25;
	(pc) =	sbr.rel .LBB2_1-.Ltmp0, $4  }
0x11: {  	s30 =	sshrl.u32 s15, $0x3;
	s15 =	sshrl.u32 s31, $0x3;
	s25 =	simm.s32 $0x3  }
0x12: {  	s7 =	sadd.s32 s14, s29;
	s8 =	sadd.s32 s13, s29;
	s9 =	sadd.s32 $0x15800, s10  }
0x13: {  	s10 =	smax.u32 s12, $0x1;
	s11 =	sadd.s32 s30, s13;
	s12 =	sadd.s32 s30, s14  }
0x14: {  	v0 =	vimm.f32 $1.000000000e+00;
	v1 =	vimm.f32 $0.0e+00;
	s13 =	sadd.s32 s15, s13;
	s14 =	sadd.s32 s15, s14;
	s15 =	simm.s32 $0x380  }
.LBB2_6:
0x15: {  	[spmem:s2] =	stream.indirect.scatter.add.f32 [tilespmem:s22], [sflag:$0x4], $0x1, s24, s17, $0xb8;
	[tilespmem:$0x2AA0] =	vst v63  }
0x16: {  	_ =	swait.ge [sflag:s25], $0x80  }
0x17: {  	[sflag:s25] =	ssyncset.done $0x0  }
0x18: {  	[sflag:s25] =	ssyncadd.s32 $0xFFFFFF80  }
0x19: {  	_ =	swait.ge [sflag:s26], $0x80  }
0x1a: {  	[sflag:s26] =	ssyncset.done $0x0  }
0x1b: {  	[sflag:s26] =	ssyncadd.s32 $0xFFFFFF80  }
0x1c: {  	[bflag:$0x0] =	sbarrier.arrive $0xFFFF  }
0x1d: {  	[tilespmem:s15], [sflag:$0x5] =	stream.linear.gather [spmem:s4], $0x1390, $0x38;
	[tilespmem:$0x2AA0] =	vst v63  }
0x1e: {  	s28 =	sadd.s32 $0x1, s28;
	_ =	swait.ge [sflag:s16], $0x1390  }
0x1f: {  	p0 =	sne.s32 s28, s10;
	[sflag:s16] =	ssyncset.done $0x0  }
.Ltmp1:
0x20: {  	[sflag:s16] =	ssyncadd.s32 $0xFFFFEC70;
	(pc) =	sbr.rel @!p0 .LBB2_7-.Ltmp1, $4  }
0x21: {  	[hbm4b:s9+s3] =	stream.linear.scatter [tilespmem:s15], [sflag:$0x5], $0x1390, $0x38;
	[tilespmem:$0x2AA0] =	vst v63  }
0x22: {  	_ =	swait.ge [sflag:s16], $0x1390  }
0x23: {  	[sflag:s16] =	ssyncset.done $0x0  }
0x24: {  	[sflag:s16] =	ssyncadd.s32 $0xFFFFEC70  }
.LBB2_1:
0x25: {  	[tilespmem:$0x300] =	vst v0  }
0x26: {  	[tilespmem:$0x310] =	vst v0  }
0x27: {  	[tilespmem:$0x320] =	vst v0  }
0x28: {  	[tilespmem:$0x330] =	vst v0  }
0x29: {  	[tilespmem:$0x340] =	vst v0  }
0x2a: {  	[tilespmem:$0x350] =	vst v0  }
0x2b: {  	[tilespmem:$0x360] =	vst v0  }
0x2c: {  	[tilespmem:$0x370] =	vst v0;
	s29 =	simm.s32 $0x40;
	s30 =	simm.s32 $0x0  }
.LBB2_2:
0x2d: {  	p0 =	sne.s32 s29, $0x4E00;
	[tilespmem:s30+$0x380] =	vst v1;
	s30 =	smov.u32 s29;
	s29 =	sadd.s32 $0x40, s29  }
.Ltmp2:
0x2e: {  	(pc) =	sbr.rel @p0 .LBB2_2-.Ltmp2, $2  }
0x2f: {  	_ =	sdelay $0x2  }
0x30: {  	s30 =	sshra.s32 s30, $0x2  }
0x31: {  	[tilespmem:s30+$0x380] =	vst v1  }
0x32: {  	[spmem:s4] =	stream.linear.scatter [tilespmem:s15], [sflag:$0x5], $0x1390, $0x38;
	[tilespmem:$0x2AA0] =	vst v63  }
0x33: {  	_ =	swait.ge [sflag:s16], $0x1390  }
0x34: {  	[sflag:s16] =	ssyncset.done $0x0  }
0x35: {  	[sflag:s16] =	ssyncadd.s32 $0xFFFFEC70  }
0x36: {  	s29 =	simm.s32 $0x0;
	[bflag:$0x0] =	sbarrier.arrive $0xFFFF  }
0x37: {  	[tilespmem:s29], [sflag:$0x1] =	stream.linear.gather [hbm4b:s5+s29], $0x80, $0x38;
	[tilespmem:$0x2AA0] =	vst v63  }
0x38: {  	_ = 	snop  }
0x39: {  	[tilespmem:s17], [sflag:$0x1] =	stream.linear.gather [hbm4b:s6+s29], $0x80, $0x38;
	[tilespmem:$0x2AA0] =	vst v63  }
0x3a: {  	_ = 	snop  }
0x3b: {  	[tilespmem:s18], [sflag:$0x2] =	stream.linear.gather [hbm4b:s7+s29], $0x80, $0x38;
	[tilespmem:$0x2AA0] =	vst v63  }
0x3c: {  	_ = 	snop  }
0x3d: {  	[tilespmem:s19], [sflag:$0x2] =	stream.linear.gather [hbm4b:s8+s29], $0x80, $0x38;
	[tilespmem:$0x2AA0] =	vst v63  }
.LBB2_4:
0x3e: {  	_ =	swait.ge [sflag:s20], $0x80  }
0x3f: {  	[sflag:s20] =	ssyncset.done $0x0  }
0x40: {  	[sflag:s20] =	ssyncadd.s32 $0xFFFFFF80  }
0x41: {  	_ =	swait.ge [sflag:s20], $0x80  }
0x42: {  	p0 =	seq.s32 s29, $0x0;
	[sflag:s20] =	ssyncset.done $0x0  }
0x43: {  	s30 =	simm.s32 @!p0 $0x3;
	[sflag:s20] =	ssyncadd.s32 $0xFFFFFF80  }
0x44: {  	_ =	swait.ge @!p0 [sflag:s30], $0x80  }
0x45: {  	[sflag:s30] =	ssyncset.done @!p0 $0x0  }
0x46: {  	[sflag:s30] =	ssyncadd.s32 @!p0 $0xFFFFFF80  }
0x47: {  	v2 =	vld [tilespmem:$0x0]  }
0x48: {  	v3 =	vld [tilespmem:$0x80]  }
0x49: {  	v4 =	vld [tilespmem:$0x10]  }
0x4a: {  	v5 =	vld [tilespmem:$0x90]  }
0x4b: {  	v6 =	vld [tilespmem:$0x20]  }
0x4c: {  	v7 =	vld [tilespmem:$0xA0]  }
0x4d: {  	v8 =	vld [tilespmem:$0x30]  }
0x4e: {  	v9 =	vld [tilespmem:$0xB0]  }
0x4f: {  	v10 =	vld [tilespmem:$0x40]  }
0x50: {  	v11 =	vld [tilespmem:$0xC0]  }
0x51: {  	v12 =	vld [tilespmem:$0x50]  }
0x52: {  	v13 =	vld [tilespmem:$0xD0]  }
0x53: {  	v14 =	vld [tilespmem:$0x60];
	v2 =	vshll.u32 v2, $0x3  }
0x54: {  	v47 =	vld [tilespmem:$0xE0];
	v2 =	vadd.s32 v3, v2;
	v3 =	vshll.u32 v4, $0x3  }
0x55: {  	v48 =	vld [tilespmem:$0x70];
	[tilespmem:$0x200] =	vst v2;
	v2 =	vadd.s32 v5, v3;
	v3 =	vshll.u32 v6, $0x3  }
0x56: {  	v49 =	vld [tilespmem:$0xF0];
	[tilespmem:$0x210] =	vst v2;
	v2 =	vadd.s32 v7, v3;
	v3 =	vshll.u32 v8, $0x3  }
0x57: {  	[tilespmem:$0x220] =	vst v2;
	v2 =	vadd.s32 v9, v3;
	v3 =	vshll.u32 v10, $0x3  }
0x58: {  	[tilespmem:$0x230] =	vst v2;
	v2 =	vadd.s32 v11, v3;
	v3 =	vshll.u32 v12, $0x3  }
0x59: {  	[tilespmem:$0x240] =	vst v2;
	v2 =	vadd.s32 v13, v3;
	v3 =	vshll.u32 v14, $0x3  }
0x5a: {  	[tilespmem:$0x250] =	vst v2;
	v2 =	vadd.s32 v47, v3;
	v3 =	vshll.u32 v48, $0x3  }
0x5b: {  	p1 =	seq.s32 s29, $0x4E0;
	[tilespmem:$0x260] =	vst v2;
	v2 =	vadd.s32 v49, v3  }
0x5c: {  	s31 =	simm.s32 @!p1 $0x0;
	s30 =	sadd.s32 @!p1 s29, s14;
	[tilespmem:$0x270] =	vst v2  }
0x5d: {  	[tilespmem:s31], [sflag:$0x1] =	stream.linear.gather @!p1 [hbm4b:s30+s31], $0x80, $0x38;
	[tilespmem:$0x2AA0] =	vst v63  }
0x5e: {  	s0 =	simm.s32 @!p1 $0x80;
	s30 =	sadd.s32 @!p1 s29, s13  }
0x5f: {  	[tilespmem:s0], [sflag:$0x1] =	stream.linear.gather @!p1 [hbm4b:s30+s31], $0x80, $0x38;
	[tilespmem:$0x2AA0] =	vst v63  }
0x60: {  	_ = 	snop  }
0x61: {  	[spmem:s2] =	stream.indirect.scatter.add.f32 [tilespmem:s22], [sflag:$0x3], $0x1, s21, s17, $0xb8;
	[tilespmem:$0x2AA0] =	vst v63  }
0x62: {  	_ =	swait.ge [sflag:s23], $0x80  }
0x63: {  	[sflag:s23] =	ssyncset.done $0x0  }
0x64: {  	[sflag:s23] =	ssyncadd.s32 $0xFFFFFF80  }
0x65: {  	_ =	swait.ge [sflag:s23], $0x80  }
0x66: {  	[sflag:s23] =	ssyncset.done $0x0  }
0x67: {  	s0 =	simm.s32 @!p0 $0x4;
	[sflag:s23] =	ssyncadd.s32 $0xFFFFFF80  }
0x68: {  	_ =	swait.ge @!p0 [sflag:s0], $0x80  }
0x69: {  	[sflag:s0] =	ssyncset.done @!p0 $0x0  }
0x6a: {  	[sflag:s0] =	ssyncadd.s32 @!p0 $0xFFFFFF80  }
0x6b: {  	v2 =	vld [tilespmem:$0x100]  }
0x6c: {  	v3 =	vld [tilespmem:$0x180]  }
0x6d: {  	v50 =	vld [tilespmem:$0x110]  }
0x6e: {  	v51 =	vld [tilespmem:$0x190]  }
0x6f: {  	v52 =	vld [tilespmem:$0x120]  }
0x70: {  	v53 =	vld [tilespmem:$0x1A0]  }
0x71: {  	v54 =	vld [tilespmem:$0x130]  }
0x72: {  	v55 =	vld [tilespmem:$0x1B0]  }
0x73: {  	v56 =	vld [tilespmem:$0x140]  }
0x74: {  	v57 =	vld [tilespmem:$0x1C0]  }
0x75: {  	v58 =	vld [tilespmem:$0x150]  }
0x76: {  	v59 =	vld [tilespmem:$0x1D0]  }
0x77: {  	v60 =	vld [tilespmem:$0x160];
	v2 =	vshll.u32 v2, $0x3  }
0x78: {  	v61 =	vld [tilespmem:$0x1E0];
	v2 =	vadd.s32 v3, v2;
	v3 =	vshll.u32 v50, $0x3  }
0x79: {  	v62 =	vld [tilespmem:$0x170];
	[tilespmem:$0x280] =	vst v2;
	v2 =	vadd.s32 v51, v3;
	v3 =	vshll.u32 v52, $0x3  }
0x7a: {  	v63 =	vld [tilespmem:$0x1F0];
	[tilespmem:$0x290] =	vst v2;
	v2 =	vadd.s32 v53, v3;
	v3 =	vshll.u32 v54, $0x3  }
0x7b: {  	[tilespmem:$0x2A0] =	vst v2;
	v2 =	vadd.s32 v55, v3;
	v3 =	vshll.u32 v56, $0x3  }
.Ltmp3:
0x7c: {  	[tilespmem:$0x2B0] =	vst v2;
	v2 =	vadd.s32 v57, v3;
	v3 =	vshll.u32 v58, $0x3;
	(pc) =	sbr.rel @p1 .LBB2_6-.Ltmp3, $4  }
0x7d: {  	[tilespmem:$0x2C0] =	vst v2;
	v2 =	vadd.s32 v59, v3;
	v3 =	vshll.u32 v60, $0x3  }
0x7e: {  	[tilespmem:$0x2D0] =	vst v2;
	v2 =	vadd.s32 v61, v3;
	v3 =	vshll.u32 v62, $0x3  }
0x7f: {  	[tilespmem:$0x2E0] =	vst v2;
	v2 =	vadd.s32 v63, v3  }
0x80: {  	[tilespmem:$0x2F0] =	vst v2  }
0x81: {  	s0 =	sadd.s32 s29, s12  }
0x82: {  	[tilespmem:s18], [sflag:$0x2] =	stream.linear.gather [hbm4b:s0+s3], $0x80, $0x38;
	[tilespmem:$0x2AA0] =	vst v63  }
.Ltmp4:
0x83: {  	_ = 	snop;
	(pc) =	sbr.rel .LBB2_4-.Ltmp4, $4  }
0x84: {  	s31 =	sadd.s32 s29, s11  }
0x85: {  	[tilespmem:s19], [sflag:$0x2] =	stream.linear.gather [hbm4b:s31+s3], $0x80, $0x38;
	[tilespmem:$0x2AA0] =	vst v63  }
0x86: {  	s29 =	sadd.s32 $0x20, s29  }
0x87: {  	[spmem:s2] =	stream.indirect.scatter.add.f32 [tilespmem:s22], [sflag:$0x4], $0x1, s24, s17, $0xb8;
	[tilespmem:$0x2AA0] =	vst v63  }
.LBB2_7:
0x88: {  	_ =	sfence.sel $0x180000  }
0x89: {  	[bflag:$0x0] =	sbarrier.arrive $0xFFFF  }
0x8a: {  	_ =	strace $0x90000047  }
0x8b: {  	[bflag:$0x2] =	sbarrier.arrive $0xFFFF  }
0x8c: {  	p0 =	sne.s32 s1, $0x0;
	s0 =	rddreg [dreg:$0x2]  }
0x8d: {  	s0 =	sadd.s32 @!p0 $0x100000, s0  }
0x8e: {  	[sflag:s0] =	ssyncadd.tile.s32 @!p0 $0x1;
	_ =	shalt  }
.Lfunc_end2:
_tile_overlayer_lowered:
.L_overlay_start_2:
0x8f: {  	(tag) =	ssettag $0x2  }
0x90: {  	s0 =	rddreg [dreg:$0x0];
	s2 =	stileid.u32  }
0x91: {  	s1 =	rddreg [dreg:$0x1];
	p0 =	sne.s32 s2, $0x0  }
0x92: {  	s3 =	rddreg [dreg:$0x2];
	[bflag:$0x3] =	sbarrier.arrive $0xFFFF;
	s2 =	simm.s32 @!p0 $0x1C05  }
0x93: {  	[timem:s3], [sflag:s2] =	dma.local @!p0 [hbm:s0], s1  }
0x94: {  	s0 =	simm.s32 @!p0 $0x5  }
0x95: {  	_ =	swait.ge @!p0 [sflag:s0], s1  }
0x96: {  	s1 =	ssub.s32 @!p0 $0x0, s1;
	[sflag:s0] =	ssyncset.done @!p0 $0x0  }
0x97: {  	[sflag:s0] =	ssyncadd.s32 @!p0 s1  }
0x98: {  	[bflag:$0x3] =	sbarrier.arrive $0xFFFF  }
0x99: {  	_ =	shalt  }

</sc_bundles>
